<compile_context>
chip_gen: v7x
topology: tpu7x:2x2x1
jax: 0.10.2.dev20260603
libtpu: 0.0.44.dev20260713+nightly
codegen_flags: <defaults>
</compile_context>

<pallas_src>
import functools

import jax
import jax.numpy as jnp
from jax import lax
from jax.experimental import pallas as pl
from jax.experimental.pallas import tpu as pltpu
from jax.experimental.pallas import tpu_sc as plsc

_NUM_CORES = 2
_NUM_SUBCORES = 16
_S_CHUNK = 2
_N_BUF = 5
_LAG = 3


@functools.lru_cache(maxsize=None)
def _build_gather(num_rows: int, dim: int, seq: int, batch: int):
    assert dim % _NUM_CORES == 0
    d_per_core = dim // _NUM_CORES
    assert batch % _NUM_SUBCORES == 0
    b_chunk = batch // _NUM_SUBCORES
    assert seq % _S_CHUNK == 0
    n_chunks = seq // _S_CHUNK
    assert n_chunks % _N_BUF == 0 and n_chunks > _N_BUF > _LAG
    chunk = _S_CHUNK * b_chunk
    total = seq * b_chunk

    mesh = plsc.VectorSubcoreMesh(core_axis_name="c", subcore_axis_name="s")

    @functools.partial(
        pl.kernel,
        mesh=mesh,
        out_type=jax.ShapeDtypeStruct((seq, dim, batch), jnp.float32),
        scratch_types=(
            [pltpu.VMEM((total,), jnp.int32)]
            + [pltpu.VMEM((chunk,), jnp.float32) for _ in range(_N_BUF)]
            + [pltpu.VMEM_SHARED((num_rows,), jnp.float32)]
            + [pltpu.SemaphoreType.DMA for _ in range(2 * _N_BUF)]
        ),
    )
    def gather_kernel(tab_t, x_t, out, idx_v, *rest):
        bufs = rest[:_N_BUF]
        colbuf = rest[_N_BUF]
        gsems = rest[_N_BUF + 1 : 2 * _N_BUF + 1]
        ssems = rest[2 * _N_BUF + 1 :]
        cid = lax.axis_index("c")
        sid = lax.axis_index("s")
        b0 = sid * b_chunk

        def idx_copy(s):
            return pltpu.make_async_copy(
                x_t.at[s, pl.ds(b0, b_chunk)],
                idx_v.at[pl.ds(s * b_chunk, b_chunk)],
                gsems[s % _N_BUF],
            )

        def gather_copy(q):
            h = q % _N_BUF
            return pltpu.make_async_copy(
                colbuf.at[idx_v.at[pl.ds(q * chunk, chunk)]], bufs[h], gsems[h]
            )

        def store_copy(q, j, d):
            h = q % _N_BUF
            return pltpu.make_async_copy(
                bufs[h].at[pl.ds(j * b_chunk, b_chunk)],
                out.at[q * _S_CHUNK + j, d, pl.ds(b0, b_chunk)],
                ssems[h],
            )

        for s in range(seq):
            idx_copy(s).start()
        for s in range(seq):
            idx_copy(s).wait()

        def service(q, d):
            gather_copy(q).wait()
            for j in range(_S_CHUNK):
                store_copy(q, j, d).start()

        def drain_stores(q, d):
            for j in range(_S_CHUNK):
                store_copy(q, j, d).wait()

        def feat(k, carry):
            d = cid * d_per_core + k
            plsc.subcore_barrier()

            @pl.when(sid == 0)
            def _():
                pltpu.sync_copy(tab_t.at[d], colbuf)

            plsc.subcore_barrier()
            for q in range(n_chunks):
                if q < _N_BUF:
                    @pl.when(k > 0)
                    def _():
                        drain_stores(q + n_chunks - _N_BUF, d - 1)
                else:
                    drain_stores(q - _N_BUF, d)
                gather_copy(q).start()
                if q >= _LAG:
                    service(q - _LAG, d)
            for q in range(n_chunks - _LAG, n_chunks):
                service(q, d)
            return carry

        lax.fori_loop(0, d_per_core, feat, 0)
        d_last = cid * d_per_core + d_per_core - 1
        for q in range(n_chunks - _N_BUF, n_chunks):
            drain_stores(q, d_last)

    return gather_kernel


def kernel(x, table):
    batch, seq = x.shape
    num_rows, dim = table.shape
    x_t = x.T.astype(jnp.int32)
    tab_t = table.T
    out_t = _build_gather(num_rows, dim, seq, batch)(tab_t, x_t)
    return jnp.transpose(out_t, (2, 0, 1))

# --- scband reference (transcript-rebuilt; emitter-appended) ---
"""Pipeline reference for scband-sector-embedding-54185307407207 (READ-ONLY COPY).

The authoritative reference and input builder live on the scoring server;
editing this copy changes nothing except your own understanding.
"""

import jax, jax.numpy as jnp
import numpy as np

N_SECTOR = 1000000
EMBED_DIM = 32


def setup_inputs(seed: int = 0) -> dict:
    key = jax.random.key(seed)
    k_idx, k_tab = jax.random.split(key)
    x = jax.random.randint(k_idx, (16384, 50), 0, N_SECTOR, dtype=jnp.int64 if jax.config.jax_enable_x64 else jnp.int32)
    # Keras Embedding default initializer is uniform(-0.05, 0.05)
    table = jax.random.uniform(k_tab, (N_SECTOR, EMBED_DIM), dtype=jnp.float32, minval=-0.05, maxval=0.05)
    return {"x": x, "table": table}


def reference(x, table):
    # SectorEmbedding.call: simple embedding lookup
    return jnp.take(table, x, axis=0)

if __name__ == "__main__":
    import jax
    _d = setup_inputs()
    print(jax.jit(kernel)(*tuple(_d.values())))

</pallas_src>

<mosaic_0001>
#map = affine_map<(d0, d1) -> (0, 0)>
#map1 = affine_map<(d0, d1) -> (0, 0, 0)>
module attributes {stable_mosaic.version = 14 : i64} {
  func.func @gather_kernel(%arg0: i32, %arg1: i32, %arg2: memref<32x1000000xf32, #tpu.memory_space<hbm>>, %arg3: memref<50x16384xi32, #tpu.memory_space<hbm>>, %arg4: memref<50x32x16384xf32, #tpu.memory_space<hbm>>, %arg5: memref<51200xi32, #tpu.memory_space<vmem>>, %arg6: memref<2048xf32, #tpu.memory_space<vmem>>, %arg7: memref<2048xf32, #tpu.memory_space<vmem>>, %arg8: memref<2048xf32, #tpu.memory_space<vmem>>, %arg9: memref<2048xf32, #tpu.memory_space<vmem>>, %arg10: memref<2048xf32, #tpu.memory_space<vmem>>, %arg11: memref<1000000xf32, #tpu.memory_space<vmem_shared>>, %arg12: memref<!tpu.dma_semaphore, #tpu.memory_space<semaphore_mem>>, %arg13: memref<!tpu.dma_semaphore, #tpu.memory_space<semaphore_mem>>, %arg14: memref<!tpu.dma_semaphore, #tpu.memory_space<semaphore_mem>>, %arg15: memref<!tpu.dma_semaphore, #tpu.memory_space<semaphore_mem>>, %arg16: memref<!tpu.dma_semaphore, #tpu.memory_space<semaphore_mem>>, %arg17: memref<!tpu.dma_semaphore, #tpu.memory_space<semaphore_mem>>, %arg18: memref<!tpu.dma_semaphore, #tpu.memory_space<semaphore_mem>>, %arg19: memref<!tpu.dma_semaphore, #tpu.memory_space<semaphore_mem>>, %arg20: memref<!tpu.dma_semaphore, #tpu.memory_space<semaphore_mem>>, %arg21: memref<!tpu.dma_semaphore, #tpu.memory_space<semaphore_mem>>) attributes {dimension_semantics = [#tpu.dimension_semantics<core_parallel>, #tpu.dimension_semantics<subcore_parallel>], iteration_bounds = array<i64: 2, 16>, scalar_prefetch = 0 : i64, scratch_operands = 17 : i64, tpu.core_type = #tpu.core_type<sc_vector_subcore>, window_params = [{transform_indices = #map}, {transform_indices = #map}, {transform_indices = #map1}]} {
    %mul3A = arith.constant 1024 : i32
    %mul3A_0 = arith.muli %arg1, %mul3A : i32
    %dma_start3A = arith.constant 0 : i32
    %dma_start3A_1 = arith.constant 0 : i32
    %dma_start3A_2 = tpu.memref_slice %arg5[%dma_start3A_1] : memref<51200xi32, #tpu.memory_space<vmem>> -> memref<1024xi32, #tpu.memory_space<vmem>>
    %dma_start3A_3 = tpu.memref_slice %arg3[%dma_start3A, %mul3A_0] : memref<50x16384xi32, #tpu.memory_space<hbm>> -> memref<1x1024xi32, #tpu.memory_space<hbm>>
    %dma_start3A_4 = tpu.memref_squeeze %dma_start3A_3 : memref<1x1024xi32, #tpu.memory_space<hbm>> -> memref<1024xi32, #tpu.memory_space<hbm>>
    %dma_start3A_5 = arith.constant 0 : i32
    %dma_start3A_6 = tpu.memref_slice %arg5[%dma_start3A_5] : memref<51200xi32, #tpu.memory_space<vmem>> -> memref<1024xi32, #tpu.memory_space<vmem>>
    %dma_start3A_7 = tpu.memref_slice %arg3[%dma_start3A, %mul3A_0] : memref<50x16384xi32, #tpu.memory_space<hbm>> -> memref<1x1024xi32, #tpu.memory_space<hbm>>
    %dma_start3A_8 = tpu.memref_squeeze %dma_start3A_7 : memref<1x1024xi32, #tpu.memory_space<hbm>> -> memref<1024xi32, #tpu.memory_space<hbm>>
    tpu.enqueue_dma source(%dma_start3A_8 : memref<1024xi32, #tpu.memory_space<hbm>>) target(%dma_start3A_6 : memref<1024xi32, #tpu.memory_space<vmem>>) target_semaphore(%arg12 : memref<!tpu.dma_semaphore, #tpu.memory_space<semaphore_mem>>)
    %dma_start3A_9 = arith.constant 1 : i32
    %dma_start3A_10 = arith.constant 1024 : i32
    %dma_start3A_11 = tpu.memref_slice %arg5[%dma_start3A_10] : memref<51200xi32, #tpu.memory_space<vmem>> -> memref<1024xi32, #tpu.memory_space<vmem>>
    %dma_start3A_12 = tpu.memref_slice %arg3[%dma_start3A_9, %mul3A_0] : memref<50x16384xi32, #tpu.memory_space<hbm>> -> memref<1x1024xi32, #tpu.memory_space<hbm>>
    %dma_start3A_13 = tpu.memref_squeeze %dma_start3A_12 : memref<1x1024xi32, #tpu.memory_space<hbm>> -> memref<1024xi32, #tpu.memory_space<hbm>>
    %dma_start3A_14 = arith.constant 1024 : i32
    %dma_start3A_15 = tpu.memref_slice %arg5[%dma_start3A_14] : memref<51200xi32, #tpu.memory_space<vmem>> -> memref<1024xi32, #tpu.memory_space<vmem>>
    %dma_start3A_16 = tpu.memref_slice %arg3[%dma_start3A_9, %mul3A_0] : memref<50x16384xi32, #tpu.memory_space<hbm>> -> memref<1x1024xi32, #tpu.memory_space<hbm>>
    %dma_start3A_17 = tpu.memref_squeeze %dma_start3A_16 : memref<1x1024xi32, #tpu.memory_space<hbm>> -> memref<1024xi32, #tpu.memory_space<hbm>>
    tpu.enqueue_dma source(%dma_start3A_17 : memref<1024xi32, #tpu.memory_space<hbm>>) target(%dma_start3A_15 : memref<1024xi32, #tpu.memory_space<vmem>>) target_semaphore(%arg13 : memref<!tpu.dma_semaphore, #tpu.memory_space<semaphore_mem>>)
    %dma_start3A_18 = arith.constant 2 : i32
    %dma_start3A_19 = arith.constant 2048 : i32
    %dma_start3A_20 = tpu.memref_slice %arg5[%dma_start3A_19] : memref<51200xi32, #tpu.memory_space<vmem>> -> memref<1024xi32, #tpu.memory_space<vmem>>
    %dma_start3A_21 = tpu.memref_slice %arg3[%dma_start3A_18, %mul3A_0] : memref<50x16384xi32, #tpu.memory_space<hbm>> -> memref<1x1024xi32, #tpu.memory_space<hbm>>
    %dma_start3A_22 = tpu.memref_squeeze %dma_start3A_21 : memref<1x1024xi32, #tpu.memory_space<hbm>> -> memref<1024xi32, #tpu.memory_space<hbm>>
    %dma_start3A_23 = arith.constant 2048 : i32
    %dma_start3A_24 = tpu.memref_slice %arg5[%dma_start3A_23] : memref<51200xi32, #tpu.memory_space<vmem>> -> memref<1024xi32, #tpu.memory_space<vmem>>
    %dma_start3A_25 = tpu.memref_slice %arg3[%dma_start3A_18, %mul3A_0] : memref<50x16384xi32, #tpu.memory_space<hbm>> -> memref<1x1024xi32, #tpu.memory_space<hbm>>
    %dma_start3A_26 = tpu.memref_squeeze %dma_start3A_25 : memref<1x1024xi32, #tpu.memory_space<hbm>> -> memref<1024xi32, #tpu.memory_space<hbm>>
    tpu.enqueue_dma source(%dma_start3A_26 : memref<1024xi32, #tpu.memory_space<hbm>>) target(%dma_start3A_24 : memref<1024xi32, #tpu.memory_space<vmem>>) target_semaphore(%arg14 : memref<!tpu.dma_semaphore, #tpu.memory_space<semaphore_mem>>)
    %dma_start3A_27 = arith.constant 3 : i32
    %dma_start3A_28 = arith.constant 3072 : i32
    %dma_start3A_29 = tpu.memref_slice %arg5[%dma_start3A_28] : memref<51200xi32, #tpu.memory_space<vmem>> -> memref<1024xi32, #tpu.memory_space<vmem>>
    %dma_start3A_30 = tpu.memref_slice %arg3[%dma_start3A_27, %mul3A_0] : memref<50x16384xi32, #tpu.memory_space<hbm>> -> memref<1x1024xi32, #tpu.memory_space<hbm>>
    %dma_start3A_31 = tpu.memref_squeeze %dma_start3A_30 : memref<1x1024xi32, #tpu.memory_space<hbm>> -> memref<1024xi32, #tpu.memory_space<hbm>>
    %dma_start3A_32 = arith.constant 3072 : i32
    %dma_start3A_33 = tpu.memref_slice %arg5[%dma_start3A_32] : memref<51200xi32, #tpu.memory_space<vmem>> -> memref<1024xi32, #tpu.memory_space<vmem>>
    %dma_start3A_34 = tpu.memref_slice %arg3[%dma_start3A_27, %mul3A_0] : memref<50x16384xi32, #tpu.memory_space<hbm>> -> memref<1x1024xi32, #tpu.memory_space<hbm>>
    %dma_start3A_35 = tpu.memref_squeeze %dma_start3A_34 : memref<1x1024xi32, #tpu.memory_space<hbm>> -> memref<1024xi32, #tpu.memory_space<hbm>>
    tpu.enqueue_dma source(%dma_start3A_35 : memref<1024xi32, #tpu.memory_space<hbm>>) target(%dma_start3A_33 : memref<1024xi32, #tpu.memory_space<vmem>>) target_semaphore(%arg15 : memref<!tpu.dma_semaphore, #tpu.memory_space<semaphore_mem>>)
    %dma_start3A_36 = arith.constant 4 : i32
    %dma_start3A_37 = arith.constant 4096 : i32
    %dma_start3A_38 = tpu.memref_slice %arg5[%dma_start3A_37] : memref<51200xi32, #tpu.memory_space<vmem>> -> memref<1024xi32, #tpu.memory_space<vmem>>
    %dma_start3A_39 = tpu.memref_slice %arg3[%dma_start3A_36, %mul3A_0] : memref<50x16384xi32, #tpu.memory_space<hbm>> -> memref<1x1024xi32, #tpu.memory_space<hbm>>
    %dma_start3A_40 = tpu.memref_squeeze %dma_start3A_39 : memref<1x1024xi32, #tpu.memory_space<hbm>> -> memref<1024xi32, #tpu.memory_space<hbm>>
    %dma_start3A_41 = arith.constant 4096 : i32
    %dma_start3A_42 = tpu.memref_slice %arg5[%dma_start3A_41] : memref<51200xi32, #tpu.memory_space<vmem>> -> memref<1024xi32, #tpu.memory_space<vmem>>
    %dma_start3A_43 = tpu.memref_slice %arg3[%dma_start3A_36, %mul3A_0] : memref<50x16384xi32, #tpu.memory_space<hbm>> -> memref<1x1024xi32, #tpu.memory_space<hbm>>
    %dma_start3A_44 = tpu.memref_squeeze %dma_start3A_43 : memref<1x1024xi32, #tpu.memory_space<hbm>> -> memref<1024xi32, #tpu.memory_space<hbm>>
    tpu.enqueue_dma source(%dma_start3A_44 : memref<1024xi32, #tpu.memory_space<hbm>>) target(%dma_start3A_42 : memref<1024xi32, #tpu.memory_space<vmem>>) target_semaphore(%arg16 : memref<!tpu.dma_semaphore, #tpu.memory_space<semaphore_mem>>)
    %dma_start3A_45 = arith.constant 5 : i32
    %dma_start3A_46 = arith.constant 5120 : i32
    %dma_start3A_47 = tpu.memref_slice %arg5[%dma_start3A_46] : memref<51200xi32, #tpu.memory_space<vmem>> -> memref<1024xi32, #tpu.memory_space<vmem>>
    %dma_start3A_48 = tpu.memref_slice %arg3[%dma_start3A_45, %mul3A_0] : memref<50x16384xi32, #tpu.memory_space<hbm>> -> memref<1x1024xi32, #tpu.memory_space<hbm>>
    %dma_start3A_49 = tpu.memref_squeeze %dma_start3A_48 : memref<1x1024xi32, #tpu.memory_space<hbm>> -> memref<1024xi32, #tpu.memory_space<hbm>>
    %dma_start3A_50 = arith.constant 5120 : i32
    %dma_start3A_51 = tpu.memref_slice %arg5[%dma_start3A_50] : memref<51200xi32, #tpu.memory_space<vmem>> -> memref<1024xi32, #tpu.memory_space<vmem>>
    %dma_start3A_52 = tpu.memref_slice %arg3[%dma_start3A_45, %mul3A_0] : memref<50x16384xi32, #tpu.memory_space<hbm>> -> memref<1x1024xi32, #tpu.memory_space<hbm>>
    %dma_start3A_53 = tpu.memref_squeeze %dma_start3A_52 : memref<1x1024xi32, #tpu.memory_space<hbm>> -> memref<1024xi32, #tpu.memory_space<hbm>>
    tpu.enqueue_dma source(%dma_start3A_53 : memref<1024xi32, #tpu.memory_space<hbm>>) target(%dma_start3A_51 : memref<1024xi32, #tpu.memory_space<vmem>>) target_semaphore(%arg12 : memref<!tpu.dma_semaphore, #tpu.memory_space<semaphore_mem>>)
    %dma_start3A_54 = arith.constant 6 : i32
    %dma_start3A_55 = arith.constant 6144 : i32
    %dma_start3A_56 = tpu.memref_slice %arg5[%dma_start3A_55] : memref<51200xi32, #tpu.memory_space<vmem>> -> memref<1024xi32, #tpu.memory_space<vmem>>
    %dma_start3A_57 = tpu.memref_slice %arg3[%dma_start3A_54, %mul3A_0] : memref<50x16384xi32, #tpu.memory_space<hbm>> -> memref<1x1024xi32, #tpu.memory_space<hbm>>
    %dma_start3A_58 = tpu.memref_squeeze %dma_start3A_57 : memref<1x1024xi32, #tpu.memory_space<hbm>> -> memref<1024xi32, #tpu.memory_space<hbm>>
    %dma_start3A_59 = arith.constant 6144 : i32
    %dma_start3A_60 = tpu.memref_slice %arg5[%dma_start3A_59] : memref<51200xi32, #tpu.memory_space<vmem>> -> memref<1024xi32, #tpu.memory_space<vmem>>
    %dma_start3A_61 = tpu.memref_slice %arg3[%dma_start3A_54, %mul3A_0] : memref<50x16384xi32, #tpu.memory_space<hbm>> -> memref<1x1024xi32, #tpu.memory_space<hbm>>
    %dma_start3A_62 = tpu.memref_squeeze %dma_start3A_61 : memref<1x1024xi32, #tpu.memory_space<hbm>> -> memref<1024xi32, #tpu.memory_space<hbm>>
    tpu.enqueue_dma source(%dma_start3A_62 : memref<1024xi32, #tpu.memory_space<hbm>>) target(%dma_start3A_60 : memref<1024xi32, #tpu.memory_space<vmem>>) target_semaphore(%arg13 : memref<!tpu.dma_semaphore, #tpu.memory_space<semaphore_mem>>)
    %dma_start3A_63 = arith.constant 7 : i32
    %dma_start3A_64 = arith.constant 7168 : i32
    %dma_start3A_65 = tpu.memref_slice %arg5[%dma_start3A_64] : memref<51200xi32, #tpu.memory_space<vmem>> -> memref<1024xi32, #tpu.memory_space<vmem>>
    %dma_start3A_66 = tpu.memref_slice %arg3[%dma_start3A_63, %mul3A_0] : memref<50x16384xi32, #tpu.memory_space<hbm>> -> memref<1x1024xi32, #tpu.memory_space<hbm>>
    %dma_start3A_67 = tpu.memref_squeeze %dma_start3A_66 : memref<1x1024xi32, #tpu.memory_space<hbm>> -> memref<1024xi32, #tpu.memory_space<hbm>>
    %dma_start3A_68 = arith.constant 7168 : i32
    %dma_start3A_69 = tpu.memref_slice %arg5[%dma_start3A_68] : memref<51200xi32, #tpu.memory_space<vmem>> -> memref<1024xi32, #tpu.memory_space<vmem>>
    %dma_start3A_70 = tpu.memref_slice %arg3[%dma_start3A_63, %mul3A_0] : memref<50x16384xi32, #tpu.memory_space<hbm>> -> memref<1x1024xi32, #tpu.memory_space<hbm>>
    %dma_start3A_71 = tpu.memref_squeeze %dma_start3A_70 : memref<1x1024xi32, #tpu.memory_space<hbm>> -> memref<1024xi32, #tpu.memory_space<hbm>>
    tpu.enqueue_dma source(%dma_start3A_71 : memref<1024xi32, #tpu.memory_space<hbm>>) target(%dma_start3A_69 : memref<1024xi32, #tpu.memory_space<vmem>>) target_semaphore(%arg14 : memref<!tpu.dma_semaphore, #tpu.memory_space<semaphore_mem>>)
    %dma_start3A_72 = arith.constant 8 : i32
    %dma_start3A_73 = arith.constant 8192 : i32
    %dma_start3A_74 = tpu.memref_slice %arg5[%dma_start3A_73] : memref<51200xi32, #tpu.memory_space<vmem>> -> memref<1024xi32, #tpu.memory_space<vmem>>
    %dma_start3A_75 = tpu.memref_slice %arg3[%dma_start3A_72, %mul3A_0] : memref<50x16384xi32, #tpu.memory_space<hbm>> -> memref<1x1024xi32, #tpu.memory_space<hbm>>
    %dma_start3A_76 = tpu.memref_squeeze %dma_start3A_75 : memref<1x1024xi32, #tpu.memory_space<hbm>> -> memref<1024xi32, #tpu.memory_space<hbm>>
    %dma_start3A_77 = arith.constant 8192 : i32
    %dma_start3A_78 = tpu.memref_slice %arg5[%dma_start3A_77] : memref<51200xi32, #tpu.memory_space<vmem>> -> memref<1024xi32, #tpu.memory_space<vmem>>
    %dma_start3A_79 = tpu.memref_slice %arg3[%dma_start3A_72, %mul3A_0] : memref<50x16384xi32, #tpu.memory_space<hbm>> -> memref<1x1024xi32, #tpu.memory_space<hbm>>
    %dma_start3A_80 = tpu.memref_squeeze %dma_start3A_79 : memref<1x1024xi32, #tpu.memory_space<hbm>> -> memref<1024xi32, #tpu.memory_space<hbm>>
    tpu.enqueue_dma source(%dma_start3A_80 : memref<1024xi32, #tpu.memory_space<hbm>>) target(%dma_start3A_78 : memref<1024xi32, #tpu.memory_space<vmem>>) target_semaphore(%arg15 : memref<!tpu.dma_semaphore, #tpu.memory_space<semaphore_mem>>)
    %dma_start3A_81 = arith.constant 9 : i32
    %dma_start3A_82 = arith.constant 9216 : i32
    %dma_start3A_83 = tpu.memref_slice %arg5[%dma_start3A_82] : memref<51200xi32, #tpu.memory_space<vmem>> -> memref<1024xi32, #tpu.memory_space<vmem>>
    %dma_start3A_84 = tpu.memref_slice %arg3[%dma_start3A_81, %mul3A_0] : memref<50x16384xi32, #tpu.memory_space<hbm>> -> memref<1x1024xi32, #tpu.memory_space<hbm>>
    %dma_start3A_85 = tpu.memref_squeeze %dma_start3A_84 : memref<1x1024xi32, #tpu.memory_space<hbm>> -> memref<1024xi32, #tpu.memory_space<hbm>>
    %dma_start3A_86 = arith.constant 9216 : i32
    %dma_start3A_87 = tpu.memref_slice %arg5[%dma_start3A_86] : memref<51200xi32, #tpu.memory_space<vmem>> -> memref<1024xi32, #tpu.memory_space<vmem>>
    %dma_start3A_88 = tpu.memref_slice %arg3[%dma_start3A_81, %mul3A_0] : memref<50x16384xi32, #tpu.memory_space<hbm>> -> memref<1x1024xi32, #tpu.memory_space<hbm>>
    %dma_start3A_89 = tpu.memref_squeeze %dma_start3A_88 : memref<1x1024xi32, #tpu.memory_space<hbm>> -> memref<1024xi32, #tpu.memory_space<hbm>>
    tpu.enqueue_dma source(%dma_start3A_89 : memref<1024xi32, #tpu.memory_space<hbm>>) target(%dma_start3A_87 : memref<1024xi32, #tpu.memory_space<vmem>>) target_semaphore(%arg16 : memref<!tpu.dma_semaphore, #tpu.memory_space<semaphore_mem>>)
    %dma_start3A_90 = arith.constant 10 : i32
    %dma_start3A_91 = arith.constant 10240 : i32
    %dma_start3A_92 = tpu.memref_slice %arg5[%dma_start3A_91] : memref<51200xi32, #tpu.memory_space<vmem>> -> memref<1024xi32, #tpu.memory_space<vmem>>
    %dma_start3A_93 = tpu.memref_slice %arg3[%dma_start3A_90, %mul3A_0] : memref<50x16384xi32, #tpu.memory_space<hbm>> -> memref<1x1024xi32, #tpu.memory_space<hbm>>
    %dma_start3A_94 = tpu.memref_squeeze %dma_start3A_93 : memref<1x1024xi32, #tpu.memory_space<hbm>> -> memref<1024xi32, #tpu.memory_space<hbm>>
    %dma_start3A_95 = arith.constant 10240 : i32
    %dma_start3A_96 = tpu.memref_slice %arg5[%dma_start3A_95] : memref<51200xi32, #tpu.memory_space<vmem>> -> memref<1024xi32, #tpu.memory_space<vmem>>
    %dma_start3A_97 = tpu.memref_slice %arg3[%dma_start3A_90, %mul3A_0] : memref<50x16384xi32, #tpu.memory_space<hbm>> -> memref<1x1024xi32, #tpu.memory_space<hbm>>
    %dma_start3A_98 = tpu.memref_squeeze %dma_start3A_97 : memref<1x1024xi32, #tpu.memory_space<hbm>> -> memref<1024xi32, #tpu.memory_space<hbm>>
    tpu.enqueue_dma source(%dma_start3A_98 : memref<1024xi32, #tpu.memory_space<hbm>>) target(%dma_start3A_96 : memref<1024xi32, #tpu.memory_space<vmem>>) target_semaphore(%arg12 : memref<!tpu.dma_semaphore, #tpu.memory_space<semaphore_mem>>)
    %dma_start3A_99 = arith.constant 11 : i32
    %dma_start3A_100 = arith.constant 11264 : i32
    %dma_start3A_101 = tpu.memref_slice %arg5[%dma_start3A_100] : memref<51200xi32, #tpu.memory_space<vmem>> -> memref<1024xi32, #tpu.memory_space<vmem>>
    %dma_start3A_102 = tpu.memref_slice %arg3[%dma_start3A_99, %mul3A_0] : memref<50x16384xi32, #tpu.memory_space<hbm>> -> memref<1x1024xi32, #tpu.memory_space<hbm>>
    %dma_start3A_103 = tpu.memref_squeeze %dma_start3A_102 : memref<1x1024xi32, #tpu.memory_space<hbm>> -> memref<1024xi32, #tpu.memory_space<hbm>>
    %dma_start3A_104 = arith.constant 11264 : i32
    %dma_start3A_105 = tpu.memref_slice %arg5[%dma_start3A_104] : memref<51200xi32, #tpu.memory_space<vmem>> -> memref<1024xi32, #tpu.memory_space<vmem>>
    %dma_start3A_106 = tpu.memref_slice %arg3[%dma_start3A_99, %mul3A_0] : memref<50x16384xi32, #tpu.memory_space<hbm>> -> memref<1x1024xi32, #tpu.memory_space<hbm>>
    %dma_start3A_107 = tpu.memref_squeeze %dma_start3A_106 : memref<1x1024xi32, #tpu.memory_space<hbm>> -> memref<1024xi32, #tpu.memory_space<hbm>>
    tpu.enqueue_dma source(%dma_start3A_107 : memref<1024xi32, #tpu.memory_space<hbm>>) target(%dma_start3A_105 : memref<1024xi32, #tpu.memory_space<vmem>>) target_semaphore(%arg13 : memref<!tpu.dma_semaphore, #tpu.memory_space<semaphore_mem>>)
    %dma_start3A_108 = arith.constant 12 : i32
    %dma_start3A_109 = arith.constant 12288 : i32
    %dma_start3A_110 = tpu.memref_slice %arg5[%dma_start3A_109] : memref<51200xi32, #tpu.memory_space<vmem>> -> memref<1024xi32, #tpu.memory_space<vmem>>
    %dma_start3A_111 = tpu.memref_slice %arg3[%dma_start3A_108, %mul3A_0] : memref<50x16384xi32, #tpu.memory_space<hbm>> -> memref<1x1024xi32, #tpu.memory_space<hbm>>
    %dma_start3A_112 = tpu.memref_squeeze %dma_start3A_111 : memref<1x1024xi32, #tpu.memory_space<hbm>> -> memref<1024xi32, #tpu.memory_space<hbm>>
    %dma_start3A_113 = arith.constant 12288 : i32
    %dma_start3A_114 = tpu.memref_slice %arg5[%dma_start3A_113] : memref<51200xi32, #tpu.memory_space<vmem>> -> memref<1024xi32, #tpu.memory_space<vmem>>
    %dma_start3A_115 = tpu.memref_slice %arg3[%dma_start3A_108, %mul3A_0] : memref<50x16384xi32, #tpu.memory_space<hbm>> -> memref<1x1024xi32, #tpu.memory_space<hbm>>
    %dma_start3A_116 = tpu.memref_squeeze %dma_start3A_115 : memref<1x1024xi32, #tpu.memory_space<hbm>> -> memref<1024xi32, #tpu.memory_space<hbm>>
    tpu.enqueue_dma source(%dma_start3A_116 : memref<1024xi32, #tpu.memory_space<hbm>>) target(%dma_start3A_114 : memref<1024xi32, #tpu.memory_space<vmem>>) target_semaphore(%arg14 : memref<!tpu.dma_semaphore, #tpu.memory_space<semaphore_mem>>)
    %dma_start3A_117 = arith.constant 13 : i32
    %dma_start3A_118 = arith.constant 13312 : i32
    %dma_start3A_119 = tpu.memref_slice %arg5[%dma_start3A_118] : memref<51200xi32, #tpu.memory_space<vmem>> -> memref<1024xi32, #tpu.memory_space<vmem>>
    %dma_start3A_120 = tpu.memref_slice %arg3[%dma_start3A_117, %mul3A_0] : memref<50x16384xi32, #tpu.memory_space<hbm>> -> memref<1x1024xi32, #tpu.memory_space<hbm>>
    %dma_start3A_121 = tpu.memref_squeeze %dma_start3A_120 : memref<1x1024xi32, #tpu.memory_space<hbm>> -> memref<1024xi32, #tpu.memory_space<hbm>>
    %dma_start3A_122 = arith.constant 13312 : i32
    %dma_start3A_123 = tpu.memref_slice %arg5[%dma_start3A_122] : memref<51200xi32, #tpu.memory_space<vmem>> -> memref<1024xi32, #tpu.memory_space<vmem>>
    %dma_start3A_124 = tpu.memref_slice %arg3[%dma_start3A_117, %mul3A_0] : memref<50x16384xi32, #tpu.memory_space<hbm>> -> memref<1x1024xi32, #tpu.memory_space<hbm>>
    %dma_start3A_125 = tpu.memref_squeeze %dma_start3A_124 : memref<1x1024xi32, #tpu.memory_space<hbm>> -> memref<1024xi32, #tpu.memory_space<hbm>>
    tpu.enqueue_dma source(%dma_start3A_125 : memref<1024xi32, #tpu.memory_space<hbm>>) target(%dma_start3A_123 : memref<1024xi32, #tpu.memory_space<vmem>>) target_semaphore(%arg15 : memref<!tpu.dma_semaphore, #tpu.memory_space<semaphore_mem>>)
    %dma_start3A_126 = arith.constant 14 : i32
    %dma_start3A_127 = arith.constant 14336 : i32
    %dma_start3A_128 = tpu.memref_slice %arg5[%dma_start3A_127] : memref<51200xi32, #tpu.memory_space<vmem>> -> memref<1024xi32, #tpu.memory_space<vmem>>
    %dma_start3A_129 = tpu.memref_slice %arg3[%dma_start3A_126, %mul3A_0] : memref<50x16384xi32, #tpu.memory_space<hbm>> -> memref<1x1024xi32, #tpu.memory_space<hbm>>
    %dma_start3A_130 = tpu.memref_squeeze %dma_start3A_129 : memref<1x1024xi32, #tpu.memory_space<hbm>> -> memref<1024xi32, #tpu.memory_space<hbm>>
    %dma_start3A_131 = arith.constant 14336 : i32
    %dma_start3A_132 = tpu.memref_slice %arg5[%dma_start3A_131] : memref<51200xi32, #tpu.memory_space<vmem>> -> memref<1024xi32, #tpu.memory_space<vmem>>
    %dma_start3A_133 = tpu.memref_slice %arg3[%dma_start3A_126, %mul3A_0] : memref<50x16384xi32, #tpu.memory_space<hbm>> -> memref<1x1024xi32, #tpu.memory_space<hbm>>
    %dma_start3A_134 = tpu.memref_squeeze %dma_start3A_133 : memref<1x1024xi32, #tpu.memory_space<hbm>> -> memref<1024xi32, #tpu.memory_space<hbm>>
    tpu.enqueue_dma source(%dma_start3A_134 : memref<1024xi32, #tpu.memory_space<hbm>>) target(%dma_start3A_132 : memref<1024xi32, #tpu.memory_space<vmem>>) target_semaphore(%arg16 : memref<!tpu.dma_semaphore, #tpu.memory_space<semaphore_mem>>)
    %dma_start3A_135 = arith.constant 15 : i32
    %dma_start3A_136 = arith.constant 15360 : i32
    %dma_start3A_137 = tpu.memref_slice %arg5[%dma_start3A_136] : memref<51200xi32, #tpu.memory_space<vmem>> -> memref<1024xi32, #tpu.memory_space<vmem>>
    %dma_start3A_138 = tpu.memref_slice %arg3[%dma_start3A_135, %mul3A_0] : memref<50x16384xi32, #tpu.memory_space<hbm>> -> memref<1x1024xi32, #tpu.memory_space<hbm>>
    %dma_start3A_139 = tpu.memref_squeeze %dma_start3A_138 : memref<1x1024xi32, #tpu.memory_space<hbm>> -> memref<1024xi32, #tpu.memory_space<hbm>>
    %dma_start3A_140 = arith.constant 15360 : i32
    %dma_start3A_141 = tpu.memref_slice %arg5[%dma_start3A_140] : memref<51200xi32, #tpu.memory_space<vmem>> -> memref<1024xi32, #tpu.memory_space<vmem>>
    %dma_start3A_142 = tpu.memref_slice %arg3[%dma_start3A_135, %mul3A_0] : memref<50x16384xi32, #tpu.memory_space<hbm>> -> memref<1x1024xi32, #tpu.memory_space<hbm>>
    %dma_start3A_143 = tpu.memref_squeeze %dma_start3A_142 : memref<1x1024xi32, #tpu.memory_space<hbm>> -> memref<1024xi32, #tpu.memory_space<hbm>>
    tpu.enqueue_dma source(%dma_start3A_143 : memref<1024xi32, #tpu.memory_space<hbm>>) target(%dma_start3A_141 : memref<1024xi32, #tpu.memory_space<vmem>>) target_semaphore(%arg12 : memref<!tpu.dma_semaphore, #tpu.memory_space<semaphore_mem>>)
    %dma_start3A_144 = arith.constant 16 : i32
    %dma_start3A_145 = arith.constant 16384 : i32
    %dma_start3A_146 = tpu.memref_slice %arg5[%dma_start3A_145] : memref<51200xi32, #tpu.memory_space<vmem>> -> memref<1024xi32, #tpu.memory_space<vmem>>
    %dma_start3A_147 = tpu.memref_slice %arg3[%dma_start3A_144, %mul3A_0] : memref<50x16384xi32, #tpu.memory_space<hbm>> -> memref<1x1024xi32, #tpu.memory_space<hbm>>
    %dma_start3A_148 = tpu.memref_squeeze %dma_start3A_147 : memref<1x1024xi32, #tpu.memory_space<hbm>> -> memref<1024xi32, #tpu.memory_space<hbm>>
    %dma_start3A_149 = arith.constant 16384 : i32
    %dma_start3A_150 = tpu.memref_slice %arg5[%dma_start3A_149] : memref<51200xi32, #tpu.memory_space<vmem>> -> memref<1024xi32, #tpu.memory_space<vmem>>
    %dma_start3A_151 = tpu.memref_slice %arg3[%dma_start3A_144, %mul3A_0] : memref<50x16384xi32, #tpu.memory_space<hbm>> -> memref<1x1024xi32, #tpu.memory_space<hbm>>
    %dma_start3A_152 = tpu.memref_squeeze %dma_start3A_151 : memref<1x1024xi32, #tpu.memory_space<hbm>> -> memref<1024xi32, #tpu.memory_space<hbm>>
    tpu.enqueue_dma source(%dma_start3A_152 : memref<1024xi32, #tpu.memory_space<hbm>>) target(%dma_start3A_150 : memref<1024xi32, #tpu.memory_space<vmem>>) target_semaphore(%arg13 : memref<!tpu.dma_semaphore, #tpu.memory_space<semaphore_mem>>)
    %dma_start3A_153 = arith.constant 17 : i32
    %dma_start3A_154 = arith.constant 17408 : i32
    %dma_start3A_155 = tpu.memref_slice %arg5[%dma_start3A_154] : memref<51200xi32, #tpu.memory_space<vmem>> -> memref<1024xi32, #tpu.memory_space<vmem>>
    %dma_start3A_156 = tpu.memref_slice %arg3[%dma_start3A_153, %mul3A_0] : memref<50x16384xi32, #tpu.memory_space<hbm>> -> memref<1x1024xi32, #tpu.memory_space<hbm>>
    %dma_start3A_157 = tpu.memref_squeeze %dma_start3A_156 : memref<1x1024xi32, #tpu.memory_space<hbm>> -> memref<1024xi32, #tpu.memory_space<hbm>>
    %dma_start3A_158 = arith.constant 17408 : i32
    %dma_start3A_159 = tpu.memref_slice %arg5[%dma_start3A_158] : memref<51200xi32, #tpu.memory_space<vmem>> -> memref<1024xi32, #tpu.memory_space<vmem>>
    %dma_start3A_160 = tpu.memref_slice %arg3[%dma_start3A_153, %mul3A_0] : memref<50x16384xi32, #tpu.memory_space<hbm>> -> memref<1x1024xi32, #tpu.memory_space<hbm>>
    %dma_start3A_161 = tpu.memref_squeeze %dma_start3A_160 : memref<1x1024xi32, #tpu.memory_space<hbm>> -> memref<1024xi32, #tpu.memory_space<hbm>>
    tpu.enqueue_dma source(%dma_start3A_161 : memref<1024xi32, #tpu.memory_space<hbm>>) target(%dma_start3A_159 : memref<1024xi32, #tpu.memory_space<vmem>>) target_semaphore(%arg14 : memref<!tpu.dma_semaphore, #tpu.memory_space<semaphore_mem>>)
    %dma_start3A_162 = arith.constant 18 : i32
    %dma_start3A_163 = arith.constant 18432 : i32
    %dma_start3A_164 = tpu.memref_slice %arg5[%dma_start3A_163] : memref<51200xi32, #tpu.memory_space<vmem>> -> memref<1024xi32, #tpu.memory_space<vmem>>
    %dma_start3A_165 = tpu.memref_slice %arg3[%dma_start3A_162, %mul3A_0] : memref<50x16384xi32, #tpu.memory_space<hbm>> -> memref<1x1024xi32, #tpu.memory_space<hbm>>
    %dma_start3A_166 = tpu.memref_squeeze %dma_start3A_165 : memref<1x1024xi32, #tpu.memory_space<hbm>> -> memref<1024xi32, #tpu.memory_space<hbm>>
    %dma_start3A_167 = arith.constant 18432 : i32
    %dma_start3A_168 = tpu.memref_slice %arg5[%dma_start3A_167] : memref<51200xi32, #tpu.memory_space<vmem>> -> memref<1024xi32, #tpu.memory_space<vmem>>
    %dma_start3A_169 = tpu.memref_slice %arg3[%dma_start3A_162, %mul3A_0] : memref<50x16384xi32, #tpu.memory_space<hbm>> -> memref<1x1024xi32, #tpu.memory_space<hbm>>
    %dma_start3A_170 = tpu.memref_squeeze %dma_start3A_169 : memref<1x1024xi32, #tpu.memory_space<hbm>> -> memref<1024xi32, #tpu.memory_space<hbm>>
    tpu.enqueue_dma source(%dma_start3A_170 : memref<1024xi32, #tpu.memory_space<hbm>>) target(%dma_start3A_168 : memref<1024xi32, #tpu.memory_space<vmem>>) target_semaphore(%arg15 : memref<!tpu.dma_semaphore, #tpu.memory_space<semaphore_mem>>)
    %dma_start3A_171 = arith.constant 19 : i32
    %dma_start3A_172 = arith.constant 19456 : i32
    %dma_start3A_173 = tpu.memref_slice %arg5[%dma_start3A_172] : memref<51200xi32, #tpu.memory_space<vmem>> -> memref<1024xi32, #tpu.memory_space<vmem>>
    %dma_start3A_174 = tpu.memref_slice %arg3[%dma_start3A_171, %mul3A_0] : memref<50x16384xi32, #tpu.memory_space<hbm>> -> memref<1x1024xi32, #tpu.memory_space<hbm>>
    %dma_start3A_175 = tpu.memref_squeeze %dma_start3A_174 : memref<1x1024xi32, #tpu.memory_space<hbm>> -> memref<1024xi32, #tpu.memory_space<hbm>>
    %dma_start3A_176 = arith.constant 19456 : i32
    %dma_start3A_177 = tpu.memref_slice %arg5[%dma_start3A_176] : memref<51200xi32, #tpu.memory_space<vmem>> -> memref<1024xi32, #tpu.memory_space<vmem>>
    %dma_start3A_178 = tpu.memref_slice %arg3[%dma_start3A_171, %mul3A_0] : memref<50x16384xi32, #tpu.memory_space<hbm>> -> memref<1x1024xi32, #tpu.memory_space<hbm>>
    %dma_start3A_179 = tpu.memref_squeeze %dma_start3A_178 : memref<1x1024xi32, #tpu.memory_space<hbm>> -> memref<1024xi32, #tpu.memory_space<hbm>>
    tpu.enqueue_dma source(%dma_start3A_179 : memref<1024xi32, #tpu.memory_space<hbm>>) target(%dma_start3A_177 : memref<1024xi32, #tpu.memory_space<vmem>>) target_semaphore(%arg16 : memref<!tpu.dma_semaphore, #tpu.memory_space<semaphore_mem>>)
    %dma_start3A_180 = arith.constant 20 : i32
    %dma_start3A_181 = arith.constant 20480 : i32
    %dma_start3A_182 = tpu.memref_slice %arg5[%dma_start3A_181] : memref<51200xi32, #tpu.memory_space<vmem>> -> memref<1024xi32, #tpu.memory_space<vmem>>
    %dma_start3A_183 = tpu.memref_slice %arg3[%dma_start3A_180, %mul3A_0] : memref<50x16384xi32, #tpu.memory_space<hbm>> -> memref<1x1024xi32, #tpu.memory_space<hbm>>
    %dma_start3A_184 = tpu.memref_squeeze %dma_start3A_183 : memref<1x1024xi32, #tpu.memory_space<hbm>> -> memref<1024xi32, #tpu.memory_space<hbm>>
    %dma_start3A_185 = arith.constant 20480 : i32
    %dma_start3A_186 = tpu.memref_slice %arg5[%dma_start3A_185] : memref<51200xi32, #tpu.memory_space<vmem>> -> memref<1024xi32, #tpu.memory_space<vmem>>
    %dma_start3A_187 = tpu.memref_slice %arg3[%dma_start3A_180, %mul3A_0] : memref<50x16384xi32, #tpu.memory_space<hbm>> -> memref<1x1024xi32, #tpu.memory_space<hbm>>
    %dma_start3A_188 = tpu.memref_squeeze %dma_start3A_187 : memref<1x1024xi32, #tpu.memory_space<hbm>> -> memref<1024xi32, #tpu.memory_space<hbm>>
    tpu.enqueue_dma source(%dma_start3A_188 : memref<1024xi32, #tpu.memory_space<hbm>>) target(%dma_start3A_186 : memref<1024xi32, #tpu.memory_space<vmem>>) target_semaphore(%arg12 : memref<!tpu.dma_semaphore, #tpu.memory_space<semaphore_mem>>)
    %dma_start3A_189 = arith.constant 21 : i32
    %dma_start3A_190 = arith.constant 21504 : i32
    %dma_start3A_191 = tpu.memref_slice %arg5[%dma_start3A_190] : memref<51200xi32, #tpu.memory_space<vmem>> -> memref<1024xi32, #tpu.memory_space<vmem>>
    %dma_start3A_192 = tpu.memref_slice %arg3[%dma_start3A_189, %mul3A_0] : memref<50x16384xi32, #tpu.memory_space<hbm>> -> memref<1x1024xi32, #tpu.memory_space<hbm>>
    %dma_start3A_193 = tpu.memref_squeeze %dma_start3A_192 : memref<1x1024xi32, #tpu.memory_space<hbm>> -> memref<1024xi32, #tpu.memory_space<hbm>>
    %dma_start3A_194 = arith.constant 21504 : i32
    %dma_start3A_195 = tpu.memref_slice %arg5[%dma_start3A_194] : memref<51200xi32, #tpu.memory_space<vmem>> -> memref<1024xi32, #tpu.memory_space<vmem>>
    %dma_start3A_196 = tpu.memref_slice %arg3[%dma_start3A_189, %mul3A_0] : memref<50x16384xi32, #tpu.memory_space<hbm>> -> memref<1x1024xi32, #tpu.memory_space<hbm>>
    %dma_start3A_197 = tpu.memref_squeeze %dma_start3A_196 : memref<1x1024xi32, #tpu.memory_space<hbm>> -> memref<1024xi32, #tpu.memory_space<hbm>>
    tpu.enqueue_dma source(%dma_start3A_197 : memref<1024xi32, #tpu.memory_space<hbm>>) target(%dma_start3A_195 : memref<1024xi32, #tpu.memory_space<vmem>>) target_semaphore(%arg13 : memref<!tpu.dma_semaphore, #tpu.memory_space<semaphore_mem>>)
    %dma_start3A_198 = arith.constant 22 : i32
    %dma_start3A_199 = arith.constant 22528 : i32
    %dma_start3A_200 = tpu.memref_slice %arg5[%dma_start3A_199] : memref<51200xi32, #tpu.memory_space<vmem>> -> memref<1024xi32, #tpu.memory_space<vmem>>
    %dma_start3A_201 = tpu.memref_slice %arg3[%dma_start3A_198, %mul3A_0] : memref<50x16384xi32, #tpu.memory_space<hbm>> -> memref<1x1024xi32, #tpu.memory_space<hbm>>
    %dma_start3A_202 = tpu.memref_squeeze %dma_start3A_201 : memref<1x1024xi32, #tpu.memory_space<hbm>> -> memref<1024xi32, #tpu.memory_space<hbm>>
    %dma_start3A_203 = arith.constant 22528 : i32
    %dma_start3A_204 = tpu.memref_slice %arg5[%dma_start3A_203] : memref<51200xi32, #tpu.memory_space<vmem>> -> memref<1024xi32, #tpu.memory_space<vmem>>
    %dma_start3A_205 = tpu.memref_slice %arg3[%dma_start3A_198, %mul3A_0] : memref<50x16384xi32, #tpu.memory_space<hbm>> -> memref<1x1024xi32, #tpu.memory_space<hbm>>
    %dma_start3A_206 = tpu.memref_squeeze %dma_start3A_205 : memref<1x1024xi32, #tpu.memory_space<hbm>> -> memref<1024xi32, #tpu.memory_space<hbm>>
    tpu.enqueue_dma source(%dma_start3A_206 : memref<1024xi32, #tpu.memory_space<hbm>>) target(%dma_start3A_204 : memref<1024xi32, #tpu.memory_space<vmem>>) target_semaphore(%arg14 : memref<!tpu.dma_semaphore, #tpu.memory_space<semaphore_mem>>)
    %dma_start3A_207 = arith.constant 23 : i32
    %dma_start3A_208 = arith.constant 23552 : i32
    %dma_start3A_209 = tpu.memref_slice %arg5[%dma_start3A_208] : memref<51200xi32, #tpu.memory_space<vmem>> -> memref<1024xi32, #tpu.memory_space<vmem>>
    %dma_start3A_210 = tpu.memref_slice %arg3[%dma_start3A_207, %mul3A_0] : memref<50x16384xi32, #tpu.memory_space<hbm>> -> memref<1x1024xi32, #tpu.memory_space<hbm>>
    %dma_start3A_211 = tpu.memref_squeeze %dma_start3A_210 : memref<1x1024xi32, #tpu.memory_space<hbm>> -> memref<1024xi32, #tpu.memory_space<hbm>>
    %dma_start3A_212 = arith.constant 23552 : i32
    %dma_start3A_213 = tpu.memref_slice %arg5[%dma_start3A_212] : memref<51200xi32, #tpu.memory_space<vmem>> -> memref<1024xi32, #tpu.memory_space<vmem>>
    %dma_start3A_214 = tpu.memref_slice %arg3[%dma_start3A_207, %mul3A_0] : memref<50x16384xi32, #tpu.memory_space<hbm>> -> memref<1x1024xi32, #tpu.memory_space<hbm>>
    %dma_start3A_215 = tpu.memref_squeeze %dma_start3A_214 : memref<1x1024xi32, #tpu.memory_space<hbm>> -> memref<1024xi32, #tpu.memory_space<hbm>>
    tpu.enqueue_dma source(%dma_start3A_215 : memref<1024xi32, #tpu.memory_space<hbm>>) target(%dma_start3A_213 : memref<1024xi32, #tpu.memory_space<vmem>>) target_semaphore(%arg15 : memref<!tpu.dma_semaphore, #tpu.memory_space<semaphore_mem>>)
    %dma_start3A_216 = arith.constant 24 : i32
    %dma_start3A_217 = arith.constant 24576 : i32
    %dma_start3A_218 = tpu.memref_slice %arg5[%dma_start3A_217] : memref<51200xi32, #tpu.memory_space<vmem>> -> memref<1024xi32, #tpu.memory_space<vmem>>
    %dma_start3A_219 = tpu.memref_slice %arg3[%dma_start3A_216, %mul3A_0] : memref<50x16384xi32, #tpu.memory_space<hbm>> -> memref<1x1024xi32, #tpu.memory_space<hbm>>
    %dma_start3A_220 = tpu.memref_squeeze %dma_start3A_219 : memref<1x1024xi32, #tpu.memory_space<hbm>> -> memref<1024xi32, #tpu.memory_space<hbm>>
    %dma_start3A_221 = arith.constant 24576 : i32
    %dma_start3A_222 = tpu.memref_slice %arg5[%dma_start3A_221] : memref<51200xi32, #tpu.memory_space<vmem>> -> memref<1024xi32, #tpu.memory_space<vmem>>
    %dma_start3A_223 = tpu.memref_slice %arg3[%dma_start3A_216, %mul3A_0] : memref<50x16384xi32, #tpu.memory_space<hbm>> -> memref<1x1024xi32, #tpu.memory_space<hbm>>
    %dma_start3A_224 = tpu.memref_squeeze %dma_start3A_223 : memref<1x1024xi32, #tpu.memory_space<hbm>> -> memref<1024xi32, #tpu.memory_space<hbm>>
    tpu.enqueue_dma source(%dma_start3A_224 : memref<1024xi32, #tpu.memory_space<hbm>>) target(%dma_start3A_222 : memref<1024xi32, #tpu.memory_space<vmem>>) target_semaphore(%arg16 : memref<!tpu.dma_semaphore, #tpu.memory_space<semaphore_mem>>)
    %dma_start3A_225 = arith.constant 25 : i32
    %dma_start3A_226 = arith.constant 25600 : i32
    %dma_start3A_227 = tpu.memref_slice %arg5[%dma_start3A_226] : memref<51200xi32, #tpu.memory_space<vmem>> -> memref<1024xi32, #tpu.memory_space<vmem>>
    %dma_start3A_228 = tpu.memref_slice %arg3[%dma_start3A_225, %mul3A_0] : memref<50x16384xi32, #tpu.memory_space<hbm>> -> memref<1x1024xi32, #tpu.memory_space<hbm>>
    %dma_start3A_229 = tpu.memref_squeeze %dma_start3A_228 : memref<1x1024xi32, #tpu.memory_space<hbm>> -> memref<1024xi32, #tpu.memory_space<hbm>>
    %dma_start3A_230 = arith.constant 25600 : i32
    %dma_start3A_231 = tpu.memref_slice %arg5[%dma_start3A_230] : memref<51200xi32, #tpu.memory_space<vmem>> -> memref<1024xi32, #tpu.memory_space<vmem>>
    %dma_start3A_232 = tpu.memref_slice %arg3[%dma_start3A_225, %mul3A_0] : memref<50x16384xi32, #tpu.memory_space<hbm>> -> memref<1x1024xi32, #tpu.memory_space<hbm>>
    %dma_start3A_233 = tpu.memref_squeeze %dma_start3A_232 : memref<1x1024xi32, #tpu.memory_space<hbm>> -> memref<1024xi32, #tpu.memory_space<hbm>>
    tpu.enqueue_dma source(%dma_start3A_233 : memref<1024xi32, #tpu.memory_space<hbm>>) target(%dma_start3A_231 : memref<1024xi32, #tpu.memory_space<vmem>>) target_semaphore(%arg12 : memref<!tpu.dma_semaphore, #tpu.memory_space<semaphore_mem>>)
    %dma_start3A_234 = arith.constant 26 : i32
    %dma_start3A_235 = arith.constant 26624 : i32
    %dma_start3A_236 = tpu.memref_slice %arg5[%dma_start3A_235] : memref<51200xi32, #tpu.memory_space<vmem>> -> memref<1024xi32, #tpu.memory_space<vmem>>
    %dma_start3A_237 = tpu.memref_slice %arg3[%dma_start3A_234, %mul3A_0] : memref<50x16384xi32, #tpu.memory_space<hbm>> -> memref<1x1024xi32, #tpu.memory_space<hbm>>
    %dma_start3A_238 = tpu.memref_squeeze %dma_start3A_237 : memref<1x1024xi32, #tpu.memory_space<hbm>> -> memref<1024xi32, #tpu.memory_space<hbm>>
    %dma_start3A_239 = arith.constant 26624 : i32
    %dma_start3A_240 = tpu.memref_slice %arg5[%dma_start3A_239] : memref<51200xi32, #tpu.memory_space<vmem>> -> memref<1024xi32, #tpu.memory_space<vmem>>
    %dma_start3A_241 = tpu.memref_slice %arg3[%dma_start3A_234, %mul3A_0] : memref<50x16384xi32, #tpu.memory_space<hbm>> -> memref<1x1024xi32, #tpu.memory_space<hbm>>
    %dma_start3A_242 = tpu.memref_squeeze %dma_start3A_241 : memref<1x1024xi32, #tpu.memory_space<hbm>> -> memref<1024xi32, #tpu.memory_space<hbm>>
    tpu.enqueue_dma source(%dma_start3A_242 : memref<1024xi32, #tpu.memory_space<hbm>>) target(%dma_start3A_240 : memref<1024xi32, #tpu.memory_space<vmem>>) target_semaphore(%arg13 : memref<!tpu.dma_semaphore, #tpu.memory_space<semaphore_mem>>)
    %dma_start3A_243 = arith.constant 27 : i32
    %dma_start3A_244 = arith.constant 27648 : i32
    %dma_start3A_245 = tpu.memref_slice %arg5[%dma_start3A_244] : memref<51200xi32, #tpu.memory_space<vmem>> -> memref<1024xi32, #tpu.memory_space<vmem>>
    %dma_start3A_246 = tpu.memref_slice %arg3[%dma_start3A_243, %mul3A_0] : memref<50x16384xi32, #tpu.memory_space<hbm>> -> memref<1x1024xi32, #tpu.memory_space<hbm>>
    %dma_start3A_247 = tpu.memref_squeeze %dma_start3A_246 : memref<1x1024xi32, #tpu.memory_space<hbm>> -> memref<1024xi32, #tpu.memory_space<hbm>>
    %dma_start3A_248 = arith.constant 27648 : i32
    %dma_start3A_249 = tpu.memref_slice %arg5[%dma_start3A_248] : memref<51200xi32, #tpu.memory_space<vmem>> -> memref<1024xi32, #tpu.memory_space<vmem>>
    %dma_start3A_250 = tpu.memref_slice %arg3[%dma_start3A_243, %mul3A_0] : memref<50x16384xi32, #tpu.memory_space<hbm>> -> memref<1x1024xi32, #tpu.memory_space<hbm>>
    %dma_start3A_251 = tpu.memref_squeeze %dma_start3A_250 : memref<1x1024xi32, #tpu.memory_space<hbm>> -> memref<1024xi32, #tpu.memory_space<hbm>>
    tpu.enqueue_dma source(%dma_start3A_251 : memref<1024xi32, #tpu.memory_space<hbm>>) target(%dma_start3A_249 : memref<1024xi32, #tpu.memory_space<vmem>>) target_semaphore(%arg14 : memref<!tpu.dma_semaphore, #tpu.memory_space<semaphore_mem>>)
    %dma_start3A_252 = arith.constant 28 : i32
    %dma_start3A_253 = arith.constant 28672 : i32
    %dma_start3A_254 = tpu.memref_slice %arg5[%dma_start3A_253] : memref<51200xi32, #tpu.memory_space<vmem>> -> memref<1024xi32, #tpu.memory_space<vmem>>
    %dma_start3A_255 = tpu.memref_slice %arg3[%dma_start3A_252, %mul3A_0] : memref<50x16384xi32, #tpu.memory_space<hbm>> -> memref<1x1024xi32, #tpu.memory_space<hbm>>
    %dma_start3A_256 = tpu.memref_squeeze %dma_start3A_255 : memref<1x1024xi32, #tpu.memory_space<hbm>> -> memref<1024xi32, #tpu.memory_space<hbm>>
    %dma_start3A_257 = arith.constant 28672 : i32
    %dma_start3A_258 = tpu.memref_slice %arg5[%dma_start3A_257] : memref<51200xi32, #tpu.memory_space<vmem>> -> memref<1024xi32, #tpu.memory_space<vmem>>
    %dma_start3A_259 = tpu.memref_slice %arg3[%dma_start3A_252, %mul3A_0] : memref<50x16384xi32, #tpu.memory_space<hbm>> -> memref<1x1024xi32, #tpu.memory_space<hbm>>
    %dma_start3A_260 = tpu.memref_squeeze %dma_start3A_259 : memref<1x1024xi32, #tpu.memory_space<hbm>> -> memref<1024xi32, #tpu.memory_space<hbm>>
    tpu.enqueue_dma source(%dma_start3A_260 : memref<1024xi32, #tpu.memory_space<hbm>>) target(%dma_start3A_258 : memref<1024xi32, #tpu.memory_space<vmem>>) target_semaphore(%arg15 : memref<!tpu.dma_semaphore, #tpu.memory_space<semaphore_mem>>)
    %dma_start3A_261 = arith.constant 29 : i32
    %dma_start3A_262 = arith.constant 29696 : i32
    %dma_start3A_263 = tpu.memref_slice %arg5[%dma_start3A_262] : memref<51200xi32, #tpu.memory_space<vmem>> -> memref<1024xi32, #tpu.memory_space<vmem>>
    %dma_start3A_264 = tpu.memref_slice %arg3[%dma_start3A_261, %mul3A_0] : memref<50x16384xi32, #tpu.memory_space<hbm>> -> memref<1x1024xi32, #tpu.memory_space<hbm>>
    %dma_start3A_265 = tpu.memref_squeeze %dma_start3A_264 : memref<1x1024xi32, #tpu.memory_space<hbm>> -> memref<1024xi32, #tpu.memory_space<hbm>>
    %dma_start3A_266 = arith.constant 29696 : i32
    %dma_start3A_267 = tpu.memref_slice %arg5[%dma_start3A_266] : memref<51200xi32, #tpu.memory_space<vmem>> -> memref<1024xi32, #tpu.memory_space<vmem>>
    %dma_start3A_268 = tpu.memref_slice %arg3[%dma_start3A_261, %mul3A_0] : memref<50x16384xi32, #tpu.memory_space<hbm>> -> memref<1x1024xi32, #tpu.memory_space<hbm>>
    %dma_start3A_269 = tpu.memref_squeeze %dma_start3A_268 : memref<1x1024xi32, #tpu.memory_space<hbm>> -> memref<1024xi32, #tpu.memory_space<hbm>>
    tpu.enqueue_dma source(%dma_start3A_269 : memref<1024xi32, #tpu.memory_space<hbm>>) target(%dma_start3A_267 : memref<1024xi32, #tpu.memory_space<vmem>>) target_semaphore(%arg16 : memref<!tpu.dma_semaphore, #tpu.memory_space<semaphore_mem>>)
    %dma_start3A_270 = arith.constant 30 : i32
    %dma_start3A_271 = arith.constant 30720 : i32
    %dma_start3A_272 = tpu.memref_slice %arg5[%dma_start3A_271] : memref<51200xi32, #tpu.memory_space<vmem>> -> memref<1024xi32, #tpu.memory_space<vmem>>
    %dma_start3A_273 = tpu.memref_slice %arg3[%dma_start3A_270, %mul3A_0] : memref<50x16384xi32, #tpu.memory_space<hbm>> -> memref<1x1024xi32, #tpu.memory_space<hbm>>
    %dma_start3A_274 = tpu.memref_squeeze %dma_start3A_273 : memref<1x1024xi32, #tpu.memory_space<hbm>> -> memref<1024xi32, #tpu.memory_space<hbm>>
    %dma_start3A_275 = arith.constant 30720 : i32
    %dma_start3A_276 = tpu.memref_slice %arg5[%dma_start3A_275] : memref<51200xi32, #tpu.memory_space<vmem>> -> memref<1024xi32, #tpu.memory_space<vmem>>
    %dma_start3A_277 = tpu.memref_slice %arg3[%dma_start3A_270, %mul3A_0] : memref<50x16384xi32, #tpu.memory_space<hbm>> -> memref<1x1024xi32, #tpu.memory_space<hbm>>
    %dma_start3A_278 = tpu.memref_squeeze %dma_start3A_277 : memref<1x1024xi32, #tpu.memory_space<hbm>> -> memref<1024xi32, #tpu.memory_space<hbm>>
    tpu.enqueue_dma source(%dma_start3A_278 : memref<1024xi32, #tpu.memory_space<hbm>>) target(%dma_start3A_276 : memref<1024xi32, #tpu.memory_space<vmem>>) target_semaphore(%arg12 : memref<!tpu.dma_semaphore, #tpu.memory_space<semaphore_mem>>)
    %dma_start3A_279 = arith.constant 31 : i32
    %dma_start3A_280 = arith.constant 31744 : i32
    %dma_start3A_281 = tpu.memref_slice %arg5[%dma_start3A_280] : memref<51200xi32, #tpu.memory_space<vmem>> -> memref<1024xi32, #tpu.memory_space<vmem>>
    %dma_start3A_282 = tpu.memref_slice %arg3[%dma_start3A_279, %mul3A_0] : memref<50x16384xi32, #tpu.memory_space<hbm>> -> memref<1x1024xi32, #tpu.memory_space<hbm>>
    %dma_start3A_283 = tpu.memref_squeeze %dma_start3A_282 : memref<1x1024xi32, #tpu.memory_space<hbm>> -> memref<1024xi32, #tpu.memory_space<hbm>>
    %dma_start3A_284 = arith.constant 31744 : i32
    %dma_start3A_285 = tpu.memref_slice %arg5[%dma_start3A_284] : memref<51200xi32, #tpu.memory_space<vmem>> -> memref<1024xi32, #tpu.memory_space<vmem>>
    %dma_start3A_286 = tpu.memref_slice %arg3[%dma_start3A_279, %mul3A_0] : memref<50x16384xi32, #tpu.memory_space<hbm>> -> memref<1x1024xi32, #tpu.memory_space<hbm>>
    %dma_start3A_287 = tpu.memref_squeeze %dma_start3A_286 : memref<1x1024xi32, #tpu.memory_space<hbm>> -> memref<1024xi32, #tpu.memory_space<hbm>>
    tpu.enqueue_dma source(%dma_start3A_287 : memref<1024xi32, #tpu.memory_space<hbm>>) target(%dma_start3A_285 : memref<1024xi32, #tpu.memory_space<vmem>>) target_semaphore(%arg13 : memref<!tpu.dma_semaphore, #tpu.memory_space<semaphore_mem>>)
    %dma_start3A_288 = arith.constant 32 : i32
    %dma_start3A_289 = arith.constant 32768 : i32
    %dma_start3A_290 = tpu.memref_slice %arg5[%dma_start3A_289] : memref<51200xi32, #tpu.memory_space<vmem>> -> memref<1024xi32, #tpu.memory_space<vmem>>
    %dma_start3A_291 = tpu.memref_slice %arg3[%dma_start3A_288, %mul3A_0] : memref<50x16384xi32, #tpu.memory_space<hbm>> -> memref<1x1024xi32, #tpu.memory_space<hbm>>
    %dma_start3A_292 = tpu.memref_squeeze %dma_start3A_291 : memref<1x1024xi32, #tpu.memory_space<hbm>> -> memref<1024xi32, #tpu.memory_space<hbm>>
    %dma_start3A_293 = arith.constant 32768 : i32
    %dma_start3A_294 = tpu.memref_slice %arg5[%dma_start3A_293] : memref<51200xi32, #tpu.memory_space<vmem>> -> memref<1024xi32, #tpu.memory_space<vmem>>
    %dma_start3A_295 = tpu.memref_slice %arg3[%dma_start3A_288, %mul3A_0] : memref<50x16384xi32, #tpu.memory_space<hbm>> -> memref<1x1024xi32, #tpu.memory_space<hbm>>
    %dma_start3A_296 = tpu.memref_squeeze %dma_start3A_295 : memref<1x1024xi32, #tpu.memory_space<hbm>> -> memref<1024xi32, #tpu.memory_space<hbm>>
    tpu.enqueue_dma source(%dma_start3A_296 : memref<1024xi32, #tpu.memory_space<hbm>>) target(%dma_start3A_294 : memref<1024xi32, #tpu.memory_space<vmem>>) target_semaphore(%arg14 : memref<!tpu.dma_semaphore, #tpu.memory_space<semaphore_mem>>)
    %dma_start3A_297 = arith.constant 33 : i32
    %dma_start3A_298 = arith.constant 33792 : i32
    %dma_start3A_299 = tpu.memref_slice %arg5[%dma_start3A_298] : memref<51200xi32, #tpu.memory_space<vmem>> -> memref<1024xi32, #tpu.memory_space<vmem>>
    %dma_start3A_300 = tpu.memref_slice %arg3[%dma_start3A_297, %mul3A_0] : memref<50x16384xi32, #tpu.memory_space<hbm>> -> memref<1x1024xi32, #tpu.memory_space<hbm>>
    %dma_start3A_301 = tpu.memref_squeeze %dma_start3A_300 : memref<1x1024xi32, #tpu.memory_space<hbm>> -> memref<1024xi32, #tpu.memory_space<hbm>>
    %dma_start3A_302 = arith.constant 33792 : i32
    %dma_start3A_303 = tpu.memref_slice %arg5[%dma_start3A_302] : memref<51200xi32, #tpu.memory_space<vmem>> -> memref<1024xi32, #tpu.memory_space<vmem>>
    %dma_start3A_304 = tpu.memref_slice %arg3[%dma_start3A_297, %mul3A_0] : memref<50x16384xi32, #tpu.memory_space<hbm>> -> memref<1x1024xi32, #tpu.memory_space<hbm>>
    %dma_start3A_305 = tpu.memref_squeeze %dma_start3A_304 : memref<1x1024xi32, #tpu.memory_space<hbm>> -> memref<1024xi32, #tpu.memory_space<hbm>>
    tpu.enqueue_dma source(%dma_start3A_305 : memref<1024xi32, #tpu.memory_space<hbm>>) target(%dma_start3A_303 : memref<1024xi32, #tpu.memory_space<vmem>>) target_semaphore(%arg15 : memref<!tpu.dma_semaphore, #tpu.memory_space<semaphore_mem>>)
    %dma_start3A_306 = arith.constant 34 : i32
    %dma_start3A_307 = arith.constant 34816 : i32
    %dma_start3A_308 = tpu.memref_slice %arg5[%dma_start3A_307] : memref<51200xi32, #tpu.memory_space<vmem>> -> memref<1024xi32, #tpu.memory_space<vmem>>
    %dma_start3A_309 = tpu.memref_slice %arg3[%dma_start3A_306, %mul3A_0] : memref<50x16384xi32, #tpu.memory_space<hbm>> -> memref<1x1024xi32, #tpu.memory_space<hbm>>
    %dma_start3A_310 = tpu.memref_squeeze %dma_start3A_309 : memref<1x1024xi32, #tpu.memory_space<hbm>> -> memref<1024xi32, #tpu.memory_space<hbm>>
    %dma_start3A_311 = arith.constant 34816 : i32
    %dma_start3A_312 = tpu.memref_slice %arg5[%dma_start3A_311] : memref<51200xi32, #tpu.memory_space<vmem>> -> memref<1024xi32, #tpu.memory_space<vmem>>
    %dma_start3A_313 = tpu.memref_slice %arg3[%dma_start3A_306, %mul3A_0] : memref<50x16384xi32, #tpu.memory_space<hbm>> -> memref<1x1024xi32, #tpu.memory_space<hbm>>
    %dma_start3A_314 = tpu.memref_squeeze %dma_start3A_313 : memref<1x1024xi32, #tpu.memory_space<hbm>> -> memref<1024xi32, #tpu.memory_space<hbm>>
    tpu.enqueue_dma source(%dma_start3A_314 : memref<1024xi32, #tpu.memory_space<hbm>>) target(%dma_start3A_312 : memref<1024xi32, #tpu.memory_space<vmem>>) target_semaphore(%arg16 : memref<!tpu.dma_semaphore, #tpu.memory_space<semaphore_mem>>)
    %dma_start3A_315 = arith.constant 35 : i32
    %dma_start3A_316 = arith.constant 35840 : i32
    %dma_start3A_317 = tpu.memref_slice %arg5[%dma_start3A_316] : memref<51200xi32, #tpu.memory_space<vmem>> -> memref<1024xi32, #tpu.memory_space<vmem>>
    %dma_start3A_318 = tpu.memref_slice %arg3[%dma_start3A_315, %mul3A_0] : memref<50x16384xi32, #tpu.memory_space<hbm>> -> memref<1x1024xi32, #tpu.memory_space<hbm>>
    %dma_start3A_319 = tpu.memref_squeeze %dma_start3A_318 : memref<1x1024xi32, #tpu.memory_space<hbm>> -> memref<1024xi32, #tpu.memory_space<hbm>>
    %dma_start3A_320 = arith.constant 35840 : i32
    %dma_start3A_321 = tpu.memref_slice %arg5[%dma_start3A_320] : memref<51200xi32, #tpu.memory_space<vmem>> -> memref<1024xi32, #tpu.memory_space<vmem>>
    %dma_start3A_322 = tpu.memref_slice %arg3[%dma_start3A_315, %mul3A_0] : memref<50x16384xi32, #tpu.memory_space<hbm>> -> memref<1x1024xi32, #tpu.memory_space<hbm>>
    %dma_start3A_323 = tpu.memref_squeeze %dma_start3A_322 : memref<1x1024xi32, #tpu.memory_space<hbm>> -> memref<1024xi32, #tpu.memory_space<hbm>>
    tpu.enqueue_dma source(%dma_start3A_323 : memref<1024xi32, #tpu.memory_space<hbm>>) target(%dma_start3A_321 : memref<1024xi32, #tpu.memory_space<vmem>>) target_semaphore(%arg12 : memref<!tpu.dma_semaphore, #tpu.memory_space<semaphore_mem>>)
    %dma_start3A_324 = arith.constant 36 : i32
    %dma_start3A_325 = arith.constant 36864 : i32
    %dma_start3A_326 = tpu.memref_slice %arg5[%dma_start3A_325] : memref<51200xi32, #tpu.memory_space<vmem>> -> memref<1024xi32, #tpu.memory_space<vmem>>
    %dma_start3A_327 = tpu.memref_slice %arg3[%dma_start3A_324, %mul3A_0] : memref<50x16384xi32, #tpu.memory_space<hbm>> -> memref<1x1024xi32, #tpu.memory_space<hbm>>
    %dma_start3A_328 = tpu.memref_squeeze %dma_start3A_327 : memref<1x1024xi32, #tpu.memory_space<hbm>> -> memref<1024xi32, #tpu.memory_space<hbm>>
    %dma_start3A_329 = arith.constant 36864 : i32
    %dma_start3A_330 = tpu.memref_slice %arg5[%dma_start3A_329] : memref<51200xi32, #tpu.memory_space<vmem>> -> memref<1024xi32, #tpu.memory_space<vmem>>
    %dma_start3A_331 = tpu.memref_slice %arg3[%dma_start3A_324, %mul3A_0] : memref<50x16384xi32, #tpu.memory_space<hbm>> -> memref<1x1024xi32, #tpu.memory_space<hbm>>
    %dma_start3A_332 = tpu.memref_squeeze %dma_start3A_331 : memref<1x1024xi32, #tpu.memory_space<hbm>> -> memref<1024xi32, #tpu.memory_space<hbm>>
    tpu.enqueue_dma source(%dma_start3A_332 : memref<1024xi32, #tpu.memory_space<hbm>>) target(%dma_start3A_330 : memref<1024xi32, #tpu.memory_space<vmem>>) target_semaphore(%arg13 : memref<!tpu.dma_semaphore, #tpu.memory_space<semaphore_mem>>)
    %dma_start3A_333 = arith.constant 37 : i32
    %dma_start3A_334 = arith.constant 37888 : i32
    %dma_start3A_335 = tpu.memref_slice %arg5[%dma_start3A_334] : memref<51200xi32, #tpu.memory_space<vmem>> -> memref<1024xi32, #tpu.memory_space<vmem>>
    %dma_start3A_336 = tpu.memref_slice %arg3[%dma_start3A_333, %mul3A_0] : memref<50x16384xi32, #tpu.memory_space<hbm>> -> memref<1x1024xi32, #tpu.memory_space<hbm>>
    %dma_start3A_337 = tpu.memref_squeeze %dma_start3A_336 : memref<1x1024xi32, #tpu.memory_space<hbm>> -> memref<1024xi32, #tpu.memory_space<hbm>>
    %dma_start3A_338 = arith.constant 37888 : i32
    %dma_start3A_339 = tpu.memref_slice %arg5[%dma_start3A_338] : memref<51200xi32, #tpu.memory_space<vmem>> -> memref<1024xi32, #tpu.memory_space<vmem>>
    %dma_start3A_340 = tpu.memref_slice %arg3[%dma_start3A_333, %mul3A_0] : memref<50x16384xi32, #tpu.memory_space<hbm>> -> memref<1x1024xi32, #tpu.memory_space<hbm>>
    %dma_start3A_341 = tpu.memref_squeeze %dma_start3A_340 : memref<1x1024xi32, #tpu.memory_space<hbm>> -> memref<1024xi32, #tpu.memory_space<hbm>>
    tpu.enqueue_dma source(%dma_start3A_341 : memref<1024xi32, #tpu.memory_space<hbm>>) target(%dma_start3A_339 : memref<1024xi32, #tpu.memory_space<vmem>>) target_semaphore(%arg14 : memref<!tpu.dma_semaphore, #tpu.memory_space<semaphore_mem>>)
    %dma_start3A_342 = arith.constant 38 : i32
    %dma_start3A_343 = arith.constant 38912 : i32
    %dma_start3A_344 = tpu.memref_slice %arg5[%dma_start3A_343] : memref<51200xi32, #tpu.memory_space<vmem>> -> memref<1024xi32, #tpu.memory_space<vmem>>
    %dma_start3A_345 = tpu.memref_slice %arg3[%dma_start3A_342, %mul3A_0] : memref<50x16384xi32, #tpu.memory_space<hbm>> -> memref<1x1024xi32, #tpu.memory_space<hbm>>
    %dma_start3A_346 = tpu.memref_squeeze %dma_start3A_345 : memref<1x1024xi32, #tpu.memory_space<hbm>> -> memref<1024xi32, #tpu.memory_space<hbm>>
    %dma_start3A_347 = arith.constant 38912 : i32
    %dma_start3A_348 = tpu.memref_slice %arg5[%dma_start3A_347] : memref<51200xi32, #tpu.memory_space<vmem>> -> memref<1024xi32, #tpu.memory_space<vmem>>
    %dma_start3A_349 = tpu.memref_slice %arg3[%dma_start3A_342, %mul3A_0] : memref<50x16384xi32, #tpu.memory_space<hbm>> -> memref<1x1024xi32, #tpu.memory_space<hbm>>
    %dma_start3A_350 = tpu.memref_squeeze %dma_start3A_349 : memref<1x1024xi32, #tpu.memory_space<hbm>> -> memref<1024xi32, #tpu.memory_space<hbm>>
    tpu.enqueue_dma source(%dma_start3A_350 : memref<1024xi32, #tpu.memory_space<hbm>>) target(%dma_start3A_348 : memref<1024xi32, #tpu.memory_space<vmem>>) target_semaphore(%arg15 : memref<!tpu.dma_semaphore, #tpu.memory_space<semaphore_mem>>)
    %dma_start3A_351 = arith.constant 39 : i32
    %dma_start3A_352 = arith.constant 39936 : i32
    %dma_start3A_353 = tpu.memref_slice %arg5[%dma_start3A_352] : memref<51200xi32, #tpu.memory_space<vmem>> -> memref<1024xi32, #tpu.memory_space<vmem>>
    %dma_start3A_354 = tpu.memref_slice %arg3[%dma_start3A_351, %mul3A_0] : memref<50x16384xi32, #tpu.memory_space<hbm>> -> memref<1x1024xi32, #tpu.memory_space<hbm>>
    %dma_start3A_355 = tpu.memref_squeeze %dma_start3A_354 : memref<1x1024xi32, #tpu.memory_space<hbm>> -> memref<1024xi32, #tpu.memory_space<hbm>>
    %dma_start3A_356 = arith.constant 39936 : i32
    %dma_start3A_357 = tpu.memref_slice %arg5[%dma_start3A_356] : memref<51200xi32, #tpu.memory_space<vmem>> -> memref<1024xi32, #tpu.memory_space<vmem>>
    %dma_start3A_358 = tpu.memref_slice %arg3[%dma_start3A_351, %mul3A_0] : memref<50x16384xi32, #tpu.memory_space<hbm>> -> memref<1x1024xi32, #tpu.memory_space<hbm>>
    %dma_start3A_359 = tpu.memref_squeeze %dma_start3A_358 : memref<1x1024xi32, #tpu.memory_space<hbm>> -> memref<1024xi32, #tpu.memory_space<hbm>>
    tpu.enqueue_dma source(%dma_start3A_359 : memref<1024xi32, #tpu.memory_space<hbm>>) target(%dma_start3A_357 : memref<1024xi32, #tpu.memory_space<vmem>>) target_semaphore(%arg16 : memref<!tpu.dma_semaphore, #tpu.memory_space<semaphore_mem>>)
    %dma_start3A_360 = arith.constant 40 : i32
    %dma_start3A_361 = arith.constant 40960 : i32
    %dma_start3A_362 = tpu.memref_slice %arg5[%dma_start3A_361] : memref<51200xi32, #tpu.memory_space<vmem>> -> memref<1024xi32, #tpu.memory_space<vmem>>
    %dma_start3A_363 = tpu.memref_slice %arg3[%dma_start3A_360, %mul3A_0] : memref<50x16384xi32, #tpu.memory_space<hbm>> -> memref<1x1024xi32, #tpu.memory_space<hbm>>
    %dma_start3A_364 = tpu.memref_squeeze %dma_start3A_363 : memref<1x1024xi32, #tpu.memory_space<hbm>> -> memref<1024xi32, #tpu.memory_space<hbm>>
    %dma_start3A_365 = arith.constant 40960 : i32
    %dma_start3A_366 = tpu.memref_slice %arg5[%dma_start3A_365] : memref<51200xi32, #tpu.memory_space<vmem>> -> memref<1024xi32, #tpu.memory_space<vmem>>
    %dma_start3A_367 = tpu.memref_slice %arg3[%dma_start3A_360, %mul3A_0] : memref<50x16384xi32, #tpu.memory_space<hbm>> -> memref<1x1024xi32, #tpu.memory_space<hbm>>
    %dma_start3A_368 = tpu.memref_squeeze %dma_start3A_367 : memref<1x1024xi32, #tpu.memory_space<hbm>> -> memref<1024xi32, #tpu.memory_space<hbm>>
    tpu.enqueue_dma source(%dma_start3A_368 : memref<1024xi32, #tpu.memory_space<hbm>>) target(%dma_start3A_366 : memref<1024xi32, #tpu.memory_space<vmem>>) target_semaphore(%arg12 : memref<!tpu.dma_semaphore, #tpu.memory_space<semaphore_mem>>)
    %dma_start3A_369 = arith.constant 41 : i32
    %dma_start3A_370 = arith.constant 41984 : i32
    %dma_start3A_371 = tpu.memref_slice %arg5[%dma_start3A_370] : memref<51200xi32, #tpu.memory_space<vmem>> -> memref<1024xi32, #tpu.memory_space<vmem>>
    %dma_start3A_372 = tpu.memref_slice %arg3[%dma_start3A_369, %mul3A_0] : memref<50x16384xi32, #tpu.memory_space<hbm>> -> memref<1x1024xi32, #tpu.memory_space<hbm>>
    %dma_start3A_373 = tpu.memref_squeeze %dma_start3A_372 : memref<1x1024xi32, #tpu.memory_space<hbm>> -> memref<1024xi32, #tpu.memory_space<hbm>>
    %dma_start3A_374 = arith.constant 41984 : i32
    %dma_start3A_375 = tpu.memref_slice %arg5[%dma_start3A_374] : memref<51200xi32, #tpu.memory_space<vmem>> -> memref<1024xi32, #tpu.memory_space<vmem>>
    %dma_start3A_376 = tpu.memref_slice %arg3[%dma_start3A_369, %mul3A_0] : memref<50x16384xi32, #tpu.memory_space<hbm>> -> memref<1x1024xi32, #tpu.memory_space<hbm>>
    %dma_start3A_377 = tpu.memref_squeeze %dma_start3A_376 : memref<1x1024xi32, #tpu.memory_space<hbm>> -> memref<1024xi32, #tpu.memory_space<hbm>>
    tpu.enqueue_dma source(%dma_start3A_377 : memref<1024xi32, #tpu.memory_space<hbm>>) target(%dma_start3A_375 : memref<1024xi32, #tpu.memory_space<vmem>>) target_semaphore(%arg13 : memref<!tpu.dma_semaphore, #tpu.memory_space<semaphore_mem>>)
    %dma_start3A_378 = arith.constant 42 : i32
    %dma_start3A_379 = arith.constant 43008 : i32
    %dma_start3A_380 = tpu.memref_slice %arg5[%dma_start3A_379] : memref<51200xi32, #tpu.memory_space<vmem>> -> memref<1024xi32, #tpu.memory_space<vmem>>
    %dma_start3A_381 = tpu.memref_slice %arg3[%dma_start3A_378, %mul3A_0] : memref<50x16384xi32, #tpu.memory_space<hbm>> -> memref<1x1024xi32, #tpu.memory_space<hbm>>
    %dma_start3A_382 = tpu.memref_squeeze %dma_start3A_381 : memref<1x1024xi32, #tpu.memory_space<hbm>> -> memref<1024xi32, #tpu.memory_space<hbm>>
    %dma_start3A_383 = arith.constant 43008 : i32
    %dma_start3A_384 = tpu.memref_slice %arg5[%dma_start3A_383] : memref<51200xi32, #tpu.memory_space<vmem>> -> memref<1024xi32, #tpu.memory_space<vmem>>
    %dma_start3A_385 = tpu.memref_slice %arg3[%dma_start3A_378, %mul3A_0] : memref<50x16384xi32, #tpu.memory_space<hbm>> -> memref<1x1024xi32, #tpu.memory_space<hbm>>
    %dma_start3A_386 = tpu.memref_squeeze %dma_start3A_385 : memref<1x1024xi32, #tpu.memory_space<hbm>> -> memref<1024xi32, #tpu.memory_space<hbm>>
    tpu.enqueue_dma source(%dma_start3A_386 : memref<1024xi32, #tpu.memory_space<hbm>>) target(%dma_start3A_384 : memref<1024xi32, #tpu.memory_space<vmem>>) target_semaphore(%arg14 : memref<!tpu.dma_semaphore, #tpu.memory_space<semaphore_mem>>)
    %dma_start3A_387 = arith.constant 43 : i32
    %dma_start3A_388 = arith.constant 44032 : i32
    %dma_start3A_389 = tpu.memref_slice %arg5[%dma_start3A_388] : memref<51200xi32, #tpu.memory_space<vmem>> -> memref<1024xi32, #tpu.memory_space<vmem>>
    %dma_start3A_390 = tpu.memref_slice %arg3[%dma_start3A_387, %mul3A_0] : memref<50x16384xi32, #tpu.memory_space<hbm>> -> memref<1x1024xi32, #tpu.memory_space<hbm>>
    %dma_start3A_391 = tpu.memref_squeeze %dma_start3A_390 : memref<1x1024xi32, #tpu.memory_space<hbm>> -> memref<1024xi32, #tpu.memory_space<hbm>>
    %dma_start3A_392 = arith.constant 44032 : i32
    %dma_start3A_393 = tpu.memref_slice %arg5[%dma_start3A_392] : memref<51200xi32, #tpu.memory_space<vmem>> -> memref<1024xi32, #tpu.memory_space<vmem>>
    %dma_start3A_394 = tpu.memref_slice %arg3[%dma_start3A_387, %mul3A_0] : memref<50x16384xi32, #tpu.memory_space<hbm>> -> memref<1x1024xi32, #tpu.memory_space<hbm>>
    %dma_start3A_395 = tpu.memref_squeeze %dma_start3A_394 : memref<1x1024xi32, #tpu.memory_space<hbm>> -> memref<1024xi32, #tpu.memory_space<hbm>>
    tpu.enqueue_dma source(%dma_start3A_395 : memref<1024xi32, #tpu.memory_space<hbm>>) target(%dma_start3A_393 : memref<1024xi32, #tpu.memory_space<vmem>>) target_semaphore(%arg15 : memref<!tpu.dma_semaphore, #tpu.memory_space<semaphore_mem>>)
    %dma_start3A_396 = arith.constant 44 : i32
    %dma_start3A_397 = arith.constant 45056 : i32
    %dma_start3A_398 = tpu.memref_slice %arg5[%dma_start3A_397] : memref<51200xi32, #tpu.memory_space<vmem>> -> memref<1024xi32, #tpu.memory_space<vmem>>
    %dma_start3A_399 = tpu.memref_slice %arg3[%dma_start3A_396, %mul3A_0] : memref<50x16384xi32, #tpu.memory_space<hbm>> -> memref<1x1024xi32, #tpu.memory_space<hbm>>
    %dma_start3A_400 = tpu.memref_squeeze %dma_start3A_399 : memref<1x1024xi32, #tpu.memory_space<hbm>> -> memref<1024xi32, #tpu.memory_space<hbm>>
    %dma_start3A_401 = arith.constant 45056 : i32
    %dma_start3A_402 = tpu.memref_slice %arg5[%dma_start3A_401] : memref<51200xi32, #tpu.memory_space<vmem>> -> memref<1024xi32, #tpu.memory_space<vmem>>
    %dma_start3A_403 = tpu.memref_slice %arg3[%dma_start3A_396, %mul3A_0] : memref<50x16384xi32, #tpu.memory_space<hbm>> -> memref<1x1024xi32, #tpu.memory_space<hbm>>
    %dma_start3A_404 = tpu.memref_squeeze %dma_start3A_403 : memref<1x1024xi32, #tpu.memory_space<hbm>> -> memref<1024xi32, #tpu.memory_space<hbm>>
    tpu.enqueue_dma source(%dma_start3A_404 : memref<1024xi32, #tpu.memory_space<hbm>>) target(%dma_start3A_402 : memref<1024xi32, #tpu.memory_space<vmem>>) target_semaphore(%arg16 : memref<!tpu.dma_semaphore, #tpu.memory_space<semaphore_mem>>)
    %dma_start3A_405 = arith.constant 45 : i32
    %dma_start3A_406 = arith.constant 46080 : i32
    %dma_start3A_407 = tpu.memref_slice %arg5[%dma_start3A_406] : memref<51200xi32, #tpu.memory_space<vmem>> -> memref<1024xi32, #tpu.memory_space<vmem>>
    %dma_start3A_408 = tpu.memref_slice %arg3[%dma_start3A_405, %mul3A_0] : memref<50x16384xi32, #tpu.memory_space<hbm>> -> memref<1x1024xi32, #tpu.memory_space<hbm>>
    %dma_start3A_409 = tpu.memref_squeeze %dma_start3A_408 : memref<1x1024xi32, #tpu.memory_space<hbm>> -> memref<1024xi32, #tpu.memory_space<hbm>>
    %dma_start3A_410 = arith.constant 46080 : i32
    %dma_start3A_411 = tpu.memref_slice %arg5[%dma_start3A_410] : memref<51200xi32, #tpu.memory_space<vmem>> -> memref<1024xi32, #tpu.memory_space<vmem>>
    %dma_start3A_412 = tpu.memref_slice %arg3[%dma_start3A_405, %mul3A_0] : memref<50x16384xi32, #tpu.memory_space<hbm>> -> memref<1x1024xi32, #tpu.memory_space<hbm>>
    %dma_start3A_413 = tpu.memref_squeeze %dma_start3A_412 : memref<1x1024xi32, #tpu.memory_space<hbm>> -> memref<1024xi32, #tpu.memory_space<hbm>>
    tpu.enqueue_dma source(%dma_start3A_413 : memref<1024xi32, #tpu.memory_space<hbm>>) target(%dma_start3A_411 : memref<1024xi32, #tpu.memory_space<vmem>>) target_semaphore(%arg12 : memref<!tpu.dma_semaphore, #tpu.memory_space<semaphore_mem>>)
    %dma_start3A_414 = arith.constant 46 : i32
    %dma_start3A_415 = arith.constant 47104 : i32
    %dma_start3A_416 = tpu.memref_slice %arg5[%dma_start3A_415] : memref<51200xi32, #tpu.memory_space<vmem>> -> memref<1024xi32, #tpu.memory_space<vmem>>
    %dma_start3A_417 = tpu.memref_slice %arg3[%dma_start3A_414, %mul3A_0] : memref<50x16384xi32, #tpu.memory_space<hbm>> -> memref<1x1024xi32, #tpu.memory_space<hbm>>
    %dma_start3A_418 = tpu.memref_squeeze %dma_start3A_417 : memref<1x1024xi32, #tpu.memory_space<hbm>> -> memref<1024xi32, #tpu.memory_space<hbm>>
    %dma_start3A_419 = arith.constant 47104 : i32
    %dma_start3A_420 = tpu.memref_slice %arg5[%dma_start3A_419] : memref<51200xi32, #tpu.memory_space<vmem>> -> memref<1024xi32, #tpu.memory_space<vmem>>
    %dma_start3A_421 = tpu.memref_slice %arg3[%dma_start3A_414, %mul3A_0] : memref<50x16384xi32, #tpu.memory_space<hbm>> -> memref<1x1024xi32, #tpu.memory_space<hbm>>
    %dma_start3A_422 = tpu.memref_squeeze %dma_start3A_421 : memref<1x1024xi32, #tpu.memory_space<hbm>> -> memref<1024xi32, #tpu.memory_space<hbm>>
    tpu.enqueue_dma source(%dma_start3A_422 : memref<1024xi32, #tpu.memory_space<hbm>>) target(%dma_start3A_420 : memref<1024xi32, #tpu.memory_space<vmem>>) target_semaphore(%arg13 : memref<!tpu.dma_semaphore, #tpu.memory_space<semaphore_mem>>)
    %dma_start3A_423 = arith.constant 47 : i32
    %dma_start3A_424 = arith.constant 48128 : i32
    %dma_start3A_425 = tpu.memref_slice %arg5[%dma_start3A_424] : memref<51200xi32, #tpu.memory_space<vmem>> -> memref<1024xi32, #tpu.memory_space<vmem>>
    %dma_start3A_426 = tpu.memref_slice %arg3[%dma_start3A_423, %mul3A_0] : memref<50x16384xi32, #tpu.memory_space<hbm>> -> memref<1x1024xi32, #tpu.memory_space<hbm>>
    %dma_start3A_427 = tpu.memref_squeeze %dma_start3A_426 : memref<1x1024xi32, #tpu.memory_space<hbm>> -> memref<1024xi32, #tpu.memory_space<hbm>>
    %dma_start3A_428 = arith.constant 48128 : i32
    %dma_start3A_429 = tpu.memref_slice %arg5[%dma_start3A_428] : memref<51200xi32, #tpu.memory_space<vmem>> -> memref<1024xi32, #tpu.memory_space<vmem>>
    %dma_start3A_430 = tpu.memref_slice %arg3[%dma_start3A_423, %mul3A_0] : memref<50x16384xi32, #tpu.memory_space<hbm>> -> memref<1x1024xi32, #tpu.memory_space<hbm>>
    %dma_start3A_431 = tpu.memref_squeeze %dma_start3A_430 : memref<1x1024xi32, #tpu.memory_space<hbm>> -> memref<1024xi32, #tpu.memory_space<hbm>>
    tpu.enqueue_dma source(%dma_start3A_431 : memref<1024xi32, #tpu.memory_space<hbm>>) target(%dma_start3A_429 : memref<1024xi32, #tpu.memory_space<vmem>>) target_semaphore(%arg14 : memref<!tpu.dma_semaphore, #tpu.memory_space<semaphore_mem>>)
    %dma_start3A_432 = arith.constant 48 : i32
    %dma_start3A_433 = arith.constant 49152 : i32
    %dma_start3A_434 = tpu.memref_slice %arg5[%dma_start3A_433] : memref<51200xi32, #tpu.memory_space<vmem>> -> memref<1024xi32, #tpu.memory_space<vmem>>
    %dma_start3A_435 = tpu.memref_slice %arg3[%dma_start3A_432, %mul3A_0] : memref<50x16384xi32, #tpu.memory_space<hbm>> -> memref<1x1024xi32, #tpu.memory_space<hbm>>
    %dma_start3A_436 = tpu.memref_squeeze %dma_start3A_435 : memref<1x1024xi32, #tpu.memory_space<hbm>> -> memref<1024xi32, #tpu.memory_space<hbm>>
    %dma_start3A_437 = arith.constant 49152 : i32
    %dma_start3A_438 = tpu.memref_slice %arg5[%dma_start3A_437] : memref<51200xi32, #tpu.memory_space<vmem>> -> memref<1024xi32, #tpu.memory_space<vmem>>
    %dma_start3A_439 = tpu.memref_slice %arg3[%dma_start3A_432, %mul3A_0] : memref<50x16384xi32, #tpu.memory_space<hbm>> -> memref<1x1024xi32, #tpu.memory_space<hbm>>
    %dma_start3A_440 = tpu.memref_squeeze %dma_start3A_439 : memref<1x1024xi32, #tpu.memory_space<hbm>> -> memref<1024xi32, #tpu.memory_space<hbm>>
    tpu.enqueue_dma source(%dma_start3A_440 : memref<1024xi32, #tpu.memory_space<hbm>>) target(%dma_start3A_438 : memref<1024xi32, #tpu.memory_space<vmem>>) target_semaphore(%arg15 : memref<!tpu.dma_semaphore, #tpu.memory_space<semaphore_mem>>)
    %dma_start3A_441 = arith.constant 49 : i32
    %dma_start3A_442 = arith.constant 50176 : i32
    %dma_start3A_443 = tpu.memref_slice %arg5[%dma_start3A_442] : memref<51200xi32, #tpu.memory_space<vmem>> -> memref<1024xi32, #tpu.memory_space<vmem>>
    %dma_start3A_444 = tpu.memref_slice %arg3[%dma_start3A_441, %mul3A_0] : memref<50x16384xi32, #tpu.memory_space<hbm>> -> memref<1x1024xi32, #tpu.memory_space<hbm>>
    %dma_start3A_445 = tpu.memref_squeeze %dma_start3A_444 : memref<1x1024xi32, #tpu.memory_space<hbm>> -> memref<1024xi32, #tpu.memory_space<hbm>>
    %dma_start3A_446 = arith.constant 50176 : i32
    %dma_start3A_447 = tpu.memref_slice %arg5[%dma_start3A_446] : memref<51200xi32, #tpu.memory_space<vmem>> -> memref<1024xi32, #tpu.memory_space<vmem>>
    %dma_start3A_448 = tpu.memref_slice %arg3[%dma_start3A_441, %mul3A_0] : memref<50x16384xi32, #tpu.memory_space<hbm>> -> memref<1x1024xi32, #tpu.memory_space<hbm>>
    %dma_start3A_449 = tpu.memref_squeeze %dma_start3A_448 : memref<1x1024xi32, #tpu.memory_space<hbm>> -> memref<1024xi32, #tpu.memory_space<hbm>>
    tpu.enqueue_dma source(%dma_start3A_449 : memref<1024xi32, #tpu.memory_space<hbm>>) target(%dma_start3A_447 : memref<1024xi32, #tpu.memory_space<vmem>>) target_semaphore(%arg16 : memref<!tpu.dma_semaphore, #tpu.memory_space<semaphore_mem>>)
    %dma_wait3A = arith.constant 0 : i32
    %dma_wait3A_450 = arith.constant 0 : i32
    %dma_wait3A_451 = tpu.memref_slice %arg5[%dma_wait3A_450] : memref<51200xi32, #tpu.memory_space<vmem>> -> memref<1024xi32, #tpu.memory_space<vmem>>
    %dma_wait3A_452 = tpu.memref_slice %arg3[%dma_wait3A, %mul3A_0] : memref<50x16384xi32, #tpu.memory_space<hbm>> -> memref<1x1024xi32, #tpu.memory_space<hbm>>
    %dma_wait3A_453 = tpu.memref_squeeze %dma_wait3A_452 : memref<1x1024xi32, #tpu.memory_space<hbm>> -> memref<1024xi32, #tpu.memory_space<hbm>>
    %dma_wait3A_454 = arith.constant 0 : i32
    %dma_wait3A_455 = tpu.memref_slice %arg5[%dma_wait3A_454] : memref<51200xi32, #tpu.memory_space<vmem>> -> memref<1024xi32, #tpu.memory_space<vmem>>
    %dma_wait3A_456 = tpu.memref_slice %arg3[%dma_wait3A, %mul3A_0] : memref<50x16384xi32, #tpu.memory_space<hbm>> -> memref<1x1024xi32, #tpu.memory_space<hbm>>
    %dma_wait3A_457 = tpu.memref_squeeze %dma_wait3A_456 : memref<1x1024xi32, #tpu.memory_space<hbm>> -> memref<1024xi32, #tpu.memory_space<hbm>>
    tpu.wait_dma2 semaphore(%arg12 : memref<!tpu.dma_semaphore, #tpu.memory_space<semaphore_mem>>) src(%dma_wait3A_457 : memref<1024xi32, #tpu.memory_space<hbm>>) dst(%dma_wait3A_455 : memref<1024xi32, #tpu.memory_space<vmem>>)
    %dma_wait3A_458 = arith.constant 1 : i32
    %dma_wait3A_459 = arith.constant 1024 : i32
    %dma_wait3A_460 = tpu.memref_slice %arg5[%dma_wait3A_459] : memref<51200xi32, #tpu.memory_space<vmem>> -> memref<1024xi32, #tpu.memory_space<vmem>>
    %dma_wait3A_461 = tpu.memref_slice %arg3[%dma_wait3A_458, %mul3A_0] : memref<50x16384xi32, #tpu.memory_space<hbm>> -> memref<1x1024xi32, #tpu.memory_space<hbm>>
    %dma_wait3A_462 = tpu.memref_squeeze %dma_wait3A_461 : memref<1x1024xi32, #tpu.memory_space<hbm>> -> memref<1024xi32, #tpu.memory_space<hbm>>
    %dma_wait3A_463 = arith.constant 1024 : i32
    %dma_wait3A_464 = tpu.memref_slice %arg5[%dma_wait3A_463] : memref<51200xi32, #tpu.memory_space<vmem>> -> memref<1024xi32, #tpu.memory_space<vmem>>
    %dma_wait3A_465 = tpu.memref_slice %arg3[%dma_wait3A_458, %mul3A_0] : memref<50x16384xi32, #tpu.memory_space<hbm>> -> memref<1x1024xi32, #tpu.memory_space<hbm>>
    %dma_wait3A_466 = tpu.memref_squeeze %dma_wait3A_465 : memref<1x1024xi32, #tpu.memory_space<hbm>> -> memref<1024xi32, #tpu.memory_space<hbm>>
    tpu.wait_dma2 semaphore(%arg13 : memref<!tpu.dma_semaphore, #tpu.memory_space<semaphore_mem>>) src(%dma_wait3A_466 : memref<1024xi32, #tpu.memory_space<hbm>>) dst(%dma_wait3A_464 : memref<1024xi32, #tpu.memory_space<vmem>>)
    %dma_wait3A_467 = arith.constant 2 : i32
    %dma_wait3A_468 = arith.constant 2048 : i32
    %dma_wait3A_469 = tpu.memref_slice %arg5[%dma_wait3A_468] : memref<51200xi32, #tpu.memory_space<vmem>> -> memref<1024xi32, #tpu.memory_space<vmem>>
    %dma_wait3A_470 = tpu.memref_slice %arg3[%dma_wait3A_467, %mul3A_0] : memref<50x16384xi32, #tpu.memory_space<hbm>> -> memref<1x1024xi32, #tpu.memory_space<hbm>>
    %dma_wait3A_471 = tpu.memref_squeeze %dma_wait3A_470 : memref<1x1024xi32, #tpu.memory_space<hbm>> -> memref<1024xi32, #tpu.memory_space<hbm>>
    %dma_wait3A_472 = arith.constant 2048 : i32
    %dma_wait3A_473 = tpu.memref_slice %arg5[%dma_wait3A_472] : memref<51200xi32, #tpu.memory_space<vmem>> -> memref<1024xi32, #tpu.memory_space<vmem>>
    %dma_wait3A_474 = tpu.memref_slice %arg3[%dma_wait3A_467, %mul3A_0] : memref<50x16384xi32, #tpu.memory_space<hbm>> -> memref<1x1024xi32, #tpu.memory_space<hbm>>
    %dma_wait3A_475 = tpu.memref_squeeze %dma_wait3A_474 : memref<1x1024xi32, #tpu.memory_space<hbm>> -> memref<1024xi32, #tpu.memory_space<hbm>>
    tpu.wait_dma2 semaphore(%arg14 : memref<!tpu.dma_semaphore, #tpu.memory_space<semaphore_mem>>) src(%dma_wait3A_475 : memref<1024xi32, #tpu.memory_space<hbm>>) dst(%dma_wait3A_473 : memref<1024xi32, #tpu.memory_space<vmem>>)
    %dma_wait3A_476 = arith.constant 3 : i32
    %dma_wait3A_477 = arith.constant 3072 : i32
    %dma_wait3A_478 = tpu.memref_slice %arg5[%dma_wait3A_477] : memref<51200xi32, #tpu.memory_space<vmem>> -> memref<1024xi32, #tpu.memory_space<vmem>>
    %dma_wait3A_479 = tpu.memref_slice %arg3[%dma_wait3A_476, %mul3A_0] : memref<50x16384xi32, #tpu.memory_space<hbm>> -> memref<1x1024xi32, #tpu.memory_space<hbm>>
    %dma_wait3A_480 = tpu.memref_squeeze %dma_wait3A_479 : memref<1x1024xi32, #tpu.memory_space<hbm>> -> memref<1024xi32, #tpu.memory_space<hbm>>
    %dma_wait3A_481 = arith.constant 3072 : i32
    %dma_wait3A_482 = tpu.memref_slice %arg5[%dma_wait3A_481] : memref<51200xi32, #tpu.memory_space<vmem>> -> memref<1024xi32, #tpu.memory_space<vmem>>
    %dma_wait3A_483 = tpu.memref_slice %arg3[%dma_wait3A_476, %mul3A_0] : memref<50x16384xi32, #tpu.memory_space<hbm>> -> memref<1x1024xi32, #tpu.memory_space<hbm>>
    %dma_wait3A_484 = tpu.memref_squeeze %dma_wait3A_483 : memref<1x1024xi32, #tpu.memory_space<hbm>> -> memref<1024xi32, #tpu.memory_space<hbm>>
    tpu.wait_dma2 semaphore(%arg15 : memref<!tpu.dma_semaphore, #tpu.memory_space<semaphore_mem>>) src(%dma_wait3A_484 : memref<1024xi32, #tpu.memory_space<hbm>>) dst(%dma_wait3A_482 : memref<1024xi32, #tpu.memory_space<vmem>>)
    %dma_wait3A_485 = arith.constant 4 : i32
    %dma_wait3A_486 = arith.constant 4096 : i32
    %dma_wait3A_487 = tpu.memref_slice %arg5[%dma_wait3A_486] : memref<51200xi32, #tpu.memory_space<vmem>> -> memref<1024xi32, #tpu.memory_space<vmem>>
    %dma_wait3A_488 = tpu.memref_slice %arg3[%dma_wait3A_485, %mul3A_0] : memref<50x16384xi32, #tpu.memory_space<hbm>> -> memref<1x1024xi32, #tpu.memory_space<hbm>>
    %dma_wait3A_489 = tpu.memref_squeeze %dma_wait3A_488 : memref<1x1024xi32, #tpu.memory_space<hbm>> -> memref<1024xi32, #tpu.memory_space<hbm>>
    %dma_wait3A_490 = arith.constant 4096 : i32
    %dma_wait3A_491 = tpu.memref_slice %arg5[%dma_wait3A_490] : memref<51200xi32, #tpu.memory_space<vmem>> -> memref<1024xi32, #tpu.memory_space<vmem>>
    %dma_wait3A_492 = tpu.memref_slice %arg3[%dma_wait3A_485, %mul3A_0] : memref<50x16384xi32, #tpu.memory_space<hbm>> -> memref<1x1024xi32, #tpu.memory_space<hbm>>
    %dma_wait3A_493 = tpu.memref_squeeze %dma_wait3A_492 : memref<1x1024xi32, #tpu.memory_space<hbm>> -> memref<1024xi32, #tpu.memory_space<hbm>>
    tpu.wait_dma2 semaphore(%arg16 : memref<!tpu.dma_semaphore, #tpu.memory_space<semaphore_mem>>) src(%dma_wait3A_493 : memref<1024xi32, #tpu.memory_space<hbm>>) dst(%dma_wait3A_491 : memref<1024xi32, #tpu.memory_space<vmem>>)
    %dma_wait3A_494 = arith.constant 5 : i32
    %dma_wait3A_495 = arith.constant 5120 : i32
    %dma_wait3A_496 = tpu.memref_slice %arg5[%dma_wait3A_495] : memref<51200xi32, #tpu.memory_space<vmem>> -> memref<1024xi32, #tpu.memory_space<vmem>>
    %dma_wait3A_497 = tpu.memref_slice %arg3[%dma_wait3A_494, %mul3A_0] : memref<50x16384xi32, #tpu.memory_space<hbm>> -> memref<1x1024xi32, #tpu.memory_space<hbm>>
    %dma_wait3A_498 = tpu.memref_squeeze %dma_wait3A_497 : memref<1x1024xi32, #tpu.memory_space<hbm>> -> memref<1024xi32, #tpu.memory_space<hbm>>
    %dma_wait3A_499 = arith.constant 5120 : i32
    %dma_wait3A_500 = tpu.memref_slice %arg5[%dma_wait3A_499] : memref<51200xi32, #tpu.memory_space<vmem>> -> memref<1024xi32, #tpu.memory_space<vmem>>
    %dma_wait3A_501 = tpu.memref_slice %arg3[%dma_wait3A_494, %mul3A_0] : memref<50x16384xi32, #tpu.memory_space<hbm>> -> memref<1x1024xi32, #tpu.memory_space<hbm>>
    %dma_wait3A_502 = tpu.memref_squeeze %dma_wait3A_501 : memref<1x1024xi32, #tpu.memory_space<hbm>> -> memref<1024xi32, #tpu.memory_space<hbm>>
    tpu.wait_dma2 semaphore(%arg12 : memref<!tpu.dma_semaphore, #tpu.memory_space<semaphore_mem>>) src(%dma_wait3A_502 : memref<1024xi32, #tpu.memory_space<hbm>>) dst(%dma_wait3A_500 : memref<1024xi32, #tpu.memory_space<vmem>>)
    %dma_wait3A_503 = arith.constant 6 : i32
    %dma_wait3A_504 = arith.constant 6144 : i32
    %dma_wait3A_505 = tpu.memref_slice %arg5[%dma_wait3A_504] : memref<51200xi32, #tpu.memory_space<vmem>> -> memref<1024xi32, #tpu.memory_space<vmem>>
    %dma_wait3A_506 = tpu.memref_slice %arg3[%dma_wait3A_503, %mul3A_0] : memref<50x16384xi32, #tpu.memory_space<hbm>> -> memref<1x1024xi32, #tpu.memory_space<hbm>>
    %dma_wait3A_507 = tpu.memref_squeeze %dma_wait3A_506 : memref<1x1024xi32, #tpu.memory_space<hbm>> -> memref<1024xi32, #tpu.memory_space<hbm>>
    %dma_wait3A_508 = arith.constant 6144 : i32
    %dma_wait3A_509 = tpu.memref_slice %arg5[%dma_wait3A_508] : memref<51200xi32, #tpu.memory_space<vmem>> -> memref<1024xi32, #tpu.memory_space<vmem>>
    %dma_wait3A_510 = tpu.memref_slice %arg3[%dma_wait3A_503, %mul3A_0] : memref<50x16384xi32, #tpu.memory_space<hbm>> -> memref<1x1024xi32, #tpu.memory_space<hbm>>
    %dma_wait3A_511 = tpu.memref_squeeze %dma_wait3A_510 : memref<1x1024xi32, #tpu.memory_space<hbm>> -> memref<1024xi32, #tpu.memory_space<hbm>>
    tpu.wait_dma2 semaphore(%arg13 : memref<!tpu.dma_semaphore, #tpu.memory_space<semaphore_mem>>) src(%dma_wait3A_511 : memref<1024xi32, #tpu.memory_space<hbm>>) dst(%dma_wait3A_509 : memref<1024xi32, #tpu.memory_space<vmem>>)
    %dma_wait3A_512 = arith.constant 7 : i32
    %dma_wait3A_513 = arith.constant 7168 : i32
    %dma_wait3A_514 = tpu.memref_slice %arg5[%dma_wait3A_513] : memref<51200xi32, #tpu.memory_space<vmem>> -> memref<1024xi32, #tpu.memory_space<vmem>>
    %dma_wait3A_515 = tpu.memref_slice %arg3[%dma_wait3A_512, %mul3A_0] : memref<50x16384xi32, #tpu.memory_space<hbm>> -> memref<1x1024xi32, #tpu.memory_space<hbm>>
    %dma_wait3A_516 = tpu.memref_squeeze %dma_wait3A_515 : memref<1x1024xi32, #tpu.memory_space<hbm>> -> memref<1024xi32, #tpu.memory_space<hbm>>
    %dma_wait3A_517 = arith.constant 7168 : i32
    %dma_wait3A_518 = tpu.memref_slice %arg5[%dma_wait3A_517] : memref<51200xi32, #tpu.memory_space<vmem>> -> memref<1024xi32, #tpu.memory_space<vmem>>
    %dma_wait3A_519 = tpu.memref_slice %arg3[%dma_wait3A_512, %mul3A_0] : memref<50x16384xi32, #tpu.memory_space<hbm>> -> memref<1x1024xi32, #tpu.memory_space<hbm>>
    %dma_wait3A_520 = tpu.memref_squeeze %dma_wait3A_519 : memref<1x1024xi32, #tpu.memory_space<hbm>> -> memref<1024xi32, #tpu.memory_space<hbm>>
    tpu.wait_dma2 semaphore(%arg14 : memref<!tpu.dma_semaphore, #tpu.memory_space<semaphore_mem>>) src(%dma_wait3A_520 : memref<1024xi32, #tpu.memory_space<hbm>>) dst(%dma_wait3A_518 : memref<1024xi32, #tpu.memory_space<vmem>>)
    %dma_wait3A_521 = arith.constant 8 : i32
    %dma_wait3A_522 = arith.constant 8192 : i32
    %dma_wait3A_523 = tpu.memref_slice %arg5[%dma_wait3A_522] : memref<51200xi32, #tpu.memory_space<vmem>> -> memref<1024xi32, #tpu.memory_space<vmem>>
    %dma_wait3A_524 = tpu.memref_slice %arg3[%dma_wait3A_521, %mul3A_0] : memref<50x16384xi32, #tpu.memory_space<hbm>> -> memref<1x1024xi32, #tpu.memory_space<hbm>>
    %dma_wait3A_525 = tpu.memref_squeeze %dma_wait3A_524 : memref<1x1024xi32, #tpu.memory_space<hbm>> -> memref<1024xi32, #tpu.memory_space<hbm>>
    %dma_wait3A_526 = arith.constant 8192 : i32
    %dma_wait3A_527 = tpu.memref_slice %arg5[%dma_wait3A_526] : memref<51200xi32, #tpu.memory_space<vmem>> -> memref<1024xi32, #tpu.memory_space<vmem>>
    %dma_wait3A_528 = tpu.memref_slice %arg3[%dma_wait3A_521, %mul3A_0] : memref<50x16384xi32, #tpu.memory_space<hbm>> -> memref<1x1024xi32, #tpu.memory_space<hbm>>
    %dma_wait3A_529 = tpu.memref_squeeze %dma_wait3A_528 : memref<1x1024xi32, #tpu.memory_space<hbm>> -> memref<1024xi32, #tpu.memory_space<hbm>>
    tpu.wait_dma2 semaphore(%arg15 : memref<!tpu.dma_semaphore, #tpu.memory_space<semaphore_mem>>) src(%dma_wait3A_529 : memref<1024xi32, #tpu.memory_space<hbm>>) dst(%dma_wait3A_527 : memref<1024xi32, #tpu.memory_space<vmem>>)
    %dma_wait3A_530 = arith.constant 9 : i32
    %dma_wait3A_531 = arith.constant 9216 : i32
    %dma_wait3A_532 = tpu.memref_slice %arg5[%dma_wait3A_531] : memref<51200xi32, #tpu.memory_space<vmem>> -> memref<1024xi32, #tpu.memory_space<vmem>>
    %dma_wait3A_533 = tpu.memref_slice %arg3[%dma_wait3A_530, %mul3A_0] : memref<50x16384xi32, #tpu.memory_space<hbm>> -> memref<1x1024xi32, #tpu.memory_space<hbm>>
    %dma_wait3A_534 = tpu.memref_squeeze %dma_wait3A_533 : memref<1x1024xi32, #tpu.memory_space<hbm>> -> memref<1024xi32, #tpu.memory_space<hbm>>
    %dma_wait3A_535 = arith.constant 9216 : i32
    %dma_wait3A_536 = tpu.memref_slice %arg5[%dma_wait3A_535] : memref<51200xi32, #tpu.memory_space<vmem>> -> memref<1024xi32, #tpu.memory_space<vmem>>
    %dma_wait3A_537 = tpu.memref_slice %arg3[%dma_wait3A_530, %mul3A_0] : memref<50x16384xi32, #tpu.memory_space<hbm>> -> memref<1x1024xi32, #tpu.memory_space<hbm>>
    %dma_wait3A_538 = tpu.memref_squeeze %dma_wait3A_537 : memref<1x1024xi32, #tpu.memory_space<hbm>> -> memref<1024xi32, #tpu.memory_space<hbm>>
    tpu.wait_dma2 semaphore(%arg16 : memref<!tpu.dma_semaphore, #tpu.memory_space<semaphore_mem>>) src(%dma_wait3A_538 : memref<1024xi32, #tpu.memory_space<hbm>>) dst(%dma_wait3A_536 : memref<1024xi32, #tpu.memory_space<vmem>>)
    %dma_wait3A_539 = arith.constant 10 : i32
    %dma_wait3A_540 = arith.constant 10240 : i32
    %dma_wait3A_541 = tpu.memref_slice %arg5[%dma_wait3A_540] : memref<51200xi32, #tpu.memory_space<vmem>> -> memref<1024xi32, #tpu.memory_space<vmem>>
    %dma_wait3A_542 = tpu.memref_slice %arg3[%dma_wait3A_539, %mul3A_0] : memref<50x16384xi32, #tpu.memory_space<hbm>> -> memref<1x1024xi32, #tpu.memory_space<hbm>>
    %dma_wait3A_543 = tpu.memref_squeeze %dma_wait3A_542 : memref<1x1024xi32, #tpu.memory_space<hbm>> -> memref<1024xi32, #tpu.memory_space<hbm>>
    %dma_wait3A_544 = arith.constant 10240 : i32
    %dma_wait3A_545 = tpu.memref_slice %arg5[%dma_wait3A_544] : memref<51200xi32, #tpu.memory_space<vmem>> -> memref<1024xi32, #tpu.memory_space<vmem>>
    %dma_wait3A_546 = tpu.memref_slice %arg3[%dma_wait3A_539, %mul3A_0] : memref<50x16384xi32, #tpu.memory_space<hbm>> -> memref<1x1024xi32, #tpu.memory_space<hbm>>
    %dma_wait3A_547 = tpu.memref_squeeze %dma_wait3A_546 : memref<1x1024xi32, #tpu.memory_space<hbm>> -> memref<1024xi32, #tpu.memory_space<hbm>>
    tpu.wait_dma2 semaphore(%arg12 : memref<!tpu.dma_semaphore, #tpu.memory_space<semaphore_mem>>) src(%dma_wait3A_547 : memref<1024xi32, #tpu.memory_space<hbm>>) dst(%dma_wait3A_545 : memref<1024xi32, #tpu.memory_space<vmem>>)
    %dma_wait3A_548 = arith.constant 11 : i32
    %dma_wait3A_549 = arith.constant 11264 : i32
    %dma_wait3A_550 = tpu.memref_slice %arg5[%dma_wait3A_549] : memref<51200xi32, #tpu.memory_space<vmem>> -> memref<1024xi32, #tpu.memory_space<vmem>>
    %dma_wait3A_551 = tpu.memref_slice %arg3[%dma_wait3A_548, %mul3A_0] : memref<50x16384xi32, #tpu.memory_space<hbm>> -> memref<1x1024xi32, #tpu.memory_space<hbm>>
    %dma_wait3A_552 = tpu.memref_squeeze %dma_wait3A_551 : memref<1x1024xi32, #tpu.memory_space<hbm>> -> memref<1024xi32, #tpu.memory_space<hbm>>
    %dma_wait3A_553 = arith.constant 11264 : i32
    %dma_wait3A_554 = tpu.memref_slice %arg5[%dma_wait3A_553] : memref<51200xi32, #tpu.memory_space<vmem>> -> memref<1024xi32, #tpu.memory_space<vmem>>
    %dma_wait3A_555 = tpu.memref_slice %arg3[%dma_wait3A_548, %mul3A_0] : memref<50x16384xi32, #tpu.memory_space<hbm>> -> memref<1x1024xi32, #tpu.memory_space<hbm>>
    %dma_wait3A_556 = tpu.memref_squeeze %dma_wait3A_555 : memref<1x1024xi32, #tpu.memory_space<hbm>> -> memref<1024xi32, #tpu.memory_space<hbm>>
    tpu.wait_dma2 semaphore(%arg13 : memref<!tpu.dma_semaphore, #tpu.memory_space<semaphore_mem>>) src(%dma_wait3A_556 : memref<1024xi32, #tpu.memory_space<hbm>>) dst(%dma_wait3A_554 : memref<1024xi32, #tpu.memory_space<vmem>>)
    %dma_wait3A_557 = arith.constant 12 : i32
    %dma_wait3A_558 = arith.constant 12288 : i32
    %dma_wait3A_559 = tpu.memref_slice %arg5[%dma_wait3A_558] : memref<51200xi32, #tpu.memory_space<vmem>> -> memref<1024xi32, #tpu.memory_space<vmem>>
    %dma_wait3A_560 = tpu.memref_slice %arg3[%dma_wait3A_557, %mul3A_0] : memref<50x16384xi32, #tpu.memory_space<hbm>> -> memref<1x1024xi32, #tpu.memory_space<hbm>>
    %dma_wait3A_561 = tpu.memref_squeeze %dma_wait3A_560 : memref<1x1024xi32, #tpu.memory_space<hbm>> -> memref<1024xi32, #tpu.memory_space<hbm>>
    %dma_wait3A_562 = arith.constant 12288 : i32
    %dma_wait3A_563 = tpu.memref_slice %arg5[%dma_wait3A_562] : memref<51200xi32, #tpu.memory_space<vmem>> -> memref<1024xi32, #tpu.memory_space<vmem>>
    %dma_wait3A_564 = tpu.memref_slice %arg3[%dma_wait3A_557, %mul3A_0] : memref<50x16384xi32, #tpu.memory_space<hbm>> -> memref<1x1024xi32, #tpu.memory_space<hbm>>
    %dma_wait3A_565 = tpu.memref_squeeze %dma_wait3A_564 : memref<1x1024xi32, #tpu.memory_space<hbm>> -> memref<1024xi32, #tpu.memory_space<hbm>>
    tpu.wait_dma2 semaphore(%arg14 : memref<!tpu.dma_semaphore, #tpu.memory_space<semaphore_mem>>) src(%dma_wait3A_565 : memref<1024xi32, #tpu.memory_space<hbm>>) dst(%dma_wait3A_563 : memref<1024xi32, #tpu.memory_space<vmem>>)
    %dma_wait3A_566 = arith.constant 13 : i32
    %dma_wait3A_567 = arith.constant 13312 : i32
    %dma_wait3A_568 = tpu.memref_slice %arg5[%dma_wait3A_567] : memref<51200xi32, #tpu.memory_space<vmem>> -> memref<1024xi32, #tpu.memory_space<vmem>>
    %dma_wait3A_569 = tpu.memref_slice %arg3[%dma_wait3A_566, %mul3A_0] : memref<50x16384xi32, #tpu.memory_space<hbm>> -> memref<1x1024xi32, #tpu.memory_space<hbm>>
    %dma_wait3A_570 = tpu.memref_squeeze %dma_wait3A_569 : memref<1x1024xi32, #tpu.memory_space<hbm>> -> memref<1024xi32, #tpu.memory_space<hbm>>
    %dma_wait3A_571 = arith.constant 13312 : i32
    %dma_wait3A_572 = tpu.memref_slice %arg5[%dma_wait3A_571] : memref<51200xi32, #tpu.memory_space<vmem>> -> memref<1024xi32, #tpu.memory_space<vmem>>
    %dma_wait3A_573 = tpu.memref_slice %arg3[%dma_wait3A_566, %mul3A_0] : memref<50x16384xi32, #tpu.memory_space<hbm>> -> memref<1x1024xi32, #tpu.memory_space<hbm>>
    %dma_wait3A_574 = tpu.memref_squeeze %dma_wait3A_573 : memref<1x1024xi32, #tpu.memory_space<hbm>> -> memref<1024xi32, #tpu.memory_space<hbm>>
    tpu.wait_dma2 semaphore(%arg15 : memref<!tpu.dma_semaphore, #tpu.memory_space<semaphore_mem>>) src(%dma_wait3A_574 : memref<1024xi32, #tpu.memory_space<hbm>>) dst(%dma_wait3A_572 : memref<1024xi32, #tpu.memory_space<vmem>>)
    %dma_wait3A_575 = arith.constant 14 : i32
    %dma_wait3A_576 = arith.constant 14336 : i32
    %dma_wait3A_577 = tpu.memref_slice %arg5[%dma_wait3A_576] : memref<51200xi32, #tpu.memory_space<vmem>> -> memref<1024xi32, #tpu.memory_space<vmem>>
    %dma_wait3A_578 = tpu.memref_slice %arg3[%dma_wait3A_575, %mul3A_0] : memref<50x16384xi32, #tpu.memory_space<hbm>> -> memref<1x1024xi32, #tpu.memory_space<hbm>>
    %dma_wait3A_579 = tpu.memref_squeeze %dma_wait3A_578 : memref<1x1024xi32, #tpu.memory_space<hbm>> -> memref<1024xi32, #tpu.memory_space<hbm>>
    %dma_wait3A_580 = arith.constant 14336 : i32
    %dma_wait3A_581 = tpu.memref_slice %arg5[%dma_wait3A_580] : memref<51200xi32, #tpu.memory_space<vmem>> -> memref<1024xi32, #tpu.memory_space<vmem>>
    %dma_wait3A_582 = tpu.memref_slice %arg3[%dma_wait3A_575, %mul3A_0] : memref<50x16384xi32, #tpu.memory_space<hbm>> -> memref<1x1024xi32, #tpu.memory_space<hbm>>
    %dma_wait3A_583 = tpu.memref_squeeze %dma_wait3A_582 : memref<1x1024xi32, #tpu.memory_space<hbm>> -> memref<1024xi32, #tpu.memory_space<hbm>>
    tpu.wait_dma2 semaphore(%arg16 : memref<!tpu.dma_semaphore, #tpu.memory_space<semaphore_mem>>) src(%dma_wait3A_583 : memref<1024xi32, #tpu.memory_space<hbm>>) dst(%dma_wait3A_581 : memref<1024xi32, #tpu.memory_space<vmem>>)
    %dma_wait3A_584 = arith.constant 15 : i32
    %dma_wait3A_585 = arith.constant 15360 : i32
    %dma_wait3A_586 = tpu.memref_slice %arg5[%dma_wait3A_585] : memref<51200xi32, #tpu.memory_space<vmem>> -> memref<1024xi32, #tpu.memory_space<vmem>>
    %dma_wait3A_587 = tpu.memref_slice %arg3[%dma_wait3A_584, %mul3A_0] : memref<50x16384xi32, #tpu.memory_space<hbm>> -> memref<1x1024xi32, #tpu.memory_space<hbm>>
    %dma_wait3A_588 = tpu.memref_squeeze %dma_wait3A_587 : memref<1x1024xi32, #tpu.memory_space<hbm>> -> memref<1024xi32, #tpu.memory_space<hbm>>
    %dma_wait3A_589 = arith.constant 15360 : i32
    %dma_wait3A_590 = tpu.memref_slice %arg5[%dma_wait3A_589] : memref<51200xi32, #tpu.memory_space<vmem>> -> memref<1024xi32, #tpu.memory_space<vmem>>
    %dma_wait3A_591 = tpu.memref_slice %arg3[%dma_wait3A_584, %mul3A_0] : memref<50x16384xi32, #tpu.memory_space<hbm>> -> memref<1x1024xi32, #tpu.memory_space<hbm>>
    %dma_wait3A_592 = tpu.memref_squeeze %dma_wait3A_591 : memref<1x1024xi32, #tpu.memory_space<hbm>> -> memref<1024xi32, #tpu.memory_space<hbm>>
    tpu.wait_dma2 semaphore(%arg12 : memref<!tpu.dma_semaphore, #tpu.memory_space<semaphore_mem>>) src(%dma_wait3A_592 : memref<1024xi32, #tpu.memory_space<hbm>>) dst(%dma_wait3A_590 : memref<1024xi32, #tpu.memory_space<vmem>>)
    %dma_wait3A_593 = arith.constant 16 : i32
    %dma_wait3A_594 = arith.constant 16384 : i32
    %dma_wait3A_595 = tpu.memref_slice %arg5[%dma_wait3A_594] : memref<51200xi32, #tpu.memory_space<vmem>> -> memref<1024xi32, #tpu.memory_space<vmem>>
    %dma_wait3A_596 = tpu.memref_slice %arg3[%dma_wait3A_593, %mul3A_0] : memref<50x16384xi32, #tpu.memory_space<hbm>> -> memref<1x1024xi32, #tpu.memory_space<hbm>>
    %dma_wait3A_597 = tpu.memref_squeeze %dma_wait3A_596 : memref<1x1024xi32, #tpu.memory_space<hbm>> -> memref<1024xi32, #tpu.memory_space<hbm>>
    %dma_wait3A_598 = arith.constant 16384 : i32
    %dma_wait3A_599 = tpu.memref_slice %arg5[%dma_wait3A_598] : memref<51200xi32, #tpu.memory_space<vmem>> -> memref<1024xi32, #tpu.memory_space<vmem>>
    %dma_wait3A_600 = tpu.memref_slice %arg3[%dma_wait3A_593, %mul3A_0] : memref<50x16384xi32, #tpu.memory_space<hbm>> -> memref<1x1024xi32, #tpu.memory_space<hbm>>
    %dma_wait3A_601 = tpu.memref_squeeze %dma_wait3A_600 : memref<1x1024xi32, #tpu.memory_space<hbm>> -> memref<1024xi32, #tpu.memory_space<hbm>>
    tpu.wait_dma2 semaphore(%arg13 : memref<!tpu.dma_semaphore, #tpu.memory_space<semaphore_mem>>) src(%dma_wait3A_601 : memref<1024xi32, #tpu.memory_space<hbm>>) dst(%dma_wait3A_599 : memref<1024xi32, #tpu.memory_space<vmem>>)
    %dma_wait3A_602 = arith.constant 17 : i32
    %dma_wait3A_603 = arith.constant 17408 : i32
    %dma_wait3A_604 = tpu.memref_slice %arg5[%dma_wait3A_603] : memref<51200xi32, #tpu.memory_space<vmem>> -> memref<1024xi32, #tpu.memory_space<vmem>>
    %dma_wait3A_605 = tpu.memref_slice %arg3[%dma_wait3A_602, %mul3A_0] : memref<50x16384xi32, #tpu.memory_space<hbm>> -> memref<1x1024xi32, #tpu.memory_space<hbm>>
    %dma_wait3A_606 = tpu.memref_squeeze %dma_wait3A_605 : memref<1x1024xi32, #tpu.memory_space<hbm>> -> memref<1024xi32, #tpu.memory_space<hbm>>
    %dma_wait3A_607 = arith.constant 17408 : i32
    %dma_wait3A_608 = tpu.memref_slice %arg5[%dma_wait3A_607] : memref<51200xi32, #tpu.memory_space<vmem>> -> memref<1024xi32, #tpu.memory_space<vmem>>
    %dma_wait3A_609 = tpu.memref_slice %arg3[%dma_wait3A_602, %mul3A_0] : memref<50x16384xi32, #tpu.memory_space<hbm>> -> memref<1x1024xi32, #tpu.memory_space<hbm>>
    %dma_wait3A_610 = tpu.memref_squeeze %dma_wait3A_609 : memref<1x1024xi32, #tpu.memory_space<hbm>> -> memref<1024xi32, #tpu.memory_space<hbm>>
    tpu.wait_dma2 semaphore(%arg14 : memref<!tpu.dma_semaphore, #tpu.memory_space<semaphore_mem>>) src(%dma_wait3A_610 : memref<1024xi32, #tpu.memory_space<hbm>>) dst(%dma_wait3A_608 : memref<1024xi32, #tpu.memory_space<vmem>>)
    %dma_wait3A_611 = arith.constant 18 : i32
    %dma_wait3A_612 = arith.constant 18432 : i32
    %dma_wait3A_613 = tpu.memref_slice %arg5[%dma_wait3A_612] : memref<51200xi32, #tpu.memory_space<vmem>> -> memref<1024xi32, #tpu.memory_space<vmem>>
    %dma_wait3A_614 = tpu.memref_slice %arg3[%dma_wait3A_611, %mul3A_0] : memref<50x16384xi32, #tpu.memory_space<hbm>> -> memref<1x1024xi32, #tpu.memory_space<hbm>>
    %dma_wait3A_615 = tpu.memref_squeeze %dma_wait3A_614 : memref<1x1024xi32, #tpu.memory_space<hbm>> -> memref<1024xi32, #tpu.memory_space<hbm>>
    %dma_wait3A_616 = arith.constant 18432 : i32
    %dma_wait3A_617 = tpu.memref_slice %arg5[%dma_wait3A_616] : memref<51200xi32, #tpu.memory_space<vmem>> -> memref<1024xi32, #tpu.memory_space<vmem>>
    %dma_wait3A_618 = tpu.memref_slice %arg3[%dma_wait3A_611, %mul3A_0] : memref<50x16384xi32, #tpu.memory_space<hbm>> -> memref<1x1024xi32, #tpu.memory_space<hbm>>
    %dma_wait3A_619 = tpu.memref_squeeze %dma_wait3A_618 : memref<1x1024xi32, #tpu.memory_space<hbm>> -> memref<1024xi32, #tpu.memory_space<hbm>>
    tpu.wait_dma2 semaphore(%arg15 : memref<!tpu.dma_semaphore, #tpu.memory_space<semaphore_mem>>) src(%dma_wait3A_619 : memref<1024xi32, #tpu.memory_space<hbm>>) dst(%dma_wait3A_617 : memref<1024xi32, #tpu.memory_space<vmem>>)
    %dma_wait3A_620 = arith.constant 19 : i32
    %dma_wait3A_621 = arith.constant 19456 : i32
    %dma_wait3A_622 = tpu.memref_slice %arg5[%dma_wait3A_621] : memref<51200xi32, #tpu.memory_space<vmem>> -> memref<1024xi32, #tpu.memory_space<vmem>>
    %dma_wait3A_623 = tpu.memref_slice %arg3[%dma_wait3A_620, %mul3A_0] : memref<50x16384xi32, #tpu.memory_space<hbm>> -> memref<1x1024xi32, #tpu.memory_space<hbm>>
    %dma_wait3A_624 = tpu.memref_squeeze %dma_wait3A_623 : memref<1x1024xi32, #tpu.memory_space<hbm>> -> memref<1024xi32, #tpu.memory_space<hbm>>
    %dma_wait3A_625 = arith.constant 19456 : i32
    %dma_wait3A_626 = tpu.memref_slice %arg5[%dma_wait3A_625] : memref<51200xi32, #tpu.memory_space<vmem>> -> memref<1024xi32, #tpu.memory_space<vmem>>
    %dma_wait3A_627 = tpu.memref_slice %arg3[%dma_wait3A_620, %mul3A_0] : memref<50x16384xi32, #tpu.memory_space<hbm>> -> memref<1x1024xi32, #tpu.memory_space<hbm>>
    %dma_wait3A_628 = tpu.memref_squeeze %dma_wait3A_627 : memref<1x1024xi32, #tpu.memory_space<hbm>> -> memref<1024xi32, #tpu.memory_space<hbm>>
    tpu.wait_dma2 semaphore(%arg16 : memref<!tpu.dma_semaphore, #tpu.memory_space<semaphore_mem>>) src(%dma_wait3A_628 : memref<1024xi32, #tpu.memory_space<hbm>>) dst(%dma_wait3A_626 : memref<1024xi32, #tpu.memory_space<vmem>>)
    %dma_wait3A_629 = arith.constant 20 : i32
    %dma_wait3A_630 = arith.constant 20480 : i32
    %dma_wait3A_631 = tpu.memref_slice %arg5[%dma_wait3A_630] : memref<51200xi32, #tpu.memory_space<vmem>> -> memref<1024xi32, #tpu.memory_space<vmem>>
    %dma_wait3A_632 = tpu.memref_slice %arg3[%dma_wait3A_629, %mul3A_0] : memref<50x16384xi32, #tpu.memory_space<hbm>> -> memref<1x1024xi32, #tpu.memory_space<hbm>>
    %dma_wait3A_633 = tpu.memref_squeeze %dma_wait3A_632 : memref<1x1024xi32, #tpu.memory_space<hbm>> -> memref<1024xi32, #tpu.memory_space<hbm>>
    %dma_wait3A_634 = arith.constant 20480 : i32
    %dma_wait3A_635 = tpu.memref_slice %arg5[%dma_wait3A_634] : memref<51200xi32, #tpu.memory_space<vmem>> -> memref<1024xi32, #tpu.memory_space<vmem>>
    %dma_wait3A_636 = tpu.memref_slice %arg3[%dma_wait3A_629, %mul3A_0] : memref<50x16384xi32, #tpu.memory_space<hbm>> -> memref<1x1024xi32, #tpu.memory_space<hbm>>
    %dma_wait3A_637 = tpu.memref_squeeze %dma_wait3A_636 : memref<1x1024xi32, #tpu.memory_space<hbm>> -> memref<1024xi32, #tpu.memory_space<hbm>>
    tpu.wait_dma2 semaphore(%arg12 : memref<!tpu.dma_semaphore, #tpu.memory_space<semaphore_mem>>) src(%dma_wait3A_637 : memref<1024xi32, #tpu.memory_space<hbm>>) dst(%dma_wait3A_635 : memref<1024xi32, #tpu.memory_space<vmem>>)
    %dma_wait3A_638 = arith.constant 21 : i32
    %dma_wait3A_639 = arith.constant 21504 : i32
    %dma_wait3A_640 = tpu.memref_slice %arg5[%dma_wait3A_639] : memref<51200xi32, #tpu.memory_space<vmem>> -> memref<1024xi32, #tpu.memory_space<vmem>>
    %dma_wait3A_641 = tpu.memref_slice %arg3[%dma_wait3A_638, %mul3A_0] : memref<50x16384xi32, #tpu.memory_space<hbm>> -> memref<1x1024xi32, #tpu.memory_space<hbm>>
    %dma_wait3A_642 = tpu.memref_squeeze %dma_wait3A_641 : memref<1x1024xi32, #tpu.memory_space<hbm>> -> memref<1024xi32, #tpu.memory_space<hbm>>
    %dma_wait3A_643 = arith.constant 21504 : i32
    %dma_wait3A_644 = tpu.memref_slice %arg5[%dma_wait3A_643] : memref<51200xi32, #tpu.memory_space<vmem>> -> memref<1024xi32, #tpu.memory_space<vmem>>
    %dma_wait3A_645 = tpu.memref_slice %arg3[%dma_wait3A_638, %mul3A_0] : memref<50x16384xi32, #tpu.memory_space<hbm>> -> memref<1x1024xi32, #tpu.memory_space<hbm>>
    %dma_wait3A_646 = tpu.memref_squeeze %dma_wait3A_645 : memref<1x1024xi32, #tpu.memory_space<hbm>> -> memref<1024xi32, #tpu.memory_space<hbm>>
    tpu.wait_dma2 semaphore(%arg13 : memref<!tpu.dma_semaphore, #tpu.memory_space<semaphore_mem>>) src(%dma_wait3A_646 : memref<1024xi32, #tpu.memory_space<hbm>>) dst(%dma_wait3A_644 : memref<1024xi32, #tpu.memory_space<vmem>>)
    %dma_wait3A_647 = arith.constant 22 : i32
    %dma_wait3A_648 = arith.constant 22528 : i32
    %dma_wait3A_649 = tpu.memref_slice %arg5[%dma_wait3A_648] : memref<51200xi32, #tpu.memory_space<vmem>> -> memref<1024xi32, #tpu.memory_space<vmem>>
    %dma_wait3A_650 = tpu.memref_slice %arg3[%dma_wait3A_647, %mul3A_0] : memref<50x16384xi32, #tpu.memory_space<hbm>> -> memref<1x1024xi32, #tpu.memory_space<hbm>>
    %dma_wait3A_651 = tpu.memref_squeeze %dma_wait3A_650 : memref<1x1024xi32, #tpu.memory_space<hbm>> -> memref<1024xi32, #tpu.memory_space<hbm>>
    %dma_wait3A_652 = arith.constant 22528 : i32
    %dma_wait3A_653 = tpu.memref_slice %arg5[%dma_wait3A_652] : memref<51200xi32, #tpu.memory_space<vmem>> -> memref<1024xi32, #tpu.memory_space<vmem>>
    %dma_wait3A_654 = tpu.memref_slice %arg3[%dma_wait3A_647, %mul3A_0] : memref<50x16384xi32, #tpu.memory_space<hbm>> -> memref<1x1024xi32, #tpu.memory_space<hbm>>
    %dma_wait3A_655 = tpu.memref_squeeze %dma_wait3A_654 : memref<1x1024xi32, #tpu.memory_space<hbm>> -> memref<1024xi32, #tpu.memory_space<hbm>>
    tpu.wait_dma2 semaphore(%arg14 : memref<!tpu.dma_semaphore, #tpu.memory_space<semaphore_mem>>) src(%dma_wait3A_655 : memref<1024xi32, #tpu.memory_space<hbm>>) dst(%dma_wait3A_653 : memref<1024xi32, #tpu.memory_space<vmem>>)
    %dma_wait3A_656 = arith.constant 23 : i32
    %dma_wait3A_657 = arith.constant 23552 : i32
    %dma_wait3A_658 = tpu.memref_slice %arg5[%dma_wait3A_657] : memref<51200xi32, #tpu.memory_space<vmem>> -> memref<1024xi32, #tpu.memory_space<vmem>>
    %dma_wait3A_659 = tpu.memref_slice %arg3[%dma_wait3A_656, %mul3A_0] : memref<50x16384xi32, #tpu.memory_space<hbm>> -> memref<1x1024xi32, #tpu.memory_space<hbm>>
    %dma_wait3A_660 = tpu.memref_squeeze %dma_wait3A_659 : memref<1x1024xi32, #tpu.memory_space<hbm>> -> memref<1024xi32, #tpu.memory_space<hbm>>
    %dma_wait3A_661 = arith.constant 23552 : i32
    %dma_wait3A_662 = tpu.memref_slice %arg5[%dma_wait3A_661] : memref<51200xi32, #tpu.memory_space<vmem>> -> memref<1024xi32, #tpu.memory_space<vmem>>
    %dma_wait3A_663 = tpu.memref_slice %arg3[%dma_wait3A_656, %mul3A_0] : memref<50x16384xi32, #tpu.memory_space<hbm>> -> memref<1x1024xi32, #tpu.memory_space<hbm>>
    %dma_wait3A_664 = tpu.memref_squeeze %dma_wait3A_663 : memref<1x1024xi32, #tpu.memory_space<hbm>> -> memref<1024xi32, #tpu.memory_space<hbm>>
    tpu.wait_dma2 semaphore(%arg15 : memref<!tpu.dma_semaphore, #tpu.memory_space<semaphore_mem>>) src(%dma_wait3A_664 : memref<1024xi32, #tpu.memory_space<hbm>>) dst(%dma_wait3A_662 : memref<1024xi32, #tpu.memory_space<vmem>>)
    %dma_wait3A_665 = arith.constant 24 : i32
    %dma_wait3A_666 = arith.constant 24576 : i32
    %dma_wait3A_667 = tpu.memref_slice %arg5[%dma_wait3A_666] : memref<51200xi32, #tpu.memory_space<vmem>> -> memref<1024xi32, #tpu.memory_space<vmem>>
    %dma_wait3A_668 = tpu.memref_slice %arg3[%dma_wait3A_665, %mul3A_0] : memref<50x16384xi32, #tpu.memory_space<hbm>> -> memref<1x1024xi32, #tpu.memory_space<hbm>>
    %dma_wait3A_669 = tpu.memref_squeeze %dma_wait3A_668 : memref<1x1024xi32, #tpu.memory_space<hbm>> -> memref<1024xi32, #tpu.memory_space<hbm>>
    %dma_wait3A_670 = arith.constant 24576 : i32
    %dma_wait3A_671 = tpu.memref_slice %arg5[%dma_wait3A_670] : memref<51200xi32, #tpu.memory_space<vmem>> -> memref<1024xi32, #tpu.memory_space<vmem>>
    %dma_wait3A_672 = tpu.memref_slice %arg3[%dma_wait3A_665, %mul3A_0] : memref<50x16384xi32, #tpu.memory_space<hbm>> -> memref<1x1024xi32, #tpu.memory_space<hbm>>
    %dma_wait3A_673 = tpu.memref_squeeze %dma_wait3A_672 : memref<1x1024xi32, #tpu.memory_space<hbm>> -> memref<1024xi32, #tpu.memory_space<hbm>>
    tpu.wait_dma2 semaphore(%arg16 : memref<!tpu.dma_semaphore, #tpu.memory_space<semaphore_mem>>) src(%dma_wait3A_673 : memref<1024xi32, #tpu.memory_space<hbm>>) dst(%dma_wait3A_671 : memref<1024xi32, #tpu.memory_space<vmem>>)
    %dma_wait3A_674 = arith.constant 25 : i32
    %dma_wait3A_675 = arith.constant 25600 : i32
    %dma_wait3A_676 = tpu.memref_slice %arg5[%dma_wait3A_675] : memref<51200xi32, #tpu.memory_space<vmem>> -> memref<1024xi32, #tpu.memory_space<vmem>>
    %dma_wait3A_677 = tpu.memref_slice %arg3[%dma_wait3A_674, %mul3A_0] : memref<50x16384xi32, #tpu.memory_space<hbm>> -> memref<1x1024xi32, #tpu.memory_space<hbm>>
    %dma_wait3A_678 = tpu.memref_squeeze %dma_wait3A_677 : memref<1x1024xi32, #tpu.memory_space<hbm>> -> memref<1024xi32, #tpu.memory_space<hbm>>
    %dma_wait3A_679 = arith.constant 25600 : i32
    %dma_wait3A_680 = tpu.memref_slice %arg5[%dma_wait3A_679] : memref<51200xi32, #tpu.memory_space<vmem>> -> memref<1024xi32, #tpu.memory_space<vmem>>
    %dma_wait3A_681 = tpu.memref_slice %arg3[%dma_wait3A_674, %mul3A_0] : memref<50x16384xi32, #tpu.memory_space<hbm>> -> memref<1x1024xi32, #tpu.memory_space<hbm>>
    %dma_wait3A_682 = tpu.memref_squeeze %dma_wait3A_681 : memref<1x1024xi32, #tpu.memory_space<hbm>> -> memref<1024xi32, #tpu.memory_space<hbm>>
    tpu.wait_dma2 semaphore(%arg12 : memref<!tpu.dma_semaphore, #tpu.memory_space<semaphore_mem>>) src(%dma_wait3A_682 : memref<1024xi32, #tpu.memory_space<hbm>>) dst(%dma_wait3A_680 : memref<1024xi32, #tpu.memory_space<vmem>>)
    %dma_wait3A_683 = arith.constant 26 : i32
    %dma_wait3A_684 = arith.constant 26624 : i32
    %dma_wait3A_685 = tpu.memref_slice %arg5[%dma_wait3A_684] : memref<51200xi32, #tpu.memory_space<vmem>> -> memref<1024xi32, #tpu.memory_space<vmem>>
    %dma_wait3A_686 = tpu.memref_slice %arg3[%dma_wait3A_683, %mul3A_0] : memref<50x16384xi32, #tpu.memory_space<hbm>> -> memref<1x1024xi32, #tpu.memory_space<hbm>>
    %dma_wait3A_687 = tpu.memref_squeeze %dma_wait3A_686 : memref<1x1024xi32, #tpu.memory_space<hbm>> -> memref<1024xi32, #tpu.memory_space<hbm>>
    %dma_wait3A_688 = arith.constant 26624 : i32
    %dma_wait3A_689 = tpu.memref_slice %arg5[%dma_wait3A_688] : memref<51200xi32, #tpu.memory_space<vmem>> -> memref<1024xi32, #tpu.memory_space<vmem>>
    %dma_wait3A_690 = tpu.memref_slice %arg3[%dma_wait3A_683, %mul3A_0] : memref<50x16384xi32, #tpu.memory_space<hbm>> -> memref<1x1024xi32, #tpu.memory_space<hbm>>
    %dma_wait3A_691 = tpu.memref_squeeze %dma_wait3A_690 : memref<1x1024xi32, #tpu.memory_space<hbm>> -> memref<1024xi32, #tpu.memory_space<hbm>>
    tpu.wait_dma2 semaphore(%arg13 : memref<!tpu.dma_semaphore, #tpu.memory_space<semaphore_mem>>) src(%dma_wait3A_691 : memref<1024xi32, #tpu.memory_space<hbm>>) dst(%dma_wait3A_689 : memref<1024xi32, #tpu.memory_space<vmem>>)
    %dma_wait3A_692 = arith.constant 27 : i32
    %dma_wait3A_693 = arith.constant 27648 : i32
    %dma_wait3A_694 = tpu.memref_slice %arg5[%dma_wait3A_693] : memref<51200xi32, #tpu.memory_space<vmem>> -> memref<1024xi32, #tpu.memory_space<vmem>>
    %dma_wait3A_695 = tpu.memref_slice %arg3[%dma_wait3A_692, %mul3A_0] : memref<50x16384xi32, #tpu.memory_space<hbm>> -> memref<1x1024xi32, #tpu.memory_space<hbm>>
    %dma_wait3A_696 = tpu.memref_squeeze %dma_wait3A_695 : memref<1x1024xi32, #tpu.memory_space<hbm>> -> memref<1024xi32, #tpu.memory_space<hbm>>
    %dma_wait3A_697 = arith.constant 27648 : i32
    %dma_wait3A_698 = tpu.memref_slice %arg5[%dma_wait3A_697] : memref<51200xi32, #tpu.memory_space<vmem>> -> memref<1024xi32, #tpu.memory_space<vmem>>
    %dma_wait3A_699 = tpu.memref_slice %arg3[%dma_wait3A_692, %mul3A_0] : memref<50x16384xi32, #tpu.memory_space<hbm>> -> memref<1x1024xi32, #tpu.memory_space<hbm>>
    %dma_wait3A_700 = tpu.memref_squeeze %dma_wait3A_699 : memref<1x1024xi32, #tpu.memory_space<hbm>> -> memref<1024xi32, #tpu.memory_space<hbm>>
    tpu.wait_dma2 semaphore(%arg14 : memref<!tpu.dma_semaphore, #tpu.memory_space<semaphore_mem>>) src(%dma_wait3A_700 : memref<1024xi32, #tpu.memory_space<hbm>>) dst(%dma_wait3A_698 : memref<1024xi32, #tpu.memory_space<vmem>>)
    %dma_wait3A_701 = arith.constant 28 : i32
    %dma_wait3A_702 = arith.constant 28672 : i32
    %dma_wait3A_703 = tpu.memref_slice %arg5[%dma_wait3A_702] : memref<51200xi32, #tpu.memory_space<vmem>> -> memref<1024xi32, #tpu.memory_space<vmem>>
    %dma_wait3A_704 = tpu.memref_slice %arg3[%dma_wait3A_701, %mul3A_0] : memref<50x16384xi32, #tpu.memory_space<hbm>> -> memref<1x1024xi32, #tpu.memory_space<hbm>>
    %dma_wait3A_705 = tpu.memref_squeeze %dma_wait3A_704 : memref<1x1024xi32, #tpu.memory_space<hbm>> -> memref<1024xi32, #tpu.memory_space<hbm>>
    %dma_wait3A_706 = arith.constant 28672 : i32
    %dma_wait3A_707 = tpu.memref_slice %arg5[%dma_wait3A_706] : memref<51200xi32, #tpu.memory_space<vmem>> -> memref<1024xi32, #tpu.memory_space<vmem>>
    %dma_wait3A_708 = tpu.memref_slice %arg3[%dma_wait3A_701, %mul3A_0] : memref<50x16384xi32, #tpu.memory_space<hbm>> -> memref<1x1024xi32, #tpu.memory_space<hbm>>
    %dma_wait3A_709 = tpu.memref_squeeze %dma_wait3A_708 : memref<1x1024xi32, #tpu.memory_space<hbm>> -> memref<1024xi32, #tpu.memory_space<hbm>>
    tpu.wait_dma2 semaphore(%arg15 : memref<!tpu.dma_semaphore, #tpu.memory_space<semaphore_mem>>) src(%dma_wait3A_709 : memref<1024xi32, #tpu.memory_space<hbm>>) dst(%dma_wait3A_707 : memref<1024xi32, #tpu.memory_space<vmem>>)
    %dma_wait3A_710 = arith.constant 29 : i32
    %dma_wait3A_711 = arith.constant 29696 : i32
    %dma_wait3A_712 = tpu.memref_slice %arg5[%dma_wait3A_711] : memref<51200xi32, #tpu.memory_space<vmem>> -> memref<1024xi32, #tpu.memory_space<vmem>>
    %dma_wait3A_713 = tpu.memref_slice %arg3[%dma_wait3A_710, %mul3A_0] : memref<50x16384xi32, #tpu.memory_space<hbm>> -> memref<1x1024xi32, #tpu.memory_space<hbm>>
    %dma_wait3A_714 = tpu.memref_squeeze %dma_wait3A_713 : memref<1x1024xi32, #tpu.memory_space<hbm>> -> memref<1024xi32, #tpu.memory_space<hbm>>
    %dma_wait3A_715 = arith.constant 29696 : i32
    %dma_wait3A_716 = tpu.memref_slice %arg5[%dma_wait3A_715] : memref<51200xi32, #tpu.memory_space<vmem>> -> memref<1024xi32, #tpu.memory_space<vmem>>
    %dma_wait3A_717 = tpu.memref_slice %arg3[%dma_wait3A_710, %mul3A_0] : memref<50x16384xi32, #tpu.memory_space<hbm>> -> memref<1x1024xi32, #tpu.memory_space<hbm>>
    %dma_wait3A_718 = tpu.memref_squeeze %dma_wait3A_717 : memref<1x1024xi32, #tpu.memory_space<hbm>> -> memref<1024xi32, #tpu.memory_space<hbm>>
    tpu.wait_dma2 semaphore(%arg16 : memref<!tpu.dma_semaphore, #tpu.memory_space<semaphore_mem>>) src(%dma_wait3A_718 : memref<1024xi32, #tpu.memory_space<hbm>>) dst(%dma_wait3A_716 : memref<1024xi32, #tpu.memory_space<vmem>>)
    %dma_wait3A_719 = arith.constant 30 : i32
    %dma_wait3A_720 = arith.constant 30720 : i32
    %dma_wait3A_721 = tpu.memref_slice %arg5[%dma_wait3A_720] : memref<51200xi32, #tpu.memory_space<vmem>> -> memref<1024xi32, #tpu.memory_space<vmem>>
    %dma_wait3A_722 = tpu.memref_slice %arg3[%dma_wait3A_719, %mul3A_0] : memref<50x16384xi32, #tpu.memory_space<hbm>> -> memref<1x1024xi32, #tpu.memory_space<hbm>>
    %dma_wait3A_723 = tpu.memref_squeeze %dma_wait3A_722 : memref<1x1024xi32, #tpu.memory_space<hbm>> -> memref<1024xi32, #tpu.memory_space<hbm>>
    %dma_wait3A_724 = arith.constant 30720 : i32
    %dma_wait3A_725 = tpu.memref_slice %arg5[%dma_wait3A_724] : memref<51200xi32, #tpu.memory_space<vmem>> -> memref<1024xi32, #tpu.memory_space<vmem>>
    %dma_wait3A_726 = tpu.memref_slice %arg3[%dma_wait3A_719, %mul3A_0] : memref<50x16384xi32, #tpu.memory_space<hbm>> -> memref<1x1024xi32, #tpu.memory_space<hbm>>
    %dma_wait3A_727 = tpu.memref_squeeze %dma_wait3A_726 : memref<1x1024xi32, #tpu.memory_space<hbm>> -> memref<1024xi32, #tpu.memory_space<hbm>>
    tpu.wait_dma2 semaphore(%arg12 : memref<!tpu.dma_semaphore, #tpu.memory_space<semaphore_mem>>) src(%dma_wait3A_727 : memref<1024xi32, #tpu.memory_space<hbm>>) dst(%dma_wait3A_725 : memref<1024xi32, #tpu.memory_space<vmem>>)
    %dma_wait3A_728 = arith.constant 31 : i32
    %dma_wait3A_729 = arith.constant 31744 : i32
    %dma_wait3A_730 = tpu.memref_slice %arg5[%dma_wait3A_729] : memref<51200xi32, #tpu.memory_space<vmem>> -> memref<1024xi32, #tpu.memory_space<vmem>>
    %dma_wait3A_731 = tpu.memref_slice %arg3[%dma_wait3A_728, %mul3A_0] : memref<50x16384xi32, #tpu.memory_space<hbm>> -> memref<1x1024xi32, #tpu.memory_space<hbm>>
    %dma_wait3A_732 = tpu.memref_squeeze %dma_wait3A_731 : memref<1x1024xi32, #tpu.memory_space<hbm>> -> memref<1024xi32, #tpu.memory_space<hbm>>
    %dma_wait3A_733 = arith.constant 31744 : i32
    %dma_wait3A_734 = tpu.memref_slice %arg5[%dma_wait3A_733] : memref<51200xi32, #tpu.memory_space<vmem>> -> memref<1024xi32, #tpu.memory_space<vmem>>
    %dma_wait3A_735 = tpu.memref_slice %arg3[%dma_wait3A_728, %mul3A_0] : memref<50x16384xi32, #tpu.memory_space<hbm>> -> memref<1x1024xi32, #tpu.memory_space<hbm>>
    %dma_wait3A_736 = tpu.memref_squeeze %dma_wait3A_735 : memref<1x1024xi32, #tpu.memory_space<hbm>> -> memref<1024xi32, #tpu.memory_space<hbm>>
    tpu.wait_dma2 semaphore(%arg13 : memref<!tpu.dma_semaphore, #tpu.memory_space<semaphore_mem>>) src(%dma_wait3A_736 : memref<1024xi32, #tpu.memory_space<hbm>>) dst(%dma_wait3A_734 : memref<1024xi32, #tpu.memory_space<vmem>>)
    %dma_wait3A_737 = arith.constant 32 : i32
    %dma_wait3A_738 = arith.constant 32768 : i32
    %dma_wait3A_739 = tpu.memref_slice %arg5[%dma_wait3A_738] : memref<51200xi32, #tpu.memory_space<vmem>> -> memref<1024xi32, #tpu.memory_space<vmem>>
    %dma_wait3A_740 = tpu.memref_slice %arg3[%dma_wait3A_737, %mul3A_0] : memref<50x16384xi32, #tpu.memory_space<hbm>> -> memref<1x1024xi32, #tpu.memory_space<hbm>>
    %dma_wait3A_741 = tpu.memref_squeeze %dma_wait3A_740 : memref<1x1024xi32, #tpu.memory_space<hbm>> -> memref<1024xi32, #tpu.memory_space<hbm>>
    %dma_wait3A_742 = arith.constant 32768 : i32
    %dma_wait3A_743 = tpu.memref_slice %arg5[%dma_wait3A_742] : memref<51200xi32, #tpu.memory_space<vmem>> -> memref<1024xi32, #tpu.memory_space<vmem>>
    %dma_wait3A_744 = tpu.memref_slice %arg3[%dma_wait3A_737, %mul3A_0] : memref<50x16384xi32, #tpu.memory_space<hbm>> -> memref<1x1024xi32, #tpu.memory_space<hbm>>
    %dma_wait3A_745 = tpu.memref_squeeze %dma_wait3A_744 : memref<1x1024xi32, #tpu.memory_space<hbm>> -> memref<1024xi32, #tpu.memory_space<hbm>>
    tpu.wait_dma2 semaphore(%arg14 : memref<!tpu.dma_semaphore, #tpu.memory_space<semaphore_mem>>) src(%dma_wait3A_745 : memref<1024xi32, #tpu.memory_space<hbm>>) dst(%dma_wait3A_743 : memref<1024xi32, #tpu.memory_space<vmem>>)
    %dma_wait3A_746 = arith.constant 33 : i32
    %dma_wait3A_747 = arith.constant 33792 : i32
    %dma_wait3A_748 = tpu.memref_slice %arg5[%dma_wait3A_747] : memref<51200xi32, #tpu.memory_space<vmem>> -> memref<1024xi32, #tpu.memory_space<vmem>>
    %dma_wait3A_749 = tpu.memref_slice %arg3[%dma_wait3A_746, %mul3A_0] : memref<50x16384xi32, #tpu.memory_space<hbm>> -> memref<1x1024xi32, #tpu.memory_space<hbm>>
    %dma_wait3A_750 = tpu.memref_squeeze %dma_wait3A_749 : memref<1x1024xi32, #tpu.memory_space<hbm>> -> memref<1024xi32, #tpu.memory_space<hbm>>
    %dma_wait3A_751 = arith.constant 33792 : i32
    %dma_wait3A_752 = tpu.memref_slice %arg5[%dma_wait3A_751] : memref<51200xi32, #tpu.memory_space<vmem>> -> memref<1024xi32, #tpu.memory_space<vmem>>
    %dma_wait3A_753 = tpu.memref_slice %arg3[%dma_wait3A_746, %mul3A_0] : memref<50x16384xi32, #tpu.memory_space<hbm>> -> memref<1x1024xi32, #tpu.memory_space<hbm>>
    %dma_wait3A_754 = tpu.memref_squeeze %dma_wait3A_753 : memref<1x1024xi32, #tpu.memory_space<hbm>> -> memref<1024xi32, #tpu.memory_space<hbm>>
    tpu.wait_dma2 semaphore(%arg15 : memref<!tpu.dma_semaphore, #tpu.memory_space<semaphore_mem>>) src(%dma_wait3A_754 : memref<1024xi32, #tpu.memory_space<hbm>>) dst(%dma_wait3A_752 : memref<1024xi32, #tpu.memory_space<vmem>>)
    %dma_wait3A_755 = arith.constant 34 : i32
    %dma_wait3A_756 = arith.constant 34816 : i32
    %dma_wait3A_757 = tpu.memref_slice %arg5[%dma_wait3A_756] : memref<51200xi32, #tpu.memory_space<vmem>> -> memref<1024xi32, #tpu.memory_space<vmem>>
    %dma_wait3A_758 = tpu.memref_slice %arg3[%dma_wait3A_755, %mul3A_0] : memref<50x16384xi32, #tpu.memory_space<hbm>> -> memref<1x1024xi32, #tpu.memory_space<hbm>>
    %dma_wait3A_759 = tpu.memref_squeeze %dma_wait3A_758 : memref<1x1024xi32, #tpu.memory_space<hbm>> -> memref<1024xi32, #tpu.memory_space<hbm>>
    %dma_wait3A_760 = arith.constant 34816 : i32
    %dma_wait3A_761 = tpu.memref_slice %arg5[%dma_wait3A_760] : memref<51200xi32, #tpu.memory_space<vmem>> -> memref<1024xi32, #tpu.memory_space<vmem>>
    %dma_wait3A_762 = tpu.memref_slice %arg3[%dma_wait3A_755, %mul3A_0] : memref<50x16384xi32, #tpu.memory_space<hbm>> -> memref<1x1024xi32, #tpu.memory_space<hbm>>
    %dma_wait3A_763 = tpu.memref_squeeze %dma_wait3A_762 : memref<1x1024xi32, #tpu.memory_space<hbm>> -> memref<1024xi32, #tpu.memory_space<hbm>>
    tpu.wait_dma2 semaphore(%arg16 : memref<!tpu.dma_semaphore, #tpu.memory_space<semaphore_mem>>) src(%dma_wait3A_763 : memref<1024xi32, #tpu.memory_space<hbm>>) dst(%dma_wait3A_761 : memref<1024xi32, #tpu.memory_space<vmem>>)
    %dma_wait3A_764 = arith.constant 35 : i32
    %dma_wait3A_765 = arith.constant 35840 : i32
    %dma_wait3A_766 = tpu.memref_slice %arg5[%dma_wait3A_765] : memref<51200xi32, #tpu.memory_space<vmem>> -> memref<1024xi32, #tpu.memory_space<vmem>>
    %dma_wait3A_767 = tpu.memref_slice %arg3[%dma_wait3A_764, %mul3A_0] : memref<50x16384xi32, #tpu.memory_space<hbm>> -> memref<1x1024xi32, #tpu.memory_space<hbm>>
    %dma_wait3A_768 = tpu.memref_squeeze %dma_wait3A_767 : memref<1x1024xi32, #tpu.memory_space<hbm>> -> memref<1024xi32, #tpu.memory_space<hbm>>
    %dma_wait3A_769 = arith.constant 35840 : i32
    %dma_wait3A_770 = tpu.memref_slice %arg5[%dma_wait3A_769] : memref<51200xi32, #tpu.memory_space<vmem>> -> memref<1024xi32, #tpu.memory_space<vmem>>
    %dma_wait3A_771 = tpu.memref_slice %arg3[%dma_wait3A_764, %mul3A_0] : memref<50x16384xi32, #tpu.memory_space<hbm>> -> memref<1x1024xi32, #tpu.memory_space<hbm>>
    %dma_wait3A_772 = tpu.memref_squeeze %dma_wait3A_771 : memref<1x1024xi32, #tpu.memory_space<hbm>> -> memref<1024xi32, #tpu.memory_space<hbm>>
    tpu.wait_dma2 semaphore(%arg12 : memref<!tpu.dma_semaphore, #tpu.memory_space<semaphore_mem>>) src(%dma_wait3A_772 : memref<1024xi32, #tpu.memory_space<hbm>>) dst(%dma_wait3A_770 : memref<1024xi32, #tpu.memory_space<vmem>>)
    %dma_wait3A_773 = arith.constant 36 : i32
    %dma_wait3A_774 = arith.constant 36864 : i32
    %dma_wait3A_775 = tpu.memref_slice %arg5[%dma_wait3A_774] : memref<51200xi32, #tpu.memory_space<vmem>> -> memref<1024xi32, #tpu.memory_space<vmem>>
    %dma_wait3A_776 = tpu.memref_slice %arg3[%dma_wait3A_773, %mul3A_0] : memref<50x16384xi32, #tpu.memory_space<hbm>> -> memref<1x1024xi32, #tpu.memory_space<hbm>>
    %dma_wait3A_777 = tpu.memref_squeeze %dma_wait3A_776 : memref<1x1024xi32, #tpu.memory_space<hbm>> -> memref<1024xi32, #tpu.memory_space<hbm>>
    %dma_wait3A_778 = arith.constant 36864 : i32
    %dma_wait3A_779 = tpu.memref_slice %arg5[%dma_wait3A_778] : memref<51200xi32, #tpu.memory_space<vmem>> -> memref<1024xi32, #tpu.memory_space<vmem>>
    %dma_wait3A_780 = tpu.memref_slice %arg3[%dma_wait3A_773, %mul3A_0] : memref<50x16384xi32, #tpu.memory_space<hbm>> -> memref<1x1024xi32, #tpu.memory_space<hbm>>
    %dma_wait3A_781 = tpu.memref_squeeze %dma_wait3A_780 : memref<1x1024xi32, #tpu.memory_space<hbm>> -> memref<1024xi32, #tpu.memory_space<hbm>>
    tpu.wait_dma2 semaphore(%arg13 : memref<!tpu.dma_semaphore, #tpu.memory_space<semaphore_mem>>) src(%dma_wait3A_781 : memref<1024xi32, #tpu.memory_space<hbm>>) dst(%dma_wait3A_779 : memref<1024xi32, #tpu.memory_space<vmem>>)
    %dma_wait3A_782 = arith.constant 37 : i32
    %dma_wait3A_783 = arith.constant 37888 : i32
    %dma_wait3A_784 = tpu.memref_slice %arg5[%dma_wait3A_783] : memref<51200xi32, #tpu.memory_space<vmem>> -> memref<1024xi32, #tpu.memory_space<vmem>>
    %dma_wait3A_785 = tpu.memref_slice %arg3[%dma_wait3A_782, %mul3A_0] : memref<50x16384xi32, #tpu.memory_space<hbm>> -> memref<1x1024xi32, #tpu.memory_space<hbm>>
    %dma_wait3A_786 = tpu.memref_squeeze %dma_wait3A_785 : memref<1x1024xi32, #tpu.memory_space<hbm>> -> memref<1024xi32, #tpu.memory_space<hbm>>
    %dma_wait3A_787 = arith.constant 37888 : i32
    %dma_wait3A_788 = tpu.memref_slice %arg5[%dma_wait3A_787] : memref<51200xi32, #tpu.memory_space<vmem>> -> memref<1024xi32, #tpu.memory_space<vmem>>
    %dma_wait3A_789 = tpu.memref_slice %arg3[%dma_wait3A_782, %mul3A_0] : memref<50x16384xi32, #tpu.memory_space<hbm>> -> memref<1x1024xi32, #tpu.memory_space<hbm>>
    %dma_wait3A_790 = tpu.memref_squeeze %dma_wait3A_789 : memref<1x1024xi32, #tpu.memory_space<hbm>> -> memref<1024xi32, #tpu.memory_space<hbm>>
    tpu.wait_dma2 semaphore(%arg14 : memref<!tpu.dma_semaphore, #tpu.memory_space<semaphore_mem>>) src(%dma_wait3A_790 : memref<1024xi32, #tpu.memory_space<hbm>>) dst(%dma_wait3A_788 : memref<1024xi32, #tpu.memory_space<vmem>>)
    %dma_wait3A_791 = arith.constant 38 : i32
    %dma_wait3A_792 = arith.constant 38912 : i32
    %dma_wait3A_793 = tpu.memref_slice %arg5[%dma_wait3A_792] : memref<51200xi32, #tpu.memory_space<vmem>> -> memref<1024xi32, #tpu.memory_space<vmem>>
    %dma_wait3A_794 = tpu.memref_slice %arg3[%dma_wait3A_791, %mul3A_0] : memref<50x16384xi32, #tpu.memory_space<hbm>> -> memref<1x1024xi32, #tpu.memory_space<hbm>>
    %dma_wait3A_795 = tpu.memref_squeeze %dma_wait3A_794 : memref<1x1024xi32, #tpu.memory_space<hbm>> -> memref<1024xi32, #tpu.memory_space<hbm>>
    %dma_wait3A_796 = arith.constant 38912 : i32
    %dma_wait3A_797 = tpu.memref_slice %arg5[%dma_wait3A_796] : memref<51200xi32, #tpu.memory_space<vmem>> -> memref<1024xi32, #tpu.memory_space<vmem>>
    %dma_wait3A_798 = tpu.memref_slice %arg3[%dma_wait3A_791, %mul3A_0] : memref<50x16384xi32, #tpu.memory_space<hbm>> -> memref<1x1024xi32, #tpu.memory_space<hbm>>
    %dma_wait3A_799 = tpu.memref_squeeze %dma_wait3A_798 : memref<1x1024xi32, #tpu.memory_space<hbm>> -> memref<1024xi32, #tpu.memory_space<hbm>>
    tpu.wait_dma2 semaphore(%arg15 : memref<!tpu.dma_semaphore, #tpu.memory_space<semaphore_mem>>) src(%dma_wait3A_799 : memref<1024xi32, #tpu.memory_space<hbm>>) dst(%dma_wait3A_797 : memref<1024xi32, #tpu.memory_space<vmem>>)
    %dma_wait3A_800 = arith.constant 39 : i32
    %dma_wait3A_801 = arith.constant 39936 : i32
    %dma_wait3A_802 = tpu.memref_slice %arg5[%dma_wait3A_801] : memref<51200xi32, #tpu.memory_space<vmem>> -> memref<1024xi32, #tpu.memory_space<vmem>>
    %dma_wait3A_803 = tpu.memref_slice %arg3[%dma_wait3A_800, %mul3A_0] : memref<50x16384xi32, #tpu.memory_space<hbm>> -> memref<1x1024xi32, #tpu.memory_space<hbm>>
    %dma_wait3A_804 = tpu.memref_squeeze %dma_wait3A_803 : memref<1x1024xi32, #tpu.memory_space<hbm>> -> memref<1024xi32, #tpu.memory_space<hbm>>
    %dma_wait3A_805 = arith.constant 39936 : i32
    %dma_wait3A_806 = tpu.memref_slice %arg5[%dma_wait3A_805] : memref<51200xi32, #tpu.memory_space<vmem>> -> memref<1024xi32, #tpu.memory_space<vmem>>
    %dma_wait3A_807 = tpu.memref_slice %arg3[%dma_wait3A_800, %mul3A_0] : memref<50x16384xi32, #tpu.memory_space<hbm>> -> memref<1x1024xi32, #tpu.memory_space<hbm>>
    %dma_wait3A_808 = tpu.memref_squeeze %dma_wait3A_807 : memref<1x1024xi32, #tpu.memory_space<hbm>> -> memref<1024xi32, #tpu.memory_space<hbm>>
    tpu.wait_dma2 semaphore(%arg16 : memref<!tpu.dma_semaphore, #tpu.memory_space<semaphore_mem>>) src(%dma_wait3A_808 : memref<1024xi32, #tpu.memory_space<hbm>>) dst(%dma_wait3A_806 : memref<1024xi32, #tpu.memory_space<vmem>>)
    %dma_wait3A_809 = arith.constant 40 : i32
    %dma_wait3A_810 = arith.constant 40960 : i32
    %dma_wait3A_811 = tpu.memref_slice %arg5[%dma_wait3A_810] : memref<51200xi32, #tpu.memory_space<vmem>> -> memref<1024xi32, #tpu.memory_space<vmem>>
    %dma_wait3A_812 = tpu.memref_slice %arg3[%dma_wait3A_809, %mul3A_0] : memref<50x16384xi32, #tpu.memory_space<hbm>> -> memref<1x1024xi32, #tpu.memory_space<hbm>>
    %dma_wait3A_813 = tpu.memref_squeeze %dma_wait3A_812 : memref<1x1024xi32, #tpu.memory_space<hbm>> -> memref<1024xi32, #tpu.memory_space<hbm>>
    %dma_wait3A_814 = arith.constant 40960 : i32
    %dma_wait3A_815 = tpu.memref_slice %arg5[%dma_wait3A_814] : memref<51200xi32, #tpu.memory_space<vmem>> -> memref<1024xi32, #tpu.memory_space<vmem>>
    %dma_wait3A_816 = tpu.memref_slice %arg3[%dma_wait3A_809, %mul3A_0] : memref<50x16384xi32, #tpu.memory_space<hbm>> -> memref<1x1024xi32, #tpu.memory_space<hbm>>
    %dma_wait3A_817 = tpu.memref_squeeze %dma_wait3A_816 : memref<1x1024xi32, #tpu.memory_space<hbm>> -> memref<1024xi32, #tpu.memory_space<hbm>>
    tpu.wait_dma2 semaphore(%arg12 : memref<!tpu.dma_semaphore, #tpu.memory_space<semaphore_mem>>) src(%dma_wait3A_817 : memref<1024xi32, #tpu.memory_space<hbm>>) dst(%dma_wait3A_815 : memref<1024xi32, #tpu.memory_space<vmem>>)
    %dma_wait3A_818 = arith.constant 41 : i32
    %dma_wait3A_819 = arith.constant 41984 : i32
    %dma_wait3A_820 = tpu.memref_slice %arg5[%dma_wait3A_819] : memref<51200xi32, #tpu.memory_space<vmem>> -> memref<1024xi32, #tpu.memory_space<vmem>>
    %dma_wait3A_821 = tpu.memref_slice %arg3[%dma_wait3A_818, %mul3A_0] : memref<50x16384xi32, #tpu.memory_space<hbm>> -> memref<1x1024xi32, #tpu.memory_space<hbm>>
    %dma_wait3A_822 = tpu.memref_squeeze %dma_wait3A_821 : memref<1x1024xi32, #tpu.memory_space<hbm>> -> memref<1024xi32, #tpu.memory_space<hbm>>
    %dma_wait3A_823 = arith.constant 41984 : i32
    %dma_wait3A_824 = tpu.memref_slice %arg5[%dma_wait3A_823] : memref<51200xi32, #tpu.memory_space<vmem>> -> memref<1024xi32, #tpu.memory_space<vmem>>
    %dma_wait3A_825 = tpu.memref_slice %arg3[%dma_wait3A_818, %mul3A_0] : memref<50x16384xi32, #tpu.memory_space<hbm>> -> memref<1x1024xi32, #tpu.memory_space<hbm>>
    %dma_wait3A_826 = tpu.memref_squeeze %dma_wait3A_825 : memref<1x1024xi32, #tpu.memory_space<hbm>> -> memref<1024xi32, #tpu.memory_space<hbm>>
    tpu.wait_dma2 semaphore(%arg13 : memref<!tpu.dma_semaphore, #tpu.memory_space<semaphore_mem>>) src(%dma_wait3A_826 : memref<1024xi32, #tpu.memory_space<hbm>>) dst(%dma_wait3A_824 : memref<1024xi32, #tpu.memory_space<vmem>>)
    %dma_wait3A_827 = arith.constant 42 : i32
    %dma_wait3A_828 = arith.constant 43008 : i32
    %dma_wait3A_829 = tpu.memref_slice %arg5[%dma_wait3A_828] : memref<51200xi32, #tpu.memory_space<vmem>> -> memref<1024xi32, #tpu.memory_space<vmem>>
    %dma_wait3A_830 = tpu.memref_slice %arg3[%dma_wait3A_827, %mul3A_0] : memref<50x16384xi32, #tpu.memory_space<hbm>> -> memref<1x1024xi32, #tpu.memory_space<hbm>>
    %dma_wait3A_831 = tpu.memref_squeeze %dma_wait3A_830 : memref<1x1024xi32, #tpu.memory_space<hbm>> -> memref<1024xi32, #tpu.memory_space<hbm>>
    %dma_wait3A_832 = arith.constant 43008 : i32
    %dma_wait3A_833 = tpu.memref_slice %arg5[%dma_wait3A_832] : memref<51200xi32, #tpu.memory_space<vmem>> -> memref<1024xi32, #tpu.memory_space<vmem>>
    %dma_wait3A_834 = tpu.memref_slice %arg3[%dma_wait3A_827, %mul3A_0] : memref<50x16384xi32, #tpu.memory_space<hbm>> -> memref<1x1024xi32, #tpu.memory_space<hbm>>
    %dma_wait3A_835 = tpu.memref_squeeze %dma_wait3A_834 : memref<1x1024xi32, #tpu.memory_space<hbm>> -> memref<1024xi32, #tpu.memory_space<hbm>>
    tpu.wait_dma2 semaphore(%arg14 : memref<!tpu.dma_semaphore, #tpu.memory_space<semaphore_mem>>) src(%dma_wait3A_835 : memref<1024xi32, #tpu.memory_space<hbm>>) dst(%dma_wait3A_833 : memref<1024xi32, #tpu.memory_space<vmem>>)
    %dma_wait3A_836 = arith.constant 43 : i32
    %dma_wait3A_837 = arith.constant 44032 : i32
    %dma_wait3A_838 = tpu.memref_slice %arg5[%dma_wait3A_837] : memref<51200xi32, #tpu.memory_space<vmem>> -> memref<1024xi32, #tpu.memory_space<vmem>>
    %dma_wait3A_839 = tpu.memref_slice %arg3[%dma_wait3A_836, %mul3A_0] : memref<50x16384xi32, #tpu.memory_space<hbm>> -> memref<1x1024xi32, #tpu.memory_space<hbm>>
    %dma_wait3A_840 = tpu.memref_squeeze %dma_wait3A_839 : memref<1x1024xi32, #tpu.memory_space<hbm>> -> memref<1024xi32, #tpu.memory_space<hbm>>
    %dma_wait3A_841 = arith.constant 44032 : i32
    %dma_wait3A_842 = tpu.memref_slice %arg5[%dma_wait3A_841] : memref<51200xi32, #tpu.memory_space<vmem>> -> memref<1024xi32, #tpu.memory_space<vmem>>
    %dma_wait3A_843 = tpu.memref_slice %arg3[%dma_wait3A_836, %mul3A_0] : memref<50x16384xi32, #tpu.memory_space<hbm>> -> memref<1x1024xi32, #tpu.memory_space<hbm>>
    %dma_wait3A_844 = tpu.memref_squeeze %dma_wait3A_843 : memref<1x1024xi32, #tpu.memory_space<hbm>> -> memref<1024xi32, #tpu.memory_space<hbm>>
    tpu.wait_dma2 semaphore(%arg15 : memref<!tpu.dma_semaphore, #tpu.memory_space<semaphore_mem>>) src(%dma_wait3A_844 : memref<1024xi32, #tpu.memory_space<hbm>>) dst(%dma_wait3A_842 : memref<1024xi32, #tpu.memory_space<vmem>>)
    %dma_wait3A_845 = arith.constant 44 : i32
    %dma_wait3A_846 = arith.constant 45056 : i32
    %dma_wait3A_847 = tpu.memref_slice %arg5[%dma_wait3A_846] : memref<51200xi32, #tpu.memory_space<vmem>> -> memref<1024xi32, #tpu.memory_space<vmem>>
    %dma_wait3A_848 = tpu.memref_slice %arg3[%dma_wait3A_845, %mul3A_0] : memref<50x16384xi32, #tpu.memory_space<hbm>> -> memref<1x1024xi32, #tpu.memory_space<hbm>>
    %dma_wait3A_849 = tpu.memref_squeeze %dma_wait3A_848 : memref<1x1024xi32, #tpu.memory_space<hbm>> -> memref<1024xi32, #tpu.memory_space<hbm>>
    %dma_wait3A_850 = arith.constant 45056 : i32
    %dma_wait3A_851 = tpu.memref_slice %arg5[%dma_wait3A_850] : memref<51200xi32, #tpu.memory_space<vmem>> -> memref<1024xi32, #tpu.memory_space<vmem>>
    %dma_wait3A_852 = tpu.memref_slice %arg3[%dma_wait3A_845, %mul3A_0] : memref<50x16384xi32, #tpu.memory_space<hbm>> -> memref<1x1024xi32, #tpu.memory_space<hbm>>
    %dma_wait3A_853 = tpu.memref_squeeze %dma_wait3A_852 : memref<1x1024xi32, #tpu.memory_space<hbm>> -> memref<1024xi32, #tpu.memory_space<hbm>>
    tpu.wait_dma2 semaphore(%arg16 : memref<!tpu.dma_semaphore, #tpu.memory_space<semaphore_mem>>) src(%dma_wait3A_853 : memref<1024xi32, #tpu.memory_space<hbm>>) dst(%dma_wait3A_851 : memref<1024xi32, #tpu.memory_space<vmem>>)
    %dma_wait3A_854 = arith.constant 45 : i32
    %dma_wait3A_855 = arith.constant 46080 : i32
    %dma_wait3A_856 = tpu.memref_slice %arg5[%dma_wait3A_855] : memref<51200xi32, #tpu.memory_space<vmem>> -> memref<1024xi32, #tpu.memory_space<vmem>>
    %dma_wait3A_857 = tpu.memref_slice %arg3[%dma_wait3A_854, %mul3A_0] : memref<50x16384xi32, #tpu.memory_space<hbm>> -> memref<1x1024xi32, #tpu.memory_space<hbm>>
    %dma_wait3A_858 = tpu.memref_squeeze %dma_wait3A_857 : memref<1x1024xi32, #tpu.memory_space<hbm>> -> memref<1024xi32, #tpu.memory_space<hbm>>
    %dma_wait3A_859 = arith.constant 46080 : i32
    %dma_wait3A_860 = tpu.memref_slice %arg5[%dma_wait3A_859] : memref<51200xi32, #tpu.memory_space<vmem>> -> memref<1024xi32, #tpu.memory_space<vmem>>
    %dma_wait3A_861 = tpu.memref_slice %arg3[%dma_wait3A_854, %mul3A_0] : memref<50x16384xi32, #tpu.memory_space<hbm>> -> memref<1x1024xi32, #tpu.memory_space<hbm>>
    %dma_wait3A_862 = tpu.memref_squeeze %dma_wait3A_861 : memref<1x1024xi32, #tpu.memory_space<hbm>> -> memref<1024xi32, #tpu.memory_space<hbm>>
    tpu.wait_dma2 semaphore(%arg12 : memref<!tpu.dma_semaphore, #tpu.memory_space<semaphore_mem>>) src(%dma_wait3A_862 : memref<1024xi32, #tpu.memory_space<hbm>>) dst(%dma_wait3A_860 : memref<1024xi32, #tpu.memory_space<vmem>>)
    %dma_wait3A_863 = arith.constant 46 : i32
    %dma_wait3A_864 = arith.constant 47104 : i32
    %dma_wait3A_865 = tpu.memref_slice %arg5[%dma_wait3A_864] : memref<51200xi32, #tpu.memory_space<vmem>> -> memref<1024xi32, #tpu.memory_space<vmem>>
    %dma_wait3A_866 = tpu.memref_slice %arg3[%dma_wait3A_863, %mul3A_0] : memref<50x16384xi32, #tpu.memory_space<hbm>> -> memref<1x1024xi32, #tpu.memory_space<hbm>>
    %dma_wait3A_867 = tpu.memref_squeeze %dma_wait3A_866 : memref<1x1024xi32, #tpu.memory_space<hbm>> -> memref<1024xi32, #tpu.memory_space<hbm>>
    %dma_wait3A_868 = arith.constant 47104 : i32
    %dma_wait3A_869 = tpu.memref_slice %arg5[%dma_wait3A_868] : memref<51200xi32, #tpu.memory_space<vmem>> -> memref<1024xi32, #tpu.memory_space<vmem>>
    %dma_wait3A_870 = tpu.memref_slice %arg3[%dma_wait3A_863, %mul3A_0] : memref<50x16384xi32, #tpu.memory_space<hbm>> -> memref<1x1024xi32, #tpu.memory_space<hbm>>
    %dma_wait3A_871 = tpu.memref_squeeze %dma_wait3A_870 : memref<1x1024xi32, #tpu.memory_space<hbm>> -> memref<1024xi32, #tpu.memory_space<hbm>>
    tpu.wait_dma2 semaphore(%arg13 : memref<!tpu.dma_semaphore, #tpu.memory_space<semaphore_mem>>) src(%dma_wait3A_871 : memref<1024xi32, #tpu.memory_space<hbm>>) dst(%dma_wait3A_869 : memref<1024xi32, #tpu.memory_space<vmem>>)
    %dma_wait3A_872 = arith.constant 47 : i32
    %dma_wait3A_873 = arith.constant 48128 : i32
    %dma_wait3A_874 = tpu.memref_slice %arg5[%dma_wait3A_873] : memref<51200xi32, #tpu.memory_space<vmem>> -> memref<1024xi32, #tpu.memory_space<vmem>>
    %dma_wait3A_875 = tpu.memref_slice %arg3[%dma_wait3A_872, %mul3A_0] : memref<50x16384xi32, #tpu.memory_space<hbm>> -> memref<1x1024xi32, #tpu.memory_space<hbm>>
    %dma_wait3A_876 = tpu.memref_squeeze %dma_wait3A_875 : memref<1x1024xi32, #tpu.memory_space<hbm>> -> memref<1024xi32, #tpu.memory_space<hbm>>
    %dma_wait3A_877 = arith.constant 48128 : i32
    %dma_wait3A_878 = tpu.memref_slice %arg5[%dma_wait3A_877] : memref<51200xi32, #tpu.memory_space<vmem>> -> memref<1024xi32, #tpu.memory_space<vmem>>
    %dma_wait3A_879 = tpu.memref_slice %arg3[%dma_wait3A_872, %mul3A_0] : memref<50x16384xi32, #tpu.memory_space<hbm>> -> memref<1x1024xi32, #tpu.memory_space<hbm>>
    %dma_wait3A_880 = tpu.memref_squeeze %dma_wait3A_879 : memref<1x1024xi32, #tpu.memory_space<hbm>> -> memref<1024xi32, #tpu.memory_space<hbm>>
    tpu.wait_dma2 semaphore(%arg14 : memref<!tpu.dma_semaphore, #tpu.memory_space<semaphore_mem>>) src(%dma_wait3A_880 : memref<1024xi32, #tpu.memory_space<hbm>>) dst(%dma_wait3A_878 : memref<1024xi32, #tpu.memory_space<vmem>>)
    %dma_wait3A_881 = arith.constant 48 : i32
    %dma_wait3A_882 = arith.constant 49152 : i32
    %dma_wait3A_883 = tpu.memref_slice %arg5[%dma_wait3A_882] : memref<51200xi32, #tpu.memory_space<vmem>> -> memref<1024xi32, #tpu.memory_space<vmem>>
    %dma_wait3A_884 = tpu.memref_slice %arg3[%dma_wait3A_881, %mul3A_0] : memref<50x16384xi32, #tpu.memory_space<hbm>> -> memref<1x1024xi32, #tpu.memory_space<hbm>>
    %dma_wait3A_885 = tpu.memref_squeeze %dma_wait3A_884 : memref<1x1024xi32, #tpu.memory_space<hbm>> -> memref<1024xi32, #tpu.memory_space<hbm>>
    %dma_wait3A_886 = arith.constant 49152 : i32
    %dma_wait3A_887 = tpu.memref_slice %arg5[%dma_wait3A_886] : memref<51200xi32, #tpu.memory_space<vmem>> -> memref<1024xi32, #tpu.memory_space<vmem>>
    %dma_wait3A_888 = tpu.memref_slice %arg3[%dma_wait3A_881, %mul3A_0] : memref<50x16384xi32, #tpu.memory_space<hbm>> -> memref<1x1024xi32, #tpu.memory_space<hbm>>
    %dma_wait3A_889 = tpu.memref_squeeze %dma_wait3A_888 : memref<1x1024xi32, #tpu.memory_space<hbm>> -> memref<1024xi32, #tpu.memory_space<hbm>>
    tpu.wait_dma2 semaphore(%arg15 : memref<!tpu.dma_semaphore, #tpu.memory_space<semaphore_mem>>) src(%dma_wait3A_889 : memref<1024xi32, #tpu.memory_space<hbm>>) dst(%dma_wait3A_887 : memref<1024xi32, #tpu.memory_space<vmem>>)
    %dma_wait3A_890 = arith.constant 49 : i32
    %dma_wait3A_891 = arith.constant 50176 : i32
    %dma_wait3A_892 = tpu.memref_slice %arg5[%dma_wait3A_891] : memref<51200xi32, #tpu.memory_space<vmem>> -> memref<1024xi32, #tpu.memory_space<vmem>>
    %dma_wait3A_893 = tpu.memref_slice %arg3[%dma_wait3A_890, %mul3A_0] : memref<50x16384xi32, #tpu.memory_space<hbm>> -> memref<1x1024xi32, #tpu.memory_space<hbm>>
    %dma_wait3A_894 = tpu.memref_squeeze %dma_wait3A_893 : memref<1x1024xi32, #tpu.memory_space<hbm>> -> memref<1024xi32, #tpu.memory_space<hbm>>
    %dma_wait3A_895 = arith.constant 50176 : i32
    %dma_wait3A_896 = tpu.memref_slice %arg5[%dma_wait3A_895] : memref<51200xi32, #tpu.memory_space<vmem>> -> memref<1024xi32, #tpu.memory_space<vmem>>
    %dma_wait3A_897 = tpu.memref_slice %arg3[%dma_wait3A_890, %mul3A_0] : memref<50x16384xi32, #tpu.memory_space<hbm>> -> memref<1x1024xi32, #tpu.memory_space<hbm>>
    %dma_wait3A_898 = tpu.memref_squeeze %dma_wait3A_897 : memref<1x1024xi32, #tpu.memory_space<hbm>> -> memref<1024xi32, #tpu.memory_space<hbm>>
    tpu.wait_dma2 semaphore(%arg16 : memref<!tpu.dma_semaphore, #tpu.memory_space<semaphore_mem>>) src(%dma_wait3A_898 : memref<1024xi32, #tpu.memory_space<hbm>>) dst(%dma_wait3A_896 : memref<1024xi32, #tpu.memory_space<vmem>>)
    %scan3A = arith.constant 0 : i32
    %scan3A_899 = arith.constant 0 : i32
    %scan3A_900 = arith.constant 16 : i32
    %scan3A_901 = arith.addi %scan3A_899, %scan3A_900 : i32
    %scan3A_902 = arith.constant 1 : i32
    scf.for %scan3A_998 = %scan3A_899 to %scan3A_901 step %scan3A_902  : i32 {
      %mul3A_999 = arith.constant 16 : i32
      %mul3A_1000 = arith.muli %arg0, %mul3A_999 : i32
      %add3A_1001 = arith.addi %mul3A_1000, %scan3A_998 : i32
      %barrier3A = arith.constant 0 : index
      tpu.barrier barrier_id(%barrier3A)
      %eq3A = arith.constant 0 : i32
      %eq3A_1002 = arith.cmpi eq, %arg1, %eq3A : i32
      %convert_element_type3A = arith.extui %eq3A_1002 : i1 to i32
      %cond3A = arith.constant 0 : i32
      %cond3A_1003 = arith.cmpi ne, %convert_element_type3A, %cond3A : i32
      scf.if %cond3A_1003 {
        "tpu.region"() ({
          %run_scoped3A = tpu.sem_alloc : memref<!tpu.dma_semaphore, #tpu.memory_space<semaphore_mem>>
          %dma_start3A_2039 = arith.constant 0 : i32
          %dma_start3A_2040 = tpu.memref_slice %arg2[%add3A_1001, %dma_start3A_2039] : memref<32x1000000xf32, #tpu.memory_space<hbm>> -> memref<1x1000000xf32, #tpu.memory_space<hbm>>
          %dma_start3A_2041 = tpu.memref_squeeze %dma_start3A_2040 : memref<1x1000000xf32, #tpu.memory_space<hbm>> -> memref<1000000xf32, #tpu.memory_space<hbm>>
          tpu.enqueue_dma source(%dma_start3A_2041 : memref<1000000xf32, #tpu.memory_space<hbm>>) target(%arg11 : memref<1000000xf32, #tpu.memory_space<vmem_shared>>) target_semaphore(%run_scoped3A : memref<!tpu.dma_semaphore, #tpu.memory_space<semaphore_mem>>)
          %dma_wait3A_2042 = arith.constant 0 : i32
          %dma_wait3A_2043 = tpu.memref_slice %arg2[%add3A_1001, %dma_wait3A_2042] : memref<32x1000000xf32, #tpu.memory_space<hbm>> -> memref<1x1000000xf32, #tpu.memory_space<hbm>>
          %dma_wait3A_2044 = tpu.memref_squeeze %dma_wait3A_2043 : memref<1x1000000xf32, #tpu.memory_space<hbm>> -> memref<1000000xf32, #tpu.memory_space<hbm>>
          tpu.wait_dma2 semaphore(%run_scoped3A : memref<!tpu.dma_semaphore, #tpu.memory_space<semaphore_mem>>) src(%dma_wait3A_2044 : memref<1000000xf32, #tpu.memory_space<hbm>>) dst(%arg11 : memref<1000000xf32, #tpu.memory_space<vmem_shared>>)
          tpu.yield
        }) : () -> ()
      } else {
      }
      %barrier3A_1004 = arith.constant 0 : index
      tpu.barrier barrier_id(%barrier3A_1004)
      %gt3A = arith.constant 0 : i32
      %gt3A_1005 = arith.cmpi sgt, %scan3A_998, %gt3A : i32
      %convert_element_type3A_1006 = arith.extui %gt3A_1005 : i1 to i32
      %cond3A_1007 = arith.constant 0 : i32
      %cond3A_1008 = arith.cmpi ne, %convert_element_type3A_1006, %cond3A_1007 : i32
      scf.if %cond3A_1008 {
        %sub3A_2039 = arith.constant 1 : i32
        %sub3A_2040 = arith.subi %add3A_1001, %sub3A_2039 : i32
        %dma_wait3A_2041 = arith.constant 40 : i32
        %dma_wait3A_2042 = arith.constant 0 : i32
        %dma_wait3A_2043 = tpu.memref_slice %arg6[%dma_wait3A_2042] : memref<2048xf32, #tpu.memory_space<vmem>> -> memref<1024xf32, #tpu.memory_space<vmem>>
        %dma_wait3A_2044 = tpu.memref_slice %arg4[%dma_wait3A_2041, %sub3A_2040, %mul3A_0] : memref<50x32x16384xf32, #tpu.memory_space<hbm>> -> memref<1x1x1024xf32, #tpu.memory_space<hbm>>
        %dma_wait3A_2045 = tpu.memref_squeeze %dma_wait3A_2044 : memref<1x1x1024xf32, #tpu.memory_space<hbm>> -> memref<1024xf32, #tpu.memory_space<hbm>>
        %dma_wait3A_2046 = tpu.memref_slice %arg4[%dma_wait3A_2041, %sub3A_2040, %mul3A_0] : memref<50x32x16384xf32, #tpu.memory_space<hbm>> -> memref<1x1x1024xf32, #tpu.memory_space<hbm>>
        %dma_wait3A_2047 = tpu.memref_squeeze %dma_wait3A_2046 : memref<1x1x1024xf32, #tpu.memory_space<hbm>> -> memref<1024xf32, #tpu.memory_space<hbm>>
        %dma_wait3A_2048 = arith.constant 0 : i32
        %dma_wait3A_2049 = tpu.memref_slice %arg6[%dma_wait3A_2048] : memref<2048xf32, #tpu.memory_space<vmem>> -> memref<1024xf32, #tpu.memory_space<vmem>>
        tpu.wait_dma2 semaphore(%arg17 : memref<!tpu.dma_semaphore, #tpu.memory_space<semaphore_mem>>) src(%dma_wait3A_2049 : memref<1024xf32, #tpu.memory_space<vmem>>) dst(%dma_wait3A_2047 : memref<1024xf32, #tpu.memory_space<hbm>>)
        %dma_wait3A_2050 = arith.constant 41 : i32
        %dma_wait3A_2051 = arith.constant 1024 : i32
        %dma_wait3A_2052 = tpu.memref_slice %arg6[%dma_wait3A_2051] : memref<2048xf32, #tpu.memory_space<vmem>> -> memref<1024xf32, #tpu.memory_space<vmem>>
        %dma_wait3A_2053 = tpu.memref_slice %arg4[%dma_wait3A_2050, %sub3A_2040, %mul3A_0] : memref<50x32x16384xf32, #tpu.memory_space<hbm>> -> memref<1x1x1024xf32, #tpu.memory_space<hbm>>
        %dma_wait3A_2054 = tpu.memref_squeeze %dma_wait3A_2053 : memref<1x1x1024xf32, #tpu.memory_space<hbm>> -> memref<1024xf32, #tpu.memory_space<hbm>>
        %dma_wait3A_2055 = tpu.memref_slice %arg4[%dma_wait3A_2050, %sub3A_2040, %mul3A_0] : memref<50x32x16384xf32, #tpu.memory_space<hbm>> -> memref<1x1x1024xf32, #tpu.memory_space<hbm>>
        %dma_wait3A_2056 = tpu.memref_squeeze %dma_wait3A_2055 : memref<1x1x1024xf32, #tpu.memory_space<hbm>> -> memref<1024xf32, #tpu.memory_space<hbm>>
        %dma_wait3A_2057 = arith.constant 1024 : i32
        %dma_wait3A_2058 = tpu.memref_slice %arg6[%dma_wait3A_2057] : memref<2048xf32, #tpu.memory_space<vmem>> -> memref<1024xf32, #tpu.memory_space<vmem>>
        tpu.wait_dma2 semaphore(%arg17 : memref<!tpu.dma_semaphore, #tpu.memory_space<semaphore_mem>>) src(%dma_wait3A_2058 : memref<1024xf32, #tpu.memory_space<vmem>>) dst(%dma_wait3A_2056 : memref<1024xf32, #tpu.memory_space<hbm>>)
      } else {
      }
      %dma_start3A_1009 = arith.constant 0 : i32
      %dma_start3A_1010 = tpu.memref_slice %arg5[%dma_start3A_1009] : memref<51200xi32, #tpu.memory_space<vmem>> -> memref<2048xi32, #tpu.memory_space<vmem>>
      %dma_start3A_1011 = arith.constant 0 : i32
      %dma_start3A_1012 = tpu.memref_slice %arg11[%dma_start3A_1011] : memref<1000000xf32, #tpu.memory_space<vmem_shared>> -> memref<1000000xf32, #tpu.memory_space<vmem_shared>>
      tpu.enqueue_indirect_dma source(%dma_start3A_1012 : memref<1000000xf32, #tpu.memory_space<vmem_shared>>) target(%arg6 : memref<2048xf32, #tpu.memory_space<vmem>>) offsets(%dma_start3A_1010 : memref<2048xi32, #tpu.memory_space<vmem>>) semaphore(%arg12 : memref<!tpu.dma_semaphore, #tpu.memory_space<semaphore_mem>>)
      %gt3A_1013 = arith.constant 0 : i32
      %gt3A_1014 = arith.cmpi sgt, %scan3A_998, %gt3A_1013 : i32
      %convert_element_type3A_1015 = arith.extui %gt3A_1014 : i1 to i32
      %cond3A_1016 = arith.constant 0 : i32
      %cond3A_1017 = arith.cmpi ne, %convert_element_type3A_1015, %cond3A_1016 : i32
      scf.if %cond3A_1017 {
        %sub3A_2039 = arith.constant 1 : i32
        %sub3A_2040 = arith.subi %add3A_1001, %sub3A_2039 : i32
        %dma_wait3A_2041 = arith.constant 42 : i32
        %dma_wait3A_2042 = arith.constant 0 : i32
        %dma_wait3A_2043 = tpu.memref_slice %arg7[%dma_wait3A_2042] : memref<2048xf32, #tpu.memory_space<vmem>> -> memref<1024xf32, #tpu.memory_space<vmem>>
        %dma_wait3A_2044 = tpu.memref_slice %arg4[%dma_wait3A_2041, %sub3A_2040, %mul3A_0] : memref<50x32x16384xf32, #tpu.memory_space<hbm>> -> memref<1x1x1024xf32, #tpu.memory_space<hbm>>
        %dma_wait3A_2045 = tpu.memref_squeeze %dma_wait3A_2044 : memref<1x1x1024xf32, #tpu.memory_space<hbm>> -> memref<1024xf32, #tpu.memory_space<hbm>>
        %dma_wait3A_2046 = tpu.memref_slice %arg4[%dma_wait3A_2041, %sub3A_2040, %mul3A_0] : memref<50x32x16384xf32, #tpu.memory_space<hbm>> -> memref<1x1x1024xf32, #tpu.memory_space<hbm>>
        %dma_wait3A_2047 = tpu.memref_squeeze %dma_wait3A_2046 : memref<1x1x1024xf32, #tpu.memory_space<hbm>> -> memref<1024xf32, #tpu.memory_space<hbm>>
        %dma_wait3A_2048 = arith.constant 0 : i32
        %dma_wait3A_2049 = tpu.memref_slice %arg7[%dma_wait3A_2048] : memref<2048xf32, #tpu.memory_space<vmem>> -> memref<1024xf32, #tpu.memory_space<vmem>>
        tpu.wait_dma2 semaphore(%arg18 : memref<!tpu.dma_semaphore, #tpu.memory_space<semaphore_mem>>) src(%dma_wait3A_2049 : memref<1024xf32, #tpu.memory_space<vmem>>) dst(%dma_wait3A_2047 : memref<1024xf32, #tpu.memory_space<hbm>>)
        %dma_wait3A_2050 = arith.constant 43 : i32
        %dma_wait3A_2051 = arith.constant 1024 : i32
        %dma_wait3A_2052 = tpu.memref_slice %arg7[%dma_wait3A_2051] : memref<2048xf32, #tpu.memory_space<vmem>> -> memref<1024xf32, #tpu.memory_space<vmem>>
        %dma_wait3A_2053 = tpu.memref_slice %arg4[%dma_wait3A_2050, %sub3A_2040, %mul3A_0] : memref<50x32x16384xf32, #tpu.memory_space<hbm>> -> memref<1x1x1024xf32, #tpu.memory_space<hbm>>
        %dma_wait3A_2054 = tpu.memref_squeeze %dma_wait3A_2053 : memref<1x1x1024xf32, #tpu.memory_space<hbm>> -> memref<1024xf32, #tpu.memory_space<hbm>>
        %dma_wait3A_2055 = tpu.memref_slice %arg4[%dma_wait3A_2050, %sub3A_2040, %mul3A_0] : memref<50x32x16384xf32, #tpu.memory_space<hbm>> -> memref<1x1x1024xf32, #tpu.memory_space<hbm>>
        %dma_wait3A_2056 = tpu.memref_squeeze %dma_wait3A_2055 : memref<1x1x1024xf32, #tpu.memory_space<hbm>> -> memref<1024xf32, #tpu.memory_space<hbm>>
        %dma_wait3A_2057 = arith.constant 1024 : i32
        %dma_wait3A_2058 = tpu.memref_slice %arg7[%dma_wait3A_2057] : memref<2048xf32, #tpu.memory_space<vmem>> -> memref<1024xf32, #tpu.memory_space<vmem>>
        tpu.wait_dma2 semaphore(%arg18 : memref<!tpu.dma_semaphore, #tpu.memory_space<semaphore_mem>>) src(%dma_wait3A_2058 : memref<1024xf32, #tpu.memory_space<vmem>>) dst(%dma_wait3A_2056 : memref<1024xf32, #tpu.memory_space<hbm>>)
      } else {
      }
      %dma_start3A_1018 = arith.constant 2048 : i32
      %dma_start3A_1019 = tpu.memref_slice %arg5[%dma_start3A_1018] : memref<51200xi32, #tpu.memory_space<vmem>> -> memref<2048xi32, #tpu.memory_space<vmem>>
      %dma_start3A_1020 = arith.constant 0 : i32
      %dma_start3A_1021 = tpu.memref_slice %arg11[%dma_start3A_1020] : memref<1000000xf32, #tpu.memory_space<vmem_shared>> -> memref<1000000xf32, #tpu.memory_space<vmem_shared>>
      tpu.enqueue_indirect_dma source(%dma_start3A_1021 : memref<1000000xf32, #tpu.memory_space<vmem_shared>>) target(%arg7 : memref<2048xf32, #tpu.memory_space<vmem>>) offsets(%dma_start3A_1019 : memref<2048xi32, #tpu.memory_space<vmem>>) semaphore(%arg13 : memref<!tpu.dma_semaphore, #tpu.memory_space<semaphore_mem>>)
      %gt3A_1022 = arith.constant 0 : i32
      %gt3A_1023 = arith.cmpi sgt, %scan3A_998, %gt3A_1022 : i32
      %convert_element_type3A_1024 = arith.extui %gt3A_1023 : i1 to i32
      %cond3A_1025 = arith.constant 0 : i32
      %cond3A_1026 = arith.cmpi ne, %convert_element_type3A_1024, %cond3A_1025 : i32
      scf.if %cond3A_1026 {
        %sub3A_2039 = arith.constant 1 : i32
        %sub3A_2040 = arith.subi %add3A_1001, %sub3A_2039 : i32
        %dma_wait3A_2041 = arith.constant 44 : i32
        %dma_wait3A_2042 = arith.constant 0 : i32
        %dma_wait3A_2043 = tpu.memref_slice %arg8[%dma_wait3A_2042] : memref<2048xf32, #tpu.memory_space<vmem>> -> memref<1024xf32, #tpu.memory_space<vmem>>
        %dma_wait3A_2044 = tpu.memref_slice %arg4[%dma_wait3A_2041, %sub3A_2040, %mul3A_0] : memref<50x32x16384xf32, #tpu.memory_space<hbm>> -> memref<1x1x1024xf32, #tpu.memory_space<hbm>>
        %dma_wait3A_2045 = tpu.memref_squeeze %dma_wait3A_2044 : memref<1x1x1024xf32, #tpu.memory_space<hbm>> -> memref<1024xf32, #tpu.memory_space<hbm>>
        %dma_wait3A_2046 = tpu.memref_slice %arg4[%dma_wait3A_2041, %sub3A_2040, %mul3A_0] : memref<50x32x16384xf32, #tpu.memory_space<hbm>> -> memref<1x1x1024xf32, #tpu.memory_space<hbm>>
        %dma_wait3A_2047 = tpu.memref_squeeze %dma_wait3A_2046 : memref<1x1x1024xf32, #tpu.memory_space<hbm>> -> memref<1024xf32, #tpu.memory_space<hbm>>
        %dma_wait3A_2048 = arith.constant 0 : i32
        %dma_wait3A_2049 = tpu.memref_slice %arg8[%dma_wait3A_2048] : memref<2048xf32, #tpu.memory_space<vmem>> -> memref<1024xf32, #tpu.memory_space<vmem>>
        tpu.wait_dma2 semaphore(%arg19 : memref<!tpu.dma_semaphore, #tpu.memory_space<semaphore_mem>>) src(%dma_wait3A_2049 : memref<1024xf32, #tpu.memory_space<vmem>>) dst(%dma_wait3A_2047 : memref<1024xf32, #tpu.memory_space<hbm>>)
        %dma_wait3A_2050 = arith.constant 45 : i32
        %dma_wait3A_2051 = arith.constant 1024 : i32
        %dma_wait3A_2052 = tpu.memref_slice %arg8[%dma_wait3A_2051] : memref<2048xf32, #tpu.memory_space<vmem>> -> memref<1024xf32, #tpu.memory_space<vmem>>
        %dma_wait3A_2053 = tpu.memref_slice %arg4[%dma_wait3A_2050, %sub3A_2040, %mul3A_0] : memref<50x32x16384xf32, #tpu.memory_space<hbm>> -> memref<1x1x1024xf32, #tpu.memory_space<hbm>>
        %dma_wait3A_2054 = tpu.memref_squeeze %dma_wait3A_2053 : memref<1x1x1024xf32, #tpu.memory_space<hbm>> -> memref<1024xf32, #tpu.memory_space<hbm>>
        %dma_wait3A_2055 = tpu.memref_slice %arg4[%dma_wait3A_2050, %sub3A_2040, %mul3A_0] : memref<50x32x16384xf32, #tpu.memory_space<hbm>> -> memref<1x1x1024xf32, #tpu.memory_space<hbm>>
        %dma_wait3A_2056 = tpu.memref_squeeze %dma_wait3A_2055 : memref<1x1x1024xf32, #tpu.memory_space<hbm>> -> memref<1024xf32, #tpu.memory_space<hbm>>
        %dma_wait3A_2057 = arith.constant 1024 : i32
        %dma_wait3A_2058 = tpu.memref_slice %arg8[%dma_wait3A_2057] : memref<2048xf32, #tpu.memory_space<vmem>> -> memref<1024xf32, #tpu.memory_space<vmem>>
        tpu.wait_dma2 semaphore(%arg19 : memref<!tpu.dma_semaphore, #tpu.memory_space<semaphore_mem>>) src(%dma_wait3A_2058 : memref<1024xf32, #tpu.memory_space<vmem>>) dst(%dma_wait3A_2056 : memref<1024xf32, #tpu.memory_space<hbm>>)
      } else {
      }
      %dma_start3A_1027 = arith.constant 4096 : i32
      %dma_start3A_1028 = tpu.memref_slice %arg5[%dma_start3A_1027] : memref<51200xi32, #tpu.memory_space<vmem>> -> memref<2048xi32, #tpu.memory_space<vmem>>
      %dma_start3A_1029 = arith.constant 0 : i32
      %dma_start3A_1030 = tpu.memref_slice %arg11[%dma_start3A_1029] : memref<1000000xf32, #tpu.memory_space<vmem_shared>> -> memref<1000000xf32, #tpu.memory_space<vmem_shared>>
      tpu.enqueue_indirect_dma source(%dma_start3A_1030 : memref<1000000xf32, #tpu.memory_space<vmem_shared>>) target(%arg8 : memref<2048xf32, #tpu.memory_space<vmem>>) offsets(%dma_start3A_1028 : memref<2048xi32, #tpu.memory_space<vmem>>) semaphore(%arg14 : memref<!tpu.dma_semaphore, #tpu.memory_space<semaphore_mem>>)
      %gt3A_1031 = arith.constant 0 : i32
      %gt3A_1032 = arith.cmpi sgt, %scan3A_998, %gt3A_1031 : i32
      %convert_element_type3A_1033 = arith.extui %gt3A_1032 : i1 to i32
      %cond3A_1034 = arith.constant 0 : i32
      %cond3A_1035 = arith.cmpi ne, %convert_element_type3A_1033, %cond3A_1034 : i32
      scf.if %cond3A_1035 {
        %sub3A_2039 = arith.constant 1 : i32
        %sub3A_2040 = arith.subi %add3A_1001, %sub3A_2039 : i32
        %dma_wait3A_2041 = arith.constant 46 : i32
        %dma_wait3A_2042 = arith.constant 0 : i32
        %dma_wait3A_2043 = tpu.memref_slice %arg9[%dma_wait3A_2042] : memref<2048xf32, #tpu.memory_space<vmem>> -> memref<1024xf32, #tpu.memory_space<vmem>>
        %dma_wait3A_2044 = tpu.memref_slice %arg4[%dma_wait3A_2041, %sub3A_2040, %mul3A_0] : memref<50x32x16384xf32, #tpu.memory_space<hbm>> -> memref<1x1x1024xf32, #tpu.memory_space<hbm>>
        %dma_wait3A_2045 = tpu.memref_squeeze %dma_wait3A_2044 : memref<1x1x1024xf32, #tpu.memory_space<hbm>> -> memref<1024xf32, #tpu.memory_space<hbm>>
        %dma_wait3A_2046 = tpu.memref_slice %arg4[%dma_wait3A_2041, %sub3A_2040, %mul3A_0] : memref<50x32x16384xf32, #tpu.memory_space<hbm>> -> memref<1x1x1024xf32, #tpu.memory_space<hbm>>
        %dma_wait3A_2047 = tpu.memref_squeeze %dma_wait3A_2046 : memref<1x1x1024xf32, #tpu.memory_space<hbm>> -> memref<1024xf32, #tpu.memory_space<hbm>>
        %dma_wait3A_2048 = arith.constant 0 : i32
        %dma_wait3A_2049 = tpu.memref_slice %arg9[%dma_wait3A_2048] : memref<2048xf32, #tpu.memory_space<vmem>> -> memref<1024xf32, #tpu.memory_space<vmem>>
        tpu.wait_dma2 semaphore(%arg20 : memref<!tpu.dma_semaphore, #tpu.memory_space<semaphore_mem>>) src(%dma_wait3A_2049 : memref<1024xf32, #tpu.memory_space<vmem>>) dst(%dma_wait3A_2047 : memref<1024xf32, #tpu.memory_space<hbm>>)
        %dma_wait3A_2050 = arith.constant 47 : i32
        %dma_wait3A_2051 = arith.constant 1024 : i32
        %dma_wait3A_2052 = tpu.memref_slice %arg9[%dma_wait3A_2051] : memref<2048xf32, #tpu.memory_space<vmem>> -> memref<1024xf32, #tpu.memory_space<vmem>>
        %dma_wait3A_2053 = tpu.memref_slice %arg4[%dma_wait3A_2050, %sub3A_2040, %mul3A_0] : memref<50x32x16384xf32, #tpu.memory_space<hbm>> -> memref<1x1x1024xf32, #tpu.memory_space<hbm>>
        %dma_wait3A_2054 = tpu.memref_squeeze %dma_wait3A_2053 : memref<1x1x1024xf32, #tpu.memory_space<hbm>> -> memref<1024xf32, #tpu.memory_space<hbm>>
        %dma_wait3A_2055 = tpu.memref_slice %arg4[%dma_wait3A_2050, %sub3A_2040, %mul3A_0] : memref<50x32x16384xf32, #tpu.memory_space<hbm>> -> memref<1x1x1024xf32, #tpu.memory_space<hbm>>
        %dma_wait3A_2056 = tpu.memref_squeeze %dma_wait3A_2055 : memref<1x1x1024xf32, #tpu.memory_space<hbm>> -> memref<1024xf32, #tpu.memory_space<hbm>>
        %dma_wait3A_2057 = arith.constant 1024 : i32
        %dma_wait3A_2058 = tpu.memref_slice %arg9[%dma_wait3A_2057] : memref<2048xf32, #tpu.memory_space<vmem>> -> memref<1024xf32, #tpu.memory_space<vmem>>
        tpu.wait_dma2 semaphore(%arg20 : memref<!tpu.dma_semaphore, #tpu.memory_space<semaphore_mem>>) src(%dma_wait3A_2058 : memref<1024xf32, #tpu.memory_space<vmem>>) dst(%dma_wait3A_2056 : memref<1024xf32, #tpu.memory_space<hbm>>)
      } else {
      }
      %dma_start3A_1036 = arith.constant 6144 : i32
      %dma_start3A_1037 = tpu.memref_slice %arg5[%dma_start3A_1036] : memref<51200xi32, #tpu.memory_space<vmem>> -> memref<2048xi32, #tpu.memory_space<vmem>>
      %dma_start3A_1038 = arith.constant 0 : i32
      %dma_start3A_1039 = tpu.memref_slice %arg11[%dma_start3A_1038] : memref<1000000xf32, #tpu.memory_space<vmem_shared>> -> memref<1000000xf32, #tpu.memory_space<vmem_shared>>
      tpu.enqueue_indirect_dma source(%dma_start3A_1039 : memref<1000000xf32, #tpu.memory_space<vmem_shared>>) target(%arg9 : memref<2048xf32, #tpu.memory_space<vmem>>) offsets(%dma_start3A_1037 : memref<2048xi32, #tpu.memory_space<vmem>>) semaphore(%arg15 : memref<!tpu.dma_semaphore, #tpu.memory_space<semaphore_mem>>)
      %dma_wait3A_1040 = arith.constant 0 : i32
      %dma_wait3A_1041 = tpu.memref_slice %arg5[%dma_wait3A_1040] : memref<51200xi32, #tpu.memory_space<vmem>> -> memref<2048xi32, #tpu.memory_space<vmem>>
      %dma_wait3A_1042 = arith.constant 0 : i32
      %dma_wait3A_1043 = tpu.memref_slice %arg11[%dma_wait3A_1042] : memref<1000000xf32, #tpu.memory_space<vmem_shared>> -> memref<1000000xf32, #tpu.memory_space<vmem_shared>>
      tpu.wait_indirect_dma semaphore(%arg12 : memref<!tpu.dma_semaphore, #tpu.memory_space<semaphore_mem>>) src(%dma_wait3A_1043 : memref<1000000xf32, #tpu.memory_space<vmem_shared>>) dst(%arg6 : memref<2048xf32, #tpu.memory_space<vmem>>)
      %dma_start3A_1044 = arith.constant 0 : i32
      %dma_start3A_1045 = arith.constant 0 : i32
      %dma_start3A_1046 = tpu.memref_slice %arg6[%dma_start3A_1045] : memref<2048xf32, #tpu.memory_space<vmem>> -> memref<1024xf32, #tpu.memory_space<vmem>>
      %dma_start3A_1047 = tpu.memref_slice %arg4[%dma_start3A_1044, %add3A_1001, %mul3A_0] : memref<50x32x16384xf32, #tpu.memory_space<hbm>> -> memref<1x1x1024xf32, #tpu.memory_space<hbm>>
      %dma_start3A_1048 = tpu.memref_squeeze %dma_start3A_1047 : memref<1x1x1024xf32, #tpu.memory_space<hbm>> -> memref<1024xf32, #tpu.memory_space<hbm>>
      %dma_start3A_1049 = tpu.memref_slice %arg4[%dma_start3A_1044, %add3A_1001, %mul3A_0] : memref<50x32x16384xf32, #tpu.memory_space<hbm>> -> memref<1x1x1024xf32, #tpu.memory_space<hbm>>
      %dma_start3A_1050 = tpu.memref_squeeze %dma_start3A_1049 : memref<1x1x1024xf32, #tpu.memory_space<hbm>> -> memref<1024xf32, #tpu.memory_space<hbm>>
      %dma_start3A_1051 = arith.constant 0 : i32
      %dma_start3A_1052 = tpu.memref_slice %arg6[%dma_start3A_1051] : memref<2048xf32, #tpu.memory_space<vmem>> -> memref<1024xf32, #tpu.memory_space<vmem>>
      tpu.enqueue_dma source(%dma_start3A_1052 : memref<1024xf32, #tpu.memory_space<vmem>>) target(%dma_start3A_1050 : memref<1024xf32, #tpu.memory_space<hbm>>) target_semaphore(%arg17 : memref<!tpu.dma_semaphore, #tpu.memory_space<semaphore_mem>>)
      %dma_start3A_1053 = arith.constant 1 : i32
      %dma_start3A_1054 = arith.constant 1024 : i32
      %dma_start3A_1055 = tpu.memref_slice %arg6[%dma_start3A_1054] : memref<2048xf32, #tpu.memory_space<vmem>> -> memref<1024xf32, #tpu.memory_space<vmem>>
      %dma_start3A_1056 = tpu.memref_slice %arg4[%dma_start3A_1053, %add3A_1001, %mul3A_0] : memref<50x32x16384xf32, #tpu.memory_space<hbm>> -> memref<1x1x1024xf32, #tpu.memory_space<hbm>>
      %dma_start3A_1057 = tpu.memref_squeeze %dma_start3A_1056 : memref<1x1x1024xf32, #tpu.memory_space<hbm>> -> memref<1024xf32, #tpu.memory_space<hbm>>
      %dma_start3A_1058 = tpu.memref_slice %arg4[%dma_start3A_1053, %add3A_1001, %mul3A_0] : memref<50x32x16384xf32, #tpu.memory_space<hbm>> -> memref<1x1x1024xf32, #tpu.memory_space<hbm>>
      %dma_start3A_1059 = tpu.memref_squeeze %dma_start3A_1058 : memref<1x1x1024xf32, #tpu.memory_space<hbm>> -> memref<1024xf32, #tpu.memory_space<hbm>>
      %dma_start3A_1060 = arith.constant 1024 : i32
      %dma_start3A_1061 = tpu.memref_slice %arg6[%dma_start3A_1060] : memref<2048xf32, #tpu.memory_space<vmem>> -> memref<1024xf32, #tpu.memory_space<vmem>>
      tpu.enqueue_dma source(%dma_start3A_1061 : memref<1024xf32, #tpu.memory_space<vmem>>) target(%dma_start3A_1059 : memref<1024xf32, #tpu.memory_space<hbm>>) target_semaphore(%arg17 : memref<!tpu.dma_semaphore, #tpu.memory_space<semaphore_mem>>)
      %gt3A_1062 = arith.constant 0 : i32
      %gt3A_1063 = arith.cmpi sgt, %scan3A_998, %gt3A_1062 : i32
      %convert_element_type3A_1064 = arith.extui %gt3A_1063 : i1 to i32
      %cond3A_1065 = arith.constant 0 : i32
      %cond3A_1066 = arith.cmpi ne, %convert_element_type3A_1064, %cond3A_1065 : i32
      scf.if %cond3A_1066 {
        %sub3A_2039 = arith.constant 1 : i32
        %sub3A_2040 = arith.subi %add3A_1001, %sub3A_2039 : i32
        %dma_wait3A_2041 = arith.constant 48 : i32
        %dma_wait3A_2042 = arith.constant 0 : i32
        %dma_wait3A_2043 = tpu.memref_slice %arg10[%dma_wait3A_2042] : memref<2048xf32, #tpu.memory_space<vmem>> -> memref<1024xf32, #tpu.memory_space<vmem>>
        %dma_wait3A_2044 = tpu.memref_slice %arg4[%dma_wait3A_2041, %sub3A_2040, %mul3A_0] : memref<50x32x16384xf32, #tpu.memory_space<hbm>> -> memref<1x1x1024xf32, #tpu.memory_space<hbm>>
        %dma_wait3A_2045 = tpu.memref_squeeze %dma_wait3A_2044 : memref<1x1x1024xf32, #tpu.memory_space<hbm>> -> memref<1024xf32, #tpu.memory_space<hbm>>
        %dma_wait3A_2046 = tpu.memref_slice %arg4[%dma_wait3A_2041, %sub3A_2040, %mul3A_0] : memref<50x32x16384xf32, #tpu.memory_space<hbm>> -> memref<1x1x1024xf32, #tpu.memory_space<hbm>>
        %dma_wait3A_2047 = tpu.memref_squeeze %dma_wait3A_2046 : memref<1x1x1024xf32, #tpu.memory_space<hbm>> -> memref<1024xf32, #tpu.memory_space<hbm>>
        %dma_wait3A_2048 = arith.constant 0 : i32
        %dma_wait3A_2049 = tpu.memref_slice %arg10[%dma_wait3A_2048] : memref<2048xf32, #tpu.memory_space<vmem>> -> memref<1024xf32, #tpu.memory_space<vmem>>
        tpu.wait_dma2 semaphore(%arg21 : memref<!tpu.dma_semaphore, #tpu.memory_space<semaphore_mem>>) src(%dma_wait3A_2049 : memref<1024xf32, #tpu.memory_space<vmem>>) dst(%dma_wait3A_2047 : memref<1024xf32, #tpu.memory_space<hbm>>)
        %dma_wait3A_2050 = arith.constant 49 : i32
        %dma_wait3A_2051 = arith.constant 1024 : i32
        %dma_wait3A_2052 = tpu.memref_slice %arg10[%dma_wait3A_2051] : memref<2048xf32, #tpu.memory_space<vmem>> -> memref<1024xf32, #tpu.memory_space<vmem>>
        %dma_wait3A_2053 = tpu.memref_slice %arg4[%dma_wait3A_2050, %sub3A_2040, %mul3A_0] : memref<50x32x16384xf32, #tpu.memory_space<hbm>> -> memref<1x1x1024xf32, #tpu.memory_space<hbm>>
        %dma_wait3A_2054 = tpu.memref_squeeze %dma_wait3A_2053 : memref<1x1x1024xf32, #tpu.memory_space<hbm>> -> memref<1024xf32, #tpu.memory_space<hbm>>
        %dma_wait3A_2055 = tpu.memref_slice %arg4[%dma_wait3A_2050, %sub3A_2040, %mul3A_0] : memref<50x32x16384xf32, #tpu.memory_space<hbm>> -> memref<1x1x1024xf32, #tpu.memory_space<hbm>>
        %dma_wait3A_2056 = tpu.memref_squeeze %dma_wait3A_2055 : memref<1x1x1024xf32, #tpu.memory_space<hbm>> -> memref<1024xf32, #tpu.memory_space<hbm>>
        %dma_wait3A_2057 = arith.constant 1024 : i32
        %dma_wait3A_2058 = tpu.memref_slice %arg10[%dma_wait3A_2057] : memref<2048xf32, #tpu.memory_space<vmem>> -> memref<1024xf32, #tpu.memory_space<vmem>>
        tpu.wait_dma2 semaphore(%arg21 : memref<!tpu.dma_semaphore, #tpu.memory_space<semaphore_mem>>) src(%dma_wait3A_2058 : memref<1024xf32, #tpu.memory_space<vmem>>) dst(%dma_wait3A_2056 : memref<1024xf32, #tpu.memory_space<hbm>>)
      } else {
      }
      %dma_start3A_1067 = arith.constant 8192 : i32
      %dma_start3A_1068 = tpu.memref_slice %arg5[%dma_start3A_1067] : memref<51200xi32, #tpu.memory_space<vmem>> -> memref<2048xi32, #tpu.memory_space<vmem>>
      %dma_start3A_1069 = arith.constant 0 : i32
      %dma_start3A_1070 = tpu.memref_slice %arg11[%dma_start3A_1069] : memref<1000000xf32, #tpu.memory_space<vmem_shared>> -> memref<1000000xf32, #tpu.memory_space<vmem_shared>>
      tpu.enqueue_indirect_dma source(%dma_start3A_1070 : memref<1000000xf32, #tpu.memory_space<vmem_shared>>) target(%arg10 : memref<2048xf32, #tpu.memory_space<vmem>>) offsets(%dma_start3A_1068 : memref<2048xi32, #tpu.memory_space<vmem>>) semaphore(%arg16 : memref<!tpu.dma_semaphore, #tpu.memory_space<semaphore_mem>>)
      %dma_wait3A_1071 = arith.constant 2048 : i32
      %dma_wait3A_1072 = tpu.memref_slice %arg5[%dma_wait3A_1071] : memref<51200xi32, #tpu.memory_space<vmem>> -> memref<2048xi32, #tpu.memory_space<vmem>>
      %dma_wait3A_1073 = arith.constant 0 : i32
      %dma_wait3A_1074 = tpu.memref_slice %arg11[%dma_wait3A_1073] : memref<1000000xf32, #tpu.memory_space<vmem_shared>> -> memref<1000000xf32, #tpu.memory_space<vmem_shared>>
      tpu.wait_indirect_dma semaphore(%arg13 : memref<!tpu.dma_semaphore, #tpu.memory_space<semaphore_mem>>) src(%dma_wait3A_1074 : memref<1000000xf32, #tpu.memory_space<vmem_shared>>) dst(%arg7 : memref<2048xf32, #tpu.memory_space<vmem>>)
      %dma_start3A_1075 = arith.constant 2 : i32
      %dma_start3A_1076 = arith.constant 0 : i32
      %dma_start3A_1077 = tpu.memref_slice %arg7[%dma_start3A_1076] : memref<2048xf32, #tpu.memory_space<vmem>> -> memref<1024xf32, #tpu.memory_space<vmem>>
      %dma_start3A_1078 = tpu.memref_slice %arg4[%dma_start3A_1075, %add3A_1001, %mul3A_0] : memref<50x32x16384xf32, #tpu.memory_space<hbm>> -> memref<1x1x1024xf32, #tpu.memory_space<hbm>>
      %dma_start3A_1079 = tpu.memref_squeeze %dma_start3A_1078 : memref<1x1x1024xf32, #tpu.memory_space<hbm>> -> memref<1024xf32, #tpu.memory_space<hbm>>
      %dma_start3A_1080 = tpu.memref_slice %arg4[%dma_start3A_1075, %add3A_1001, %mul3A_0] : memref<50x32x16384xf32, #tpu.memory_space<hbm>> -> memref<1x1x1024xf32, #tpu.memory_space<hbm>>
      %dma_start3A_1081 = tpu.memref_squeeze %dma_start3A_1080 : memref<1x1x1024xf32, #tpu.memory_space<hbm>> -> memref<1024xf32, #tpu.memory_space<hbm>>
      %dma_start3A_1082 = arith.constant 0 : i32
      %dma_start3A_1083 = tpu.memref_slice %arg7[%dma_start3A_1082] : memref<2048xf32, #tpu.memory_space<vmem>> -> memref<1024xf32, #tpu.memory_space<vmem>>
      tpu.enqueue_dma source(%dma_start3A_1083 : memref<1024xf32, #tpu.memory_space<vmem>>) target(%dma_start3A_1081 : memref<1024xf32, #tpu.memory_space<hbm>>) target_semaphore(%arg18 : memref<!tpu.dma_semaphore, #tpu.memory_space<semaphore_mem>>)
      %dma_start3A_1084 = arith.constant 3 : i32
      %dma_start3A_1085 = arith.constant 1024 : i32
      %dma_start3A_1086 = tpu.memref_slice %arg7[%dma_start3A_1085] : memref<2048xf32, #tpu.memory_space<vmem>> -> memref<1024xf32, #tpu.memory_space<vmem>>
      %dma_start3A_1087 = tpu.memref_slice %arg4[%dma_start3A_1084, %add3A_1001, %mul3A_0] : memref<50x32x16384xf32, #tpu.memory_space<hbm>> -> memref<1x1x1024xf32, #tpu.memory_space<hbm>>
      %dma_start3A_1088 = tpu.memref_squeeze %dma_start3A_1087 : memref<1x1x1024xf32, #tpu.memory_space<hbm>> -> memref<1024xf32, #tpu.memory_space<hbm>>
      %dma_start3A_1089 = tpu.memref_slice %arg4[%dma_start3A_1084, %add3A_1001, %mul3A_0] : memref<50x32x16384xf32, #tpu.memory_space<hbm>> -> memref<1x1x1024xf32, #tpu.memory_space<hbm>>
      %dma_start3A_1090 = tpu.memref_squeeze %dma_start3A_1089 : memref<1x1x1024xf32, #tpu.memory_space<hbm>> -> memref<1024xf32, #tpu.memory_space<hbm>>
      %dma_start3A_1091 = arith.constant 1024 : i32
      %dma_start3A_1092 = tpu.memref_slice %arg7[%dma_start3A_1091] : memref<2048xf32, #tpu.memory_space<vmem>> -> memref<1024xf32, #tpu.memory_space<vmem>>
      tpu.enqueue_dma source(%dma_start3A_1092 : memref<1024xf32, #tpu.memory_space<vmem>>) target(%dma_start3A_1090 : memref<1024xf32, #tpu.memory_space<hbm>>) target_semaphore(%arg18 : memref<!tpu.dma_semaphore, #tpu.memory_space<semaphore_mem>>)
      %dma_wait3A_1093 = arith.constant 0 : i32
      %dma_wait3A_1094 = arith.constant 0 : i32
      %dma_wait3A_1095 = tpu.memref_slice %arg6[%dma_wait3A_1094] : memref<2048xf32, #tpu.memory_space<vmem>> -> memref<1024xf32, #tpu.memory_space<vmem>>
      %dma_wait3A_1096 = tpu.memref_slice %arg4[%dma_wait3A_1093, %add3A_1001, %mul3A_0] : memref<50x32x16384xf32, #tpu.memory_space<hbm>> -> memref<1x1x1024xf32, #tpu.memory_space<hbm>>
      %dma_wait3A_1097 = tpu.memref_squeeze %dma_wait3A_1096 : memref<1x1x1024xf32, #tpu.memory_space<hbm>> -> memref<1024xf32, #tpu.memory_space<hbm>>
      %dma_wait3A_1098 = tpu.memref_slice %arg4[%dma_wait3A_1093, %add3A_1001, %mul3A_0] : memref<50x32x16384xf32, #tpu.memory_space<hbm>> -> memref<1x1x1024xf32, #tpu.memory_space<hbm>>
      %dma_wait3A_1099 = tpu.memref_squeeze %dma_wait3A_1098 : memref<1x1x1024xf32, #tpu.memory_space<hbm>> -> memref<1024xf32, #tpu.memory_space<hbm>>
      %dma_wait3A_1100 = arith.constant 0 : i32
      %dma_wait3A_1101 = tpu.memref_slice %arg6[%dma_wait3A_1100] : memref<2048xf32, #tpu.memory_space<vmem>> -> memref<1024xf32, #tpu.memory_space<vmem>>
      tpu.wait_dma2 semaphore(%arg17 : memref<!tpu.dma_semaphore, #tpu.memory_space<semaphore_mem>>) src(%dma_wait3A_1101 : memref<1024xf32, #tpu.memory_space<vmem>>) dst(%dma_wait3A_1099 : memref<1024xf32, #tpu.memory_space<hbm>>)
      %dma_wait3A_1102 = arith.constant 1 : i32
      %dma_wait3A_1103 = arith.constant 1024 : i32
      %dma_wait3A_1104 = tpu.memref_slice %arg6[%dma_wait3A_1103] : memref<2048xf32, #tpu.memory_space<vmem>> -> memref<1024xf32, #tpu.memory_space<vmem>>
      %dma_wait3A_1105 = tpu.memref_slice %arg4[%dma_wait3A_1102, %add3A_1001, %mul3A_0] : memref<50x32x16384xf32, #tpu.memory_space<hbm>> -> memref<1x1x1024xf32, #tpu.memory_space<hbm>>
      %dma_wait3A_1106 = tpu.memref_squeeze %dma_wait3A_1105 : memref<1x1x1024xf32, #tpu.memory_space<hbm>> -> memref<1024xf32, #tpu.memory_space<hbm>>
      %dma_wait3A_1107 = tpu.memref_slice %arg4[%dma_wait3A_1102, %add3A_1001, %mul3A_0] : memref<50x32x16384xf32, #tpu.memory_space<hbm>> -> memref<1x1x1024xf32, #tpu.memory_space<hbm>>
      %dma_wait3A_1108 = tpu.memref_squeeze %dma_wait3A_1107 : memref<1x1x1024xf32, #tpu.memory_space<hbm>> -> memref<1024xf32, #tpu.memory_space<hbm>>
      %dma_wait3A_1109 = arith.constant 1024 : i32
      %dma_wait3A_1110 = tpu.memref_slice %arg6[%dma_wait3A_1109] : memref<2048xf32, #tpu.memory_space<vmem>> -> memref<1024xf32, #tpu.memory_space<vmem>>
      tpu.wait_dma2 semaphore(%arg17 : memref<!tpu.dma_semaphore, #tpu.memory_space<semaphore_mem>>) src(%dma_wait3A_1110 : memref<1024xf32, #tpu.memory_space<vmem>>) dst(%dma_wait3A_1108 : memref<1024xf32, #tpu.memory_space<hbm>>)
      %dma_start3A_1111 = arith.constant 10240 : i32
      %dma_start3A_1112 = tpu.memref_slice %arg5[%dma_start3A_1111] : memref<51200xi32, #tpu.memory_space<vmem>> -> memref<2048xi32, #tpu.memory_space<vmem>>
      %dma_start3A_1113 = arith.constant 0 : i32
      %dma_start3A_1114 = tpu.memref_slice %arg11[%dma_start3A_1113] : memref<1000000xf32, #tpu.memory_space<vmem_shared>> -> memref<1000000xf32, #tpu.memory_space<vmem_shared>>
      tpu.enqueue_indirect_dma source(%dma_start3A_1114 : memref<1000000xf32, #tpu.memory_space<vmem_shared>>) target(%arg6 : memref<2048xf32, #tpu.memory_space<vmem>>) offsets(%dma_start3A_1112 : memref<2048xi32, #tpu.memory_space<vmem>>) semaphore(%arg12 : memref<!tpu.dma_semaphore, #tpu.memory_space<semaphore_mem>>)
      %dma_wait3A_1115 = arith.constant 4096 : i32
      %dma_wait3A_1116 = tpu.memref_slice %arg5[%dma_wait3A_1115] : memref<51200xi32, #tpu.memory_space<vmem>> -> memref<2048xi32, #tpu.memory_space<vmem>>
      %dma_wait3A_1117 = arith.constant 0 : i32
      %dma_wait3A_1118 = tpu.memref_slice %arg11[%dma_wait3A_1117] : memref<1000000xf32, #tpu.memory_space<vmem_shared>> -> memref<1000000xf32, #tpu.memory_space<vmem_shared>>
      tpu.wait_indirect_dma semaphore(%arg14 : memref<!tpu.dma_semaphore, #tpu.memory_space<semaphore_mem>>) src(%dma_wait3A_1118 : memref<1000000xf32, #tpu.memory_space<vmem_shared>>) dst(%arg8 : memref<2048xf32, #tpu.memory_space<vmem>>)
      %dma_start3A_1119 = arith.constant 4 : i32
      %dma_start3A_1120 = arith.constant 0 : i32
      %dma_start3A_1121 = tpu.memref_slice %arg8[%dma_start3A_1120] : memref<2048xf32, #tpu.memory_space<vmem>> -> memref<1024xf32, #tpu.memory_space<vmem>>
      %dma_start3A_1122 = tpu.memref_slice %arg4[%dma_start3A_1119, %add3A_1001, %mul3A_0] : memref<50x32x16384xf32, #tpu.memory_space<hbm>> -> memref<1x1x1024xf32, #tpu.memory_space<hbm>>
      %dma_start3A_1123 = tpu.memref_squeeze %dma_start3A_1122 : memref<1x1x1024xf32, #tpu.memory_space<hbm>> -> memref<1024xf32, #tpu.memory_space<hbm>>
      %dma_start3A_1124 = tpu.memref_slice %arg4[%dma_start3A_1119, %add3A_1001, %mul3A_0] : memref<50x32x16384xf32, #tpu.memory_space<hbm>> -> memref<1x1x1024xf32, #tpu.memory_space<hbm>>
      %dma_start3A_1125 = tpu.memref_squeeze %dma_start3A_1124 : memref<1x1x1024xf32, #tpu.memory_space<hbm>> -> memref<1024xf32, #tpu.memory_space<hbm>>
      %dma_start3A_1126 = arith.constant 0 : i32
      %dma_start3A_1127 = tpu.memref_slice %arg8[%dma_start3A_1126] : memref<2048xf32, #tpu.memory_space<vmem>> -> memref<1024xf32, #tpu.memory_space<vmem>>
      tpu.enqueue_dma source(%dma_start3A_1127 : memref<1024xf32, #tpu.memory_space<vmem>>) target(%dma_start3A_1125 : memref<1024xf32, #tpu.memory_space<hbm>>) target_semaphore(%arg19 : memref<!tpu.dma_semaphore, #tpu.memory_space<semaphore_mem>>)
      %dma_start3A_1128 = arith.constant 5 : i32
      %dma_start3A_1129 = arith.constant 1024 : i32
      %dma_start3A_1130 = tpu.memref_slice %arg8[%dma_start3A_1129] : memref<2048xf32, #tpu.memory_space<vmem>> -> memref<1024xf32, #tpu.memory_space<vmem>>
      %dma_start3A_1131 = tpu.memref_slice %arg4[%dma_start3A_1128, %add3A_1001, %mul3A_0] : memref<50x32x16384xf32, #tpu.memory_space<hbm>> -> memref<1x1x1024xf32, #tpu.memory_space<hbm>>
      %dma_start3A_1132 = tpu.memref_squeeze %dma_start3A_1131 : memref<1x1x1024xf32, #tpu.memory_space<hbm>> -> memref<1024xf32, #tpu.memory_space<hbm>>
      %dma_start3A_1133 = tpu.memref_slice %arg4[%dma_start3A_1128, %add3A_1001, %mul3A_0] : memref<50x32x16384xf32, #tpu.memory_space<hbm>> -> memref<1x1x1024xf32, #tpu.memory_space<hbm>>
      %dma_start3A_1134 = tpu.memref_squeeze %dma_start3A_1133 : memref<1x1x1024xf32, #tpu.memory_space<hbm>> -> memref<1024xf32, #tpu.memory_space<hbm>>
      %dma_start3A_1135 = arith.constant 1024 : i32
      %dma_start3A_1136 = tpu.memref_slice %arg8[%dma_start3A_1135] : memref<2048xf32, #tpu.memory_space<vmem>> -> memref<1024xf32, #tpu.memory_space<vmem>>
      tpu.enqueue_dma source(%dma_start3A_1136 : memref<1024xf32, #tpu.memory_space<vmem>>) target(%dma_start3A_1134 : memref<1024xf32, #tpu.memory_space<hbm>>) target_semaphore(%arg19 : memref<!tpu.dma_semaphore, #tpu.memory_space<semaphore_mem>>)
      %dma_wait3A_1137 = arith.constant 2 : i32
      %dma_wait3A_1138 = arith.constant 0 : i32
      %dma_wait3A_1139 = tpu.memref_slice %arg7[%dma_wait3A_1138] : memref<2048xf32, #tpu.memory_space<vmem>> -> memref<1024xf32, #tpu.memory_space<vmem>>
      %dma_wait3A_1140 = tpu.memref_slice %arg4[%dma_wait3A_1137, %add3A_1001, %mul3A_0] : memref<50x32x16384xf32, #tpu.memory_space<hbm>> -> memref<1x1x1024xf32, #tpu.memory_space<hbm>>
      %dma_wait3A_1141 = tpu.memref_squeeze %dma_wait3A_1140 : memref<1x1x1024xf32, #tpu.memory_space<hbm>> -> memref<1024xf32, #tpu.memory_space<hbm>>
      %dma_wait3A_1142 = tpu.memref_slice %arg4[%dma_wait3A_1137, %add3A_1001, %mul3A_0] : memref<50x32x16384xf32, #tpu.memory_space<hbm>> -> memref<1x1x1024xf32, #tpu.memory_space<hbm>>
      %dma_wait3A_1143 = tpu.memref_squeeze %dma_wait3A_1142 : memref<1x1x1024xf32, #tpu.memory_space<hbm>> -> memref<1024xf32, #tpu.memory_space<hbm>>
      %dma_wait3A_1144 = arith.constant 0 : i32
      %dma_wait3A_1145 = tpu.memref_slice %arg7[%dma_wait3A_1144] : memref<2048xf32, #tpu.memory_space<vmem>> -> memref<1024xf32, #tpu.memory_space<vmem>>
      tpu.wait_dma2 semaphore(%arg18 : memref<!tpu.dma_semaphore, #tpu.memory_space<semaphore_mem>>) src(%dma_wait3A_1145 : memref<1024xf32, #tpu.memory_space<vmem>>) dst(%dma_wait3A_1143 : memref<1024xf32, #tpu.memory_space<hbm>>)
      %dma_wait3A_1146 = arith.constant 3 : i32
      %dma_wait3A_1147 = arith.constant 1024 : i32
      %dma_wait3A_1148 = tpu.memref_slice %arg7[%dma_wait3A_1147] : memref<2048xf32, #tpu.memory_space<vmem>> -> memref<1024xf32, #tpu.memory_space<vmem>>
      %dma_wait3A_1149 = tpu.memref_slice %arg4[%dma_wait3A_1146, %add3A_1001, %mul3A_0] : memref<50x32x16384xf32, #tpu.memory_space<hbm>> -> memref<1x1x1024xf32, #tpu.memory_space<hbm>>
      %dma_wait3A_1150 = tpu.memref_squeeze %dma_wait3A_1149 : memref<1x1x1024xf32, #tpu.memory_space<hbm>> -> memref<1024xf32, #tpu.memory_space<hbm>>
      %dma_wait3A_1151 = tpu.memref_slice %arg4[%dma_wait3A_1146, %add3A_1001, %mul3A_0] : memref<50x32x16384xf32, #tpu.memory_space<hbm>> -> memref<1x1x1024xf32, #tpu.memory_space<hbm>>
      %dma_wait3A_1152 = tpu.memref_squeeze %dma_wait3A_1151 : memref<1x1x1024xf32, #tpu.memory_space<hbm>> -> memref<1024xf32, #tpu.memory_space<hbm>>
      %dma_wait3A_1153 = arith.constant 1024 : i32
      %dma_wait3A_1154 = tpu.memref_slice %arg7[%dma_wait3A_1153] : memref<2048xf32, #tpu.memory_space<vmem>> -> memref<1024xf32, #tpu.memory_space<vmem>>
      tpu.wait_dma2 semaphore(%arg18 : memref<!tpu.dma_semaphore, #tpu.memory_space<semaphore_mem>>) src(%dma_wait3A_1154 : memref<1024xf32, #tpu.memory_space<vmem>>) dst(%dma_wait3A_1152 : memref<1024xf32, #tpu.memory_space<hbm>>)
      %dma_start3A_1155 = arith.constant 12288 : i32
      %dma_start3A_1156 = tpu.memref_slice %arg5[%dma_start3A_1155] : memref<51200xi32, #tpu.memory_space<vmem>> -> memref<2048xi32, #tpu.memory_space<vmem>>
      %dma_start3A_1157 = arith.constant 0 : i32
      %dma_start3A_1158 = tpu.memref_slice %arg11[%dma_start3A_1157] : memref<1000000xf32, #tpu.memory_space<vmem_shared>> -> memref<1000000xf32, #tpu.memory_space<vmem_shared>>
      tpu.enqueue_indirect_dma source(%dma_start3A_1158 : memref<1000000xf32, #tpu.memory_space<vmem_shared>>) target(%arg7 : memref<2048xf32, #tpu.memory_space<vmem>>) offsets(%dma_start3A_1156 : memref<2048xi32, #tpu.memory_space<vmem>>) semaphore(%arg13 : memref<!tpu.dma_semaphore, #tpu.memory_space<semaphore_mem>>)
      %dma_wait3A_1159 = arith.constant 6144 : i32
      %dma_wait3A_1160 = tpu.memref_slice %arg5[%dma_wait3A_1159] : memref<51200xi32, #tpu.memory_space<vmem>> -> memref<2048xi32, #tpu.memory_space<vmem>>
      %dma_wait3A_1161 = arith.constant 0 : i32
      %dma_wait3A_1162 = tpu.memref_slice %arg11[%dma_wait3A_1161] : memref<1000000xf32, #tpu.memory_space<vmem_shared>> -> memref<1000000xf32, #tpu.memory_space<vmem_shared>>
      tpu.wait_indirect_dma semaphore(%arg15 : memref<!tpu.dma_semaphore, #tpu.memory_space<semaphore_mem>>) src(%dma_wait3A_1162 : memref<1000000xf32, #tpu.memory_space<vmem_shared>>) dst(%arg9 : memref<2048xf32, #tpu.memory_space<vmem>>)
      %dma_start3A_1163 = arith.constant 6 : i32
      %dma_start3A_1164 = arith.constant 0 : i32
      %dma_start3A_1165 = tpu.memref_slice %arg9[%dma_start3A_1164] : memref<2048xf32, #tpu.memory_space<vmem>> -> memref<1024xf32, #tpu.memory_space<vmem>>
      %dma_start3A_1166 = tpu.memref_slice %arg4[%dma_start3A_1163, %add3A_1001, %mul3A_0] : memref<50x32x16384xf32, #tpu.memory_space<hbm>> -> memref<1x1x1024xf32, #tpu.memory_space<hbm>>
      %dma_start3A_1167 = tpu.memref_squeeze %dma_start3A_1166 : memref<1x1x1024xf32, #tpu.memory_space<hbm>> -> memref<1024xf32, #tpu.memory_space<hbm>>
      %dma_start3A_1168 = tpu.memref_slice %arg4[%dma_start3A_1163, %add3A_1001, %mul3A_0] : memref<50x32x16384xf32, #tpu.memory_space<hbm>> -> memref<1x1x1024xf32, #tpu.memory_space<hbm>>
      %dma_start3A_1169 = tpu.memref_squeeze %dma_start3A_1168 : memref<1x1x1024xf32, #tpu.memory_space<hbm>> -> memref<1024xf32, #tpu.memory_space<hbm>>
      %dma_start3A_1170 = arith.constant 0 : i32
      %dma_start3A_1171 = tpu.memref_slice %arg9[%dma_start3A_1170] : memref<2048xf32, #tpu.memory_space<vmem>> -> memref<1024xf32, #tpu.memory_space<vmem>>
      tpu.enqueue_dma source(%dma_start3A_1171 : memref<1024xf32, #tpu.memory_space<vmem>>) target(%dma_start3A_1169 : memref<1024xf32, #tpu.memory_space<hbm>>) target_semaphore(%arg20 : memref<!tpu.dma_semaphore, #tpu.memory_space<semaphore_mem>>)
      %dma_start3A_1172 = arith.constant 7 : i32
      %dma_start3A_1173 = arith.constant 1024 : i32
      %dma_start3A_1174 = tpu.memref_slice %arg9[%dma_start3A_1173] : memref<2048xf32, #tpu.memory_space<vmem>> -> memref<1024xf32, #tpu.memory_space<vmem>>
      %dma_start3A_1175 = tpu.memref_slice %arg4[%dma_start3A_1172, %add3A_1001, %mul3A_0] : memref<50x32x16384xf32, #tpu.memory_space<hbm>> -> memref<1x1x1024xf32, #tpu.memory_space<hbm>>
      %dma_start3A_1176 = tpu.memref_squeeze %dma_start3A_1175 : memref<1x1x1024xf32, #tpu.memory_space<hbm>> -> memref<1024xf32, #tpu.memory_space<hbm>>
      %dma_start3A_1177 = tpu.memref_slice %arg4[%dma_start3A_1172, %add3A_1001, %mul3A_0] : memref<50x32x16384xf32, #tpu.memory_space<hbm>> -> memref<1x1x1024xf32, #tpu.memory_space<hbm>>
      %dma_start3A_1178 = tpu.memref_squeeze %dma_start3A_1177 : memref<1x1x1024xf32, #tpu.memory_space<hbm>> -> memref<1024xf32, #tpu.memory_space<hbm>>
      %dma_start3A_1179 = arith.constant 1024 : i32
      %dma_start3A_1180 = tpu.memref_slice %arg9[%dma_start3A_1179] : memref<2048xf32, #tpu.memory_space<vmem>> -> memref<1024xf32, #tpu.memory_space<vmem>>
      tpu.enqueue_dma source(%dma_start3A_1180 : memref<1024xf32, #tpu.memory_space<vmem>>) target(%dma_start3A_1178 : memref<1024xf32, #tpu.memory_space<hbm>>) target_semaphore(%arg20 : memref<!tpu.dma_semaphore, #tpu.memory_space<semaphore_mem>>)
      %dma_wait3A_1181 = arith.constant 4 : i32
      %dma_wait3A_1182 = arith.constant 0 : i32
      %dma_wait3A_1183 = tpu.memref_slice %arg8[%dma_wait3A_1182] : memref<2048xf32, #tpu.memory_space<vmem>> -> memref<1024xf32, #tpu.memory_space<vmem>>
      %dma_wait3A_1184 = tpu.memref_slice %arg4[%dma_wait3A_1181, %add3A_1001, %mul3A_0] : memref<50x32x16384xf32, #tpu.memory_space<hbm>> -> memref<1x1x1024xf32, #tpu.memory_space<hbm>>
      %dma_wait3A_1185 = tpu.memref_squeeze %dma_wait3A_1184 : memref<1x1x1024xf32, #tpu.memory_space<hbm>> -> memref<1024xf32, #tpu.memory_space<hbm>>
      %dma_wait3A_1186 = tpu.memref_slice %arg4[%dma_wait3A_1181, %add3A_1001, %mul3A_0] : memref<50x32x16384xf32, #tpu.memory_space<hbm>> -> memref<1x1x1024xf32, #tpu.memory_space<hbm>>
      %dma_wait3A_1187 = tpu.memref_squeeze %dma_wait3A_1186 : memref<1x1x1024xf32, #tpu.memory_space<hbm>> -> memref<1024xf32, #tpu.memory_space<hbm>>
      %dma_wait3A_1188 = arith.constant 0 : i32
      %dma_wait3A_1189 = tpu.memref_slice %arg8[%dma_wait3A_1188] : memref<2048xf32, #tpu.memory_space<vmem>> -> memref<1024xf32, #tpu.memory_space<vmem>>
      tpu.wait_dma2 semaphore(%arg19 : memref<!tpu.dma_semaphore, #tpu.memory_space<semaphore_mem>>) src(%dma_wait3A_1189 : memref<1024xf32, #tpu.memory_space<vmem>>) dst(%dma_wait3A_1187 : memref<1024xf32, #tpu.memory_space<hbm>>)
      %dma_wait3A_1190 = arith.constant 5 : i32
      %dma_wait3A_1191 = arith.constant 1024 : i32
      %dma_wait3A_1192 = tpu.memref_slice %arg8[%dma_wait3A_1191] : memref<2048xf32, #tpu.memory_space<vmem>> -> memref<1024xf32, #tpu.memory_space<vmem>>
      %dma_wait3A_1193 = tpu.memref_slice %arg4[%dma_wait3A_1190, %add3A_1001, %mul3A_0] : memref<50x32x16384xf32, #tpu.memory_space<hbm>> -> memref<1x1x1024xf32, #tpu.memory_space<hbm>>
      %dma_wait3A_1194 = tpu.memref_squeeze %dma_wait3A_1193 : memref<1x1x1024xf32, #tpu.memory_space<hbm>> -> memref<1024xf32, #tpu.memory_space<hbm>>
      %dma_wait3A_1195 = tpu.memref_slice %arg4[%dma_wait3A_1190, %add3A_1001, %mul3A_0] : memref<50x32x16384xf32, #tpu.memory_space<hbm>> -> memref<1x1x1024xf32, #tpu.memory_space<hbm>>
      %dma_wait3A_1196 = tpu.memref_squeeze %dma_wait3A_1195 : memref<1x1x1024xf32, #tpu.memory_space<hbm>> -> memref<1024xf32, #tpu.memory_space<hbm>>
      %dma_wait3A_1197 = arith.constant 1024 : i32
      %dma_wait3A_1198 = tpu.memref_slice %arg8[%dma_wait3A_1197] : memref<2048xf32, #tpu.memory_space<vmem>> -> memref<1024xf32, #tpu.memory_space<vmem>>
      tpu.wait_dma2 semaphore(%arg19 : memref<!tpu.dma_semaphore, #tpu.memory_space<semaphore_mem>>) src(%dma_wait3A_1198 : memref<1024xf32, #tpu.memory_space<vmem>>) dst(%dma_wait3A_1196 : memref<1024xf32, #tpu.memory_space<hbm>>)
      %dma_start3A_1199 = arith.constant 14336 : i32
      %dma_start3A_1200 = tpu.memref_slice %arg5[%dma_start3A_1199] : memref<51200xi32, #tpu.memory_space<vmem>> -> memref<2048xi32, #tpu.memory_space<vmem>>
      %dma_start3A_1201 = arith.constant 0 : i32
      %dma_start3A_1202 = tpu.memref_slice %arg11[%dma_start3A_1201] : memref<1000000xf32, #tpu.memory_space<vmem_shared>> -> memref<1000000xf32, #tpu.memory_space<vmem_shared>>
      tpu.enqueue_indirect_dma source(%dma_start3A_1202 : memref<1000000xf32, #tpu.memory_space<vmem_shared>>) target(%arg8 : memref<2048xf32, #tpu.memory_space<vmem>>) offsets(%dma_start3A_1200 : memref<2048xi32, #tpu.memory_space<vmem>>) semaphore(%arg14 : memref<!tpu.dma_semaphore, #tpu.memory_space<semaphore_mem>>)
      %dma_wait3A_1203 = arith.constant 8192 : i32
      %dma_wait3A_1204 = tpu.memref_slice %arg5[%dma_wait3A_1203] : memref<51200xi32, #tpu.memory_space<vmem>> -> memref<2048xi32, #tpu.memory_space<vmem>>
      %dma_wait3A_1205 = arith.constant 0 : i32
      %dma_wait3A_1206 = tpu.memref_slice %arg11[%dma_wait3A_1205] : memref<1000000xf32, #tpu.memory_space<vmem_shared>> -> memref<1000000xf32, #tpu.memory_space<vmem_shared>>
      tpu.wait_indirect_dma semaphore(%arg16 : memref<!tpu.dma_semaphore, #tpu.memory_space<semaphore_mem>>) src(%dma_wait3A_1206 : memref<1000000xf32, #tpu.memory_space<vmem_shared>>) dst(%arg10 : memref<2048xf32, #tpu.memory_space<vmem>>)
      %dma_start3A_1207 = arith.constant 8 : i32
      %dma_start3A_1208 = arith.constant 0 : i32
      %dma_start3A_1209 = tpu.memref_slice %arg10[%dma_start3A_1208] : memref<2048xf32, #tpu.memory_space<vmem>> -> memref<1024xf32, #tpu.memory_space<vmem>>
      %dma_start3A_1210 = tpu.memref_slice %arg4[%dma_start3A_1207, %add3A_1001, %mul3A_0] : memref<50x32x16384xf32, #tpu.memory_space<hbm>> -> memref<1x1x1024xf32, #tpu.memory_space<hbm>>
      %dma_start3A_1211 = tpu.memref_squeeze %dma_start3A_1210 : memref<1x1x1024xf32, #tpu.memory_space<hbm>> -> memref<1024xf32, #tpu.memory_space<hbm>>
      %dma_start3A_1212 = tpu.memref_slice %arg4[%dma_start3A_1207, %add3A_1001, %mul3A_0] : memref<50x32x16384xf32, #tpu.memory_space<hbm>> -> memref<1x1x1024xf32, #tpu.memory_space<hbm>>
      %dma_start3A_1213 = tpu.memref_squeeze %dma_start3A_1212 : memref<1x1x1024xf32, #tpu.memory_space<hbm>> -> memref<1024xf32, #tpu.memory_space<hbm>>
      %dma_start3A_1214 = arith.constant 0 : i32
      %dma_start3A_1215 = tpu.memref_slice %arg10[%dma_start3A_1214] : memref<2048xf32, #tpu.memory_space<vmem>> -> memref<1024xf32, #tpu.memory_space<vmem>>
      tpu.enqueue_dma source(%dma_start3A_1215 : memref<1024xf32, #tpu.memory_space<vmem>>) target(%dma_start3A_1213 : memref<1024xf32, #tpu.memory_space<hbm>>) target_semaphore(%arg21 : memref<!tpu.dma_semaphore, #tpu.memory_space<semaphore_mem>>)
      %dma_start3A_1216 = arith.constant 9 : i32
      %dma_start3A_1217 = arith.constant 1024 : i32
      %dma_start3A_1218 = tpu.memref_slice %arg10[%dma_start3A_1217] : memref<2048xf32, #tpu.memory_space<vmem>> -> memref<1024xf32, #tpu.memory_space<vmem>>
      %dma_start3A_1219 = tpu.memref_slice %arg4[%dma_start3A_1216, %add3A_1001, %mul3A_0] : memref<50x32x16384xf32, #tpu.memory_space<hbm>> -> memref<1x1x1024xf32, #tpu.memory_space<hbm>>
      %dma_start3A_1220 = tpu.memref_squeeze %dma_start3A_1219 : memref<1x1x1024xf32, #tpu.memory_space<hbm>> -> memref<1024xf32, #tpu.memory_space<hbm>>
      %dma_start3A_1221 = tpu.memref_slice %arg4[%dma_start3A_1216, %add3A_1001, %mul3A_0] : memref<50x32x16384xf32, #tpu.memory_space<hbm>> -> memref<1x1x1024xf32, #tpu.memory_space<hbm>>
      %dma_start3A_1222 = tpu.memref_squeeze %dma_start3A_1221 : memref<1x1x1024xf32, #tpu.memory_space<hbm>> -> memref<1024xf32, #tpu.memory_space<hbm>>
      %dma_start3A_1223 = arith.constant 1024 : i32
      %dma_start3A_1224 = tpu.memref_slice %arg10[%dma_start3A_1223] : memref<2048xf32, #tpu.memory_space<vmem>> -> memref<1024xf32, #tpu.memory_space<vmem>>
      tpu.enqueue_dma source(%dma_start3A_1224 : memref<1024xf32, #tpu.memory_space<vmem>>) target(%dma_start3A_1222 : memref<1024xf32, #tpu.memory_space<hbm>>) target_semaphore(%arg21 : memref<!tpu.dma_semaphore, #tpu.memory_space<semaphore_mem>>)
      %dma_wait3A_1225 = arith.constant 6 : i32
      %dma_wait3A_1226 = arith.constant 0 : i32
      %dma_wait3A_1227 = tpu.memref_slice %arg9[%dma_wait3A_1226] : memref<2048xf32, #tpu.memory_space<vmem>> -> memref<1024xf32, #tpu.memory_space<vmem>>
      %dma_wait3A_1228 = tpu.memref_slice %arg4[%dma_wait3A_1225, %add3A_1001, %mul3A_0] : memref<50x32x16384xf32, #tpu.memory_space<hbm>> -> memref<1x1x1024xf32, #tpu.memory_space<hbm>>
      %dma_wait3A_1229 = tpu.memref_squeeze %dma_wait3A_1228 : memref<1x1x1024xf32, #tpu.memory_space<hbm>> -> memref<1024xf32, #tpu.memory_space<hbm>>
      %dma_wait3A_1230 = tpu.memref_slice %arg4[%dma_wait3A_1225, %add3A_1001, %mul3A_0] : memref<50x32x16384xf32, #tpu.memory_space<hbm>> -> memref<1x1x1024xf32, #tpu.memory_space<hbm>>
      %dma_wait3A_1231 = tpu.memref_squeeze %dma_wait3A_1230 : memref<1x1x1024xf32, #tpu.memory_space<hbm>> -> memref<1024xf32, #tpu.memory_space<hbm>>
      %dma_wait3A_1232 = arith.constant 0 : i32
      %dma_wait3A_1233 = tpu.memref_slice %arg9[%dma_wait3A_1232] : memref<2048xf32, #tpu.memory_space<vmem>> -> memref<1024xf32, #tpu.memory_space<vmem>>
      tpu.wait_dma2 semaphore(%arg20 : memref<!tpu.dma_semaphore, #tpu.memory_space<semaphore_mem>>) src(%dma_wait3A_1233 : memref<1024xf32, #tpu.memory_space<vmem>>) dst(%dma_wait3A_1231 : memref<1024xf32, #tpu.memory_space<hbm>>)
      %dma_wait3A_1234 = arith.constant 7 : i32
      %dma_wait3A_1235 = arith.constant 1024 : i32
      %dma_wait3A_1236 = tpu.memref_slice %arg9[%dma_wait3A_1235] : memref<2048xf32, #tpu.memory_space<vmem>> -> memref<1024xf32, #tpu.memory_space<vmem>>
      %dma_wait3A_1237 = tpu.memref_slice %arg4[%dma_wait3A_1234, %add3A_1001, %mul3A_0] : memref<50x32x16384xf32, #tpu.memory_space<hbm>> -> memref<1x1x1024xf32, #tpu.memory_space<hbm>>
      %dma_wait3A_1238 = tpu.memref_squeeze %dma_wait3A_1237 : memref<1x1x1024xf32, #tpu.memory_space<hbm>> -> memref<1024xf32, #tpu.memory_space<hbm>>
      %dma_wait3A_1239 = tpu.memref_slice %arg4[%dma_wait3A_1234, %add3A_1001, %mul3A_0] : memref<50x32x16384xf32, #tpu.memory_space<hbm>> -> memref<1x1x1024xf32, #tpu.memory_space<hbm>>
      %dma_wait3A_1240 = tpu.memref_squeeze %dma_wait3A_1239 : memref<1x1x1024xf32, #tpu.memory_space<hbm>> -> memref<1024xf32, #tpu.memory_space<hbm>>
      %dma_wait3A_1241 = arith.constant 1024 : i32
      %dma_wait3A_1242 = tpu.memref_slice %arg9[%dma_wait3A_1241] : memref<2048xf32, #tpu.memory_space<vmem>> -> memref<1024xf32, #tpu.memory_space<vmem>>
      tpu.wait_dma2 semaphore(%arg20 : memref<!tpu.dma_semaphore, #tpu.memory_space<semaphore_mem>>) src(%dma_wait3A_1242 : memref<1024xf32, #tpu.memory_space<vmem>>) dst(%dma_wait3A_1240 : memref<1024xf32, #tpu.memory_space<hbm>>)
      %dma_start3A_1243 = arith.constant 16384 : i32
      %dma_start3A_1244 = tpu.memref_slice %arg5[%dma_start3A_1243] : memref<51200xi32, #tpu.memory_space<vmem>> -> memref<2048xi32, #tpu.memory_space<vmem>>
      %dma_start3A_1245 = arith.constant 0 : i32
      %dma_start3A_1246 = tpu.memref_slice %arg11[%dma_start3A_1245] : memref<1000000xf32, #tpu.memory_space<vmem_shared>> -> memref<1000000xf32, #tpu.memory_space<vmem_shared>>
      tpu.enqueue_indirect_dma source(%dma_start3A_1246 : memref<1000000xf32, #tpu.memory_space<vmem_shared>>) target(%arg9 : memref<2048xf32, #tpu.memory_space<vmem>>) offsets(%dma_start3A_1244 : memref<2048xi32, #tpu.memory_space<vmem>>) semaphore(%arg15 : memref<!tpu.dma_semaphore, #tpu.memory_space<semaphore_mem>>)
      %dma_wait3A_1247 = arith.constant 10240 : i32
      %dma_wait3A_1248 = tpu.memref_slice %arg5[%dma_wait3A_1247] : memref<51200xi32, #tpu.memory_space<vmem>> -> memref<2048xi32, #tpu.memory_space<vmem>>
      %dma_wait3A_1249 = arith.constant 0 : i32
      %dma_wait3A_1250 = tpu.memref_slice %arg11[%dma_wait3A_1249] : memref<1000000xf32, #tpu.memory_space<vmem_shared>> -> memref<1000000xf32, #tpu.memory_space<vmem_shared>>
      tpu.wait_indirect_dma semaphore(%arg12 : memref<!tpu.dma_semaphore, #tpu.memory_space<semaphore_mem>>) src(%dma_wait3A_1250 : memref<1000000xf32, #tpu.memory_space<vmem_shared>>) dst(%arg6 : memref<2048xf32, #tpu.memory_space<vmem>>)
      %dma_start3A_1251 = arith.constant 10 : i32
      %dma_start3A_1252 = arith.constant 0 : i32
      %dma_start3A_1253 = tpu.memref_slice %arg6[%dma_start3A_1252] : memref<2048xf32, #tpu.memory_space<vmem>> -> memref<1024xf32, #tpu.memory_space<vmem>>
      %dma_start3A_1254 = tpu.memref_slice %arg4[%dma_start3A_1251, %add3A_1001, %mul3A_0] : memref<50x32x16384xf32, #tpu.memory_space<hbm>> -> memref<1x1x1024xf32, #tpu.memory_space<hbm>>
      %dma_start3A_1255 = tpu.memref_squeeze %dma_start3A_1254 : memref<1x1x1024xf32, #tpu.memory_space<hbm>> -> memref<1024xf32, #tpu.memory_space<hbm>>
      %dma_start3A_1256 = tpu.memref_slice %arg4[%dma_start3A_1251, %add3A_1001, %mul3A_0] : memref<50x32x16384xf32, #tpu.memory_space<hbm>> -> memref<1x1x1024xf32, #tpu.memory_space<hbm>>
      %dma_start3A_1257 = tpu.memref_squeeze %dma_start3A_1256 : memref<1x1x1024xf32, #tpu.memory_space<hbm>> -> memref<1024xf32, #tpu.memory_space<hbm>>
      %dma_start3A_1258 = arith.constant 0 : i32
      %dma_start3A_1259 = tpu.memref_slice %arg6[%dma_start3A_1258] : memref<2048xf32, #tpu.memory_space<vmem>> -> memref<1024xf32, #tpu.memory_space<vmem>>
      tpu.enqueue_dma source(%dma_start3A_1259 : memref<1024xf32, #tpu.memory_space<vmem>>) target(%dma_start3A_1257 : memref<1024xf32, #tpu.memory_space<hbm>>) target_semaphore(%arg17 : memref<!tpu.dma_semaphore, #tpu.memory_space<semaphore_mem>>)
      %dma_start3A_1260 = arith.constant 11 : i32
      %dma_start3A_1261 = arith.constant 1024 : i32
      %dma_start3A_1262 = tpu.memref_slice %arg6[%dma_start3A_1261] : memref<2048xf32, #tpu.memory_space<vmem>> -> memref<1024xf32, #tpu.memory_space<vmem>>
      %dma_start3A_1263 = tpu.memref_slice %arg4[%dma_start3A_1260, %add3A_1001, %mul3A_0] : memref<50x32x16384xf32, #tpu.memory_space<hbm>> -> memref<1x1x1024xf32, #tpu.memory_space<hbm>>
      %dma_start3A_1264 = tpu.memref_squeeze %dma_start3A_1263 : memref<1x1x1024xf32, #tpu.memory_space<hbm>> -> memref<1024xf32, #tpu.memory_space<hbm>>
      %dma_start3A_1265 = tpu.memref_slice %arg4[%dma_start3A_1260, %add3A_1001, %mul3A_0] : memref<50x32x16384xf32, #tpu.memory_space<hbm>> -> memref<1x1x1024xf32, #tpu.memory_space<hbm>>
      %dma_start3A_1266 = tpu.memref_squeeze %dma_start3A_1265 : memref<1x1x1024xf32, #tpu.memory_space<hbm>> -> memref<1024xf32, #tpu.memory_space<hbm>>
      %dma_start3A_1267 = arith.constant 1024 : i32
      %dma_start3A_1268 = tpu.memref_slice %arg6[%dma_start3A_1267] : memref<2048xf32, #tpu.memory_space<vmem>> -> memref<1024xf32, #tpu.memory_space<vmem>>
      tpu.enqueue_dma source(%dma_start3A_1268 : memref<1024xf32, #tpu.memory_space<vmem>>) target(%dma_start3A_1266 : memref<1024xf32, #tpu.memory_space<hbm>>) target_semaphore(%arg17 : memref<!tpu.dma_semaphore, #tpu.memory_space<semaphore_mem>>)
      %dma_wait3A_1269 = arith.constant 8 : i32
      %dma_wait3A_1270 = arith.constant 0 : i32
      %dma_wait3A_1271 = tpu.memref_slice %arg10[%dma_wait3A_1270] : memref<2048xf32, #tpu.memory_space<vmem>> -> memref<1024xf32, #tpu.memory_space<vmem>>
      %dma_wait3A_1272 = tpu.memref_slice %arg4[%dma_wait3A_1269, %add3A_1001, %mul3A_0] : memref<50x32x16384xf32, #tpu.memory_space<hbm>> -> memref<1x1x1024xf32, #tpu.memory_space<hbm>>
      %dma_wait3A_1273 = tpu.memref_squeeze %dma_wait3A_1272 : memref<1x1x1024xf32, #tpu.memory_space<hbm>> -> memref<1024xf32, #tpu.memory_space<hbm>>
      %dma_wait3A_1274 = tpu.memref_slice %arg4[%dma_wait3A_1269, %add3A_1001, %mul3A_0] : memref<50x32x16384xf32, #tpu.memory_space<hbm>> -> memref<1x1x1024xf32, #tpu.memory_space<hbm>>
      %dma_wait3A_1275 = tpu.memref_squeeze %dma_wait3A_1274 : memref<1x1x1024xf32, #tpu.memory_space<hbm>> -> memref<1024xf32, #tpu.memory_space<hbm>>
      %dma_wait3A_1276 = arith.constant 0 : i32
      %dma_wait3A_1277 = tpu.memref_slice %arg10[%dma_wait3A_1276] : memref<2048xf32, #tpu.memory_space<vmem>> -> memref<1024xf32, #tpu.memory_space<vmem>>
      tpu.wait_dma2 semaphore(%arg21 : memref<!tpu.dma_semaphore, #tpu.memory_space<semaphore_mem>>) src(%dma_wait3A_1277 : memref<1024xf32, #tpu.memory_space<vmem>>) dst(%dma_wait3A_1275 : memref<1024xf32, #tpu.memory_space<hbm>>)
      %dma_wait3A_1278 = arith.constant 9 : i32
      %dma_wait3A_1279 = arith.constant 1024 : i32
      %dma_wait3A_1280 = tpu.memref_slice %arg10[%dma_wait3A_1279] : memref<2048xf32, #tpu.memory_space<vmem>> -> memref<1024xf32, #tpu.memory_space<vmem>>
      %dma_wait3A_1281 = tpu.memref_slice %arg4[%dma_wait3A_1278, %add3A_1001, %mul3A_0] : memref<50x32x16384xf32, #tpu.memory_space<hbm>> -> memref<1x1x1024xf32, #tpu.memory_space<hbm>>
      %dma_wait3A_1282 = tpu.memref_squeeze %dma_wait3A_1281 : memref<1x1x1024xf32, #tpu.memory_space<hbm>> -> memref<1024xf32, #tpu.memory_space<hbm>>
      %dma_wait3A_1283 = tpu.memref_slice %arg4[%dma_wait3A_1278, %add3A_1001, %mul3A_0] : memref<50x32x16384xf32, #tpu.memory_space<hbm>> -> memref<1x1x1024xf32, #tpu.memory_space<hbm>>
      %dma_wait3A_1284 = tpu.memref_squeeze %dma_wait3A_1283 : memref<1x1x1024xf32, #tpu.memory_space<hbm>> -> memref<1024xf32, #tpu.memory_space<hbm>>
      %dma_wait3A_1285 = arith.constant 1024 : i32
      %dma_wait3A_1286 = tpu.memref_slice %arg10[%dma_wait3A_1285] : memref<2048xf32, #tpu.memory_space<vmem>> -> memref<1024xf32, #tpu.memory_space<vmem>>
      tpu.wait_dma2 semaphore(%arg21 : memref<!tpu.dma_semaphore, #tpu.memory_space<semaphore_mem>>) src(%dma_wait3A_1286 : memref<1024xf32, #tpu.memory_space<vmem>>) dst(%dma_wait3A_1284 : memref<1024xf32, #tpu.memory_space<hbm>>)
      %dma_start3A_1287 = arith.constant 18432 : i32
      %dma_start3A_1288 = tpu.memref_slice %arg5[%dma_start3A_1287] : memref<51200xi32, #tpu.memory_space<vmem>> -> memref<2048xi32, #tpu.memory_space<vmem>>
      %dma_start3A_1289 = arith.constant 0 : i32
      %dma_start3A_1290 = tpu.memref_slice %arg11[%dma_start3A_1289] : memref<1000000xf32, #tpu.memory_space<vmem_shared>> -> memref<1000000xf32, #tpu.memory_space<vmem_shared>>
      tpu.enqueue_indirect_dma source(%dma_start3A_1290 : memref<1000000xf32, #tpu.memory_space<vmem_shared>>) target(%arg10 : memref<2048xf32, #tpu.memory_space<vmem>>) offsets(%dma_start3A_1288 : memref<2048xi32, #tpu.memory_space<vmem>>) semaphore(%arg16 : memref<!tpu.dma_semaphore, #tpu.memory_space<semaphore_mem>>)
      %dma_wait3A_1291 = arith.constant 12288 : i32
      %dma_wait3A_1292 = tpu.memref_slice %arg5[%dma_wait3A_1291] : memref<51200xi32, #tpu.memory_space<vmem>> -> memref<2048xi32, #tpu.memory_space<vmem>>
      %dma_wait3A_1293 = arith.constant 0 : i32
      %dma_wait3A_1294 = tpu.memref_slice %arg11[%dma_wait3A_1293] : memref<1000000xf32, #tpu.memory_space<vmem_shared>> -> memref<1000000xf32, #tpu.memory_space<vmem_shared>>
      tpu.wait_indirect_dma semaphore(%arg13 : memref<!tpu.dma_semaphore, #tpu.memory_space<semaphore_mem>>) src(%dma_wait3A_1294 : memref<1000000xf32, #tpu.memory_space<vmem_shared>>) dst(%arg7 : memref<2048xf32, #tpu.memory_space<vmem>>)
      %dma_start3A_1295 = arith.constant 12 : i32
      %dma_start3A_1296 = arith.constant 0 : i32
      %dma_start3A_1297 = tpu.memref_slice %arg7[%dma_start3A_1296] : memref<2048xf32, #tpu.memory_space<vmem>> -> memref<1024xf32, #tpu.memory_space<vmem>>
      %dma_start3A_1298 = tpu.memref_slice %arg4[%dma_start3A_1295, %add3A_1001, %mul3A_0] : memref<50x32x16384xf32, #tpu.memory_space<hbm>> -> memref<1x1x1024xf32, #tpu.memory_space<hbm>>
      %dma_start3A_1299 = tpu.memref_squeeze %dma_start3A_1298 : memref<1x1x1024xf32, #tpu.memory_space<hbm>> -> memref<1024xf32, #tpu.memory_space<hbm>>
      %dma_start3A_1300 = tpu.memref_slice %arg4[%dma_start3A_1295, %add3A_1001, %mul3A_0] : memref<50x32x16384xf32, #tpu.memory_space<hbm>> -> memref<1x1x1024xf32, #tpu.memory_space<hbm>>
      %dma_start3A_1301 = tpu.memref_squeeze %dma_start3A_1300 : memref<1x1x1024xf32, #tpu.memory_space<hbm>> -> memref<1024xf32, #tpu.memory_space<hbm>>
      %dma_start3A_1302 = arith.constant 0 : i32
      %dma_start3A_1303 = tpu.memref_slice %arg7[%dma_start3A_1302] : memref<2048xf32, #tpu.memory_space<vmem>> -> memref<1024xf32, #tpu.memory_space<vmem>>
      tpu.enqueue_dma source(%dma_start3A_1303 : memref<1024xf32, #tpu.memory_space<vmem>>) target(%dma_start3A_1301 : memref<1024xf32, #tpu.memory_space<hbm>>) target_semaphore(%arg18 : memref<!tpu.dma_semaphore, #tpu.memory_space<semaphore_mem>>)
      %dma_start3A_1304 = arith.constant 13 : i32
      %dma_start3A_1305 = arith.constant 1024 : i32
      %dma_start3A_1306 = tpu.memref_slice %arg7[%dma_start3A_1305] : memref<2048xf32, #tpu.memory_space<vmem>> -> memref<1024xf32, #tpu.memory_space<vmem>>
      %dma_start3A_1307 = tpu.memref_slice %arg4[%dma_start3A_1304, %add3A_1001, %mul3A_0] : memref<50x32x16384xf32, #tpu.memory_space<hbm>> -> memref<1x1x1024xf32, #tpu.memory_space<hbm>>
      %dma_start3A_1308 = tpu.memref_squeeze %dma_start3A_1307 : memref<1x1x1024xf32, #tpu.memory_space<hbm>> -> memref<1024xf32, #tpu.memory_space<hbm>>
      %dma_start3A_1309 = tpu.memref_slice %arg4[%dma_start3A_1304, %add3A_1001, %mul3A_0] : memref<50x32x16384xf32, #tpu.memory_space<hbm>> -> memref<1x1x1024xf32, #tpu.memory_space<hbm>>
      %dma_start3A_1310 = tpu.memref_squeeze %dma_start3A_1309 : memref<1x1x1024xf32, #tpu.memory_space<hbm>> -> memref<1024xf32, #tpu.memory_space<hbm>>
      %dma_start3A_1311 = arith.constant 1024 : i32
      %dma_start3A_1312 = tpu.memref_slice %arg7[%dma_start3A_1311] : memref<2048xf32, #tpu.memory_space<vmem>> -> memref<1024xf32, #tpu.memory_space<vmem>>
      tpu.enqueue_dma source(%dma_start3A_1312 : memref<1024xf32, #tpu.memory_space<vmem>>) target(%dma_start3A_1310 : memref<1024xf32, #tpu.memory_space<hbm>>) target_semaphore(%arg18 : memref<!tpu.dma_semaphore, #tpu.memory_space<semaphore_mem>>)
      %dma_wait3A_1313 = arith.constant 10 : i32
      %dma_wait3A_1314 = arith.constant 0 : i32
      %dma_wait3A_1315 = tpu.memref_slice %arg6[%dma_wait3A_1314] : memref<2048xf32, #tpu.memory_space<vmem>> -> memref<1024xf32, #tpu.memory_space<vmem>>
      %dma_wait3A_1316 = tpu.memref_slice %arg4[%dma_wait3A_1313, %add3A_1001, %mul3A_0] : memref<50x32x16384xf32, #tpu.memory_space<hbm>> -> memref<1x1x1024xf32, #tpu.memory_space<hbm>>
      %dma_wait3A_1317 = tpu.memref_squeeze %dma_wait3A_1316 : memref<1x1x1024xf32, #tpu.memory_space<hbm>> -> memref<1024xf32, #tpu.memory_space<hbm>>
      %dma_wait3A_1318 = tpu.memref_slice %arg4[%dma_wait3A_1313, %add3A_1001, %mul3A_0] : memref<50x32x16384xf32, #tpu.memory_space<hbm>> -> memref<1x1x1024xf32, #tpu.memory_space<hbm>>
      %dma_wait3A_1319 = tpu.memref_squeeze %dma_wait3A_1318 : memref<1x1x1024xf32, #tpu.memory_space<hbm>> -> memref<1024xf32, #tpu.memory_space<hbm>>
      %dma_wait3A_1320 = arith.constant 0 : i32
      %dma_wait3A_1321 = tpu.memref_slice %arg6[%dma_wait3A_1320] : memref<2048xf32, #tpu.memory_space<vmem>> -> memref<1024xf32, #tpu.memory_space<vmem>>
      tpu.wait_dma2 semaphore(%arg17 : memref<!tpu.dma_semaphore, #tpu.memory_space<semaphore_mem>>) src(%dma_wait3A_1321 : memref<1024xf32, #tpu.memory_space<vmem>>) dst(%dma_wait3A_1319 : memref<1024xf32, #tpu.memory_space<hbm>>)
      %dma_wait3A_1322 = arith.constant 11 : i32
      %dma_wait3A_1323 = arith.constant 1024 : i32
      %dma_wait3A_1324 = tpu.memref_slice %arg6[%dma_wait3A_1323] : memref<2048xf32, #tpu.memory_space<vmem>> -> memref<1024xf32, #tpu.memory_space<vmem>>
      %dma_wait3A_1325 = tpu.memref_slice %arg4[%dma_wait3A_1322, %add3A_1001, %mul3A_0] : memref<50x32x16384xf32, #tpu.memory_space<hbm>> -> memref<1x1x1024xf32, #tpu.memory_space<hbm>>
      %dma_wait3A_1326 = tpu.memref_squeeze %dma_wait3A_1325 : memref<1x1x1024xf32, #tpu.memory_space<hbm>> -> memref<1024xf32, #tpu.memory_space<hbm>>
      %dma_wait3A_1327 = tpu.memref_slice %arg4[%dma_wait3A_1322, %add3A_1001, %mul3A_0] : memref<50x32x16384xf32, #tpu.memory_space<hbm>> -> memref<1x1x1024xf32, #tpu.memory_space<hbm>>
      %dma_wait3A_1328 = tpu.memref_squeeze %dma_wait3A_1327 : memref<1x1x1024xf32, #tpu.memory_space<hbm>> -> memref<1024xf32, #tpu.memory_space<hbm>>
      %dma_wait3A_1329 = arith.constant 1024 : i32
      %dma_wait3A_1330 = tpu.memref_slice %arg6[%dma_wait3A_1329] : memref<2048xf32, #tpu.memory_space<vmem>> -> memref<1024xf32, #tpu.memory_space<vmem>>
      tpu.wait_dma2 semaphore(%arg17 : memref<!tpu.dma_semaphore, #tpu.memory_space<semaphore_mem>>) src(%dma_wait3A_1330 : memref<1024xf32, #tpu.memory_space<vmem>>) dst(%dma_wait3A_1328 : memref<1024xf32, #tpu.memory_space<hbm>>)
      %dma_start3A_1331 = arith.constant 20480 : i32
      %dma_start3A_1332 = tpu.memref_slice %arg5[%dma_start3A_1331] : memref<51200xi32, #tpu.memory_space<vmem>> -> memref<2048xi32, #tpu.memory_space<vmem>>
      %dma_start3A_1333 = arith.constant 0 : i32
      %dma_start3A_1334 = tpu.memref_slice %arg11[%dma_start3A_1333] : memref<1000000xf32, #tpu.memory_space<vmem_shared>> -> memref<1000000xf32, #tpu.memory_space<vmem_shared>>
      tpu.enqueue_indirect_dma source(%dma_start3A_1334 : memref<1000000xf32, #tpu.memory_space<vmem_shared>>) target(%arg6 : memref<2048xf32, #tpu.memory_space<vmem>>) offsets(%dma_start3A_1332 : memref<2048xi32, #tpu.memory_space<vmem>>) semaphore(%arg12 : memref<!tpu.dma_semaphore, #tpu.memory_space<semaphore_mem>>)
      %dma_wait3A_1335 = arith.constant 14336 : i32
      %dma_wait3A_1336 = tpu.memref_slice %arg5[%dma_wait3A_1335] : memref<51200xi32, #tpu.memory_space<vmem>> -> memref<2048xi32, #tpu.memory_space<vmem>>
      %dma_wait3A_1337 = arith.constant 0 : i32
      %dma_wait3A_1338 = tpu.memref_slice %arg11[%dma_wait3A_1337] : memref<1000000xf32, #tpu.memory_space<vmem_shared>> -> memref<1000000xf32, #tpu.memory_space<vmem_shared>>
      tpu.wait_indirect_dma semaphore(%arg14 : memref<!tpu.dma_semaphore, #tpu.memory_space<semaphore_mem>>) src(%dma_wait3A_1338 : memref<1000000xf32, #tpu.memory_space<vmem_shared>>) dst(%arg8 : memref<2048xf32, #tpu.memory_space<vmem>>)
      %dma_start3A_1339 = arith.constant 14 : i32
      %dma_start3A_1340 = arith.constant 0 : i32
      %dma_start3A_1341 = tpu.memref_slice %arg8[%dma_start3A_1340] : memref<2048xf32, #tpu.memory_space<vmem>> -> memref<1024xf32, #tpu.memory_space<vmem>>
      %dma_start3A_1342 = tpu.memref_slice %arg4[%dma_start3A_1339, %add3A_1001, %mul3A_0] : memref<50x32x16384xf32, #tpu.memory_space<hbm>> -> memref<1x1x1024xf32, #tpu.memory_space<hbm>>
      %dma_start3A_1343 = tpu.memref_squeeze %dma_start3A_1342 : memref<1x1x1024xf32, #tpu.memory_space<hbm>> -> memref<1024xf32, #tpu.memory_space<hbm>>
      %dma_start3A_1344 = tpu.memref_slice %arg4[%dma_start3A_1339, %add3A_1001, %mul3A_0] : memref<50x32x16384xf32, #tpu.memory_space<hbm>> -> memref<1x1x1024xf32, #tpu.memory_space<hbm>>
      %dma_start3A_1345 = tpu.memref_squeeze %dma_start3A_1344 : memref<1x1x1024xf32, #tpu.memory_space<hbm>> -> memref<1024xf32, #tpu.memory_space<hbm>>
      %dma_start3A_1346 = arith.constant 0 : i32
      %dma_start3A_1347 = tpu.memref_slice %arg8[%dma_start3A_1346] : memref<2048xf32, #tpu.memory_space<vmem>> -> memref<1024xf32, #tpu.memory_space<vmem>>
      tpu.enqueue_dma source(%dma_start3A_1347 : memref<1024xf32, #tpu.memory_space<vmem>>) target(%dma_start3A_1345 : memref<1024xf32, #tpu.memory_space<hbm>>) target_semaphore(%arg19 : memref<!tpu.dma_semaphore, #tpu.memory_space<semaphore_mem>>)
      %dma_start3A_1348 = arith.constant 15 : i32
      %dma_start3A_1349 = arith.constant 1024 : i32
      %dma_start3A_1350 = tpu.memref_slice %arg8[%dma_start3A_1349] : memref<2048xf32, #tpu.memory_space<vmem>> -> memref<1024xf32, #tpu.memory_space<vmem>>
      %dma_start3A_1351 = tpu.memref_slice %arg4[%dma_start3A_1348, %add3A_1001, %mul3A_0] : memref<50x32x16384xf32, #tpu.memory_space<hbm>> -> memref<1x1x1024xf32, #tpu.memory_space<hbm>>
      %dma_start3A_1352 = tpu.memref_squeeze %dma_start3A_1351 : memref<1x1x1024xf32, #tpu.memory_space<hbm>> -> memref<1024xf32, #tpu.memory_space<hbm>>
      %dma_start3A_1353 = tpu.memref_slice %arg4[%dma_start3A_1348, %add3A_1001, %mul3A_0] : memref<50x32x16384xf32, #tpu.memory_space<hbm>> -> memref<1x1x1024xf32, #tpu.memory_space<hbm>>
      %dma_start3A_1354 = tpu.memref_squeeze %dma_start3A_1353 : memref<1x1x1024xf32, #tpu.memory_space<hbm>> -> memref<1024xf32, #tpu.memory_space<hbm>>
      %dma_start3A_1355 = arith.constant 1024 : i32
      %dma_start3A_1356 = tpu.memref_slice %arg8[%dma_start3A_1355] : memref<2048xf32, #tpu.memory_space<vmem>> -> memref<1024xf32, #tpu.memory_space<vmem>>
      tpu.enqueue_dma source(%dma_start3A_1356 : memref<1024xf32, #tpu.memory_space<vmem>>) target(%dma_start3A_1354 : memref<1024xf32, #tpu.memory_space<hbm>>) target_semaphore(%arg19 : memref<!tpu.dma_semaphore, #tpu.memory_space<semaphore_mem>>)
      %dma_wait3A_1357 = arith.constant 12 : i32
      %dma_wait3A_1358 = arith.constant 0 : i32
      %dma_wait3A_1359 = tpu.memref_slice %arg7[%dma_wait3A_1358] : memref<2048xf32, #tpu.memory_space<vmem>> -> memref<1024xf32, #tpu.memory_space<vmem>>
      %dma_wait3A_1360 = tpu.memref_slice %arg4[%dma_wait3A_1357, %add3A_1001, %mul3A_0] : memref<50x32x16384xf32, #tpu.memory_space<hbm>> -> memref<1x1x1024xf32, #tpu.memory_space<hbm>>
      %dma_wait3A_1361 = tpu.memref_squeeze %dma_wait3A_1360 : memref<1x1x1024xf32, #tpu.memory_space<hbm>> -> memref<1024xf32, #tpu.memory_space<hbm>>
      %dma_wait3A_1362 = tpu.memref_slice %arg4[%dma_wait3A_1357, %add3A_1001, %mul3A_0] : memref<50x32x16384xf32, #tpu.memory_space<hbm>> -> memref<1x1x1024xf32, #tpu.memory_space<hbm>>
      %dma_wait3A_1363 = tpu.memref_squeeze %dma_wait3A_1362 : memref<1x1x1024xf32, #tpu.memory_space<hbm>> -> memref<1024xf32, #tpu.memory_space<hbm>>
      %dma_wait3A_1364 = arith.constant 0 : i32
      %dma_wait3A_1365 = tpu.memref_slice %arg7[%dma_wait3A_1364] : memref<2048xf32, #tpu.memory_space<vmem>> -> memref<1024xf32, #tpu.memory_space<vmem>>
      tpu.wait_dma2 semaphore(%arg18 : memref<!tpu.dma_semaphore, #tpu.memory_space<semaphore_mem>>) src(%dma_wait3A_1365 : memref<1024xf32, #tpu.memory_space<vmem>>) dst(%dma_wait3A_1363 : memref<1024xf32, #tpu.memory_space<hbm>>)
      %dma_wait3A_1366 = arith.constant 13 : i32
      %dma_wait3A_1367 = arith.constant 1024 : i32
      %dma_wait3A_1368 = tpu.memref_slice %arg7[%dma_wait3A_1367] : memref<2048xf32, #tpu.memory_space<vmem>> -> memref<1024xf32, #tpu.memory_space<vmem>>
      %dma_wait3A_1369 = tpu.memref_slice %arg4[%dma_wait3A_1366, %add3A_1001, %mul3A_0] : memref<50x32x16384xf32, #tpu.memory_space<hbm>> -> memref<1x1x1024xf32, #tpu.memory_space<hbm>>
      %dma_wait3A_1370 = tpu.memref_squeeze %dma_wait3A_1369 : memref<1x1x1024xf32, #tpu.memory_space<hbm>> -> memref<1024xf32, #tpu.memory_space<hbm>>
      %dma_wait3A_1371 = tpu.memref_slice %arg4[%dma_wait3A_1366, %add3A_1001, %mul3A_0] : memref<50x32x16384xf32, #tpu.memory_space<hbm>> -> memref<1x1x1024xf32, #tpu.memory_space<hbm>>
      %dma_wait3A_1372 = tpu.memref_squeeze %dma_wait3A_1371 : memref<1x1x1024xf32, #tpu.memory_space<hbm>> -> memref<1024xf32, #tpu.memory_space<hbm>>
      %dma_wait3A_1373 = arith.constant 1024 : i32
      %dma_wait3A_1374 = tpu.memref_slice %arg7[%dma_wait3A_1373] : memref<2048xf32, #tpu.memory_space<vmem>> -> memref<1024xf32, #tpu.memory_space<vmem>>
      tpu.wait_dma2 semaphore(%arg18 : memref<!tpu.dma_semaphore, #tpu.memory_space<semaphore_mem>>) src(%dma_wait3A_1374 : memref<1024xf32, #tpu.memory_space<vmem>>) dst(%dma_wait3A_1372 : memref<1024xf32, #tpu.memory_space<hbm>>)
      %dma_start3A_1375 = arith.constant 22528 : i32
      %dma_start3A_1376 = tpu.memref_slice %arg5[%dma_start3A_1375] : memref<51200xi32, #tpu.memory_space<vmem>> -> memref<2048xi32, #tpu.memory_space<vmem>>
      %dma_start3A_1377 = arith.constant 0 : i32
      %dma_start3A_1378 = tpu.memref_slice %arg11[%dma_start3A_1377] : memref<1000000xf32, #tpu.memory_space<vmem_shared>> -> memref<1000000xf32, #tpu.memory_space<vmem_shared>>
      tpu.enqueue_indirect_dma source(%dma_start3A_1378 : memref<1000000xf32, #tpu.memory_space<vmem_shared>>) target(%arg7 : memref<2048xf32, #tpu.memory_space<vmem>>) offsets(%dma_start3A_1376 : memref<2048xi32, #tpu.memory_space<vmem>>) semaphore(%arg13 : memref<!tpu.dma_semaphore, #tpu.memory_space<semaphore_mem>>)
      %dma_wait3A_1379 = arith.constant 16384 : i32
      %dma_wait3A_1380 = tpu.memref_slice %arg5[%dma_wait3A_1379] : memref<51200xi32, #tpu.memory_space<vmem>> -> memref<2048xi32, #tpu.memory_space<vmem>>
      %dma_wait3A_1381 = arith.constant 0 : i32
      %dma_wait3A_1382 = tpu.memref_slice %arg11[%dma_wait3A_1381] : memref<1000000xf32, #tpu.memory_space<vmem_shared>> -> memref<1000000xf32, #tpu.memory_space<vmem_shared>>
      tpu.wait_indirect_dma semaphore(%arg15 : memref<!tpu.dma_semaphore, #tpu.memory_space<semaphore_mem>>) src(%dma_wait3A_1382 : memref<1000000xf32, #tpu.memory_space<vmem_shared>>) dst(%arg9 : memref<2048xf32, #tpu.memory_space<vmem>>)
      %dma_start3A_1383 = arith.constant 16 : i32
      %dma_start3A_1384 = arith.constant 0 : i32
      %dma_start3A_1385 = tpu.memref_slice %arg9[%dma_start3A_1384] : memref<2048xf32, #tpu.memory_space<vmem>> -> memref<1024xf32, #tpu.memory_space<vmem>>
      %dma_start3A_1386 = tpu.memref_slice %arg4[%dma_start3A_1383, %add3A_1001, %mul3A_0] : memref<50x32x16384xf32, #tpu.memory_space<hbm>> -> memref<1x1x1024xf32, #tpu.memory_space<hbm>>
      %dma_start3A_1387 = tpu.memref_squeeze %dma_start3A_1386 : memref<1x1x1024xf32, #tpu.memory_space<hbm>> -> memref<1024xf32, #tpu.memory_space<hbm>>
      %dma_start3A_1388 = tpu.memref_slice %arg4[%dma_start3A_1383, %add3A_1001, %mul3A_0] : memref<50x32x16384xf32, #tpu.memory_space<hbm>> -> memref<1x1x1024xf32, #tpu.memory_space<hbm>>
      %dma_start3A_1389 = tpu.memref_squeeze %dma_start3A_1388 : memref<1x1x1024xf32, #tpu.memory_space<hbm>> -> memref<1024xf32, #tpu.memory_space<hbm>>
      %dma_start3A_1390 = arith.constant 0 : i32
      %dma_start3A_1391 = tpu.memref_slice %arg9[%dma_start3A_1390] : memref<2048xf32, #tpu.memory_space<vmem>> -> memref<1024xf32, #tpu.memory_space<vmem>>
      tpu.enqueue_dma source(%dma_start3A_1391 : memref<1024xf32, #tpu.memory_space<vmem>>) target(%dma_start3A_1389 : memref<1024xf32, #tpu.memory_space<hbm>>) target_semaphore(%arg20 : memref<!tpu.dma_semaphore, #tpu.memory_space<semaphore_mem>>)
      %dma_start3A_1392 = arith.constant 17 : i32
      %dma_start3A_1393 = arith.constant 1024 : i32
      %dma_start3A_1394 = tpu.memref_slice %arg9[%dma_start3A_1393] : memref<2048xf32, #tpu.memory_space<vmem>> -> memref<1024xf32, #tpu.memory_space<vmem>>
      %dma_start3A_1395 = tpu.memref_slice %arg4[%dma_start3A_1392, %add3A_1001, %mul3A_0] : memref<50x32x16384xf32, #tpu.memory_space<hbm>> -> memref<1x1x1024xf32, #tpu.memory_space<hbm>>
      %dma_start3A_1396 = tpu.memref_squeeze %dma_start3A_1395 : memref<1x1x1024xf32, #tpu.memory_space<hbm>> -> memref<1024xf32, #tpu.memory_space<hbm>>
      %dma_start3A_1397 = tpu.memref_slice %arg4[%dma_start3A_1392, %add3A_1001, %mul3A_0] : memref<50x32x16384xf32, #tpu.memory_space<hbm>> -> memref<1x1x1024xf32, #tpu.memory_space<hbm>>
      %dma_start3A_1398 = tpu.memref_squeeze %dma_start3A_1397 : memref<1x1x1024xf32, #tpu.memory_space<hbm>> -> memref<1024xf32, #tpu.memory_space<hbm>>
      %dma_start3A_1399 = arith.constant 1024 : i32
      %dma_start3A_1400 = tpu.memref_slice %arg9[%dma_start3A_1399] : memref<2048xf32, #tpu.memory_space<vmem>> -> memref<1024xf32, #tpu.memory_space<vmem>>
      tpu.enqueue_dma source(%dma_start3A_1400 : memref<1024xf32, #tpu.memory_space<vmem>>) target(%dma_start3A_1398 : memref<1024xf32, #tpu.memory_space<hbm>>) target_semaphore(%arg20 : memref<!tpu.dma_semaphore, #tpu.memory_space<semaphore_mem>>)
      %dma_wait3A_1401 = arith.constant 14 : i32
      %dma_wait3A_1402 = arith.constant 0 : i32
      %dma_wait3A_1403 = tpu.memref_slice %arg8[%dma_wait3A_1402] : memref<2048xf32, #tpu.memory_space<vmem>> -> memref<1024xf32, #tpu.memory_space<vmem>>
      %dma_wait3A_1404 = tpu.memref_slice %arg4[%dma_wait3A_1401, %add3A_1001, %mul3A_0] : memref<50x32x16384xf32, #tpu.memory_space<hbm>> -> memref<1x1x1024xf32, #tpu.memory_space<hbm>>
      %dma_wait3A_1405 = tpu.memref_squeeze %dma_wait3A_1404 : memref<1x1x1024xf32, #tpu.memory_space<hbm>> -> memref<1024xf32, #tpu.memory_space<hbm>>
      %dma_wait3A_1406 = tpu.memref_slice %arg4[%dma_wait3A_1401, %add3A_1001, %mul3A_0] : memref<50x32x16384xf32, #tpu.memory_space<hbm>> -> memref<1x1x1024xf32, #tpu.memory_space<hbm>>
      %dma_wait3A_1407 = tpu.memref_squeeze %dma_wait3A_1406 : memref<1x1x1024xf32, #tpu.memory_space<hbm>> -> memref<1024xf32, #tpu.memory_space<hbm>>
      %dma_wait3A_1408 = arith.constant 0 : i32
      %dma_wait3A_1409 = tpu.memref_slice %arg8[%dma_wait3A_1408] : memref<2048xf32, #tpu.memory_space<vmem>> -> memref<1024xf32, #tpu.memory_space<vmem>>
      tpu.wait_dma2 semaphore(%arg19 : memref<!tpu.dma_semaphore, #tpu.memory_space<semaphore_mem>>) src(%dma_wait3A_1409 : memref<1024xf32, #tpu.memory_space<vmem>>) dst(%dma_wait3A_1407 : memref<1024xf32, #tpu.memory_space<hbm>>)
      %dma_wait3A_1410 = arith.constant 15 : i32
      %dma_wait3A_1411 = arith.constant 1024 : i32
      %dma_wait3A_1412 = tpu.memref_slice %arg8[%dma_wait3A_1411] : memref<2048xf32, #tpu.memory_space<vmem>> -> memref<1024xf32, #tpu.memory_space<vmem>>
      %dma_wait3A_1413 = tpu.memref_slice %arg4[%dma_wait3A_1410, %add3A_1001, %mul3A_0] : memref<50x32x16384xf32, #tpu.memory_space<hbm>> -> memref<1x1x1024xf32, #tpu.memory_space<hbm>>
      %dma_wait3A_1414 = tpu.memref_squeeze %dma_wait3A_1413 : memref<1x1x1024xf32, #tpu.memory_space<hbm>> -> memref<1024xf32, #tpu.memory_space<hbm>>
      %dma_wait3A_1415 = tpu.memref_slice %arg4[%dma_wait3A_1410, %add3A_1001, %mul3A_0] : memref<50x32x16384xf32, #tpu.memory_space<hbm>> -> memref<1x1x1024xf32, #tpu.memory_space<hbm>>
      %dma_wait3A_1416 = tpu.memref_squeeze %dma_wait3A_1415 : memref<1x1x1024xf32, #tpu.memory_space<hbm>> -> memref<1024xf32, #tpu.memory_space<hbm>>
      %dma_wait3A_1417 = arith.constant 1024 : i32
      %dma_wait3A_1418 = tpu.memref_slice %arg8[%dma_wait3A_1417] : memref<2048xf32, #tpu.memory_space<vmem>> -> memref<1024xf32, #tpu.memory_space<vmem>>
      tpu.wait_dma2 semaphore(%arg19 : memref<!tpu.dma_semaphore, #tpu.memory_space<semaphore_mem>>) src(%dma_wait3A_1418 : memref<1024xf32, #tpu.memory_space<vmem>>) dst(%dma_wait3A_1416 : memref<1024xf32, #tpu.memory_space<hbm>>)
      %dma_start3A_1419 = arith.constant 24576 : i32
      %dma_start3A_1420 = tpu.memref_slice %arg5[%dma_start3A_1419] : memref<51200xi32, #tpu.memory_space<vmem>> -> memref<2048xi32, #tpu.memory_space<vmem>>
      %dma_start3A_1421 = arith.constant 0 : i32
      %dma_start3A_1422 = tpu.memref_slice %arg11[%dma_start3A_1421] : memref<1000000xf32, #tpu.memory_space<vmem_shared>> -> memref<1000000xf32, #tpu.memory_space<vmem_shared>>
      tpu.enqueue_indirect_dma source(%dma_start3A_1422 : memref<1000000xf32, #tpu.memory_space<vmem_shared>>) target(%arg8 : memref<2048xf32, #tpu.memory_space<vmem>>) offsets(%dma_start3A_1420 : memref<2048xi32, #tpu.memory_space<vmem>>) semaphore(%arg14 : memref<!tpu.dma_semaphore, #tpu.memory_space<semaphore_mem>>)
      %dma_wait3A_1423 = arith.constant 18432 : i32
      %dma_wait3A_1424 = tpu.memref_slice %arg5[%dma_wait3A_1423] : memref<51200xi32, #tpu.memory_space<vmem>> -> memref<2048xi32, #tpu.memory_space<vmem>>
      %dma_wait3A_1425 = arith.constant 0 : i32
      %dma_wait3A_1426 = tpu.memref_slice %arg11[%dma_wait3A_1425] : memref<1000000xf32, #tpu.memory_space<vmem_shared>> -> memref<1000000xf32, #tpu.memory_space<vmem_shared>>
      tpu.wait_indirect_dma semaphore(%arg16 : memref<!tpu.dma_semaphore, #tpu.memory_space<semaphore_mem>>) src(%dma_wait3A_1426 : memref<1000000xf32, #tpu.memory_space<vmem_shared>>) dst(%arg10 : memref<2048xf32, #tpu.memory_space<vmem>>)
      %dma_start3A_1427 = arith.constant 18 : i32
      %dma_start3A_1428 = arith.constant 0 : i32
      %dma_start3A_1429 = tpu.memref_slice %arg10[%dma_start3A_1428] : memref<2048xf32, #tpu.memory_space<vmem>> -> memref<1024xf32, #tpu.memory_space<vmem>>
      %dma_start3A_1430 = tpu.memref_slice %arg4[%dma_start3A_1427, %add3A_1001, %mul3A_0] : memref<50x32x16384xf32, #tpu.memory_space<hbm>> -> memref<1x1x1024xf32, #tpu.memory_space<hbm>>
      %dma_start3A_1431 = tpu.memref_squeeze %dma_start3A_1430 : memref<1x1x1024xf32, #tpu.memory_space<hbm>> -> memref<1024xf32, #tpu.memory_space<hbm>>
      %dma_start3A_1432 = tpu.memref_slice %arg4[%dma_start3A_1427, %add3A_1001, %mul3A_0] : memref<50x32x16384xf32, #tpu.memory_space<hbm>> -> memref<1x1x1024xf32, #tpu.memory_space<hbm>>
      %dma_start3A_1433 = tpu.memref_squeeze %dma_start3A_1432 : memref<1x1x1024xf32, #tpu.memory_space<hbm>> -> memref<1024xf32, #tpu.memory_space<hbm>>
      %dma_start3A_1434 = arith.constant 0 : i32
      %dma_start3A_1435 = tpu.memref_slice %arg10[%dma_start3A_1434] : memref<2048xf32, #tpu.memory_space<vmem>> -> memref<1024xf32, #tpu.memory_space<vmem>>
      tpu.enqueue_dma source(%dma_start3A_1435 : memref<1024xf32, #tpu.memory_space<vmem>>) target(%dma_start3A_1433 : memref<1024xf32, #tpu.memory_space<hbm>>) target_semaphore(%arg21 : memref<!tpu.dma_semaphore, #tpu.memory_space<semaphore_mem>>)
      %dma_start3A_1436 = arith.constant 19 : i32
      %dma_start3A_1437 = arith.constant 1024 : i32
      %dma_start3A_1438 = tpu.memref_slice %arg10[%dma_start3A_1437] : memref<2048xf32, #tpu.memory_space<vmem>> -> memref<1024xf32, #tpu.memory_space<vmem>>
      %dma_start3A_1439 = tpu.memref_slice %arg4[%dma_start3A_1436, %add3A_1001, %mul3A_0] : memref<50x32x16384xf32, #tpu.memory_space<hbm>> -> memref<1x1x1024xf32, #tpu.memory_space<hbm>>
      %dma_start3A_1440 = tpu.memref_squeeze %dma_start3A_1439 : memref<1x1x1024xf32, #tpu.memory_space<hbm>> -> memref<1024xf32, #tpu.memory_space<hbm>>
      %dma_start3A_1441 = tpu.memref_slice %arg4[%dma_start3A_1436, %add3A_1001, %mul3A_0] : memref<50x32x16384xf32, #tpu.memory_space<hbm>> -> memref<1x1x1024xf32, #tpu.memory_space<hbm>>
      %dma_start3A_1442 = tpu.memref_squeeze %dma_start3A_1441 : memref<1x1x1024xf32, #tpu.memory_space<hbm>> -> memref<1024xf32, #tpu.memory_space<hbm>>
      %dma_start3A_1443 = arith.constant 1024 : i32
      %dma_start3A_1444 = tpu.memref_slice %arg10[%dma_start3A_1443] : memref<2048xf32, #tpu.memory_space<vmem>> -> memref<1024xf32, #tpu.memory_space<vmem>>
      tpu.enqueue_dma source(%dma_start3A_1444 : memref<1024xf32, #tpu.memory_space<vmem>>) target(%dma_start3A_1442 : memref<1024xf32, #tpu.memory_space<hbm>>) target_semaphore(%arg21 : memref<!tpu.dma_semaphore, #tpu.memory_space<semaphore_mem>>)
      %dma_wait3A_1445 = arith.constant 16 : i32
      %dma_wait3A_1446 = arith.constant 0 : i32
      %dma_wait3A_1447 = tpu.memref_slice %arg9[%dma_wait3A_1446] : memref<2048xf32, #tpu.memory_space<vmem>> -> memref<1024xf32, #tpu.memory_space<vmem>>
      %dma_wait3A_1448 = tpu.memref_slice %arg4[%dma_wait3A_1445, %add3A_1001, %mul3A_0] : memref<50x32x16384xf32, #tpu.memory_space<hbm>> -> memref<1x1x1024xf32, #tpu.memory_space<hbm>>
      %dma_wait3A_1449 = tpu.memref_squeeze %dma_wait3A_1448 : memref<1x1x1024xf32, #tpu.memory_space<hbm>> -> memref<1024xf32, #tpu.memory_space<hbm>>
      %dma_wait3A_1450 = tpu.memref_slice %arg4[%dma_wait3A_1445, %add3A_1001, %mul3A_0] : memref<50x32x16384xf32, #tpu.memory_space<hbm>> -> memref<1x1x1024xf32, #tpu.memory_space<hbm>>
      %dma_wait3A_1451 = tpu.memref_squeeze %dma_wait3A_1450 : memref<1x1x1024xf32, #tpu.memory_space<hbm>> -> memref<1024xf32, #tpu.memory_space<hbm>>
      %dma_wait3A_1452 = arith.constant 0 : i32
      %dma_wait3A_1453 = tpu.memref_slice %arg9[%dma_wait3A_1452] : memref<2048xf32, #tpu.memory_space<vmem>> -> memref<1024xf32, #tpu.memory_space<vmem>>
      tpu.wait_dma2 semaphore(%arg20 : memref<!tpu.dma_semaphore, #tpu.memory_space<semaphore_mem>>) src(%dma_wait3A_1453 : memref<1024xf32, #tpu.memory_space<vmem>>) dst(%dma_wait3A_1451 : memref<1024xf32, #tpu.memory_space<hbm>>)
      %dma_wait3A_1454 = arith.constant 17 : i32
      %dma_wait3A_1455 = arith.constant 1024 : i32
      %dma_wait3A_1456 = tpu.memref_slice %arg9[%dma_wait3A_1455] : memref<2048xf32, #tpu.memory_space<vmem>> -> memref<1024xf32, #tpu.memory_space<vmem>>
      %dma_wait3A_1457 = tpu.memref_slice %arg4[%dma_wait3A_1454, %add3A_1001, %mul3A_0] : memref<50x32x16384xf32, #tpu.memory_space<hbm>> -> memref<1x1x1024xf32, #tpu.memory_space<hbm>>
      %dma_wait3A_1458 = tpu.memref_squeeze %dma_wait3A_1457 : memref<1x1x1024xf32, #tpu.memory_space<hbm>> -> memref<1024xf32, #tpu.memory_space<hbm>>
      %dma_wait3A_1459 = tpu.memref_slice %arg4[%dma_wait3A_1454, %add3A_1001, %mul3A_0] : memref<50x32x16384xf32, #tpu.memory_space<hbm>> -> memref<1x1x1024xf32, #tpu.memory_space<hbm>>
      %dma_wait3A_1460 = tpu.memref_squeeze %dma_wait3A_1459 : memref<1x1x1024xf32, #tpu.memory_space<hbm>> -> memref<1024xf32, #tpu.memory_space<hbm>>
      %dma_wait3A_1461 = arith.constant 1024 : i32
      %dma_wait3A_1462 = tpu.memref_slice %arg9[%dma_wait3A_1461] : memref<2048xf32, #tpu.memory_space<vmem>> -> memref<1024xf32, #tpu.memory_space<vmem>>
      tpu.wait_dma2 semaphore(%arg20 : memref<!tpu.dma_semaphore, #tpu.memory_space<semaphore_mem>>) src(%dma_wait3A_1462 : memref<1024xf32, #tpu.memory_space<vmem>>) dst(%dma_wait3A_1460 : memref<1024xf32, #tpu.memory_space<hbm>>)
      %dma_start3A_1463 = arith.constant 26624 : i32
      %dma_start3A_1464 = tpu.memref_slice %arg5[%dma_start3A_1463] : memref<51200xi32, #tpu.memory_space<vmem>> -> memref<2048xi32, #tpu.memory_space<vmem>>
      %dma_start3A_1465 = arith.constant 0 : i32
      %dma_start3A_1466 = tpu.memref_slice %arg11[%dma_start3A_1465] : memref<1000000xf32, #tpu.memory_space<vmem_shared>> -> memref<1000000xf32, #tpu.memory_space<vmem_shared>>
      tpu.enqueue_indirect_dma source(%dma_start3A_1466 : memref<1000000xf32, #tpu.memory_space<vmem_shared>>) target(%arg9 : memref<2048xf32, #tpu.memory_space<vmem>>) offsets(%dma_start3A_1464 : memref<2048xi32, #tpu.memory_space<vmem>>) semaphore(%arg15 : memref<!tpu.dma_semaphore, #tpu.memory_space<semaphore_mem>>)
      %dma_wait3A_1467 = arith.constant 20480 : i32
      %dma_wait3A_1468 = tpu.memref_slice %arg5[%dma_wait3A_1467] : memref<51200xi32, #tpu.memory_space<vmem>> -> memref<2048xi32, #tpu.memory_space<vmem>>
      %dma_wait3A_1469 = arith.constant 0 : i32
      %dma_wait3A_1470 = tpu.memref_slice %arg11[%dma_wait3A_1469] : memref<1000000xf32, #tpu.memory_space<vmem_shared>> -> memref<1000000xf32, #tpu.memory_space<vmem_shared>>
      tpu.wait_indirect_dma semaphore(%arg12 : memref<!tpu.dma_semaphore, #tpu.memory_space<semaphore_mem>>) src(%dma_wait3A_1470 : memref<1000000xf32, #tpu.memory_space<vmem_shared>>) dst(%arg6 : memref<2048xf32, #tpu.memory_space<vmem>>)
      %dma_start3A_1471 = arith.constant 20 : i32
      %dma_start3A_1472 = arith.constant 0 : i32
      %dma_start3A_1473 = tpu.memref_slice %arg6[%dma_start3A_1472] : memref<2048xf32, #tpu.memory_space<vmem>> -> memref<1024xf32, #tpu.memory_space<vmem>>
      %dma_start3A_1474 = tpu.memref_slice %arg4[%dma_start3A_1471, %add3A_1001, %mul3A_0] : memref<50x32x16384xf32, #tpu.memory_space<hbm>> -> memref<1x1x1024xf32, #tpu.memory_space<hbm>>
      %dma_start3A_1475 = tpu.memref_squeeze %dma_start3A_1474 : memref<1x1x1024xf32, #tpu.memory_space<hbm>> -> memref<1024xf32, #tpu.memory_space<hbm>>
      %dma_start3A_1476 = tpu.memref_slice %arg4[%dma_start3A_1471, %add3A_1001, %mul3A_0] : memref<50x32x16384xf32, #tpu.memory_space<hbm>> -> memref<1x1x1024xf32, #tpu.memory_space<hbm>>
      %dma_start3A_1477 = tpu.memref_squeeze %dma_start3A_1476 : memref<1x1x1024xf32, #tpu.memory_space<hbm>> -> memref<1024xf32, #tpu.memory_space<hbm>>
      %dma_start3A_1478 = arith.constant 0 : i32
      %dma_start3A_1479 = tpu.memref_slice %arg6[%dma_start3A_1478] : memref<2048xf32, #tpu.memory_space<vmem>> -> memref<1024xf32, #tpu.memory_space<vmem>>
      tpu.enqueue_dma source(%dma_start3A_1479 : memref<1024xf32, #tpu.memory_space<vmem>>) target(%dma_start3A_1477 : memref<1024xf32, #tpu.memory_space<hbm>>) target_semaphore(%arg17 : memref<!tpu.dma_semaphore, #tpu.memory_space<semaphore_mem>>)
      %dma_start3A_1480 = arith.constant 21 : i32
      %dma_start3A_1481 = arith.constant 1024 : i32
      %dma_start3A_1482 = tpu.memref_slice %arg6[%dma_start3A_1481] : memref<2048xf32, #tpu.memory_space<vmem>> -> memref<1024xf32, #tpu.memory_space<vmem>>
      %dma_start3A_1483 = tpu.memref_slice %arg4[%dma_start3A_1480, %add3A_1001, %mul3A_0] : memref<50x32x16384xf32, #tpu.memory_space<hbm>> -> memref<1x1x1024xf32, #tpu.memory_space<hbm>>
      %dma_start3A_1484 = tpu.memref_squeeze %dma_start3A_1483 : memref<1x1x1024xf32, #tpu.memory_space<hbm>> -> memref<1024xf32, #tpu.memory_space<hbm>>
      %dma_start3A_1485 = tpu.memref_slice %arg4[%dma_start3A_1480, %add3A_1001, %mul3A_0] : memref<50x32x16384xf32, #tpu.memory_space<hbm>> -> memref<1x1x1024xf32, #tpu.memory_space<hbm>>
      %dma_start3A_1486 = tpu.memref_squeeze %dma_start3A_1485 : memref<1x1x1024xf32, #tpu.memory_space<hbm>> -> memref<1024xf32, #tpu.memory_space<hbm>>
      %dma_start3A_1487 = arith.constant 1024 : i32
      %dma_start3A_1488 = tpu.memref_slice %arg6[%dma_start3A_1487] : memref<2048xf32, #tpu.memory_space<vmem>> -> memref<1024xf32, #tpu.memory_space<vmem>>
      tpu.enqueue_dma source(%dma_start3A_1488 : memref<1024xf32, #tpu.memory_space<vmem>>) target(%dma_start3A_1486 : memref<1024xf32, #tpu.memory_space<hbm>>) target_semaphore(%arg17 : memref<!tpu.dma_semaphore, #tpu.memory_space<semaphore_mem>>)
      %dma_wait3A_1489 = arith.constant 18 : i32
      %dma_wait3A_1490 = arith.constant 0 : i32
      %dma_wait3A_1491 = tpu.memref_slice %arg10[%dma_wait3A_1490] : memref<2048xf32, #tpu.memory_space<vmem>> -> memref<1024xf32, #tpu.memory_space<vmem>>
      %dma_wait3A_1492 = tpu.memref_slice %arg4[%dma_wait3A_1489, %add3A_1001, %mul3A_0] : memref<50x32x16384xf32, #tpu.memory_space<hbm>> -> memref<1x1x1024xf32, #tpu.memory_space<hbm>>
      %dma_wait3A_1493 = tpu.memref_squeeze %dma_wait3A_1492 : memref<1x1x1024xf32, #tpu.memory_space<hbm>> -> memref<1024xf32, #tpu.memory_space<hbm>>
      %dma_wait3A_1494 = tpu.memref_slice %arg4[%dma_wait3A_1489, %add3A_1001, %mul3A_0] : memref<50x32x16384xf32, #tpu.memory_space<hbm>> -> memref<1x1x1024xf32, #tpu.memory_space<hbm>>
      %dma_wait3A_1495 = tpu.memref_squeeze %dma_wait3A_1494 : memref<1x1x1024xf32, #tpu.memory_space<hbm>> -> memref<1024xf32, #tpu.memory_space<hbm>>
      %dma_wait3A_1496 = arith.constant 0 : i32
      %dma_wait3A_1497 = tpu.memref_slice %arg10[%dma_wait3A_1496] : memref<2048xf32, #tpu.memory_space<vmem>> -> memref<1024xf32, #tpu.memory_space<vmem>>
      tpu.wait_dma2 semaphore(%arg21 : memref<!tpu.dma_semaphore, #tpu.memory_space<semaphore_mem>>) src(%dma_wait3A_1497 : memref<1024xf32, #tpu.memory_space<vmem>>) dst(%dma_wait3A_1495 : memref<1024xf32, #tpu.memory_space<hbm>>)
      %dma_wait3A_1498 = arith.constant 19 : i32
      %dma_wait3A_1499 = arith.constant 1024 : i32
      %dma_wait3A_1500 = tpu.memref_slice %arg10[%dma_wait3A_1499] : memref<2048xf32, #tpu.memory_space<vmem>> -> memref<1024xf32, #tpu.memory_space<vmem>>
      %dma_wait3A_1501 = tpu.memref_slice %arg4[%dma_wait3A_1498, %add3A_1001, %mul3A_0] : memref<50x32x16384xf32, #tpu.memory_space<hbm>> -> memref<1x1x1024xf32, #tpu.memory_space<hbm>>
      %dma_wait3A_1502 = tpu.memref_squeeze %dma_wait3A_1501 : memref<1x1x1024xf32, #tpu.memory_space<hbm>> -> memref<1024xf32, #tpu.memory_space<hbm>>
      %dma_wait3A_1503 = tpu.memref_slice %arg4[%dma_wait3A_1498, %add3A_1001, %mul3A_0] : memref<50x32x16384xf32, #tpu.memory_space<hbm>> -> memref<1x1x1024xf32, #tpu.memory_space<hbm>>
      %dma_wait3A_1504 = tpu.memref_squeeze %dma_wait3A_1503 : memref<1x1x1024xf32, #tpu.memory_space<hbm>> -> memref<1024xf32, #tpu.memory_space<hbm>>
      %dma_wait3A_1505 = arith.constant 1024 : i32
      %dma_wait3A_1506 = tpu.memref_slice %arg10[%dma_wait3A_1505] : memref<2048xf32, #tpu.memory_space<vmem>> -> memref<1024xf32, #tpu.memory_space<vmem>>
      tpu.wait_dma2 semaphore(%arg21 : memref<!tpu.dma_semaphore, #tpu.memory_space<semaphore_mem>>) src(%dma_wait3A_1506 : memref<1024xf32, #tpu.memory_space<vmem>>) dst(%dma_wait3A_1504 : memref<1024xf32, #tpu.memory_space<hbm>>)
      %dma_start3A_1507 = arith.constant 28672 : i32
      %dma_start3A_1508 = tpu.memref_slice %arg5[%dma_start3A_1507] : memref<51200xi32, #tpu.memory_space<vmem>> -> memref<2048xi32, #tpu.memory_space<vmem>>
      %dma_start3A_1509 = arith.constant 0 : i32
      %dma_start3A_1510 = tpu.memref_slice %arg11[%dma_start3A_1509] : memref<1000000xf32, #tpu.memory_space<vmem_shared>> -> memref<1000000xf32, #tpu.memory_space<vmem_shared>>
      tpu.enqueue_indirect_dma source(%dma_start3A_1510 : memref<1000000xf32, #tpu.memory_space<vmem_shared>>) target(%arg10 : memref<2048xf32, #tpu.memory_space<vmem>>) offsets(%dma_start3A_1508 : memref<2048xi32, #tpu.memory_space<vmem>>) semaphore(%arg16 : memref<!tpu.dma_semaphore, #tpu.memory_space<semaphore_mem>>)
      %dma_wait3A_1511 = arith.constant 22528 : i32
      %dma_wait3A_1512 = tpu.memref_slice %arg5[%dma_wait3A_1511] : memref<51200xi32, #tpu.memory_space<vmem>> -> memref<2048xi32, #tpu.memory_space<vmem>>
      %dma_wait3A_1513 = arith.constant 0 : i32
      %dma_wait3A_1514 = tpu.memref_slice %arg11[%dma_wait3A_1513] : memref<1000000xf32, #tpu.memory_space<vmem_shared>> -> memref<1000000xf32, #tpu.memory_space<vmem_shared>>
      tpu.wait_indirect_dma semaphore(%arg13 : memref<!tpu.dma_semaphore, #tpu.memory_space<semaphore_mem>>) src(%dma_wait3A_1514 : memref<1000000xf32, #tpu.memory_space<vmem_shared>>) dst(%arg7 : memref<2048xf32, #tpu.memory_space<vmem>>)
      %dma_start3A_1515 = arith.constant 22 : i32
      %dma_start3A_1516 = arith.constant 0 : i32
      %dma_start3A_1517 = tpu.memref_slice %arg7[%dma_start3A_1516] : memref<2048xf32, #tpu.memory_space<vmem>> -> memref<1024xf32, #tpu.memory_space<vmem>>
      %dma_start3A_1518 = tpu.memref_slice %arg4[%dma_start3A_1515, %add3A_1001, %mul3A_0] : memref<50x32x16384xf32, #tpu.memory_space<hbm>> -> memref<1x1x1024xf32, #tpu.memory_space<hbm>>
      %dma_start3A_1519 = tpu.memref_squeeze %dma_start3A_1518 : memref<1x1x1024xf32, #tpu.memory_space<hbm>> -> memref<1024xf32, #tpu.memory_space<hbm>>
      %dma_start3A_1520 = tpu.memref_slice %arg4[%dma_start3A_1515, %add3A_1001, %mul3A_0] : memref<50x32x16384xf32, #tpu.memory_space<hbm>> -> memref<1x1x1024xf32, #tpu.memory_space<hbm>>
      %dma_start3A_1521 = tpu.memref_squeeze %dma_start3A_1520 : memref<1x1x1024xf32, #tpu.memory_space<hbm>> -> memref<1024xf32, #tpu.memory_space<hbm>>
      %dma_start3A_1522 = arith.constant 0 : i32
      %dma_start3A_1523 = tpu.memref_slice %arg7[%dma_start3A_1522] : memref<2048xf32, #tpu.memory_space<vmem>> -> memref<1024xf32, #tpu.memory_space<vmem>>
      tpu.enqueue_dma source(%dma_start3A_1523 : memref<1024xf32, #tpu.memory_space<vmem>>) target(%dma_start3A_1521 : memref<1024xf32, #tpu.memory_space<hbm>>) target_semaphore(%arg18 : memref<!tpu.dma_semaphore, #tpu.memory_space<semaphore_mem>>)
      %dma_start3A_1524 = arith.constant 23 : i32
      %dma_start3A_1525 = arith.constant 1024 : i32
      %dma_start3A_1526 = tpu.memref_slice %arg7[%dma_start3A_1525] : memref<2048xf32, #tpu.memory_space<vmem>> -> memref<1024xf32, #tpu.memory_space<vmem>>
      %dma_start3A_1527 = tpu.memref_slice %arg4[%dma_start3A_1524, %add3A_1001, %mul3A_0] : memref<50x32x16384xf32, #tpu.memory_space<hbm>> -> memref<1x1x1024xf32, #tpu.memory_space<hbm>>
      %dma_start3A_1528 = tpu.memref_squeeze %dma_start3A_1527 : memref<1x1x1024xf32, #tpu.memory_space<hbm>> -> memref<1024xf32, #tpu.memory_space<hbm>>
      %dma_start3A_1529 = tpu.memref_slice %arg4[%dma_start3A_1524, %add3A_1001, %mul3A_0] : memref<50x32x16384xf32, #tpu.memory_space<hbm>> -> memref<1x1x1024xf32, #tpu.memory_space<hbm>>
      %dma_start3A_1530 = tpu.memref_squeeze %dma_start3A_1529 : memref<1x1x1024xf32, #tpu.memory_space<hbm>> -> memref<1024xf32, #tpu.memory_space<hbm>>
      %dma_start3A_1531 = arith.constant 1024 : i32
      %dma_start3A_1532 = tpu.memref_slice %arg7[%dma_start3A_1531] : memref<2048xf32, #tpu.memory_space<vmem>> -> memref<1024xf32, #tpu.memory_space<vmem>>
      tpu.enqueue_dma source(%dma_start3A_1532 : memref<1024xf32, #tpu.memory_space<vmem>>) target(%dma_start3A_1530 : memref<1024xf32, #tpu.memory_space<hbm>>) target_semaphore(%arg18 : memref<!tpu.dma_semaphore, #tpu.memory_space<semaphore_mem>>)
      %dma_wait3A_1533 = arith.constant 20 : i32
      %dma_wait3A_1534 = arith.constant 0 : i32
      %dma_wait3A_1535 = tpu.memref_slice %arg6[%dma_wait3A_1534] : memref<2048xf32, #tpu.memory_space<vmem>> -> memref<1024xf32, #tpu.memory_space<vmem>>
      %dma_wait3A_1536 = tpu.memref_slice %arg4[%dma_wait3A_1533, %add3A_1001, %mul3A_0] : memref<50x32x16384xf32, #tpu.memory_space<hbm>> -> memref<1x1x1024xf32, #tpu.memory_space<hbm>>
      %dma_wait3A_1537 = tpu.memref_squeeze %dma_wait3A_1536 : memref<1x1x1024xf32, #tpu.memory_space<hbm>> -> memref<1024xf32, #tpu.memory_space<hbm>>
      %dma_wait3A_1538 = tpu.memref_slice %arg4[%dma_wait3A_1533, %add3A_1001, %mul3A_0] : memref<50x32x16384xf32, #tpu.memory_space<hbm>> -> memref<1x1x1024xf32, #tpu.memory_space<hbm>>
      %dma_wait3A_1539 = tpu.memref_squeeze %dma_wait3A_1538 : memref<1x1x1024xf32, #tpu.memory_space<hbm>> -> memref<1024xf32, #tpu.memory_space<hbm>>
      %dma_wait3A_1540 = arith.constant 0 : i32
      %dma_wait3A_1541 = tpu.memref_slice %arg6[%dma_wait3A_1540] : memref<2048xf32, #tpu.memory_space<vmem>> -> memref<1024xf32, #tpu.memory_space<vmem>>
      tpu.wait_dma2 semaphore(%arg17 : memref<!tpu.dma_semaphore, #tpu.memory_space<semaphore_mem>>) src(%dma_wait3A_1541 : memref<1024xf32, #tpu.memory_space<vmem>>) dst(%dma_wait3A_1539 : memref<1024xf32, #tpu.memory_space<hbm>>)
      %dma_wait3A_1542 = arith.constant 21 : i32
      %dma_wait3A_1543 = arith.constant 1024 : i32
      %dma_wait3A_1544 = tpu.memref_slice %arg6[%dma_wait3A_1543] : memref<2048xf32, #tpu.memory_space<vmem>> -> memref<1024xf32, #tpu.memory_space<vmem>>
      %dma_wait3A_1545 = tpu.memref_slice %arg4[%dma_wait3A_1542, %add3A_1001, %mul3A_0] : memref<50x32x16384xf32, #tpu.memory_space<hbm>> -> memref<1x1x1024xf32, #tpu.memory_space<hbm>>
      %dma_wait3A_1546 = tpu.memref_squeeze %dma_wait3A_1545 : memref<1x1x1024xf32, #tpu.memory_space<hbm>> -> memref<1024xf32, #tpu.memory_space<hbm>>
      %dma_wait3A_1547 = tpu.memref_slice %arg4[%dma_wait3A_1542, %add3A_1001, %mul3A_0] : memref<50x32x16384xf32, #tpu.memory_space<hbm>> -> memref<1x1x1024xf32, #tpu.memory_space<hbm>>
      %dma_wait3A_1548 = tpu.memref_squeeze %dma_wait3A_1547 : memref<1x1x1024xf32, #tpu.memory_space<hbm>> -> memref<1024xf32, #tpu.memory_space<hbm>>
      %dma_wait3A_1549 = arith.constant 1024 : i32
      %dma_wait3A_1550 = tpu.memref_slice %arg6[%dma_wait3A_1549] : memref<2048xf32, #tpu.memory_space<vmem>> -> memref<1024xf32, #tpu.memory_space<vmem>>
      tpu.wait_dma2 semaphore(%arg17 : memref<!tpu.dma_semaphore, #tpu.memory_space<semaphore_mem>>) src(%dma_wait3A_1550 : memref<1024xf32, #tpu.memory_space<vmem>>) dst(%dma_wait3A_1548 : memref<1024xf32, #tpu.memory_space<hbm>>)
      %dma_start3A_1551 = arith.constant 30720 : i32
      %dma_start3A_1552 = tpu.memref_slice %arg5[%dma_start3A_1551] : memref<51200xi32, #tpu.memory_space<vmem>> -> memref<2048xi32, #tpu.memory_space<vmem>>
      %dma_start3A_1553 = arith.constant 0 : i32
      %dma_start3A_1554 = tpu.memref_slice %arg11[%dma_start3A_1553] : memref<1000000xf32, #tpu.memory_space<vmem_shared>> -> memref<1000000xf32, #tpu.memory_space<vmem_shared>>
      tpu.enqueue_indirect_dma source(%dma_start3A_1554 : memref<1000000xf32, #tpu.memory_space<vmem_shared>>) target(%arg6 : memref<2048xf32, #tpu.memory_space<vmem>>) offsets(%dma_start3A_1552 : memref<2048xi32, #tpu.memory_space<vmem>>) semaphore(%arg12 : memref<!tpu.dma_semaphore, #tpu.memory_space<semaphore_mem>>)
      %dma_wait3A_1555 = arith.constant 24576 : i32
      %dma_wait3A_1556 = tpu.memref_slice %arg5[%dma_wait3A_1555] : memref<51200xi32, #tpu.memory_space<vmem>> -> memref<2048xi32, #tpu.memory_space<vmem>>
      %dma_wait3A_1557 = arith.constant 0 : i32
      %dma_wait3A_1558 = tpu.memref_slice %arg11[%dma_wait3A_1557] : memref<1000000xf32, #tpu.memory_space<vmem_shared>> -> memref<1000000xf32, #tpu.memory_space<vmem_shared>>
      tpu.wait_indirect_dma semaphore(%arg14 : memref<!tpu.dma_semaphore, #tpu.memory_space<semaphore_mem>>) src(%dma_wait3A_1558 : memref<1000000xf32, #tpu.memory_space<vmem_shared>>) dst(%arg8 : memref<2048xf32, #tpu.memory_space<vmem>>)
      %dma_start3A_1559 = arith.constant 24 : i32
      %dma_start3A_1560 = arith.constant 0 : i32
      %dma_start3A_1561 = tpu.memref_slice %arg8[%dma_start3A_1560] : memref<2048xf32, #tpu.memory_space<vmem>> -> memref<1024xf32, #tpu.memory_space<vmem>>
      %dma_start3A_1562 = tpu.memref_slice %arg4[%dma_start3A_1559, %add3A_1001, %mul3A_0] : memref<50x32x16384xf32, #tpu.memory_space<hbm>> -> memref<1x1x1024xf32, #tpu.memory_space<hbm>>
      %dma_start3A_1563 = tpu.memref_squeeze %dma_start3A_1562 : memref<1x1x1024xf32, #tpu.memory_space<hbm>> -> memref<1024xf32, #tpu.memory_space<hbm>>
      %dma_start3A_1564 = tpu.memref_slice %arg4[%dma_start3A_1559, %add3A_1001, %mul3A_0] : memref<50x32x16384xf32, #tpu.memory_space<hbm>> -> memref<1x1x1024xf32, #tpu.memory_space<hbm>>
      %dma_start3A_1565 = tpu.memref_squeeze %dma_start3A_1564 : memref<1x1x1024xf32, #tpu.memory_space<hbm>> -> memref<1024xf32, #tpu.memory_space<hbm>>
      %dma_start3A_1566 = arith.constant 0 : i32
      %dma_start3A_1567 = tpu.memref_slice %arg8[%dma_start3A_1566] : memref<2048xf32, #tpu.memory_space<vmem>> -> memref<1024xf32, #tpu.memory_space<vmem>>
      tpu.enqueue_dma source(%dma_start3A_1567 : memref<1024xf32, #tpu.memory_space<vmem>>) target(%dma_start3A_1565 : memref<1024xf32, #tpu.memory_space<hbm>>) target_semaphore(%arg19 : memref<!tpu.dma_semaphore, #tpu.memory_space<semaphore_mem>>)
      %dma_start3A_1568 = arith.constant 25 : i32
      %dma_start3A_1569 = arith.constant 1024 : i32
      %dma_start3A_1570 = tpu.memref_slice %arg8[%dma_start3A_1569] : memref<2048xf32, #tpu.memory_space<vmem>> -> memref<1024xf32, #tpu.memory_space<vmem>>
      %dma_start3A_1571 = tpu.memref_slice %arg4[%dma_start3A_1568, %add3A_1001, %mul3A_0] : memref<50x32x16384xf32, #tpu.memory_space<hbm>> -> memref<1x1x1024xf32, #tpu.memory_space<hbm>>
      %dma_start3A_1572 = tpu.memref_squeeze %dma_start3A_1571 : memref<1x1x1024xf32, #tpu.memory_space<hbm>> -> memref<1024xf32, #tpu.memory_space<hbm>>
      %dma_start3A_1573 = tpu.memref_slice %arg4[%dma_start3A_1568, %add3A_1001, %mul3A_0] : memref<50x32x16384xf32, #tpu.memory_space<hbm>> -> memref<1x1x1024xf32, #tpu.memory_space<hbm>>
      %dma_start3A_1574 = tpu.memref_squeeze %dma_start3A_1573 : memref<1x1x1024xf32, #tpu.memory_space<hbm>> -> memref<1024xf32, #tpu.memory_space<hbm>>
      %dma_start3A_1575 = arith.constant 1024 : i32
      %dma_start3A_1576 = tpu.memref_slice %arg8[%dma_start3A_1575] : memref<2048xf32, #tpu.memory_space<vmem>> -> memref<1024xf32, #tpu.memory_space<vmem>>
      tpu.enqueue_dma source(%dma_start3A_1576 : memref<1024xf32, #tpu.memory_space<vmem>>) target(%dma_start3A_1574 : memref<1024xf32, #tpu.memory_space<hbm>>) target_semaphore(%arg19 : memref<!tpu.dma_semaphore, #tpu.memory_space<semaphore_mem>>)
      %dma_wait3A_1577 = arith.constant 22 : i32
      %dma_wait3A_1578 = arith.constant 0 : i32
      %dma_wait3A_1579 = tpu.memref_slice %arg7[%dma_wait3A_1578] : memref<2048xf32, #tpu.memory_space<vmem>> -> memref<1024xf32, #tpu.memory_space<vmem>>
      %dma_wait3A_1580 = tpu.memref_slice %arg4[%dma_wait3A_1577, %add3A_1001, %mul3A_0] : memref<50x32x16384xf32, #tpu.memory_space<hbm>> -> memref<1x1x1024xf32, #tpu.memory_space<hbm>>
      %dma_wait3A_1581 = tpu.memref_squeeze %dma_wait3A_1580 : memref<1x1x1024xf32, #tpu.memory_space<hbm>> -> memref<1024xf32, #tpu.memory_space<hbm>>
      %dma_wait3A_1582 = tpu.memref_slice %arg4[%dma_wait3A_1577, %add3A_1001, %mul3A_0] : memref<50x32x16384xf32, #tpu.memory_space<hbm>> -> memref<1x1x1024xf32, #tpu.memory_space<hbm>>
      %dma_wait3A_1583 = tpu.memref_squeeze %dma_wait3A_1582 : memref<1x1x1024xf32, #tpu.memory_space<hbm>> -> memref<1024xf32, #tpu.memory_space<hbm>>
      %dma_wait3A_1584 = arith.constant 0 : i32
      %dma_wait3A_1585 = tpu.memref_slice %arg7[%dma_wait3A_1584] : memref<2048xf32, #tpu.memory_space<vmem>> -> memref<1024xf32, #tpu.memory_space<vmem>>
      tpu.wait_dma2 semaphore(%arg18 : memref<!tpu.dma_semaphore, #tpu.memory_space<semaphore_mem>>) src(%dma_wait3A_1585 : memref<1024xf32, #tpu.memory_space<vmem>>) dst(%dma_wait3A_1583 : memref<1024xf32, #tpu.memory_space<hbm>>)
      %dma_wait3A_1586 = arith.constant 23 : i32
      %dma_wait3A_1587 = arith.constant 1024 : i32
      %dma_wait3A_1588 = tpu.memref_slice %arg7[%dma_wait3A_1587] : memref<2048xf32, #tpu.memory_space<vmem>> -> memref<1024xf32, #tpu.memory_space<vmem>>
      %dma_wait3A_1589 = tpu.memref_slice %arg4[%dma_wait3A_1586, %add3A_1001, %mul3A_0] : memref<50x32x16384xf32, #tpu.memory_space<hbm>> -> memref<1x1x1024xf32, #tpu.memory_space<hbm>>
      %dma_wait3A_1590 = tpu.memref_squeeze %dma_wait3A_1589 : memref<1x1x1024xf32, #tpu.memory_space<hbm>> -> memref<1024xf32, #tpu.memory_space<hbm>>
      %dma_wait3A_1591 = tpu.memref_slice %arg4[%dma_wait3A_1586, %add3A_1001, %mul3A_0] : memref<50x32x16384xf32, #tpu.memory_space<hbm>> -> memref<1x1x1024xf32, #tpu.memory_space<hbm>>
      %dma_wait3A_1592 = tpu.memref_squeeze %dma_wait3A_1591 : memref<1x1x1024xf32, #tpu.memory_space<hbm>> -> memref<1024xf32, #tpu.memory_space<hbm>>
      %dma_wait3A_1593 = arith.constant 1024 : i32
      %dma_wait3A_1594 = tpu.memref_slice %arg7[%dma_wait3A_1593] : memref<2048xf32, #tpu.memory_space<vmem>> -> memref<1024xf32, #tpu.memory_space<vmem>>
      tpu.wait_dma2 semaphore(%arg18 : memref<!tpu.dma_semaphore, #tpu.memory_space<semaphore_mem>>) src(%dma_wait3A_1594 : memref<1024xf32, #tpu.memory_space<vmem>>) dst(%dma_wait3A_1592 : memref<1024xf32, #tpu.memory_space<hbm>>)
      %dma_start3A_1595 = arith.constant 32768 : i32
      %dma_start3A_1596 = tpu.memref_slice %arg5[%dma_start3A_1595] : memref<51200xi32, #tpu.memory_space<vmem>> -> memref<2048xi32, #tpu.memory_space<vmem>>
      %dma_start3A_1597 = arith.constant 0 : i32
      %dma_start3A_1598 = tpu.memref_slice %arg11[%dma_start3A_1597] : memref<1000000xf32, #tpu.memory_space<vmem_shared>> -> memref<1000000xf32, #tpu.memory_space<vmem_shared>>
      tpu.enqueue_indirect_dma source(%dma_start3A_1598 : memref<1000000xf32, #tpu.memory_space<vmem_shared>>) target(%arg7 : memref<2048xf32, #tpu.memory_space<vmem>>) offsets(%dma_start3A_1596 : memref<2048xi32, #tpu.memory_space<vmem>>) semaphore(%arg13 : memref<!tpu.dma_semaphore, #tpu.memory_space<semaphore_mem>>)
      %dma_wait3A_1599 = arith.constant 26624 : i32
      %dma_wait3A_1600 = tpu.memref_slice %arg5[%dma_wait3A_1599] : memref<51200xi32, #tpu.memory_space<vmem>> -> memref<2048xi32, #tpu.memory_space<vmem>>
      %dma_wait3A_1601 = arith.constant 0 : i32
      %dma_wait3A_1602 = tpu.memref_slice %arg11[%dma_wait3A_1601] : memref<1000000xf32, #tpu.memory_space<vmem_shared>> -> memref<1000000xf32, #tpu.memory_space<vmem_shared>>
      tpu.wait_indirect_dma semaphore(%arg15 : memref<!tpu.dma_semaphore, #tpu.memory_space<semaphore_mem>>) src(%dma_wait3A_1602 : memref<1000000xf32, #tpu.memory_space<vmem_shared>>) dst(%arg9 : memref<2048xf32, #tpu.memory_space<vmem>>)
      %dma_start3A_1603 = arith.constant 26 : i32
      %dma_start3A_1604 = arith.constant 0 : i32
      %dma_start3A_1605 = tpu.memref_slice %arg9[%dma_start3A_1604] : memref<2048xf32, #tpu.memory_space<vmem>> -> memref<1024xf32, #tpu.memory_space<vmem>>
      %dma_start3A_1606 = tpu.memref_slice %arg4[%dma_start3A_1603, %add3A_1001, %mul3A_0] : memref<50x32x16384xf32, #tpu.memory_space<hbm>> -> memref<1x1x1024xf32, #tpu.memory_space<hbm>>
      %dma_start3A_1607 = tpu.memref_squeeze %dma_start3A_1606 : memref<1x1x1024xf32, #tpu.memory_space<hbm>> -> memref<1024xf32, #tpu.memory_space<hbm>>
      %dma_start3A_1608 = tpu.memref_slice %arg4[%dma_start3A_1603, %add3A_1001, %mul3A_0] : memref<50x32x16384xf32, #tpu.memory_space<hbm>> -> memref<1x1x1024xf32, #tpu.memory_space<hbm>>
      %dma_start3A_1609 = tpu.memref_squeeze %dma_start3A_1608 : memref<1x1x1024xf32, #tpu.memory_space<hbm>> -> memref<1024xf32, #tpu.memory_space<hbm>>
      %dma_start3A_1610 = arith.constant 0 : i32
      %dma_start3A_1611 = tpu.memref_slice %arg9[%dma_start3A_1610] : memref<2048xf32, #tpu.memory_space<vmem>> -> memref<1024xf32, #tpu.memory_space<vmem>>
      tpu.enqueue_dma source(%dma_start3A_1611 : memref<1024xf32, #tpu.memory_space<vmem>>) target(%dma_start3A_1609 : memref<1024xf32, #tpu.memory_space<hbm>>) target_semaphore(%arg20 : memref<!tpu.dma_semaphore, #tpu.memory_space<semaphore_mem>>)
      %dma_start3A_1612 = arith.constant 27 : i32
      %dma_start3A_1613 = arith.constant 1024 : i32
      %dma_start3A_1614 = tpu.memref_slice %arg9[%dma_start3A_1613] : memref<2048xf32, #tpu.memory_space<vmem>> -> memref<1024xf32, #tpu.memory_space<vmem>>
      %dma_start3A_1615 = tpu.memref_slice %arg4[%dma_start3A_1612, %add3A_1001, %mul3A_0] : memref<50x32x16384xf32, #tpu.memory_space<hbm>> -> memref<1x1x1024xf32, #tpu.memory_space<hbm>>
      %dma_start3A_1616 = tpu.memref_squeeze %dma_start3A_1615 : memref<1x1x1024xf32, #tpu.memory_space<hbm>> -> memref<1024xf32, #tpu.memory_space<hbm>>
      %dma_start3A_1617 = tpu.memref_slice %arg4[%dma_start3A_1612, %add3A_1001, %mul3A_0] : memref<50x32x16384xf32, #tpu.memory_space<hbm>> -> memref<1x1x1024xf32, #tpu.memory_space<hbm>>
      %dma_start3A_1618 = tpu.memref_squeeze %dma_start3A_1617 : memref<1x1x1024xf32, #tpu.memory_space<hbm>> -> memref<1024xf32, #tpu.memory_space<hbm>>
      %dma_start3A_1619 = arith.constant 1024 : i32
      %dma_start3A_1620 = tpu.memref_slice %arg9[%dma_start3A_1619] : memref<2048xf32, #tpu.memory_space<vmem>> -> memref<1024xf32, #tpu.memory_space<vmem>>
      tpu.enqueue_dma source(%dma_start3A_1620 : memref<1024xf32, #tpu.memory_space<vmem>>) target(%dma_start3A_1618 : memref<1024xf32, #tpu.memory_space<hbm>>) target_semaphore(%arg20 : memref<!tpu.dma_semaphore, #tpu.memory_space<semaphore_mem>>)
      %dma_wait3A_1621 = arith.constant 24 : i32
      %dma_wait3A_1622 = arith.constant 0 : i32
      %dma_wait3A_1623 = tpu.memref_slice %arg8[%dma_wait3A_1622] : memref<2048xf32, #tpu.memory_space<vmem>> -> memref<1024xf32, #tpu.memory_space<vmem>>
      %dma_wait3A_1624 = tpu.memref_slice %arg4[%dma_wait3A_1621, %add3A_1001, %mul3A_0] : memref<50x32x16384xf32, #tpu.memory_space<hbm>> -> memref<1x1x1024xf32, #tpu.memory_space<hbm>>
      %dma_wait3A_1625 = tpu.memref_squeeze %dma_wait3A_1624 : memref<1x1x1024xf32, #tpu.memory_space<hbm>> -> memref<1024xf32, #tpu.memory_space<hbm>>
      %dma_wait3A_1626 = tpu.memref_slice %arg4[%dma_wait3A_1621, %add3A_1001, %mul3A_0] : memref<50x32x16384xf32, #tpu.memory_space<hbm>> -> memref<1x1x1024xf32, #tpu.memory_space<hbm>>
      %dma_wait3A_1627 = tpu.memref_squeeze %dma_wait3A_1626 : memref<1x1x1024xf32, #tpu.memory_space<hbm>> -> memref<1024xf32, #tpu.memory_space<hbm>>
      %dma_wait3A_1628 = arith.constant 0 : i32
      %dma_wait3A_1629 = tpu.memref_slice %arg8[%dma_wait3A_1628] : memref<2048xf32, #tpu.memory_space<vmem>> -> memref<1024xf32, #tpu.memory_space<vmem>>
      tpu.wait_dma2 semaphore(%arg19 : memref<!tpu.dma_semaphore, #tpu.memory_space<semaphore_mem>>) src(%dma_wait3A_1629 : memref<1024xf32, #tpu.memory_space<vmem>>) dst(%dma_wait3A_1627 : memref<1024xf32, #tpu.memory_space<hbm>>)
      %dma_wait3A_1630 = arith.constant 25 : i32
      %dma_wait3A_1631 = arith.constant 1024 : i32
      %dma_wait3A_1632 = tpu.memref_slice %arg8[%dma_wait3A_1631] : memref<2048xf32, #tpu.memory_space<vmem>> -> memref<1024xf32, #tpu.memory_space<vmem>>
      %dma_wait3A_1633 = tpu.memref_slice %arg4[%dma_wait3A_1630, %add3A_1001, %mul3A_0] : memref<50x32x16384xf32, #tpu.memory_space<hbm>> -> memref<1x1x1024xf32, #tpu.memory_space<hbm>>
      %dma_wait3A_1634 = tpu.memref_squeeze %dma_wait3A_1633 : memref<1x1x1024xf32, #tpu.memory_space<hbm>> -> memref<1024xf32, #tpu.memory_space<hbm>>
      %dma_wait3A_1635 = tpu.memref_slice %arg4[%dma_wait3A_1630, %add3A_1001, %mul3A_0] : memref<50x32x16384xf32, #tpu.memory_space<hbm>> -> memref<1x1x1024xf32, #tpu.memory_space<hbm>>
      %dma_wait3A_1636 = tpu.memref_squeeze %dma_wait3A_1635 : memref<1x1x1024xf32, #tpu.memory_space<hbm>> -> memref<1024xf32, #tpu.memory_space<hbm>>
      %dma_wait3A_1637 = arith.constant 1024 : i32
      %dma_wait3A_1638 = tpu.memref_slice %arg8[%dma_wait3A_1637] : memref<2048xf32, #tpu.memory_space<vmem>> -> memref<1024xf32, #tpu.memory_space<vmem>>
      tpu.wait_dma2 semaphore(%arg19 : memref<!tpu.dma_semaphore, #tpu.memory_space<semaphore_mem>>) src(%dma_wait3A_1638 : memref<1024xf32, #tpu.memory_space<vmem>>) dst(%dma_wait3A_1636 : memref<1024xf32, #tpu.memory_space<hbm>>)
      %dma_start3A_1639 = arith.constant 34816 : i32
      %dma_start3A_1640 = tpu.memref_slice %arg5[%dma_start3A_1639] : memref<51200xi32, #tpu.memory_space<vmem>> -> memref<2048xi32, #tpu.memory_space<vmem>>
      %dma_start3A_1641 = arith.constant 0 : i32
      %dma_start3A_1642 = tpu.memref_slice %arg11[%dma_start3A_1641] : memref<1000000xf32, #tpu.memory_space<vmem_shared>> -> memref<1000000xf32, #tpu.memory_space<vmem_shared>>
      tpu.enqueue_indirect_dma source(%dma_start3A_1642 : memref<1000000xf32, #tpu.memory_space<vmem_shared>>) target(%arg8 : memref<2048xf32, #tpu.memory_space<vmem>>) offsets(%dma_start3A_1640 : memref<2048xi32, #tpu.memory_space<vmem>>) semaphore(%arg14 : memref<!tpu.dma_semaphore, #tpu.memory_space<semaphore_mem>>)
      %dma_wait3A_1643 = arith.constant 28672 : i32
      %dma_wait3A_1644 = tpu.memref_slice %arg5[%dma_wait3A_1643] : memref<51200xi32, #tpu.memory_space<vmem>> -> memref<2048xi32, #tpu.memory_space<vmem>>
      %dma_wait3A_1645 = arith.constant 0 : i32
      %dma_wait3A_1646 = tpu.memref_slice %arg11[%dma_wait3A_1645] : memref<1000000xf32, #tpu.memory_space<vmem_shared>> -> memref<1000000xf32, #tpu.memory_space<vmem_shared>>
      tpu.wait_indirect_dma semaphore(%arg16 : memref<!tpu.dma_semaphore, #tpu.memory_space<semaphore_mem>>) src(%dma_wait3A_1646 : memref<1000000xf32, #tpu.memory_space<vmem_shared>>) dst(%arg10 : memref<2048xf32, #tpu.memory_space<vmem>>)
      %dma_start3A_1647 = arith.constant 28 : i32
      %dma_start3A_1648 = arith.constant 0 : i32
      %dma_start3A_1649 = tpu.memref_slice %arg10[%dma_start3A_1648] : memref<2048xf32, #tpu.memory_space<vmem>> -> memref<1024xf32, #tpu.memory_space<vmem>>
      %dma_start3A_1650 = tpu.memref_slice %arg4[%dma_start3A_1647, %add3A_1001, %mul3A_0] : memref<50x32x16384xf32, #tpu.memory_space<hbm>> -> memref<1x1x1024xf32, #tpu.memory_space<hbm>>
      %dma_start3A_1651 = tpu.memref_squeeze %dma_start3A_1650 : memref<1x1x1024xf32, #tpu.memory_space<hbm>> -> memref<1024xf32, #tpu.memory_space<hbm>>
      %dma_start3A_1652 = tpu.memref_slice %arg4[%dma_start3A_1647, %add3A_1001, %mul3A_0] : memref<50x32x16384xf32, #tpu.memory_space<hbm>> -> memref<1x1x1024xf32, #tpu.memory_space<hbm>>
      %dma_start3A_1653 = tpu.memref_squeeze %dma_start3A_1652 : memref<1x1x1024xf32, #tpu.memory_space<hbm>> -> memref<1024xf32, #tpu.memory_space<hbm>>
      %dma_start3A_1654 = arith.constant 0 : i32
      %dma_start3A_1655 = tpu.memref_slice %arg10[%dma_start3A_1654] : memref<2048xf32, #tpu.memory_space<vmem>> -> memref<1024xf32, #tpu.memory_space<vmem>>
      tpu.enqueue_dma source(%dma_start3A_1655 : memref<1024xf32, #tpu.memory_space<vmem>>) target(%dma_start3A_1653 : memref<1024xf32, #tpu.memory_space<hbm>>) target_semaphore(%arg21 : memref<!tpu.dma_semaphore, #tpu.memory_space<semaphore_mem>>)
      %dma_start3A_1656 = arith.constant 29 : i32
      %dma_start3A_1657 = arith.constant 1024 : i32
      %dma_start3A_1658 = tpu.memref_slice %arg10[%dma_start3A_1657] : memref<2048xf32, #tpu.memory_space<vmem>> -> memref<1024xf32, #tpu.memory_space<vmem>>
      %dma_start3A_1659 = tpu.memref_slice %arg4[%dma_start3A_1656, %add3A_1001, %mul3A_0] : memref<50x32x16384xf32, #tpu.memory_space<hbm>> -> memref<1x1x1024xf32, #tpu.memory_space<hbm>>
      %dma_start3A_1660 = tpu.memref_squeeze %dma_start3A_1659 : memref<1x1x1024xf32, #tpu.memory_space<hbm>> -> memref<1024xf32, #tpu.memory_space<hbm>>
      %dma_start3A_1661 = tpu.memref_slice %arg4[%dma_start3A_1656, %add3A_1001, %mul3A_0] : memref<50x32x16384xf32, #tpu.memory_space<hbm>> -> memref<1x1x1024xf32, #tpu.memory_space<hbm>>
      %dma_start3A_1662 = tpu.memref_squeeze %dma_start3A_1661 : memref<1x1x1024xf32, #tpu.memory_space<hbm>> -> memref<1024xf32, #tpu.memory_space<hbm>>
      %dma_start3A_1663 = arith.constant 1024 : i32
      %dma_start3A_1664 = tpu.memref_slice %arg10[%dma_start3A_1663] : memref<2048xf32, #tpu.memory_space<vmem>> -> memref<1024xf32, #tpu.memory_space<vmem>>
      tpu.enqueue_dma source(%dma_start3A_1664 : memref<1024xf32, #tpu.memory_space<vmem>>) target(%dma_start3A_1662 : memref<1024xf32, #tpu.memory_space<hbm>>) target_semaphore(%arg21 : memref<!tpu.dma_semaphore, #tpu.memory_space<semaphore_mem>>)
      %dma_wait3A_1665 = arith.constant 26 : i32
      %dma_wait3A_1666 = arith.constant 0 : i32
      %dma_wait3A_1667 = tpu.memref_slice %arg9[%dma_wait3A_1666] : memref<2048xf32, #tpu.memory_space<vmem>> -> memref<1024xf32, #tpu.memory_space<vmem>>
      %dma_wait3A_1668 = tpu.memref_slice %arg4[%dma_wait3A_1665, %add3A_1001, %mul3A_0] : memref<50x32x16384xf32, #tpu.memory_space<hbm>> -> memref<1x1x1024xf32, #tpu.memory_space<hbm>>
      %dma_wait3A_1669 = tpu.memref_squeeze %dma_wait3A_1668 : memref<1x1x1024xf32, #tpu.memory_space<hbm>> -> memref<1024xf32, #tpu.memory_space<hbm>>
      %dma_wait3A_1670 = tpu.memref_slice %arg4[%dma_wait3A_1665, %add3A_1001, %mul3A_0] : memref<50x32x16384xf32, #tpu.memory_space<hbm>> -> memref<1x1x1024xf32, #tpu.memory_space<hbm>>
      %dma_wait3A_1671 = tpu.memref_squeeze %dma_wait3A_1670 : memref<1x1x1024xf32, #tpu.memory_space<hbm>> -> memref<1024xf32, #tpu.memory_space<hbm>>
      %dma_wait3A_1672 = arith.constant 0 : i32
      %dma_wait3A_1673 = tpu.memref_slice %arg9[%dma_wait3A_1672] : memref<2048xf32, #tpu.memory_space<vmem>> -> memref<1024xf32, #tpu.memory_space<vmem>>
      tpu.wait_dma2 semaphore(%arg20 : memref<!tpu.dma_semaphore, #tpu.memory_space<semaphore_mem>>) src(%dma_wait3A_1673 : memref<1024xf32, #tpu.memory_space<vmem>>) dst(%dma_wait3A_1671 : memref<1024xf32, #tpu.memory_space<hbm>>)
      %dma_wait3A_1674 = arith.constant 27 : i32
      %dma_wait3A_1675 = arith.constant 1024 : i32
      %dma_wait3A_1676 = tpu.memref_slice %arg9[%dma_wait3A_1675] : memref<2048xf32, #tpu.memory_space<vmem>> -> memref<1024xf32, #tpu.memory_space<vmem>>
      %dma_wait3A_1677 = tpu.memref_slice %arg4[%dma_wait3A_1674, %add3A_1001, %mul3A_0] : memref<50x32x16384xf32, #tpu.memory_space<hbm>> -> memref<1x1x1024xf32, #tpu.memory_space<hbm>>
      %dma_wait3A_1678 = tpu.memref_squeeze %dma_wait3A_1677 : memref<1x1x1024xf32, #tpu.memory_space<hbm>> -> memref<1024xf32, #tpu.memory_space<hbm>>
      %dma_wait3A_1679 = tpu.memref_slice %arg4[%dma_wait3A_1674, %add3A_1001, %mul3A_0] : memref<50x32x16384xf32, #tpu.memory_space<hbm>> -> memref<1x1x1024xf32, #tpu.memory_space<hbm>>
      %dma_wait3A_1680 = tpu.memref_squeeze %dma_wait3A_1679 : memref<1x1x1024xf32, #tpu.memory_space<hbm>> -> memref<1024xf32, #tpu.memory_space<hbm>>
      %dma_wait3A_1681 = arith.constant 1024 : i32
      %dma_wait3A_1682 = tpu.memref_slice %arg9[%dma_wait3A_1681] : memref<2048xf32, #tpu.memory_space<vmem>> -> memref<1024xf32, #tpu.memory_space<vmem>>
      tpu.wait_dma2 semaphore(%arg20 : memref<!tpu.dma_semaphore, #tpu.memory_space<semaphore_mem>>) src(%dma_wait3A_1682 : memref<1024xf32, #tpu.memory_space<vmem>>) dst(%dma_wait3A_1680 : memref<1024xf32, #tpu.memory_space<hbm>>)
      %dma_start3A_1683 = arith.constant 36864 : i32
      %dma_start3A_1684 = tpu.memref_slice %arg5[%dma_start3A_1683] : memref<51200xi32, #tpu.memory_space<vmem>> -> memref<2048xi32, #tpu.memory_space<vmem>>
      %dma_start3A_1685 = arith.constant 0 : i32
      %dma_start3A_1686 = tpu.memref_slice %arg11[%dma_start3A_1685] : memref<1000000xf32, #tpu.memory_space<vmem_shared>> -> memref<1000000xf32, #tpu.memory_space<vmem_shared>>
      tpu.enqueue_indirect_dma source(%dma_start3A_1686 : memref<1000000xf32, #tpu.memory_space<vmem_shared>>) target(%arg9 : memref<2048xf32, #tpu.memory_space<vmem>>) offsets(%dma_start3A_1684 : memref<2048xi32, #tpu.memory_space<vmem>>) semaphore(%arg15 : memref<!tpu.dma_semaphore, #tpu.memory_space<semaphore_mem>>)
      %dma_wait3A_1687 = arith.constant 30720 : i32
      %dma_wait3A_1688 = tpu.memref_slice %arg5[%dma_wait3A_1687] : memref<51200xi32, #tpu.memory_space<vmem>> -> memref<2048xi32, #tpu.memory_space<vmem>>
      %dma_wait3A_1689 = arith.constant 0 : i32
      %dma_wait3A_1690 = tpu.memref_slice %arg11[%dma_wait3A_1689] : memref<1000000xf32, #tpu.memory_space<vmem_shared>> -> memref<1000000xf32, #tpu.memory_space<vmem_shared>>
      tpu.wait_indirect_dma semaphore(%arg12 : memref<!tpu.dma_semaphore, #tpu.memory_space<semaphore_mem>>) src(%dma_wait3A_1690 : memref<1000000xf32, #tpu.memory_space<vmem_shared>>) dst(%arg6 : memref<2048xf32, #tpu.memory_space<vmem>>)
      %dma_start3A_1691 = arith.constant 30 : i32
      %dma_start3A_1692 = arith.constant 0 : i32
      %dma_start3A_1693 = tpu.memref_slice %arg6[%dma_start3A_1692] : memref<2048xf32, #tpu.memory_space<vmem>> -> memref<1024xf32, #tpu.memory_space<vmem>>
      %dma_start3A_1694 = tpu.memref_slice %arg4[%dma_start3A_1691, %add3A_1001, %mul3A_0] : memref<50x32x16384xf32, #tpu.memory_space<hbm>> -> memref<1x1x1024xf32, #tpu.memory_space<hbm>>
      %dma_start3A_1695 = tpu.memref_squeeze %dma_start3A_1694 : memref<1x1x1024xf32, #tpu.memory_space<hbm>> -> memref<1024xf32, #tpu.memory_space<hbm>>
      %dma_start3A_1696 = tpu.memref_slice %arg4[%dma_start3A_1691, %add3A_1001, %mul3A_0] : memref<50x32x16384xf32, #tpu.memory_space<hbm>> -> memref<1x1x1024xf32, #tpu.memory_space<hbm>>
      %dma_start3A_1697 = tpu.memref_squeeze %dma_start3A_1696 : memref<1x1x1024xf32, #tpu.memory_space<hbm>> -> memref<1024xf32, #tpu.memory_space<hbm>>
      %dma_start3A_1698 = arith.constant 0 : i32
      %dma_start3A_1699 = tpu.memref_slice %arg6[%dma_start3A_1698] : memref<2048xf32, #tpu.memory_space<vmem>> -> memref<1024xf32, #tpu.memory_space<vmem>>
      tpu.enqueue_dma source(%dma_start3A_1699 : memref<1024xf32, #tpu.memory_space<vmem>>) target(%dma_start3A_1697 : memref<1024xf32, #tpu.memory_space<hbm>>) target_semaphore(%arg17 : memref<!tpu.dma_semaphore, #tpu.memory_space<semaphore_mem>>)
      %dma_start3A_1700 = arith.constant 31 : i32
      %dma_start3A_1701 = arith.constant 1024 : i32
      %dma_start3A_1702 = tpu.memref_slice %arg6[%dma_start3A_1701] : memref<2048xf32, #tpu.memory_space<vmem>> -> memref<1024xf32, #tpu.memory_space<vmem>>
      %dma_start3A_1703 = tpu.memref_slice %arg4[%dma_start3A_1700, %add3A_1001, %mul3A_0] : memref<50x32x16384xf32, #tpu.memory_space<hbm>> -> memref<1x1x1024xf32, #tpu.memory_space<hbm>>
      %dma_start3A_1704 = tpu.memref_squeeze %dma_start3A_1703 : memref<1x1x1024xf32, #tpu.memory_space<hbm>> -> memref<1024xf32, #tpu.memory_space<hbm>>
      %dma_start3A_1705 = tpu.memref_slice %arg4[%dma_start3A_1700, %add3A_1001, %mul3A_0] : memref<50x32x16384xf32, #tpu.memory_space<hbm>> -> memref<1x1x1024xf32, #tpu.memory_space<hbm>>
      %dma_start3A_1706 = tpu.memref_squeeze %dma_start3A_1705 : memref<1x1x1024xf32, #tpu.memory_space<hbm>> -> memref<1024xf32, #tpu.memory_space<hbm>>
      %dma_start3A_1707 = arith.constant 1024 : i32
      %dma_start3A_1708 = tpu.memref_slice %arg6[%dma_start3A_1707] : memref<2048xf32, #tpu.memory_space<vmem>> -> memref<1024xf32, #tpu.memory_space<vmem>>
      tpu.enqueue_dma source(%dma_start3A_1708 : memref<1024xf32, #tpu.memory_space<vmem>>) target(%dma_start3A_1706 : memref<1024xf32, #tpu.memory_space<hbm>>) target_semaphore(%arg17 : memref<!tpu.dma_semaphore, #tpu.memory_space<semaphore_mem>>)
      %dma_wait3A_1709 = arith.constant 28 : i32
      %dma_wait3A_1710 = arith.constant 0 : i32
      %dma_wait3A_1711 = tpu.memref_slice %arg10[%dma_wait3A_1710] : memref<2048xf32, #tpu.memory_space<vmem>> -> memref<1024xf32, #tpu.memory_space<vmem>>
      %dma_wait3A_1712 = tpu.memref_slice %arg4[%dma_wait3A_1709, %add3A_1001, %mul3A_0] : memref<50x32x16384xf32, #tpu.memory_space<hbm>> -> memref<1x1x1024xf32, #tpu.memory_space<hbm>>
      %dma_wait3A_1713 = tpu.memref_squeeze %dma_wait3A_1712 : memref<1x1x1024xf32, #tpu.memory_space<hbm>> -> memref<1024xf32, #tpu.memory_space<hbm>>
      %dma_wait3A_1714 = tpu.memref_slice %arg4[%dma_wait3A_1709, %add3A_1001, %mul3A_0] : memref<50x32x16384xf32, #tpu.memory_space<hbm>> -> memref<1x1x1024xf32, #tpu.memory_space<hbm>>
      %dma_wait3A_1715 = tpu.memref_squeeze %dma_wait3A_1714 : memref<1x1x1024xf32, #tpu.memory_space<hbm>> -> memref<1024xf32, #tpu.memory_space<hbm>>
      %dma_wait3A_1716 = arith.constant 0 : i32
      %dma_wait3A_1717 = tpu.memref_slice %arg10[%dma_wait3A_1716] : memref<2048xf32, #tpu.memory_space<vmem>> -> memref<1024xf32, #tpu.memory_space<vmem>>
      tpu.wait_dma2 semaphore(%arg21 : memref<!tpu.dma_semaphore, #tpu.memory_space<semaphore_mem>>) src(%dma_wait3A_1717 : memref<1024xf32, #tpu.memory_space<vmem>>) dst(%dma_wait3A_1715 : memref<1024xf32, #tpu.memory_space<hbm>>)
      %dma_wait3A_1718 = arith.constant 29 : i32
      %dma_wait3A_1719 = arith.constant 1024 : i32
      %dma_wait3A_1720 = tpu.memref_slice %arg10[%dma_wait3A_1719] : memref<2048xf32, #tpu.memory_space<vmem>> -> memref<1024xf32, #tpu.memory_space<vmem>>
      %dma_wait3A_1721 = tpu.memref_slice %arg4[%dma_wait3A_1718, %add3A_1001, %mul3A_0] : memref<50x32x16384xf32, #tpu.memory_space<hbm>> -> memref<1x1x1024xf32, #tpu.memory_space<hbm>>
      %dma_wait3A_1722 = tpu.memref_squeeze %dma_wait3A_1721 : memref<1x1x1024xf32, #tpu.memory_space<hbm>> -> memref<1024xf32, #tpu.memory_space<hbm>>
      %dma_wait3A_1723 = tpu.memref_slice %arg4[%dma_wait3A_1718, %add3A_1001, %mul3A_0] : memref<50x32x16384xf32, #tpu.memory_space<hbm>> -> memref<1x1x1024xf32, #tpu.memory_space<hbm>>
      %dma_wait3A_1724 = tpu.memref_squeeze %dma_wait3A_1723 : memref<1x1x1024xf32, #tpu.memory_space<hbm>> -> memref<1024xf32, #tpu.memory_space<hbm>>
      %dma_wait3A_1725 = arith.constant 1024 : i32
      %dma_wait3A_1726 = tpu.memref_slice %arg10[%dma_wait3A_1725] : memref<2048xf32, #tpu.memory_space<vmem>> -> memref<1024xf32, #tpu.memory_space<vmem>>
      tpu.wait_dma2 semaphore(%arg21 : memref<!tpu.dma_semaphore, #tpu.memory_space<semaphore_mem>>) src(%dma_wait3A_1726 : memref<1024xf32, #tpu.memory_space<vmem>>) dst(%dma_wait3A_1724 : memref<1024xf32, #tpu.memory_space<hbm>>)
      %dma_start3A_1727 = arith.constant 38912 : i32
      %dma_start3A_1728 = tpu.memref_slice %arg5[%dma_start3A_1727] : memref<51200xi32, #tpu.memory_space<vmem>> -> memref<2048xi32, #tpu.memory_space<vmem>>
      %dma_start3A_1729 = arith.constant 0 : i32
      %dma_start3A_1730 = tpu.memref_slice %arg11[%dma_start3A_1729] : memref<1000000xf32, #tpu.memory_space<vmem_shared>> -> memref<1000000xf32, #tpu.memory_space<vmem_shared>>
      tpu.enqueue_indirect_dma source(%dma_start3A_1730 : memref<1000000xf32, #tpu.memory_space<vmem_shared>>) target(%arg10 : memref<2048xf32, #tpu.memory_space<vmem>>) offsets(%dma_start3A_1728 : memref<2048xi32, #tpu.memory_space<vmem>>) semaphore(%arg16 : memref<!tpu.dma_semaphore, #tpu.memory_space<semaphore_mem>>)
      %dma_wait3A_1731 = arith.constant 32768 : i32
      %dma_wait3A_1732 = tpu.memref_slice %arg5[%dma_wait3A_1731] : memref<51200xi32, #tpu.memory_space<vmem>> -> memref<2048xi32, #tpu.memory_space<vmem>>
      %dma_wait3A_1733 = arith.constant 0 : i32
      %dma_wait3A_1734 = tpu.memref_slice %arg11[%dma_wait3A_1733] : memref<1000000xf32, #tpu.memory_space<vmem_shared>> -> memref<1000000xf32, #tpu.memory_space<vmem_shared>>
      tpu.wait_indirect_dma semaphore(%arg13 : memref<!tpu.dma_semaphore, #tpu.memory_space<semaphore_mem>>) src(%dma_wait3A_1734 : memref<1000000xf32, #tpu.memory_space<vmem_shared>>) dst(%arg7 : memref<2048xf32, #tpu.memory_space<vmem>>)
      %dma_start3A_1735 = arith.constant 32 : i32
      %dma_start3A_1736 = arith.constant 0 : i32
      %dma_start3A_1737 = tpu.memref_slice %arg7[%dma_start3A_1736] : memref<2048xf32, #tpu.memory_space<vmem>> -> memref<1024xf32, #tpu.memory_space<vmem>>
      %dma_start3A_1738 = tpu.memref_slice %arg4[%dma_start3A_1735, %add3A_1001, %mul3A_0] : memref<50x32x16384xf32, #tpu.memory_space<hbm>> -> memref<1x1x1024xf32, #tpu.memory_space<hbm>>
      %dma_start3A_1739 = tpu.memref_squeeze %dma_start3A_1738 : memref<1x1x1024xf32, #tpu.memory_space<hbm>> -> memref<1024xf32, #tpu.memory_space<hbm>>
      %dma_start3A_1740 = tpu.memref_slice %arg4[%dma_start3A_1735, %add3A_1001, %mul3A_0] : memref<50x32x16384xf32, #tpu.memory_space<hbm>> -> memref<1x1x1024xf32, #tpu.memory_space<hbm>>
      %dma_start3A_1741 = tpu.memref_squeeze %dma_start3A_1740 : memref<1x1x1024xf32, #tpu.memory_space<hbm>> -> memref<1024xf32, #tpu.memory_space<hbm>>
      %dma_start3A_1742 = arith.constant 0 : i32
      %dma_start3A_1743 = tpu.memref_slice %arg7[%dma_start3A_1742] : memref<2048xf32, #tpu.memory_space<vmem>> -> memref<1024xf32, #tpu.memory_space<vmem>>
      tpu.enqueue_dma source(%dma_start3A_1743 : memref<1024xf32, #tpu.memory_space<vmem>>) target(%dma_start3A_1741 : memref<1024xf32, #tpu.memory_space<hbm>>) target_semaphore(%arg18 : memref<!tpu.dma_semaphore, #tpu.memory_space<semaphore_mem>>)
      %dma_start3A_1744 = arith.constant 33 : i32
      %dma_start3A_1745 = arith.constant 1024 : i32
      %dma_start3A_1746 = tpu.memref_slice %arg7[%dma_start3A_1745] : memref<2048xf32, #tpu.memory_space<vmem>> -> memref<1024xf32, #tpu.memory_space<vmem>>
      %dma_start3A_1747 = tpu.memref_slice %arg4[%dma_start3A_1744, %add3A_1001, %mul3A_0] : memref<50x32x16384xf32, #tpu.memory_space<hbm>> -> memref<1x1x1024xf32, #tpu.memory_space<hbm>>
      %dma_start3A_1748 = tpu.memref_squeeze %dma_start3A_1747 : memref<1x1x1024xf32, #tpu.memory_space<hbm>> -> memref<1024xf32, #tpu.memory_space<hbm>>
      %dma_start3A_1749 = tpu.memref_slice %arg4[%dma_start3A_1744, %add3A_1001, %mul3A_0] : memref<50x32x16384xf32, #tpu.memory_space<hbm>> -> memref<1x1x1024xf32, #tpu.memory_space<hbm>>
      %dma_start3A_1750 = tpu.memref_squeeze %dma_start3A_1749 : memref<1x1x1024xf32, #tpu.memory_space<hbm>> -> memref<1024xf32, #tpu.memory_space<hbm>>
      %dma_start3A_1751 = arith.constant 1024 : i32
      %dma_start3A_1752 = tpu.memref_slice %arg7[%dma_start3A_1751] : memref<2048xf32, #tpu.memory_space<vmem>> -> memref<1024xf32, #tpu.memory_space<vmem>>
      tpu.enqueue_dma source(%dma_start3A_1752 : memref<1024xf32, #tpu.memory_space<vmem>>) target(%dma_start3A_1750 : memref<1024xf32, #tpu.memory_space<hbm>>) target_semaphore(%arg18 : memref<!tpu.dma_semaphore, #tpu.memory_space<semaphore_mem>>)
      %dma_wait3A_1753 = arith.constant 30 : i32
      %dma_wait3A_1754 = arith.constant 0 : i32
      %dma_wait3A_1755 = tpu.memref_slice %arg6[%dma_wait3A_1754] : memref<2048xf32, #tpu.memory_space<vmem>> -> memref<1024xf32, #tpu.memory_space<vmem>>
      %dma_wait3A_1756 = tpu.memref_slice %arg4[%dma_wait3A_1753, %add3A_1001, %mul3A_0] : memref<50x32x16384xf32, #tpu.memory_space<hbm>> -> memref<1x1x1024xf32, #tpu.memory_space<hbm>>
      %dma_wait3A_1757 = tpu.memref_squeeze %dma_wait3A_1756 : memref<1x1x1024xf32, #tpu.memory_space<hbm>> -> memref<1024xf32, #tpu.memory_space<hbm>>
      %dma_wait3A_1758 = tpu.memref_slice %arg4[%dma_wait3A_1753, %add3A_1001, %mul3A_0] : memref<50x32x16384xf32, #tpu.memory_space<hbm>> -> memref<1x1x1024xf32, #tpu.memory_space<hbm>>
      %dma_wait3A_1759 = tpu.memref_squeeze %dma_wait3A_1758 : memref<1x1x1024xf32, #tpu.memory_space<hbm>> -> memref<1024xf32, #tpu.memory_space<hbm>>
      %dma_wait3A_1760 = arith.constant 0 : i32
      %dma_wait3A_1761 = tpu.memref_slice %arg6[%dma_wait3A_1760] : memref<2048xf32, #tpu.memory_space<vmem>> -> memref<1024xf32, #tpu.memory_space<vmem>>
      tpu.wait_dma2 semaphore(%arg17 : memref<!tpu.dma_semaphore, #tpu.memory_space<semaphore_mem>>) src(%dma_wait3A_1761 : memref<1024xf32, #tpu.memory_space<vmem>>) dst(%dma_wait3A_1759 : memref<1024xf32, #tpu.memory_space<hbm>>)
      %dma_wait3A_1762 = arith.constant 31 : i32
      %dma_wait3A_1763 = arith.constant 1024 : i32
      %dma_wait3A_1764 = tpu.memref_slice %arg6[%dma_wait3A_1763] : memref<2048xf32, #tpu.memory_space<vmem>> -> memref<1024xf32, #tpu.memory_space<vmem>>
      %dma_wait3A_1765 = tpu.memref_slice %arg4[%dma_wait3A_1762, %add3A_1001, %mul3A_0] : memref<50x32x16384xf32, #tpu.memory_space<hbm>> -> memref<1x1x1024xf32, #tpu.memory_space<hbm>>
      %dma_wait3A_1766 = tpu.memref_squeeze %dma_wait3A_1765 : memref<1x1x1024xf32, #tpu.memory_space<hbm>> -> memref<1024xf32, #tpu.memory_space<hbm>>
      %dma_wait3A_1767 = tpu.memref_slice %arg4[%dma_wait3A_1762, %add3A_1001, %mul3A_0] : memref<50x32x16384xf32, #tpu.memory_space<hbm>> -> memref<1x1x1024xf32, #tpu.memory_space<hbm>>
      %dma_wait3A_1768 = tpu.memref_squeeze %dma_wait3A_1767 : memref<1x1x1024xf32, #tpu.memory_space<hbm>> -> memref<1024xf32, #tpu.memory_space<hbm>>
      %dma_wait3A_1769 = arith.constant 1024 : i32
      %dma_wait3A_1770 = tpu.memref_slice %arg6[%dma_wait3A_1769] : memref<2048xf32, #tpu.memory_space<vmem>> -> memref<1024xf32, #tpu.memory_space<vmem>>
      tpu.wait_dma2 semaphore(%arg17 : memref<!tpu.dma_semaphore, #tpu.memory_space<semaphore_mem>>) src(%dma_wait3A_1770 : memref<1024xf32, #tpu.memory_space<vmem>>) dst(%dma_wait3A_1768 : memref<1024xf32, #tpu.memory_space<hbm>>)
      %dma_start3A_1771 = arith.constant 40960 : i32
      %dma_start3A_1772 = tpu.memref_slice %arg5[%dma_start3A_1771] : memref<51200xi32, #tpu.memory_space<vmem>> -> memref<2048xi32, #tpu.memory_space<vmem>>
      %dma_start3A_1773 = arith.constant 0 : i32
      %dma_start3A_1774 = tpu.memref_slice %arg11[%dma_start3A_1773] : memref<1000000xf32, #tpu.memory_space<vmem_shared>> -> memref<1000000xf32, #tpu.memory_space<vmem_shared>>
      tpu.enqueue_indirect_dma source(%dma_start3A_1774 : memref<1000000xf32, #tpu.memory_space<vmem_shared>>) target(%arg6 : memref<2048xf32, #tpu.memory_space<vmem>>) offsets(%dma_start3A_1772 : memref<2048xi32, #tpu.memory_space<vmem>>) semaphore(%arg12 : memref<!tpu.dma_semaphore, #tpu.memory_space<semaphore_mem>>)
      %dma_wait3A_1775 = arith.constant 34816 : i32
      %dma_wait3A_1776 = tpu.memref_slice %arg5[%dma_wait3A_1775] : memref<51200xi32, #tpu.memory_space<vmem>> -> memref<2048xi32, #tpu.memory_space<vmem>>
      %dma_wait3A_1777 = arith.constant 0 : i32
      %dma_wait3A_1778 = tpu.memref_slice %arg11[%dma_wait3A_1777] : memref<1000000xf32, #tpu.memory_space<vmem_shared>> -> memref<1000000xf32, #tpu.memory_space<vmem_shared>>
      tpu.wait_indirect_dma semaphore(%arg14 : memref<!tpu.dma_semaphore, #tpu.memory_space<semaphore_mem>>) src(%dma_wait3A_1778 : memref<1000000xf32, #tpu.memory_space<vmem_shared>>) dst(%arg8 : memref<2048xf32, #tpu.memory_space<vmem>>)
      %dma_start3A_1779 = arith.constant 34 : i32
      %dma_start3A_1780 = arith.constant 0 : i32
      %dma_start3A_1781 = tpu.memref_slice %arg8[%dma_start3A_1780] : memref<2048xf32, #tpu.memory_space<vmem>> -> memref<1024xf32, #tpu.memory_space<vmem>>
      %dma_start3A_1782 = tpu.memref_slice %arg4[%dma_start3A_1779, %add3A_1001, %mul3A_0] : memref<50x32x16384xf32, #tpu.memory_space<hbm>> -> memref<1x1x1024xf32, #tpu.memory_space<hbm>>
      %dma_start3A_1783 = tpu.memref_squeeze %dma_start3A_1782 : memref<1x1x1024xf32, #tpu.memory_space<hbm>> -> memref<1024xf32, #tpu.memory_space<hbm>>
      %dma_start3A_1784 = tpu.memref_slice %arg4[%dma_start3A_1779, %add3A_1001, %mul3A_0] : memref<50x32x16384xf32, #tpu.memory_space<hbm>> -> memref<1x1x1024xf32, #tpu.memory_space<hbm>>
      %dma_start3A_1785 = tpu.memref_squeeze %dma_start3A_1784 : memref<1x1x1024xf32, #tpu.memory_space<hbm>> -> memref<1024xf32, #tpu.memory_space<hbm>>
      %dma_start3A_1786 = arith.constant 0 : i32
      %dma_start3A_1787 = tpu.memref_slice %arg8[%dma_start3A_1786] : memref<2048xf32, #tpu.memory_space<vmem>> -> memref<1024xf32, #tpu.memory_space<vmem>>
      tpu.enqueue_dma source(%dma_start3A_1787 : memref<1024xf32, #tpu.memory_space<vmem>>) target(%dma_start3A_1785 : memref<1024xf32, #tpu.memory_space<hbm>>) target_semaphore(%arg19 : memref<!tpu.dma_semaphore, #tpu.memory_space<semaphore_mem>>)
      %dma_start3A_1788 = arith.constant 35 : i32
      %dma_start3A_1789 = arith.constant 1024 : i32
      %dma_start3A_1790 = tpu.memref_slice %arg8[%dma_start3A_1789] : memref<2048xf32, #tpu.memory_space<vmem>> -> memref<1024xf32, #tpu.memory_space<vmem>>
      %dma_start3A_1791 = tpu.memref_slice %arg4[%dma_start3A_1788, %add3A_1001, %mul3A_0] : memref<50x32x16384xf32, #tpu.memory_space<hbm>> -> memref<1x1x1024xf32, #tpu.memory_space<hbm>>
      %dma_start3A_1792 = tpu.memref_squeeze %dma_start3A_1791 : memref<1x1x1024xf32, #tpu.memory_space<hbm>> -> memref<1024xf32, #tpu.memory_space<hbm>>
      %dma_start3A_1793 = tpu.memref_slice %arg4[%dma_start3A_1788, %add3A_1001, %mul3A_0] : memref<50x32x16384xf32, #tpu.memory_space<hbm>> -> memref<1x1x1024xf32, #tpu.memory_space<hbm>>
      %dma_start3A_1794 = tpu.memref_squeeze %dma_start3A_1793 : memref<1x1x1024xf32, #tpu.memory_space<hbm>> -> memref<1024xf32, #tpu.memory_space<hbm>>
      %dma_start3A_1795 = arith.constant 1024 : i32
      %dma_start3A_1796 = tpu.memref_slice %arg8[%dma_start3A_1795] : memref<2048xf32, #tpu.memory_space<vmem>> -> memref<1024xf32, #tpu.memory_space<vmem>>
      tpu.enqueue_dma source(%dma_start3A_1796 : memref<1024xf32, #tpu.memory_space<vmem>>) target(%dma_start3A_1794 : memref<1024xf32, #tpu.memory_space<hbm>>) target_semaphore(%arg19 : memref<!tpu.dma_semaphore, #tpu.memory_space<semaphore_mem>>)
      %dma_wait3A_1797 = arith.constant 32 : i32
      %dma_wait3A_1798 = arith.constant 0 : i32
      %dma_wait3A_1799 = tpu.memref_slice %arg7[%dma_wait3A_1798] : memref<2048xf32, #tpu.memory_space<vmem>> -> memref<1024xf32, #tpu.memory_space<vmem>>
      %dma_wait3A_1800 = tpu.memref_slice %arg4[%dma_wait3A_1797, %add3A_1001, %mul3A_0] : memref<50x32x16384xf32, #tpu.memory_space<hbm>> -> memref<1x1x1024xf32, #tpu.memory_space<hbm>>
      %dma_wait3A_1801 = tpu.memref_squeeze %dma_wait3A_1800 : memref<1x1x1024xf32, #tpu.memory_space<hbm>> -> memref<1024xf32, #tpu.memory_space<hbm>>
      %dma_wait3A_1802 = tpu.memref_slice %arg4[%dma_wait3A_1797, %add3A_1001, %mul3A_0] : memref<50x32x16384xf32, #tpu.memory_space<hbm>> -> memref<1x1x1024xf32, #tpu.memory_space<hbm>>
      %dma_wait3A_1803 = tpu.memref_squeeze %dma_wait3A_1802 : memref<1x1x1024xf32, #tpu.memory_space<hbm>> -> memref<1024xf32, #tpu.memory_space<hbm>>
      %dma_wait3A_1804 = arith.constant 0 : i32
      %dma_wait3A_1805 = tpu.memref_slice %arg7[%dma_wait3A_1804] : memref<2048xf32, #tpu.memory_space<vmem>> -> memref<1024xf32, #tpu.memory_space<vmem>>
      tpu.wait_dma2 semaphore(%arg18 : memref<!tpu.dma_semaphore, #tpu.memory_space<semaphore_mem>>) src(%dma_wait3A_1805 : memref<1024xf32, #tpu.memory_space<vmem>>) dst(%dma_wait3A_1803 : memref<1024xf32, #tpu.memory_space<hbm>>)
      %dma_wait3A_1806 = arith.constant 33 : i32
      %dma_wait3A_1807 = arith.constant 1024 : i32
      %dma_wait3A_1808 = tpu.memref_slice %arg7[%dma_wait3A_1807] : memref<2048xf32, #tpu.memory_space<vmem>> -> memref<1024xf32, #tpu.memory_space<vmem>>
      %dma_wait3A_1809 = tpu.memref_slice %arg4[%dma_wait3A_1806, %add3A_1001, %mul3A_0] : memref<50x32x16384xf32, #tpu.memory_space<hbm>> -> memref<1x1x1024xf32, #tpu.memory_space<hbm>>
      %dma_wait3A_1810 = tpu.memref_squeeze %dma_wait3A_1809 : memref<1x1x1024xf32, #tpu.memory_space<hbm>> -> memref<1024xf32, #tpu.memory_space<hbm>>
      %dma_wait3A_1811 = tpu.memref_slice %arg4[%dma_wait3A_1806, %add3A_1001, %mul3A_0] : memref<50x32x16384xf32, #tpu.memory_space<hbm>> -> memref<1x1x1024xf32, #tpu.memory_space<hbm>>
      %dma_wait3A_1812 = tpu.memref_squeeze %dma_wait3A_1811 : memref<1x1x1024xf32, #tpu.memory_space<hbm>> -> memref<1024xf32, #tpu.memory_space<hbm>>
      %dma_wait3A_1813 = arith.constant 1024 : i32
      %dma_wait3A_1814 = tpu.memref_slice %arg7[%dma_wait3A_1813] : memref<2048xf32, #tpu.memory_space<vmem>> -> memref<1024xf32, #tpu.memory_space<vmem>>
      tpu.wait_dma2 semaphore(%arg18 : memref<!tpu.dma_semaphore, #tpu.memory_space<semaphore_mem>>) src(%dma_wait3A_1814 : memref<1024xf32, #tpu.memory_space<vmem>>) dst(%dma_wait3A_1812 : memref<1024xf32, #tpu.memory_space<hbm>>)
      %dma_start3A_1815 = arith.constant 43008 : i32
      %dma_start3A_1816 = tpu.memref_slice %arg5[%dma_start3A_1815] : memref<51200xi32, #tpu.memory_space<vmem>> -> memref<2048xi32, #tpu.memory_space<vmem>>
      %dma_start3A_1817 = arith.constant 0 : i32
      %dma_start3A_1818 = tpu.memref_slice %arg11[%dma_start3A_1817] : memref<1000000xf32, #tpu.memory_space<vmem_shared>> -> memref<1000000xf32, #tpu.memory_space<vmem_shared>>
      tpu.enqueue_indirect_dma source(%dma_start3A_1818 : memref<1000000xf32, #tpu.memory_space<vmem_shared>>) target(%arg7 : memref<2048xf32, #tpu.memory_space<vmem>>) offsets(%dma_start3A_1816 : memref<2048xi32, #tpu.memory_space<vmem>>) semaphore(%arg13 : memref<!tpu.dma_semaphore, #tpu.memory_space<semaphore_mem>>)
      %dma_wait3A_1819 = arith.constant 36864 : i32
      %dma_wait3A_1820 = tpu.memref_slice %arg5[%dma_wait3A_1819] : memref<51200xi32, #tpu.memory_space<vmem>> -> memref<2048xi32, #tpu.memory_space<vmem>>
      %dma_wait3A_1821 = arith.constant 0 : i32
      %dma_wait3A_1822 = tpu.memref_slice %arg11[%dma_wait3A_1821] : memref<1000000xf32, #tpu.memory_space<vmem_shared>> -> memref<1000000xf32, #tpu.memory_space<vmem_shared>>
      tpu.wait_indirect_dma semaphore(%arg15 : memref<!tpu.dma_semaphore, #tpu.memory_space<semaphore_mem>>) src(%dma_wait3A_1822 : memref<1000000xf32, #tpu.memory_space<vmem_shared>>) dst(%arg9 : memref<2048xf32, #tpu.memory_space<vmem>>)
      %dma_start3A_1823 = arith.constant 36 : i32
      %dma_start3A_1824 = arith.constant 0 : i32
      %dma_start3A_1825 = tpu.memref_slice %arg9[%dma_start3A_1824] : memref<2048xf32, #tpu.memory_space<vmem>> -> memref<1024xf32, #tpu.memory_space<vmem>>
      %dma_start3A_1826 = tpu.memref_slice %arg4[%dma_start3A_1823, %add3A_1001, %mul3A_0] : memref<50x32x16384xf32, #tpu.memory_space<hbm>> -> memref<1x1x1024xf32, #tpu.memory_space<hbm>>
      %dma_start3A_1827 = tpu.memref_squeeze %dma_start3A_1826 : memref<1x1x1024xf32, #tpu.memory_space<hbm>> -> memref<1024xf32, #tpu.memory_space<hbm>>
      %dma_start3A_1828 = tpu.memref_slice %arg4[%dma_start3A_1823, %add3A_1001, %mul3A_0] : memref<50x32x16384xf32, #tpu.memory_space<hbm>> -> memref<1x1x1024xf32, #tpu.memory_space<hbm>>
      %dma_start3A_1829 = tpu.memref_squeeze %dma_start3A_1828 : memref<1x1x1024xf32, #tpu.memory_space<hbm>> -> memref<1024xf32, #tpu.memory_space<hbm>>
      %dma_start3A_1830 = arith.constant 0 : i32
      %dma_start3A_1831 = tpu.memref_slice %arg9[%dma_start3A_1830] : memref<2048xf32, #tpu.memory_space<vmem>> -> memref<1024xf32, #tpu.memory_space<vmem>>
      tpu.enqueue_dma source(%dma_start3A_1831 : memref<1024xf32, #tpu.memory_space<vmem>>) target(%dma_start3A_1829 : memref<1024xf32, #tpu.memory_space<hbm>>) target_semaphore(%arg20 : memref<!tpu.dma_semaphore, #tpu.memory_space<semaphore_mem>>)
      %dma_start3A_1832 = arith.constant 37 : i32
      %dma_start3A_1833 = arith.constant 1024 : i32
      %dma_start3A_1834 = tpu.memref_slice %arg9[%dma_start3A_1833] : memref<2048xf32, #tpu.memory_space<vmem>> -> memref<1024xf32, #tpu.memory_space<vmem>>
      %dma_start3A_1835 = tpu.memref_slice %arg4[%dma_start3A_1832, %add3A_1001, %mul3A_0] : memref<50x32x16384xf32, #tpu.memory_space<hbm>> -> memref<1x1x1024xf32, #tpu.memory_space<hbm>>
      %dma_start3A_1836 = tpu.memref_squeeze %dma_start3A_1835 : memref<1x1x1024xf32, #tpu.memory_space<hbm>> -> memref<1024xf32, #tpu.memory_space<hbm>>
      %dma_start3A_1837 = tpu.memref_slice %arg4[%dma_start3A_1832, %add3A_1001, %mul3A_0] : memref<50x32x16384xf32, #tpu.memory_space<hbm>> -> memref<1x1x1024xf32, #tpu.memory_space<hbm>>
      %dma_start3A_1838 = tpu.memref_squeeze %dma_start3A_1837 : memref<1x1x1024xf32, #tpu.memory_space<hbm>> -> memref<1024xf32, #tpu.memory_space<hbm>>
      %dma_start3A_1839 = arith.constant 1024 : i32
      %dma_start3A_1840 = tpu.memref_slice %arg9[%dma_start3A_1839] : memref<2048xf32, #tpu.memory_space<vmem>> -> memref<1024xf32, #tpu.memory_space<vmem>>
      tpu.enqueue_dma source(%dma_start3A_1840 : memref<1024xf32, #tpu.memory_space<vmem>>) target(%dma_start3A_1838 : memref<1024xf32, #tpu.memory_space<hbm>>) target_semaphore(%arg20 : memref<!tpu.dma_semaphore, #tpu.memory_space<semaphore_mem>>)
      %dma_wait3A_1841 = arith.constant 34 : i32
      %dma_wait3A_1842 = arith.constant 0 : i32
      %dma_wait3A_1843 = tpu.memref_slice %arg8[%dma_wait3A_1842] : memref<2048xf32, #tpu.memory_space<vmem>> -> memref<1024xf32, #tpu.memory_space<vmem>>
      %dma_wait3A_1844 = tpu.memref_slice %arg4[%dma_wait3A_1841, %add3A_1001, %mul3A_0] : memref<50x32x16384xf32, #tpu.memory_space<hbm>> -> memref<1x1x1024xf32, #tpu.memory_space<hbm>>
      %dma_wait3A_1845 = tpu.memref_squeeze %dma_wait3A_1844 : memref<1x1x1024xf32, #tpu.memory_space<hbm>> -> memref<1024xf32, #tpu.memory_space<hbm>>
      %dma_wait3A_1846 = tpu.memref_slice %arg4[%dma_wait3A_1841, %add3A_1001, %mul3A_0] : memref<50x32x16384xf32, #tpu.memory_space<hbm>> -> memref<1x1x1024xf32, #tpu.memory_space<hbm>>
      %dma_wait3A_1847 = tpu.memref_squeeze %dma_wait3A_1846 : memref<1x1x1024xf32, #tpu.memory_space<hbm>> -> memref<1024xf32, #tpu.memory_space<hbm>>
      %dma_wait3A_1848 = arith.constant 0 : i32
      %dma_wait3A_1849 = tpu.memref_slice %arg8[%dma_wait3A_1848] : memref<2048xf32, #tpu.memory_space<vmem>> -> memref<1024xf32, #tpu.memory_space<vmem>>
      tpu.wait_dma2 semaphore(%arg19 : memref<!tpu.dma_semaphore, #tpu.memory_space<semaphore_mem>>) src(%dma_wait3A_1849 : memref<1024xf32, #tpu.memory_space<vmem>>) dst(%dma_wait3A_1847 : memref<1024xf32, #tpu.memory_space<hbm>>)
      %dma_wait3A_1850 = arith.constant 35 : i32
      %dma_wait3A_1851 = arith.constant 1024 : i32
      %dma_wait3A_1852 = tpu.memref_slice %arg8[%dma_wait3A_1851] : memref<2048xf32, #tpu.memory_space<vmem>> -> memref<1024xf32, #tpu.memory_space<vmem>>
      %dma_wait3A_1853 = tpu.memref_slice %arg4[%dma_wait3A_1850, %add3A_1001, %mul3A_0] : memref<50x32x16384xf32, #tpu.memory_space<hbm>> -> memref<1x1x1024xf32, #tpu.memory_space<hbm>>
      %dma_wait3A_1854 = tpu.memref_squeeze %dma_wait3A_1853 : memref<1x1x1024xf32, #tpu.memory_space<hbm>> -> memref<1024xf32, #tpu.memory_space<hbm>>
      %dma_wait3A_1855 = tpu.memref_slice %arg4[%dma_wait3A_1850, %add3A_1001, %mul3A_0] : memref<50x32x16384xf32, #tpu.memory_space<hbm>> -> memref<1x1x1024xf32, #tpu.memory_space<hbm>>
      %dma_wait3A_1856 = tpu.memref_squeeze %dma_wait3A_1855 : memref<1x1x1024xf32, #tpu.memory_space<hbm>> -> memref<1024xf32, #tpu.memory_space<hbm>>
      %dma_wait3A_1857 = arith.constant 1024 : i32
      %dma_wait3A_1858 = tpu.memref_slice %arg8[%dma_wait3A_1857] : memref<2048xf32, #tpu.memory_space<vmem>> -> memref<1024xf32, #tpu.memory_space<vmem>>
      tpu.wait_dma2 semaphore(%arg19 : memref<!tpu.dma_semaphore, #tpu.memory_space<semaphore_mem>>) src(%dma_wait3A_1858 : memref<1024xf32, #tpu.memory_space<vmem>>) dst(%dma_wait3A_1856 : memref<1024xf32, #tpu.memory_space<hbm>>)
      %dma_start3A_1859 = arith.constant 45056 : i32
      %dma_start3A_1860 = tpu.memref_slice %arg5[%dma_start3A_1859] : memref<51200xi32, #tpu.memory_space<vmem>> -> memref<2048xi32, #tpu.memory_space<vmem>>
      %dma_start3A_1861 = arith.constant 0 : i32
      %dma_start3A_1862 = tpu.memref_slice %arg11[%dma_start3A_1861] : memref<1000000xf32, #tpu.memory_space<vmem_shared>> -> memref<1000000xf32, #tpu.memory_space<vmem_shared>>
      tpu.enqueue_indirect_dma source(%dma_start3A_1862 : memref<1000000xf32, #tpu.memory_space<vmem_shared>>) target(%arg8 : memref<2048xf32, #tpu.memory_space<vmem>>) offsets(%dma_start3A_1860 : memref<2048xi32, #tpu.memory_space<vmem>>) semaphore(%arg14 : memref<!tpu.dma_semaphore, #tpu.memory_space<semaphore_mem>>)
      %dma_wait3A_1863 = arith.constant 38912 : i32
      %dma_wait3A_1864 = tpu.memref_slice %arg5[%dma_wait3A_1863] : memref<51200xi32, #tpu.memory_space<vmem>> -> memref<2048xi32, #tpu.memory_space<vmem>>
      %dma_wait3A_1865 = arith.constant 0 : i32
      %dma_wait3A_1866 = tpu.memref_slice %arg11[%dma_wait3A_1865] : memref<1000000xf32, #tpu.memory_space<vmem_shared>> -> memref<1000000xf32, #tpu.memory_space<vmem_shared>>
      tpu.wait_indirect_dma semaphore(%arg16 : memref<!tpu.dma_semaphore, #tpu.memory_space<semaphore_mem>>) src(%dma_wait3A_1866 : memref<1000000xf32, #tpu.memory_space<vmem_shared>>) dst(%arg10 : memref<2048xf32, #tpu.memory_space<vmem>>)
      %dma_start3A_1867 = arith.constant 38 : i32
      %dma_start3A_1868 = arith.constant 0 : i32
      %dma_start3A_1869 = tpu.memref_slice %arg10[%dma_start3A_1868] : memref<2048xf32, #tpu.memory_space<vmem>> -> memref<1024xf32, #tpu.memory_space<vmem>>
      %dma_start3A_1870 = tpu.memref_slice %arg4[%dma_start3A_1867, %add3A_1001, %mul3A_0] : memref<50x32x16384xf32, #tpu.memory_space<hbm>> -> memref<1x1x1024xf32, #tpu.memory_space<hbm>>
      %dma_start3A_1871 = tpu.memref_squeeze %dma_start3A_1870 : memref<1x1x1024xf32, #tpu.memory_space<hbm>> -> memref<1024xf32, #tpu.memory_space<hbm>>
      %dma_start3A_1872 = tpu.memref_slice %arg4[%dma_start3A_1867, %add3A_1001, %mul3A_0] : memref<50x32x16384xf32, #tpu.memory_space<hbm>> -> memref<1x1x1024xf32, #tpu.memory_space<hbm>>
      %dma_start3A_1873 = tpu.memref_squeeze %dma_start3A_1872 : memref<1x1x1024xf32, #tpu.memory_space<hbm>> -> memref<1024xf32, #tpu.memory_space<hbm>>
      %dma_start3A_1874 = arith.constant 0 : i32
      %dma_start3A_1875 = tpu.memref_slice %arg10[%dma_start3A_1874] : memref<2048xf32, #tpu.memory_space<vmem>> -> memref<1024xf32, #tpu.memory_space<vmem>>
      tpu.enqueue_dma source(%dma_start3A_1875 : memref<1024xf32, #tpu.memory_space<vmem>>) target(%dma_start3A_1873 : memref<1024xf32, #tpu.memory_space<hbm>>) target_semaphore(%arg21 : memref<!tpu.dma_semaphore, #tpu.memory_space<semaphore_mem>>)
      %dma_start3A_1876 = arith.constant 39 : i32
      %dma_start3A_1877 = arith.constant 1024 : i32
      %dma_start3A_1878 = tpu.memref_slice %arg10[%dma_start3A_1877] : memref<2048xf32, #tpu.memory_space<vmem>> -> memref<1024xf32, #tpu.memory_space<vmem>>
      %dma_start3A_1879 = tpu.memref_slice %arg4[%dma_start3A_1876, %add3A_1001, %mul3A_0] : memref<50x32x16384xf32, #tpu.memory_space<hbm>> -> memref<1x1x1024xf32, #tpu.memory_space<hbm>>
      %dma_start3A_1880 = tpu.memref_squeeze %dma_start3A_1879 : memref<1x1x1024xf32, #tpu.memory_space<hbm>> -> memref<1024xf32, #tpu.memory_space<hbm>>
      %dma_start3A_1881 = tpu.memref_slice %arg4[%dma_start3A_1876, %add3A_1001, %mul3A_0] : memref<50x32x16384xf32, #tpu.memory_space<hbm>> -> memref<1x1x1024xf32, #tpu.memory_space<hbm>>
      %dma_start3A_1882 = tpu.memref_squeeze %dma_start3A_1881 : memref<1x1x1024xf32, #tpu.memory_space<hbm>> -> memref<1024xf32, #tpu.memory_space<hbm>>
      %dma_start3A_1883 = arith.constant 1024 : i32
      %dma_start3A_1884 = tpu.memref_slice %arg10[%dma_start3A_1883] : memref<2048xf32, #tpu.memory_space<vmem>> -> memref<1024xf32, #tpu.memory_space<vmem>>
      tpu.enqueue_dma source(%dma_start3A_1884 : memref<1024xf32, #tpu.memory_space<vmem>>) target(%dma_start3A_1882 : memref<1024xf32, #tpu.memory_space<hbm>>) target_semaphore(%arg21 : memref<!tpu.dma_semaphore, #tpu.memory_space<semaphore_mem>>)
      %dma_wait3A_1885 = arith.constant 36 : i32
      %dma_wait3A_1886 = arith.constant 0 : i32
      %dma_wait3A_1887 = tpu.memref_slice %arg9[%dma_wait3A_1886] : memref<2048xf32, #tpu.memory_space<vmem>> -> memref<1024xf32, #tpu.memory_space<vmem>>
      %dma_wait3A_1888 = tpu.memref_slice %arg4[%dma_wait3A_1885, %add3A_1001, %mul3A_0] : memref<50x32x16384xf32, #tpu.memory_space<hbm>> -> memref<1x1x1024xf32, #tpu.memory_space<hbm>>
      %dma_wait3A_1889 = tpu.memref_squeeze %dma_wait3A_1888 : memref<1x1x1024xf32, #tpu.memory_space<hbm>> -> memref<1024xf32, #tpu.memory_space<hbm>>
      %dma_wait3A_1890 = tpu.memref_slice %arg4[%dma_wait3A_1885, %add3A_1001, %mul3A_0] : memref<50x32x16384xf32, #tpu.memory_space<hbm>> -> memref<1x1x1024xf32, #tpu.memory_space<hbm>>
      %dma_wait3A_1891 = tpu.memref_squeeze %dma_wait3A_1890 : memref<1x1x1024xf32, #tpu.memory_space<hbm>> -> memref<1024xf32, #tpu.memory_space<hbm>>
      %dma_wait3A_1892 = arith.constant 0 : i32
      %dma_wait3A_1893 = tpu.memref_slice %arg9[%dma_wait3A_1892] : memref<2048xf32, #tpu.memory_space<vmem>> -> memref<1024xf32, #tpu.memory_space<vmem>>
      tpu.wait_dma2 semaphore(%arg20 : memref<!tpu.dma_semaphore, #tpu.memory_space<semaphore_mem>>) src(%dma_wait3A_1893 : memref<1024xf32, #tpu.memory_space<vmem>>) dst(%dma_wait3A_1891 : memref<1024xf32, #tpu.memory_space<hbm>>)
      %dma_wait3A_1894 = arith.constant 37 : i32
      %dma_wait3A_1895 = arith.constant 1024 : i32
      %dma_wait3A_1896 = tpu.memref_slice %arg9[%dma_wait3A_1895] : memref<2048xf32, #tpu.memory_space<vmem>> -> memref<1024xf32, #tpu.memory_space<vmem>>
      %dma_wait3A_1897 = tpu.memref_slice %arg4[%dma_wait3A_1894, %add3A_1001, %mul3A_0] : memref<50x32x16384xf32, #tpu.memory_space<hbm>> -> memref<1x1x1024xf32, #tpu.memory_space<hbm>>
      %dma_wait3A_1898 = tpu.memref_squeeze %dma_wait3A_1897 : memref<1x1x1024xf32, #tpu.memory_space<hbm>> -> memref<1024xf32, #tpu.memory_space<hbm>>
      %dma_wait3A_1899 = tpu.memref_slice %arg4[%dma_wait3A_1894, %add3A_1001, %mul3A_0] : memref<50x32x16384xf32, #tpu.memory_space<hbm>> -> memref<1x1x1024xf32, #tpu.memory_space<hbm>>
      %dma_wait3A_1900 = tpu.memref_squeeze %dma_wait3A_1899 : memref<1x1x1024xf32, #tpu.memory_space<hbm>> -> memref<1024xf32, #tpu.memory_space<hbm>>
      %dma_wait3A_1901 = arith.constant 1024 : i32
      %dma_wait3A_1902 = tpu.memref_slice %arg9[%dma_wait3A_1901] : memref<2048xf32, #tpu.memory_space<vmem>> -> memref<1024xf32, #tpu.memory_space<vmem>>
      tpu.wait_dma2 semaphore(%arg20 : memref<!tpu.dma_semaphore, #tpu.memory_space<semaphore_mem>>) src(%dma_wait3A_1902 : memref<1024xf32, #tpu.memory_space<vmem>>) dst(%dma_wait3A_1900 : memref<1024xf32, #tpu.memory_space<hbm>>)
      %dma_start3A_1903 = arith.constant 47104 : i32
      %dma_start3A_1904 = tpu.memref_slice %arg5[%dma_start3A_1903] : memref<51200xi32, #tpu.memory_space<vmem>> -> memref<2048xi32, #tpu.memory_space<vmem>>
      %dma_start3A_1905 = arith.constant 0 : i32
      %dma_start3A_1906 = tpu.memref_slice %arg11[%dma_start3A_1905] : memref<1000000xf32, #tpu.memory_space<vmem_shared>> -> memref<1000000xf32, #tpu.memory_space<vmem_shared>>
      tpu.enqueue_indirect_dma source(%dma_start3A_1906 : memref<1000000xf32, #tpu.memory_space<vmem_shared>>) target(%arg9 : memref<2048xf32, #tpu.memory_space<vmem>>) offsets(%dma_start3A_1904 : memref<2048xi32, #tpu.memory_space<vmem>>) semaphore(%arg15 : memref<!tpu.dma_semaphore, #tpu.memory_space<semaphore_mem>>)
      %dma_wait3A_1907 = arith.constant 40960 : i32
      %dma_wait3A_1908 = tpu.memref_slice %arg5[%dma_wait3A_1907] : memref<51200xi32, #tpu.memory_space<vmem>> -> memref<2048xi32, #tpu.memory_space<vmem>>
      %dma_wait3A_1909 = arith.constant 0 : i32
      %dma_wait3A_1910 = tpu.memref_slice %arg11[%dma_wait3A_1909] : memref<1000000xf32, #tpu.memory_space<vmem_shared>> -> memref<1000000xf32, #tpu.memory_space<vmem_shared>>
      tpu.wait_indirect_dma semaphore(%arg12 : memref<!tpu.dma_semaphore, #tpu.memory_space<semaphore_mem>>) src(%dma_wait3A_1910 : memref<1000000xf32, #tpu.memory_space<vmem_shared>>) dst(%arg6 : memref<2048xf32, #tpu.memory_space<vmem>>)
      %dma_start3A_1911 = arith.constant 40 : i32
      %dma_start3A_1912 = arith.constant 0 : i32
      %dma_start3A_1913 = tpu.memref_slice %arg6[%dma_start3A_1912] : memref<2048xf32, #tpu.memory_space<vmem>> -> memref<1024xf32, #tpu.memory_space<vmem>>
      %dma_start3A_1914 = tpu.memref_slice %arg4[%dma_start3A_1911, %add3A_1001, %mul3A_0] : memref<50x32x16384xf32, #tpu.memory_space<hbm>> -> memref<1x1x1024xf32, #tpu.memory_space<hbm>>
      %dma_start3A_1915 = tpu.memref_squeeze %dma_start3A_1914 : memref<1x1x1024xf32, #tpu.memory_space<hbm>> -> memref<1024xf32, #tpu.memory_space<hbm>>
      %dma_start3A_1916 = tpu.memref_slice %arg4[%dma_start3A_1911, %add3A_1001, %mul3A_0] : memref<50x32x16384xf32, #tpu.memory_space<hbm>> -> memref<1x1x1024xf32, #tpu.memory_space<hbm>>
      %dma_start3A_1917 = tpu.memref_squeeze %dma_start3A_1916 : memref<1x1x1024xf32, #tpu.memory_space<hbm>> -> memref<1024xf32, #tpu.memory_space<hbm>>
      %dma_start3A_1918 = arith.constant 0 : i32
      %dma_start3A_1919 = tpu.memref_slice %arg6[%dma_start3A_1918] : memref<2048xf32, #tpu.memory_space<vmem>> -> memref<1024xf32, #tpu.memory_space<vmem>>
      tpu.enqueue_dma source(%dma_start3A_1919 : memref<1024xf32, #tpu.memory_space<vmem>>) target(%dma_start3A_1917 : memref<1024xf32, #tpu.memory_space<hbm>>) target_semaphore(%arg17 : memref<!tpu.dma_semaphore, #tpu.memory_space<semaphore_mem>>)
      %dma_start3A_1920 = arith.constant 41 : i32
      %dma_start3A_1921 = arith.constant 1024 : i32
      %dma_start3A_1922 = tpu.memref_slice %arg6[%dma_start3A_1921] : memref<2048xf32, #tpu.memory_space<vmem>> -> memref<1024xf32, #tpu.memory_space<vmem>>
      %dma_start3A_1923 = tpu.memref_slice %arg4[%dma_start3A_1920, %add3A_1001, %mul3A_0] : memref<50x32x16384xf32, #tpu.memory_space<hbm>> -> memref<1x1x1024xf32, #tpu.memory_space<hbm>>
      %dma_start3A_1924 = tpu.memref_squeeze %dma_start3A_1923 : memref<1x1x1024xf32, #tpu.memory_space<hbm>> -> memref<1024xf32, #tpu.memory_space<hbm>>
      %dma_start3A_1925 = tpu.memref_slice %arg4[%dma_start3A_1920, %add3A_1001, %mul3A_0] : memref<50x32x16384xf32, #tpu.memory_space<hbm>> -> memref<1x1x1024xf32, #tpu.memory_space<hbm>>
      %dma_start3A_1926 = tpu.memref_squeeze %dma_start3A_1925 : memref<1x1x1024xf32, #tpu.memory_space<hbm>> -> memref<1024xf32, #tpu.memory_space<hbm>>
      %dma_start3A_1927 = arith.constant 1024 : i32
      %dma_start3A_1928 = tpu.memref_slice %arg6[%dma_start3A_1927] : memref<2048xf32, #tpu.memory_space<vmem>> -> memref<1024xf32, #tpu.memory_space<vmem>>
      tpu.enqueue_dma source(%dma_start3A_1928 : memref<1024xf32, #tpu.memory_space<vmem>>) target(%dma_start3A_1926 : memref<1024xf32, #tpu.memory_space<hbm>>) target_semaphore(%arg17 : memref<!tpu.dma_semaphore, #tpu.memory_space<semaphore_mem>>)
      %dma_wait3A_1929 = arith.constant 38 : i32
      %dma_wait3A_1930 = arith.constant 0 : i32
      %dma_wait3A_1931 = tpu.memref_slice %arg10[%dma_wait3A_1930] : memref<2048xf32, #tpu.memory_space<vmem>> -> memref<1024xf32, #tpu.memory_space<vmem>>
      %dma_wait3A_1932 = tpu.memref_slice %arg4[%dma_wait3A_1929, %add3A_1001, %mul3A_0] : memref<50x32x16384xf32, #tpu.memory_space<hbm>> -> memref<1x1x1024xf32, #tpu.memory_space<hbm>>
      %dma_wait3A_1933 = tpu.memref_squeeze %dma_wait3A_1932 : memref<1x1x1024xf32, #tpu.memory_space<hbm>> -> memref<1024xf32, #tpu.memory_space<hbm>>
      %dma_wait3A_1934 = tpu.memref_slice %arg4[%dma_wait3A_1929, %add3A_1001, %mul3A_0] : memref<50x32x16384xf32, #tpu.memory_space<hbm>> -> memref<1x1x1024xf32, #tpu.memory_space<hbm>>
      %dma_wait3A_1935 = tpu.memref_squeeze %dma_wait3A_1934 : memref<1x1x1024xf32, #tpu.memory_space<hbm>> -> memref<1024xf32, #tpu.memory_space<hbm>>
      %dma_wait3A_1936 = arith.constant 0 : i32
      %dma_wait3A_1937 = tpu.memref_slice %arg10[%dma_wait3A_1936] : memref<2048xf32, #tpu.memory_space<vmem>> -> memref<1024xf32, #tpu.memory_space<vmem>>
      tpu.wait_dma2 semaphore(%arg21 : memref<!tpu.dma_semaphore, #tpu.memory_space<semaphore_mem>>) src(%dma_wait3A_1937 : memref<1024xf32, #tpu.memory_space<vmem>>) dst(%dma_wait3A_1935 : memref<1024xf32, #tpu.memory_space<hbm>>)
      %dma_wait3A_1938 = arith.constant 39 : i32
      %dma_wait3A_1939 = arith.constant 1024 : i32
      %dma_wait3A_1940 = tpu.memref_slice %arg10[%dma_wait3A_1939] : memref<2048xf32, #tpu.memory_space<vmem>> -> memref<1024xf32, #tpu.memory_space<vmem>>
      %dma_wait3A_1941 = tpu.memref_slice %arg4[%dma_wait3A_1938, %add3A_1001, %mul3A_0] : memref<50x32x16384xf32, #tpu.memory_space<hbm>> -> memref<1x1x1024xf32, #tpu.memory_space<hbm>>
      %dma_wait3A_1942 = tpu.memref_squeeze %dma_wait3A_1941 : memref<1x1x1024xf32, #tpu.memory_space<hbm>> -> memref<1024xf32, #tpu.memory_space<hbm>>
      %dma_wait3A_1943 = tpu.memref_slice %arg4[%dma_wait3A_1938, %add3A_1001, %mul3A_0] : memref<50x32x16384xf32, #tpu.memory_space<hbm>> -> memref<1x1x1024xf32, #tpu.memory_space<hbm>>
      %dma_wait3A_1944 = tpu.memref_squeeze %dma_wait3A_1943 : memref<1x1x1024xf32, #tpu.memory_space<hbm>> -> memref<1024xf32, #tpu.memory_space<hbm>>
      %dma_wait3A_1945 = arith.constant 1024 : i32
      %dma_wait3A_1946 = tpu.memref_slice %arg10[%dma_wait3A_1945] : memref<2048xf32, #tpu.memory_space<vmem>> -> memref<1024xf32, #tpu.memory_space<vmem>>
      tpu.wait_dma2 semaphore(%arg21 : memref<!tpu.dma_semaphore, #tpu.memory_space<semaphore_mem>>) src(%dma_wait3A_1946 : memref<1024xf32, #tpu.memory_space<vmem>>) dst(%dma_wait3A_1944 : memref<1024xf32, #tpu.memory_space<hbm>>)
      %dma_start3A_1947 = arith.constant 49152 : i32
      %dma_start3A_1948 = tpu.memref_slice %arg5[%dma_start3A_1947] : memref<51200xi32, #tpu.memory_space<vmem>> -> memref<2048xi32, #tpu.memory_space<vmem>>
      %dma_start3A_1949 = arith.constant 0 : i32
      %dma_start3A_1950 = tpu.memref_slice %arg11[%dma_start3A_1949] : memref<1000000xf32, #tpu.memory_space<vmem_shared>> -> memref<1000000xf32, #tpu.memory_space<vmem_shared>>
      tpu.enqueue_indirect_dma source(%dma_start3A_1950 : memref<1000000xf32, #tpu.memory_space<vmem_shared>>) target(%arg10 : memref<2048xf32, #tpu.memory_space<vmem>>) offsets(%dma_start3A_1948 : memref<2048xi32, #tpu.memory_space<vmem>>) semaphore(%arg16 : memref<!tpu.dma_semaphore, #tpu.memory_space<semaphore_mem>>)
      %dma_wait3A_1951 = arith.constant 43008 : i32
      %dma_wait3A_1952 = tpu.memref_slice %arg5[%dma_wait3A_1951] : memref<51200xi32, #tpu.memory_space<vmem>> -> memref<2048xi32, #tpu.memory_space<vmem>>
      %dma_wait3A_1953 = arith.constant 0 : i32
      %dma_wait3A_1954 = tpu.memref_slice %arg11[%dma_wait3A_1953] : memref<1000000xf32, #tpu.memory_space<vmem_shared>> -> memref<1000000xf32, #tpu.memory_space<vmem_shared>>
      tpu.wait_indirect_dma semaphore(%arg13 : memref<!tpu.dma_semaphore, #tpu.memory_space<semaphore_mem>>) src(%dma_wait3A_1954 : memref<1000000xf32, #tpu.memory_space<vmem_shared>>) dst(%arg7 : memref<2048xf32, #tpu.memory_space<vmem>>)
      %dma_start3A_1955 = arith.constant 42 : i32
      %dma_start3A_1956 = arith.constant 0 : i32
      %dma_start3A_1957 = tpu.memref_slice %arg7[%dma_start3A_1956] : memref<2048xf32, #tpu.memory_space<vmem>> -> memref<1024xf32, #tpu.memory_space<vmem>>
      %dma_start3A_1958 = tpu.memref_slice %arg4[%dma_start3A_1955, %add3A_1001, %mul3A_0] : memref<50x32x16384xf32, #tpu.memory_space<hbm>> -> memref<1x1x1024xf32, #tpu.memory_space<hbm>>
      %dma_start3A_1959 = tpu.memref_squeeze %dma_start3A_1958 : memref<1x1x1024xf32, #tpu.memory_space<hbm>> -> memref<1024xf32, #tpu.memory_space<hbm>>
      %dma_start3A_1960 = tpu.memref_slice %arg4[%dma_start3A_1955, %add3A_1001, %mul3A_0] : memref<50x32x16384xf32, #tpu.memory_space<hbm>> -> memref<1x1x1024xf32, #tpu.memory_space<hbm>>
      %dma_start3A_1961 = tpu.memref_squeeze %dma_start3A_1960 : memref<1x1x1024xf32, #tpu.memory_space<hbm>> -> memref<1024xf32, #tpu.memory_space<hbm>>
      %dma_start3A_1962 = arith.constant 0 : i32
      %dma_start3A_1963 = tpu.memref_slice %arg7[%dma_start3A_1962] : memref<2048xf32, #tpu.memory_space<vmem>> -> memref<1024xf32, #tpu.memory_space<vmem>>
      tpu.enqueue_dma source(%dma_start3A_1963 : memref<1024xf32, #tpu.memory_space<vmem>>) target(%dma_start3A_1961 : memref<1024xf32, #tpu.memory_space<hbm>>) target_semaphore(%arg18 : memref<!tpu.dma_semaphore, #tpu.memory_space<semaphore_mem>>)
      %dma_start3A_1964 = arith.constant 43 : i32
      %dma_start3A_1965 = arith.constant 1024 : i32
      %dma_start3A_1966 = tpu.memref_slice %arg7[%dma_start3A_1965] : memref<2048xf32, #tpu.memory_space<vmem>> -> memref<1024xf32, #tpu.memory_space<vmem>>
      %dma_start3A_1967 = tpu.memref_slice %arg4[%dma_start3A_1964, %add3A_1001, %mul3A_0] : memref<50x32x16384xf32, #tpu.memory_space<hbm>> -> memref<1x1x1024xf32, #tpu.memory_space<hbm>>
      %dma_start3A_1968 = tpu.memref_squeeze %dma_start3A_1967 : memref<1x1x1024xf32, #tpu.memory_space<hbm>> -> memref<1024xf32, #tpu.memory_space<hbm>>
      %dma_start3A_1969 = tpu.memref_slice %arg4[%dma_start3A_1964, %add3A_1001, %mul3A_0] : memref<50x32x16384xf32, #tpu.memory_space<hbm>> -> memref<1x1x1024xf32, #tpu.memory_space<hbm>>
      %dma_start3A_1970 = tpu.memref_squeeze %dma_start3A_1969 : memref<1x1x1024xf32, #tpu.memory_space<hbm>> -> memref<1024xf32, #tpu.memory_space<hbm>>
      %dma_start3A_1971 = arith.constant 1024 : i32
      %dma_start3A_1972 = tpu.memref_slice %arg7[%dma_start3A_1971] : memref<2048xf32, #tpu.memory_space<vmem>> -> memref<1024xf32, #tpu.memory_space<vmem>>
      tpu.enqueue_dma source(%dma_start3A_1972 : memref<1024xf32, #tpu.memory_space<vmem>>) target(%dma_start3A_1970 : memref<1024xf32, #tpu.memory_space<hbm>>) target_semaphore(%arg18 : memref<!tpu.dma_semaphore, #tpu.memory_space<semaphore_mem>>)
      %dma_wait3A_1973 = arith.constant 45056 : i32
      %dma_wait3A_1974 = tpu.memref_slice %arg5[%dma_wait3A_1973] : memref<51200xi32, #tpu.memory_space<vmem>> -> memref<2048xi32, #tpu.memory_space<vmem>>
      %dma_wait3A_1975 = arith.constant 0 : i32
      %dma_wait3A_1976 = tpu.memref_slice %arg11[%dma_wait3A_1975] : memref<1000000xf32, #tpu.memory_space<vmem_shared>> -> memref<1000000xf32, #tpu.memory_space<vmem_shared>>
      tpu.wait_indirect_dma semaphore(%arg14 : memref<!tpu.dma_semaphore, #tpu.memory_space<semaphore_mem>>) src(%dma_wait3A_1976 : memref<1000000xf32, #tpu.memory_space<vmem_shared>>) dst(%arg8 : memref<2048xf32, #tpu.memory_space<vmem>>)
      %dma_start3A_1977 = arith.constant 44 : i32
      %dma_start3A_1978 = arith.constant 0 : i32
      %dma_start3A_1979 = tpu.memref_slice %arg8[%dma_start3A_1978] : memref<2048xf32, #tpu.memory_space<vmem>> -> memref<1024xf32, #tpu.memory_space<vmem>>
      %dma_start3A_1980 = tpu.memref_slice %arg4[%dma_start3A_1977, %add3A_1001, %mul3A_0] : memref<50x32x16384xf32, #tpu.memory_space<hbm>> -> memref<1x1x1024xf32, #tpu.memory_space<hbm>>
      %dma_start3A_1981 = tpu.memref_squeeze %dma_start3A_1980 : memref<1x1x1024xf32, #tpu.memory_space<hbm>> -> memref<1024xf32, #tpu.memory_space<hbm>>
      %dma_start3A_1982 = tpu.memref_slice %arg4[%dma_start3A_1977, %add3A_1001, %mul3A_0] : memref<50x32x16384xf32, #tpu.memory_space<hbm>> -> memref<1x1x1024xf32, #tpu.memory_space<hbm>>
      %dma_start3A_1983 = tpu.memref_squeeze %dma_start3A_1982 : memref<1x1x1024xf32, #tpu.memory_space<hbm>> -> memref<1024xf32, #tpu.memory_space<hbm>>
      %dma_start3A_1984 = arith.constant 0 : i32
      %dma_start3A_1985 = tpu.memref_slice %arg8[%dma_start3A_1984] : memref<2048xf32, #tpu.memory_space<vmem>> -> memref<1024xf32, #tpu.memory_space<vmem>>
      tpu.enqueue_dma source(%dma_start3A_1985 : memref<1024xf32, #tpu.memory_space<vmem>>) target(%dma_start3A_1983 : memref<1024xf32, #tpu.memory_space<hbm>>) target_semaphore(%arg19 : memref<!tpu.dma_semaphore, #tpu.memory_space<semaphore_mem>>)
      %dma_start3A_1986 = arith.constant 45 : i32
      %dma_start3A_1987 = arith.constant 1024 : i32
      %dma_start3A_1988 = tpu.memref_slice %arg8[%dma_start3A_1987] : memref<2048xf32, #tpu.memory_space<vmem>> -> memref<1024xf32, #tpu.memory_space<vmem>>
      %dma_start3A_1989 = tpu.memref_slice %arg4[%dma_start3A_1986, %add3A_1001, %mul3A_0] : memref<50x32x16384xf32, #tpu.memory_space<hbm>> -> memref<1x1x1024xf32, #tpu.memory_space<hbm>>
      %dma_start3A_1990 = tpu.memref_squeeze %dma_start3A_1989 : memref<1x1x1024xf32, #tpu.memory_space<hbm>> -> memref<1024xf32, #tpu.memory_space<hbm>>
      %dma_start3A_1991 = tpu.memref_slice %arg4[%dma_start3A_1986, %add3A_1001, %mul3A_0] : memref<50x32x16384xf32, #tpu.memory_space<hbm>> -> memref<1x1x1024xf32, #tpu.memory_space<hbm>>
      %dma_start3A_1992 = tpu.memref_squeeze %dma_start3A_1991 : memref<1x1x1024xf32, #tpu.memory_space<hbm>> -> memref<1024xf32, #tpu.memory_space<hbm>>
      %dma_start3A_1993 = arith.constant 1024 : i32
      %dma_start3A_1994 = tpu.memref_slice %arg8[%dma_start3A_1993] : memref<2048xf32, #tpu.memory_space<vmem>> -> memref<1024xf32, #tpu.memory_space<vmem>>
      tpu.enqueue_dma source(%dma_start3A_1994 : memref<1024xf32, #tpu.memory_space<vmem>>) target(%dma_start3A_1992 : memref<1024xf32, #tpu.memory_space<hbm>>) target_semaphore(%arg19 : memref<!tpu.dma_semaphore, #tpu.memory_space<semaphore_mem>>)
      %dma_wait3A_1995 = arith.constant 47104 : i32
      %dma_wait3A_1996 = tpu.memref_slice %arg5[%dma_wait3A_1995] : memref<51200xi32, #tpu.memory_space<vmem>> -> memref<2048xi32, #tpu.memory_space<vmem>>
      %dma_wait3A_1997 = arith.constant 0 : i32
      %dma_wait3A_1998 = tpu.memref_slice %arg11[%dma_wait3A_1997] : memref<1000000xf32, #tpu.memory_space<vmem_shared>> -> memref<1000000xf32, #tpu.memory_space<vmem_shared>>
      tpu.wait_indirect_dma semaphore(%arg15 : memref<!tpu.dma_semaphore, #tpu.memory_space<semaphore_mem>>) src(%dma_wait3A_1998 : memref<1000000xf32, #tpu.memory_space<vmem_shared>>) dst(%arg9 : memref<2048xf32, #tpu.memory_space<vmem>>)
      %dma_start3A_1999 = arith.constant 46 : i32
      %dma_start3A_2000 = arith.constant 0 : i32
      %dma_start3A_2001 = tpu.memref_slice %arg9[%dma_start3A_2000] : memref<2048xf32, #tpu.memory_space<vmem>> -> memref<1024xf32, #tpu.memory_space<vmem>>
      %dma_start3A_2002 = tpu.memref_slice %arg4[%dma_start3A_1999, %add3A_1001, %mul3A_0] : memref<50x32x16384xf32, #tpu.memory_space<hbm>> -> memref<1x1x1024xf32, #tpu.memory_space<hbm>>
      %dma_start3A_2003 = tpu.memref_squeeze %dma_start3A_2002 : memref<1x1x1024xf32, #tpu.memory_space<hbm>> -> memref<1024xf32, #tpu.memory_space<hbm>>
      %dma_start3A_2004 = tpu.memref_slice %arg4[%dma_start3A_1999, %add3A_1001, %mul3A_0] : memref<50x32x16384xf32, #tpu.memory_space<hbm>> -> memref<1x1x1024xf32, #tpu.memory_space<hbm>>
      %dma_start3A_2005 = tpu.memref_squeeze %dma_start3A_2004 : memref<1x1x1024xf32, #tpu.memory_space<hbm>> -> memref<1024xf32, #tpu.memory_space<hbm>>
      %dma_start3A_2006 = arith.constant 0 : i32
      %dma_start3A_2007 = tpu.memref_slice %arg9[%dma_start3A_2006] : memref<2048xf32, #tpu.memory_space<vmem>> -> memref<1024xf32, #tpu.memory_space<vmem>>
      tpu.enqueue_dma source(%dma_start3A_2007 : memref<1024xf32, #tpu.memory_space<vmem>>) target(%dma_start3A_2005 : memref<1024xf32, #tpu.memory_space<hbm>>) target_semaphore(%arg20 : memref<!tpu.dma_semaphore, #tpu.memory_space<semaphore_mem>>)
      %dma_start3A_2008 = arith.constant 47 : i32
      %dma_start3A_2009 = arith.constant 1024 : i32
      %dma_start3A_2010 = tpu.memref_slice %arg9[%dma_start3A_2009] : memref<2048xf32, #tpu.memory_space<vmem>> -> memref<1024xf32, #tpu.memory_space<vmem>>
      %dma_start3A_2011 = tpu.memref_slice %arg4[%dma_start3A_2008, %add3A_1001, %mul3A_0] : memref<50x32x16384xf32, #tpu.memory_space<hbm>> -> memref<1x1x1024xf32, #tpu.memory_space<hbm>>
      %dma_start3A_2012 = tpu.memref_squeeze %dma_start3A_2011 : memref<1x1x1024xf32, #tpu.memory_space<hbm>> -> memref<1024xf32, #tpu.memory_space<hbm>>
      %dma_start3A_2013 = tpu.memref_slice %arg4[%dma_start3A_2008, %add3A_1001, %mul3A_0] : memref<50x32x16384xf32, #tpu.memory_space<hbm>> -> memref<1x1x1024xf32, #tpu.memory_space<hbm>>
      %dma_start3A_2014 = tpu.memref_squeeze %dma_start3A_2013 : memref<1x1x1024xf32, #tpu.memory_space<hbm>> -> memref<1024xf32, #tpu.memory_space<hbm>>
      %dma_start3A_2015 = arith.constant 1024 : i32
      %dma_start3A_2016 = tpu.memref_slice %arg9[%dma_start3A_2015] : memref<2048xf32, #tpu.memory_space<vmem>> -> memref<1024xf32, #tpu.memory_space<vmem>>
      tpu.enqueue_dma source(%dma_start3A_2016 : memref<1024xf32, #tpu.memory_space<vmem>>) target(%dma_start3A_2014 : memref<1024xf32, #tpu.memory_space<hbm>>) target_semaphore(%arg20 : memref<!tpu.dma_semaphore, #tpu.memory_space<semaphore_mem>>)
      %dma_wait3A_2017 = arith.constant 49152 : i32
      %dma_wait3A_2018 = tpu.memref_slice %arg5[%dma_wait3A_2017] : memref<51200xi32, #tpu.memory_space<vmem>> -> memref<2048xi32, #tpu.memory_space<vmem>>
      %dma_wait3A_2019 = arith.constant 0 : i32
      %dma_wait3A_2020 = tpu.memref_slice %arg11[%dma_wait3A_2019] : memref<1000000xf32, #tpu.memory_space<vmem_shared>> -> memref<1000000xf32, #tpu.memory_space<vmem_shared>>
      tpu.wait_indirect_dma semaphore(%arg16 : memref<!tpu.dma_semaphore, #tpu.memory_space<semaphore_mem>>) src(%dma_wait3A_2020 : memref<1000000xf32, #tpu.memory_space<vmem_shared>>) dst(%arg10 : memref<2048xf32, #tpu.memory_space<vmem>>)
      %dma_start3A_2021 = arith.constant 48 : i32
      %dma_start3A_2022 = arith.constant 0 : i32
      %dma_start3A_2023 = tpu.memref_slice %arg10[%dma_start3A_2022] : memref<2048xf32, #tpu.memory_space<vmem>> -> memref<1024xf32, #tpu.memory_space<vmem>>
      %dma_start3A_2024 = tpu.memref_slice %arg4[%dma_start3A_2021, %add3A_1001, %mul3A_0] : memref<50x32x16384xf32, #tpu.memory_space<hbm>> -> memref<1x1x1024xf32, #tpu.memory_space<hbm>>
      %dma_start3A_2025 = tpu.memref_squeeze %dma_start3A_2024 : memref<1x1x1024xf32, #tpu.memory_space<hbm>> -> memref<1024xf32, #tpu.memory_space<hbm>>
      %dma_start3A_2026 = tpu.memref_slice %arg4[%dma_start3A_2021, %add3A_1001, %mul3A_0] : memref<50x32x16384xf32, #tpu.memory_space<hbm>> -> memref<1x1x1024xf32, #tpu.memory_space<hbm>>
      %dma_start3A_2027 = tpu.memref_squeeze %dma_start3A_2026 : memref<1x1x1024xf32, #tpu.memory_space<hbm>> -> memref<1024xf32, #tpu.memory_space<hbm>>
      %dma_start3A_2028 = arith.constant 0 : i32
      %dma_start3A_2029 = tpu.memref_slice %arg10[%dma_start3A_2028] : memref<2048xf32, #tpu.memory_space<vmem>> -> memref<1024xf32, #tpu.memory_space<vmem>>
      tpu.enqueue_dma source(%dma_start3A_2029 : memref<1024xf32, #tpu.memory_space<vmem>>) target(%dma_start3A_2027 : memref<1024xf32, #tpu.memory_space<hbm>>) target_semaphore(%arg21 : memref<!tpu.dma_semaphore, #tpu.memory_space<semaphore_mem>>)
      %dma_start3A_2030 = arith.constant 49 : i32
      %dma_start3A_2031 = arith.constant 1024 : i32
      %dma_start3A_2032 = tpu.memref_slice %arg10[%dma_start3A_2031] : memref<2048xf32, #tpu.memory_space<vmem>> -> memref<1024xf32, #tpu.memory_space<vmem>>
      %dma_start3A_2033 = tpu.memref_slice %arg4[%dma_start3A_2030, %add3A_1001, %mul3A_0] : memref<50x32x16384xf32, #tpu.memory_space<hbm>> -> memref<1x1x1024xf32, #tpu.memory_space<hbm>>
      %dma_start3A_2034 = tpu.memref_squeeze %dma_start3A_2033 : memref<1x1x1024xf32, #tpu.memory_space<hbm>> -> memref<1024xf32, #tpu.memory_space<hbm>>
      %dma_start3A_2035 = tpu.memref_slice %arg4[%dma_start3A_2030, %add3A_1001, %mul3A_0] : memref<50x32x16384xf32, #tpu.memory_space<hbm>> -> memref<1x1x1024xf32, #tpu.memory_space<hbm>>
      %dma_start3A_2036 = tpu.memref_squeeze %dma_start3A_2035 : memref<1x1x1024xf32, #tpu.memory_space<hbm>> -> memref<1024xf32, #tpu.memory_space<hbm>>
      %dma_start3A_2037 = arith.constant 1024 : i32
      %dma_start3A_2038 = tpu.memref_slice %arg10[%dma_start3A_2037] : memref<2048xf32, #tpu.memory_space<vmem>> -> memref<1024xf32, #tpu.memory_space<vmem>>
      tpu.enqueue_dma source(%dma_start3A_2038 : memref<1024xf32, #tpu.memory_space<vmem>>) target(%dma_start3A_2036 : memref<1024xf32, #tpu.memory_space<hbm>>) target_semaphore(%arg21 : memref<!tpu.dma_semaphore, #tpu.memory_space<semaphore_mem>>)
    }
    %scan3A_903 = arith.constant 16 : i32
    %mul3A_904 = arith.constant 16 : i32
    %mul3A_905 = arith.muli %arg0, %mul3A_904 : i32
    %add3A = arith.constant 16 : i32
    %add3A_906 = arith.addi %mul3A_905, %add3A : i32
    %sub3A = arith.constant 1 : i32
    %sub3A_907 = arith.subi %add3A_906, %sub3A : i32
    %dma_wait3A_908 = arith.constant 40 : i32
    %dma_wait3A_909 = arith.constant 0 : i32
    %dma_wait3A_910 = tpu.memref_slice %arg6[%dma_wait3A_909] : memref<2048xf32, #tpu.memory_space<vmem>> -> memref<1024xf32, #tpu.memory_space<vmem>>
    %dma_wait3A_911 = tpu.memref_slice %arg4[%dma_wait3A_908, %sub3A_907, %mul3A_0] : memref<50x32x16384xf32, #tpu.memory_space<hbm>> -> memref<1x1x1024xf32, #tpu.memory_space<hbm>>
    %dma_wait3A_912 = tpu.memref_squeeze %dma_wait3A_911 : memref<1x1x1024xf32, #tpu.memory_space<hbm>> -> memref<1024xf32, #tpu.memory_space<hbm>>
    %dma_wait3A_913 = tpu.memref_slice %arg4[%dma_wait3A_908, %sub3A_907, %mul3A_0] : memref<50x32x16384xf32, #tpu.memory_space<hbm>> -> memref<1x1x1024xf32, #tpu.memory_space<hbm>>
    %dma_wait3A_914 = tpu.memref_squeeze %dma_wait3A_913 : memref<1x1x1024xf32, #tpu.memory_space<hbm>> -> memref<1024xf32, #tpu.memory_space<hbm>>
    %dma_wait3A_915 = arith.constant 0 : i32
    %dma_wait3A_916 = tpu.memref_slice %arg6[%dma_wait3A_915] : memref<2048xf32, #tpu.memory_space<vmem>> -> memref<1024xf32, #tpu.memory_space<vmem>>
    tpu.wait_dma2 semaphore(%arg17 : memref<!tpu.dma_semaphore, #tpu.memory_space<semaphore_mem>>) src(%dma_wait3A_916 : memref<1024xf32, #tpu.memory_space<vmem>>) dst(%dma_wait3A_914 : memref<1024xf32, #tpu.memory_space<hbm>>)
    %dma_wait3A_917 = arith.constant 41 : i32
    %dma_wait3A_918 = arith.constant 1024 : i32
    %dma_wait3A_919 = tpu.memref_slice %arg6[%dma_wait3A_918] : memref<2048xf32, #tpu.memory_space<vmem>> -> memref<1024xf32, #tpu.memory_space<vmem>>
    %dma_wait3A_920 = tpu.memref_slice %arg4[%dma_wait3A_917, %sub3A_907, %mul3A_0] : memref<50x32x16384xf32, #tpu.memory_space<hbm>> -> memref<1x1x1024xf32, #tpu.memory_space<hbm>>
    %dma_wait3A_921 = tpu.memref_squeeze %dma_wait3A_920 : memref<1x1x1024xf32, #tpu.memory_space<hbm>> -> memref<1024xf32, #tpu.memory_space<hbm>>
    %dma_wait3A_922 = tpu.memref_slice %arg4[%dma_wait3A_917, %sub3A_907, %mul3A_0] : memref<50x32x16384xf32, #tpu.memory_space<hbm>> -> memref<1x1x1024xf32, #tpu.memory_space<hbm>>
    %dma_wait3A_923 = tpu.memref_squeeze %dma_wait3A_922 : memref<1x1x1024xf32, #tpu.memory_space<hbm>> -> memref<1024xf32, #tpu.memory_space<hbm>>
    %dma_wait3A_924 = arith.constant 1024 : i32
    %dma_wait3A_925 = tpu.memref_slice %arg6[%dma_wait3A_924] : memref<2048xf32, #tpu.memory_space<vmem>> -> memref<1024xf32, #tpu.memory_space<vmem>>
    tpu.wait_dma2 semaphore(%arg17 : memref<!tpu.dma_semaphore, #tpu.memory_space<semaphore_mem>>) src(%dma_wait3A_925 : memref<1024xf32, #tpu.memory_space<vmem>>) dst(%dma_wait3A_923 : memref<1024xf32, #tpu.memory_space<hbm>>)
    %dma_wait3A_926 = arith.constant 42 : i32
    %dma_wait3A_927 = arith.constant 0 : i32
    %dma_wait3A_928 = tpu.memref_slice %arg7[%dma_wait3A_927] : memref<2048xf32, #tpu.memory_space<vmem>> -> memref<1024xf32, #tpu.memory_space<vmem>>
    %dma_wait3A_929 = tpu.memref_slice %arg4[%dma_wait3A_926, %sub3A_907, %mul3A_0] : memref<50x32x16384xf32, #tpu.memory_space<hbm>> -> memref<1x1x1024xf32, #tpu.memory_space<hbm>>
    %dma_wait3A_930 = tpu.memref_squeeze %dma_wait3A_929 : memref<1x1x1024xf32, #tpu.memory_space<hbm>> -> memref<1024xf32, #tpu.memory_space<hbm>>
    %dma_wait3A_931 = tpu.memref_slice %arg4[%dma_wait3A_926, %sub3A_907, %mul3A_0] : memref<50x32x16384xf32, #tpu.memory_space<hbm>> -> memref<1x1x1024xf32, #tpu.memory_space<hbm>>
    %dma_wait3A_932 = tpu.memref_squeeze %dma_wait3A_931 : memref<1x1x1024xf32, #tpu.memory_space<hbm>> -> memref<1024xf32, #tpu.memory_space<hbm>>
    %dma_wait3A_933 = arith.constant 0 : i32
    %dma_wait3A_934 = tpu.memref_slice %arg7[%dma_wait3A_933] : memref<2048xf32, #tpu.memory_space<vmem>> -> memref<1024xf32, #tpu.memory_space<vmem>>
    tpu.wait_dma2 semaphore(%arg18 : memref<!tpu.dma_semaphore, #tpu.memory_space<semaphore_mem>>) src(%dma_wait3A_934 : memref<1024xf32, #tpu.memory_space<vmem>>) dst(%dma_wait3A_932 : memref<1024xf32, #tpu.memory_space<hbm>>)
    %dma_wait3A_935 = arith.constant 43 : i32
    %dma_wait3A_936 = arith.constant 1024 : i32
    %dma_wait3A_937 = tpu.memref_slice %arg7[%dma_wait3A_936] : memref<2048xf32, #tpu.memory_space<vmem>> -> memref<1024xf32, #tpu.memory_space<vmem>>
    %dma_wait3A_938 = tpu.memref_slice %arg4[%dma_wait3A_935, %sub3A_907, %mul3A_0] : memref<50x32x16384xf32, #tpu.memory_space<hbm>> -> memref<1x1x1024xf32, #tpu.memory_space<hbm>>
    %dma_wait3A_939 = tpu.memref_squeeze %dma_wait3A_938 : memref<1x1x1024xf32, #tpu.memory_space<hbm>> -> memref<1024xf32, #tpu.memory_space<hbm>>
    %dma_wait3A_940 = tpu.memref_slice %arg4[%dma_wait3A_935, %sub3A_907, %mul3A_0] : memref<50x32x16384xf32, #tpu.memory_space<hbm>> -> memref<1x1x1024xf32, #tpu.memory_space<hbm>>
    %dma_wait3A_941 = tpu.memref_squeeze %dma_wait3A_940 : memref<1x1x1024xf32, #tpu.memory_space<hbm>> -> memref<1024xf32, #tpu.memory_space<hbm>>
    %dma_wait3A_942 = arith.constant 1024 : i32
    %dma_wait3A_943 = tpu.memref_slice %arg7[%dma_wait3A_942] : memref<2048xf32, #tpu.memory_space<vmem>> -> memref<1024xf32, #tpu.memory_space<vmem>>
    tpu.wait_dma2 semaphore(%arg18 : memref<!tpu.dma_semaphore, #tpu.memory_space<semaphore_mem>>) src(%dma_wait3A_943 : memref<1024xf32, #tpu.memory_space<vmem>>) dst(%dma_wait3A_941 : memref<1024xf32, #tpu.memory_space<hbm>>)
    %dma_wait3A_944 = arith.constant 44 : i32
    %dma_wait3A_945 = arith.constant 0 : i32
    %dma_wait3A_946 = tpu.memref_slice %arg8[%dma_wait3A_945] : memref<2048xf32, #tpu.memory_space<vmem>> -> memref<1024xf32, #tpu.memory_space<vmem>>
    %dma_wait3A_947 = tpu.memref_slice %arg4[%dma_wait3A_944, %sub3A_907, %mul3A_0] : memref<50x32x16384xf32, #tpu.memory_space<hbm>> -> memref<1x1x1024xf32, #tpu.memory_space<hbm>>
    %dma_wait3A_948 = tpu.memref_squeeze %dma_wait3A_947 : memref<1x1x1024xf32, #tpu.memory_space<hbm>> -> memref<1024xf32, #tpu.memory_space<hbm>>
    %dma_wait3A_949 = tpu.memref_slice %arg4[%dma_wait3A_944, %sub3A_907, %mul3A_0] : memref<50x32x16384xf32, #tpu.memory_space<hbm>> -> memref<1x1x1024xf32, #tpu.memory_space<hbm>>
    %dma_wait3A_950 = tpu.memref_squeeze %dma_wait3A_949 : memref<1x1x1024xf32, #tpu.memory_space<hbm>> -> memref<1024xf32, #tpu.memory_space<hbm>>
    %dma_wait3A_951 = arith.constant 0 : i32
    %dma_wait3A_952 = tpu.memref_slice %arg8[%dma_wait3A_951] : memref<2048xf32, #tpu.memory_space<vmem>> -> memref<1024xf32, #tpu.memory_space<vmem>>
    tpu.wait_dma2 semaphore(%arg19 : memref<!tpu.dma_semaphore, #tpu.memory_space<semaphore_mem>>) src(%dma_wait3A_952 : memref<1024xf32, #tpu.memory_space<vmem>>) dst(%dma_wait3A_950 : memref<1024xf32, #tpu.memory_space<hbm>>)
    %dma_wait3A_953 = arith.constant 45 : i32
    %dma_wait3A_954 = arith.constant 1024 : i32
    %dma_wait3A_955 = tpu.memref_slice %arg8[%dma_wait3A_954] : memref<2048xf32, #tpu.memory_space<vmem>> -> memref<1024xf32, #tpu.memory_space<vmem>>
    %dma_wait3A_956 = tpu.memref_slice %arg4[%dma_wait3A_953, %sub3A_907, %mul3A_0] : memref<50x32x16384xf32, #tpu.memory_space<hbm>> -> memref<1x1x1024xf32, #tpu.memory_space<hbm>>
    %dma_wait3A_957 = tpu.memref_squeeze %dma_wait3A_956 : memref<1x1x1024xf32, #tpu.memory_space<hbm>> -> memref<1024xf32, #tpu.memory_space<hbm>>
    %dma_wait3A_958 = tpu.memref_slice %arg4[%dma_wait3A_953, %sub3A_907, %mul3A_0] : memref<50x32x16384xf32, #tpu.memory_space<hbm>> -> memref<1x1x1024xf32, #tpu.memory_space<hbm>>
    %dma_wait3A_959 = tpu.memref_squeeze %dma_wait3A_958 : memref<1x1x1024xf32, #tpu.memory_space<hbm>> -> memref<1024xf32, #tpu.memory_space<hbm>>
    %dma_wait3A_960 = arith.constant 1024 : i32
    %dma_wait3A_961 = tpu.memref_slice %arg8[%dma_wait3A_960] : memref<2048xf32, #tpu.memory_space<vmem>> -> memref<1024xf32, #tpu.memory_space<vmem>>
    tpu.wait_dma2 semaphore(%arg19 : memref<!tpu.dma_semaphore, #tpu.memory_space<semaphore_mem>>) src(%dma_wait3A_961 : memref<1024xf32, #tpu.memory_space<vmem>>) dst(%dma_wait3A_959 : memref<1024xf32, #tpu.memory_space<hbm>>)
    %dma_wait3A_962 = arith.constant 46 : i32
    %dma_wait3A_963 = arith.constant 0 : i32
    %dma_wait3A_964 = tpu.memref_slice %arg9[%dma_wait3A_963] : memref<2048xf32, #tpu.memory_space<vmem>> -> memref<1024xf32, #tpu.memory_space<vmem>>
    %dma_wait3A_965 = tpu.memref_slice %arg4[%dma_wait3A_962, %sub3A_907, %mul3A_0] : memref<50x32x16384xf32, #tpu.memory_space<hbm>> -> memref<1x1x1024xf32, #tpu.memory_space<hbm>>
    %dma_wait3A_966 = tpu.memref_squeeze %dma_wait3A_965 : memref<1x1x1024xf32, #tpu.memory_space<hbm>> -> memref<1024xf32, #tpu.memory_space<hbm>>
    %dma_wait3A_967 = tpu.memref_slice %arg4[%dma_wait3A_962, %sub3A_907, %mul3A_0] : memref<50x32x16384xf32, #tpu.memory_space<hbm>> -> memref<1x1x1024xf32, #tpu.memory_space<hbm>>
    %dma_wait3A_968 = tpu.memref_squeeze %dma_wait3A_967 : memref<1x1x1024xf32, #tpu.memory_space<hbm>> -> memref<1024xf32, #tpu.memory_space<hbm>>
    %dma_wait3A_969 = arith.constant 0 : i32
    %dma_wait3A_970 = tpu.memref_slice %arg9[%dma_wait3A_969] : memref<2048xf32, #tpu.memory_space<vmem>> -> memref<1024xf32, #tpu.memory_space<vmem>>
    tpu.wait_dma2 semaphore(%arg20 : memref<!tpu.dma_semaphore, #tpu.memory_space<semaphore_mem>>) src(%dma_wait3A_970 : memref<1024xf32, #tpu.memory_space<vmem>>) dst(%dma_wait3A_968 : memref<1024xf32, #tpu.memory_space<hbm>>)
    %dma_wait3A_971 = arith.constant 47 : i32
    %dma_wait3A_972 = arith.constant 1024 : i32
    %dma_wait3A_973 = tpu.memref_slice %arg9[%dma_wait3A_972] : memref<2048xf32, #tpu.memory_space<vmem>> -> memref<1024xf32, #tpu.memory_space<vmem>>
    %dma_wait3A_974 = tpu.memref_slice %arg4[%dma_wait3A_971, %sub3A_907, %mul3A_0] : memref<50x32x16384xf32, #tpu.memory_space<hbm>> -> memref<1x1x1024xf32, #tpu.memory_space<hbm>>
    %dma_wait3A_975 = tpu.memref_squeeze %dma_wait3A_974 : memref<1x1x1024xf32, #tpu.memory_space<hbm>> -> memref<1024xf32, #tpu.memory_space<hbm>>
    %dma_wait3A_976 = tpu.memref_slice %arg4[%dma_wait3A_971, %sub3A_907, %mul3A_0] : memref<50x32x16384xf32, #tpu.memory_space<hbm>> -> memref<1x1x1024xf32, #tpu.memory_space<hbm>>
    %dma_wait3A_977 = tpu.memref_squeeze %dma_wait3A_976 : memref<1x1x1024xf32, #tpu.memory_space<hbm>> -> memref<1024xf32, #tpu.memory_space<hbm>>
    %dma_wait3A_978 = arith.constant 1024 : i32
    %dma_wait3A_979 = tpu.memref_slice %arg9[%dma_wait3A_978] : memref<2048xf32, #tpu.memory_space<vmem>> -> memref<1024xf32, #tpu.memory_space<vmem>>
    tpu.wait_dma2 semaphore(%arg20 : memref<!tpu.dma_semaphore, #tpu.memory_space<semaphore_mem>>) src(%dma_wait3A_979 : memref<1024xf32, #tpu.memory_space<vmem>>) dst(%dma_wait3A_977 : memref<1024xf32, #tpu.memory_space<hbm>>)
    %dma_wait3A_980 = arith.constant 48 : i32
    %dma_wait3A_981 = arith.constant 0 : i32
    %dma_wait3A_982 = tpu.memref_slice %arg10[%dma_wait3A_981] : memref<2048xf32, #tpu.memory_space<vmem>> -> memref<1024xf32, #tpu.memory_space<vmem>>
    %dma_wait3A_983 = tpu.memref_slice %arg4[%dma_wait3A_980, %sub3A_907, %mul3A_0] : memref<50x32x16384xf32, #tpu.memory_space<hbm>> -> memref<1x1x1024xf32, #tpu.memory_space<hbm>>
    %dma_wait3A_984 = tpu.memref_squeeze %dma_wait3A_983 : memref<1x1x1024xf32, #tpu.memory_space<hbm>> -> memref<1024xf32, #tpu.memory_space<hbm>>
    %dma_wait3A_985 = tpu.memref_slice %arg4[%dma_wait3A_980, %sub3A_907, %mul3A_0] : memref<50x32x16384xf32, #tpu.memory_space<hbm>> -> memref<1x1x1024xf32, #tpu.memory_space<hbm>>
    %dma_wait3A_986 = tpu.memref_squeeze %dma_wait3A_985 : memref<1x1x1024xf32, #tpu.memory_space<hbm>> -> memref<1024xf32, #tpu.memory_space<hbm>>
    %dma_wait3A_987 = arith.constant 0 : i32
    %dma_wait3A_988 = tpu.memref_slice %arg10[%dma_wait3A_987] : memref<2048xf32, #tpu.memory_space<vmem>> -> memref<1024xf32, #tpu.memory_space<vmem>>
    tpu.wait_dma2 semaphore(%arg21 : memref<!tpu.dma_semaphore, #tpu.memory_space<semaphore_mem>>) src(%dma_wait3A_988 : memref<1024xf32, #tpu.memory_space<vmem>>) dst(%dma_wait3A_986 : memref<1024xf32, #tpu.memory_space<hbm>>)
    %dma_wait3A_989 = arith.constant 49 : i32
    %dma_wait3A_990 = arith.constant 1024 : i32
    %dma_wait3A_991 = tpu.memref_slice %arg10[%dma_wait3A_990] : memref<2048xf32, #tpu.memory_space<vmem>> -> memref<1024xf32, #tpu.memory_space<vmem>>
    %dma_wait3A_992 = tpu.memref_slice %arg4[%dma_wait3A_989, %sub3A_907, %mul3A_0] : memref<50x32x16384xf32, #tpu.memory_space<hbm>> -> memref<1x1x1024xf32, #tpu.memory_space<hbm>>
    %dma_wait3A_993 = tpu.memref_squeeze %dma_wait3A_992 : memref<1x1x1024xf32, #tpu.memory_space<hbm>> -> memref<1024xf32, #tpu.memory_space<hbm>>
    %dma_wait3A_994 = tpu.memref_slice %arg4[%dma_wait3A_989, %sub3A_907, %mul3A_0] : memref<50x32x16384xf32, #tpu.memory_space<hbm>> -> memref<1x1x1024xf32, #tpu.memory_space<hbm>>
    %dma_wait3A_995 = tpu.memref_squeeze %dma_wait3A_994 : memref<1x1x1024xf32, #tpu.memory_space<hbm>> -> memref<1024xf32, #tpu.memory_space<hbm>>
    %dma_wait3A_996 = arith.constant 1024 : i32
    %dma_wait3A_997 = tpu.memref_slice %arg10[%dma_wait3A_996] : memref<2048xf32, #tpu.memory_space<vmem>> -> memref<1024xf32, #tpu.memory_space<vmem>>
    tpu.wait_dma2 semaphore(%arg21 : memref<!tpu.dma_semaphore, #tpu.memory_space<semaphore_mem>>) src(%dma_wait3A_997 : memref<1024xf32, #tpu.memory_space<vmem>>) dst(%dma_wait3A_995 : memref<1024xf32, #tpu.memory_space<hbm>>)
    return
  }
}

</mosaic_0001>

<sc_bundles>
// kernel: kernel.3.cloned.1.call-start
scs
__scs_entry_jumppad:
0x0: {  	(pc) =	sbr.rel $0x88, $3  }
0x1: {  	(tag) =	ssettag $0x0;
	lr =	simm.s32 $0x1  }
0x2: {  	[smem:$0x3F9F] =	sst lr;
	_ =	strace $0xD0000000  }
0x3: {  	_ = 	snop  }
0x4: {  	_ = 	snop  }
0x5: {  	_ = 	snop  }
0x6: {  	_ = 	snop  }
0x7: {  	_ = 	snop  }
__scs_overlays_trampoline_lowered:
0x8: {  	[smem:$0x3FAE] =	sst s0  }
0x9: {  	[smem:$0x3FAF] =	sst s1  }
0xa: {  	[smem:$0x3FB0] =	sst s2  }
0xb: {  	[smem:$0x3FB1] =	sst s3  }
0xc: {  	[smem:$0x3FB2] =	sst s4  }
0xd: {  	[smem:$0x3FB3] =	sst s5  }
0xe: {  	[smem:$0x3FB4] =	sst s6  }
0xf: {  	[smem:$0x3FB5] =	sst s7  }
0x10: {  	[smem:$0x3FB6] =	sst s8  }
0x11: {  	[smem:$0x3FB7] =	sst s9;
	s0 =	simm.s32 @!p0 $0x0  }
0x12: {  	s1 =	sld [smem:$0x3F9D];
	s0 =	simm.s32 @p0 $0x1  }
0x13: {  	[smem:$0x3FB8] =	sst s0;
	s0 =	simm.s32 @!p1 $0x0  }
0x14: {  	s2 =	sld [smem:$0x3F9C];
	s0 =	simm.s32 @p1 $0x1  }
0x15: {  	[smem:$0x3FB9] =	sst s0;
	s0 =	simm.s32 @!p2 $0x0  }
0x16: {  	s3 =	sld [smem:$0x3FDB];
	s0 =	simm.s32 @p2 $0x1  }
0x17: {  	s4 =	simm.s32 $0x1BF5;
	[smem:$0x3FBB] =	sst s0  }
0x18: {  	s0 =	sld [smem:$0x3F9E];
	_ =	swait.ge [sflag:s4], $0x0  }
0x19: {  	s7 =	sld [smem:$0x3F9F]  }
0x1a: {  	s8 =	sadd.s32 $0xFFFFE003, lr  }
0x1b: {  	s9 =	sadd.s32 $0xFFFFFEF7, lr;
	s5 =	simm.s32 $0xFFFFFFFF;
	p2 =	slt.u32 s8, $0xFFFFF086  }
0x1c: {  	p1 =	slt.u32 s9, $0xF7A;
	s5 =	simm.s32 @!p2 $0x0  }
0x1d: {  	s5 =	simm.s32 @p1 $0x1;
	p0 =	seq.s32 s7, s2  }
0x1e: {  	s7 =	smul.u32 @!p0 $0xF7A, s2;
	p2 =	seq.s32 @!p0 s5, $0x0  }
0x1f: {  	s9 =	smul.u32 $0xF7A, s1;
	s8 =	simm.s32 @!p0 $0x1BF5;
	p2 =	por !p2, p0  }
0x20: {  	[sflag:s8] =	ssyncset.s32 @!p0 $0xFFFFF086;
	s6 =	sadd.s32 @!p0 s3, s7;
	s7 =	simm.s32 @!p0 $0x108  }
0x21: {  	s3 =	sadd.s32 s3, s9;
	s6 =	sadd.s32 @!p0 $0x88, s6;
	s7 =	simm.s32 @p2 $0x1082  }
0x22: {  	[simem:s7], [sflag:s8] =	dma.local @!p0 [hbm:s6], $0xF7A  }
0x23: {  	s9 =	sor.u32 $0xD0000000, s2;
	s6 =	simm.s32 $0x108;
	_ =	swait.ge @!p0 [sflag:s8], $0x0  }
0x24: {  	s3 =	sadd.s32 $0x88, s3;
	s6 =	simm.s32 @!p1 $0x1082;
	[sflag:s4] =	ssyncset.s32 $0xFFFFF086  }
0x25: {  	[simem:s6], [sflag:s4] =	dma.local [hbm:s3], $0xF7A  }
0x26: {  	[smem:$0x3F9F] =	sst s1;
	(tag) =	ssettag s2;
	_ =	strace s9  }
0x27: {  	s1 =	sld [smem:$0x3FAF]  }
0x28: {  	s2 =	sld [smem:$0x3FB0]  }
0x29: {  	s4 =	sld [smem:$0x3FB2]  }
0x2a: {  	p0 =	seq.s32 s5, $0x0;
	s5 =	sld [smem:$0x3FB3]  }
0x2b: {  	s6 =	sld [smem:$0x3FB4]  }
0x2c: {  	s7 =	sld [smem:$0x3FB5]  }
0x2d: {  	s3 =	simm.s32 $0x108;
	s8 =	sld [smem:$0x3FB6]  }
0x2e: {  	s3 =	simm.s32 @!p0 $0x1082;
	s9 =	sld [smem:$0x3FB7]  }
0x2f: {  	lr =	sadd.s32 s0, s3;
	s0 =	sld [smem:$0x3FAE]  }
0x30: {  	s3 =	sld [smem:$0x3FB1]  }
0x31: {  	[smem:$0x3FBA] =	sst s10  }
0x32: {  	s10 =	sld [smem:$0x3FB8];
	_ =	sdelay $0x3  }
0x33: {  	p0 =	seq.s32 s10, $0x1;
	s10 =	sld [smem:$0x3FBA];
	_ =	sdelay $0x3  }
0x34: {  	[smem:$0x3FBA] =	sst s10  }
0x35: {  	s10 =	sld [smem:$0x3FB9];
	_ =	sdelay $0x3  }
0x36: {  	p1 =	seq.s32 s10, $0x1;
	s10 =	sld [smem:$0x3FBA];
	_ =	sdelay $0x3  }
0x37: {  	[smem:$0x3FBA] =	sst s10  }
0x38: {  	s10 =	sld [smem:$0x3FBB]  }
0x39: {  	_ = 	snop;
	(pc) =	sbr.ind lr, $3  }
0x3a: {  	_ = 	snop  }
0x3b: {  	_ = 	snop  }
0x3c: {  	p2 =	seq.s32 s10, $0x1;
	s10 =	sld [smem:$0x3FBA]  }
0x3d: {  	_ =	shalt  }
0x3e: {  	_ =	shalt  }
0x3f: {  	_ =	shalt  }
0x40: {  	_ =	shalt  }
0x41: {  	_ =	shalt  }
0x42: {  	_ =	shalt  }
0x43: {  	_ =	shalt  }
0x44: {  	_ =	shalt  }
0x45: {  	_ =	shalt  }
0x46: {  	_ =	shalt  }
0x47: {  	_ =	shalt  }
0x48: {  	_ =	shalt  }
0x49: {  	_ =	shalt  }
0x4a: {  	_ =	shalt  }
0x4b: {  	_ =	shalt  }
0x4c: {  	_ =	shalt  }
0x4d: {  	_ =	shalt  }
0x4e: {  	_ =	shalt  }
0x4f: {  	_ =	shalt  }
0x50: {  	_ =	shalt  }
0x51: {  	_ =	shalt  }
0x52: {  	_ =	shalt  }
0x53: {  	_ =	shalt  }
0x54: {  	_ =	shalt  }
0x55: {  	_ =	shalt  }
0x56: {  	_ =	shalt  }
0x57: {  	_ =	shalt  }
0x58: {  	_ =	shalt  }
0x59: {  	_ =	shalt  }
0x5a: {  	_ =	shalt  }
0x5b: {  	_ =	shalt  }
0x5c: {  	_ =	shalt  }
0x5d: {  	_ =	shalt  }
0x5e: {  	_ =	shalt  }
0x5f: {  	_ =	shalt  }
0x60: {  	_ =	shalt  }
0x61: {  	_ =	shalt  }
0x62: {  	_ =	shalt  }
0x63: {  	_ =	shalt  }
0x64: {  	_ =	shalt  }
0x65: {  	_ =	shalt  }
0x66: {  	_ =	shalt  }
0x67: {  	_ =	shalt  }
0x68: {  	_ =	shalt  }
0x69: {  	_ =	shalt  }
0x6a: {  	_ =	shalt  }
0x6b: {  	_ =	shalt  }
0x6c: {  	_ =	shalt  }
0x6d: {  	_ =	shalt  }
0x6e: {  	_ =	shalt  }
0x6f: {  	_ =	shalt  }
0x70: {  	_ =	shalt  }
0x71: {  	_ =	shalt  }
0x72: {  	_ =	shalt  }
0x73: {  	_ =	shalt  }
0x74: {  	_ =	shalt  }
0x75: {  	_ =	shalt  }
0x76: {  	_ =	shalt  }
0x77: {  	_ =	shalt  }
0x78: {  	_ =	shalt  }
0x79: {  	_ =	shalt  }
0x7a: {  	_ =	shalt  }
0x7b: {  	_ =	shalt  }
0x7c: {  	_ =	shalt  }
0x7d: {  	_ =	shalt  }
0x7e: {  	_ =	shalt  }
0x7f: {  	_ =	shalt  }
0x80: {  	_ =	shalt  }
0x81: {  	_ =	shalt  }
0x82: {  	_ =	shalt  }
0x83: {  	_ =	shalt  }
0x84: {  	_ =	shalt  }
0x85: {  	_ =	shalt  }
0x86: {  	_ =	shalt  }
0x87: {  	_ =	shalt  }
.Lfunc_end0:
.L_simem_size_0:
called_computation_lowered:
.L_overlay_start_0:
0x88: {  	s2 =	sld [smem:$0x3FD9]  }
0x89: {  	s3 =	sld [smem:$0x3FFE];
	_ =	sdelay $0x1  }
0x8a: {  	s1 =	srdreg.scid  }
0x8b: {  	s0 =	sand.u32 $0x1, s1  }
0x8c: {  	s18 =	sshll.u32 s0, $0xA;
	s2 =	sadd.s32 s3, s2  }
0x8d: {  	s2 =	sadd.s32 s2, s18  }
0x8e: {  	[smem:$0x3FC6] =	sst s2  }
0x8f: {  	_ = 	snop  }
0x90: {  	s2 =	sld [smem:$0x3FC9]  }
0x91: {  	s19 =	sld [smem:$0x3FC8]  }
0x92: {  	s4 =	sld [smem:$0x3FD0];
	(tm) =	ssettm $0x1  }
0x93: {  	s5 =	sld [smem:$0x3FFB];
	_ =	sdelay $0x3  }
0x94: {  	_ =	strace s5  }
0x95: {  	s5 =	sld [smem:$0x3FFC];
	_ =	sdelay $0x3  }
0x96: {  	_ =	strace s5  }
0x97: {  	s5 =	sld [smem:$0x3FFD];
	_ =	sdelay $0x3  }
0x98: {  	_ =	strace s5  }
0x99: {  	_ =	strace $0x8FFFFFFF  }
0x9a: {  	s20 =	sld [smem:$0x3FDB];
	_ =	sdelay $0x1  }
0x9b: {  	s6 =	simm.s32 $_scs_section_size  }
0x9c: {  	s7 =	simm.s32 $_size__tile_overlayer_lowered;
	s8 =	simm.s32 $_tile_overlayer_lowered  }
0x9d: {  	s23 =	simm.s32 $0x1BFF;
	s22 =	sshll.u32 s8, $0x1;
	s5 =	sadd.s32 s6, s20  }
0x9e: {  	s9 =	simm.s32 $0x0;
	s21 =	sshll.u32 s7, $0x1;
	s7 =	sadd.s32 s22, s5  }
0x9f: {  	[timem:s9], [sflag:s23] =	dma.local [hbm:s7], s21  }
0xa0: {  	_ =	swait.ge [sflag:s23], s21  }
0xa1: {  	s6 =	ssub.s32 $0x0, s21;
	[sflag:s23] =	ssyncset.done $0x0  }
0xa2: {  	[sflag:s23] =	ssyncadd.s32 s6;
	_ =	sdelay $0x1  }
0xa3: {  	s24 =	simm.s32 $0x1B8B  }
0xa4: {  	_ =	swait.ge [sflag:s24], $0x1  }
0xa5: {  	[sflag:s24] =	ssyncset.done $0x0  }
0xa6: {  	s25 =	simm.s32 $0x1B8E;
	[sflag:s24] =	ssyncadd.s32 $0xFFFFFFFF  }
0xa7: {  	s26 =	simm.s32 $execute0_lowered;
	[smem:$0x3FD2] =	sst s25  }
0xa8: {  	s6 =	sshll.u32 s26, $0x1;
	_ =	strace $0x80000046;
	[dreg:$0x1] =	wrdreg $0xFFFFFFFF  }
0xa9: {  	s28 =	simm.s32 $_size_execute0_lowered;
	s5 =	sadd.s32 s5, s6;
	[dreg:$0x0] =	wrdreg $0x0  }
0xaa: {  	s6 =	sshll.u32 s28, $0x1;
	[dreg:$0x2] =	wrdreg s5  }
0xab: {  	[dreg:$0x3] =	wrdreg s6  }
0xac: {  	[dreg:$0x4] =	wrdreg $0xC0  }
0xad: {  	_ =	task [dreg:s9], $0x5FFFF  }
0xae: {  	[dreg:$0x1] =	wrdreg $0xFFFFFFFF  }
0xaf: {  	[dreg:$0x0] =	wrdreg $0x60  }
0xb0: {  	[dreg:$0x2] =	wrdreg s19  }
0xb1: {  	[dreg:$0x3] =	wrdreg s2  }
0xb2: {  	[dreg:$0x4] =	wrdreg s4  }
0xb3: {  	[dreg:$0x5] =	wrdreg $0xF0000  }
0xb4: {  	[dreg:$0x6] =	wrdreg $0x9  }
0xb5: {  	_ =	task.clear_ibuf [dreg:s9], $0x7FFFF;
	_ =	strace $0x90000046  }
0xb6: {  	s29 =	simm.s32 $0x9;
	_ =	strace $0x80000048  }
0xb7: {  	_ =	swait.ge [sflag:s29], $0x1  }
0xb8: {  	[sflag:s29] =	ssyncadd.s32 $0xFFFFFFFF  }
0xb9: {  	_ =	strace $0x90000048  }
0xba: {  	_ =	sfence  }
0xbb: {  	s30 =	sld [smem:$0x0];
	_ =	sdelay $0x2  }
0xbc: {  	s31 =	sshll.u32 s1, $0xD;
	s1 =	sshrl.u32 s1, $0x2  }
0xbd: {  	s3 =	sand.u32 $0x4000, s31;
	s1 =	sadd.s32 s1, s30  }
0xbe: {  	s0 =	sor.u32 s3, s0;
	s1 =	sshll.u32 s1, $0x11  }
0xbf: {  	s0 =	sor.u32 s1, s0  }
0xc0: {  	s0 =	sadd.s32 $0x8F2B, s0  }
0xc1: {  	[sflag:s0] =	ssyncadd.remote.s32 $0x1  }
0xc2: {  	_ =	sfence.sel $0xFFFF  }
0xc3: {  	[dreg:$0x0] =	wrdreg $0xFFFFFFFF;
	(pc) =	sbr.abs _section_cstart, $3  }
0xc4: {  	[dreg:$0x1] =	wrdreg $0xFFFFFFFF  }
0xc5: {  	_ =	task.clear_ibuf [dreg:s9], $0x2FFFF;
	_ =	strace $0x9FFFFFFF  }
0xc6: {  	(tm) =	ssettm $0x7FFFFFFF  }
0xc7: {  	_ =	shalt  }
tec
execute0_lowered:
.L_overlay_start_1:
0x0: {  	(tag) =	ssettag $0x1  }
0x1: {  	s0 =	rddreg [dreg:$0x0]  }
0x2: {  	s7 =	rddreg [dreg:$0x2]  }
0x3: {  	s2 =	rddreg [dreg:$0x3]  }
0x4: {  	[dreg:$0x5] =	wrdreg s0  }
0x5: {  	s1 =	simm.s32 $0x0;
	s0 =	rddreg [dreg:$0x1]  }
0x6: {  	[smem:$0x7FF] =	sst s1;
	s21 =	sadd.s32 $0x10000, s7  }
0x7: {  	s22 =	sadd.s32 $0x20000, s7;
	_ =	strace $0x80000047;
	[dreg:$0x6] =	wrdreg s21  }
0x8: {  	s23 =	sadd.s32 $0x30000, s7;
	[dreg:$0x7] =	wrdreg s22  }
0x9: {  	s24 =	sadd.s32 $0x40000, s7;
	[dreg:$0x8] =	wrdreg s23  }
0xa: {  	s25 =	sadd.s32 $0x50000, s7;
	[dreg:$0x9] =	wrdreg s24  }
0xb: {  	s26 =	sadd.s32 $0x60000, s7;
	[dreg:$0xa] =	wrdreg s25  }
0xc: {  	s30 =	sadd.s32 $0x70000, s7;
	[dreg:$0xb] =	wrdreg s26  }
0xd: {  	s31 =	sadd.s32 $0x80000, s7;
	[dreg:$0xc] =	wrdreg s30  }
0xe: {  	s3 =	sadd.s32 $0x90000, s7;
	[dreg:$0xd] =	wrdreg s31  }
0xf: {  	s4 =	sadd.s32 $0xA0000, s7;
	[dreg:$0xe] =	wrdreg s3  }
0x10: {  	s5 =	sadd.s32 $0xB0000, s7;
	[dreg:$0xf] =	wrdreg s4  }
0x11: {  	s6 =	sadd.s32 $0xC0000, s7;
	[dreg:$0x10] =	wrdreg s5  }
0x12: {  	s8 =	sadd.s32 $0xD0000, s7;
	[dreg:$0x11] =	wrdreg s6  }
0x13: {  	s9 =	sadd.s32 $0xE0000, s7;
	[dreg:$0x12] =	wrdreg s8  }
0x14: {  	s10 =	sadd.s32 $0xF0000, s7;
	[dreg:$0x13] =	wrdreg s9  }
0x15: {  	s11 =	sadd.s32 $0x100000, s7;
	[dreg:$0x14] =	wrdreg s10  }
0x16: {  	s12 =	sadd.s32 $0x110000, s7;
	[dreg:$0x15] =	wrdreg s11  }
0x17: {  	s13 =	sadd.s32 $0x120000, s7;
	[dreg:$0x16] =	wrdreg s12  }
0x18: {  	s14 =	sadd.s32 $0x130000, s7;
	[dreg:$0x17] =	wrdreg s13  }
0x19: {  	s15 =	sadd.s32 $0x140000, s7;
	[dreg:$0x18] =	wrdreg s14  }
0x1a: {  	s16 =	sadd.s32 $0x150000, s7;
	[dreg:$0x19] =	wrdreg s15  }
0x1b: {  	s17 =	sadd.s32 $0x160000, s7;
	[dreg:$0x1a] =	wrdreg s16  }
0x1c: {  	s18 =	sadd.s32 $0x170000, s7;
	[dreg:$0x1b] =	wrdreg s17  }
0x1d: {  	s19 =	sadd.s32 $0x180000, s7;
	[dreg:$0x1c] =	wrdreg s18  }
0x1e: {  	s20 =	sadd.s32 $0x190000, s7;
	[dreg:$0x1d] =	wrdreg s19  }
0x1f: {  	[dreg:$0x1e] =	wrdreg s20;
	s21 =	sadd.s32 $0x1A0000, s7  }
0x20: {  	s22 =	sadd.s32 $0x1B0000, s7;
	[dreg:$0x1f] =	wrdreg s21  }
0x21: {  	s4 =	sadd.s32 $0x1C0000, s7;
	[smem:$0x7B1] =	sst s22  }
0x22: {  	s23 =	sadd.s32 $0x1D0000, s7;
	[smem:$0x7B2] =	sst s4  }
0x23: {  	s24 =	sadd.s32 $0x1E0000, s7;
	[smem:$0x7B3] =	sst s23  }
0x24: {  	s25 =	sadd.s32 $0x1F0000, s7;
	[smem:$0x7B4] =	sst s24  }
0x25: {  	s26 =	sadd.s32 $0x200000, s7;
	[smem:$0x7B5] =	sst s25  }
0x26: {  	s1 =	stileid.u32;
	s30 =	sadd.s32 $0x210000, s7;
	[smem:$0x7B6] =	sst s26  }
0x27: {  	s31 =	sshll.u32 s1, $0xA;
	[smem:$0x7B7] =	sst s30  }
0x28: {  	s8 =	sadd.s32 $0x220000, s7;
	[smem:$0x7B8] =	sst s31  }
0x29: {  	s9 =	sadd.s32 $0x230000, s7;
	[smem:$0x7B9] =	sst s8  }
0x2a: {  	s11 =	sadd.s32 $0x240000, s7;
	[smem:$0x7BB] =	sst s9  }
0x2b: {  	s13 =	sadd.s32 $0x250000, s7;
	[smem:$0x7BD] =	sst s11  }
0x2c: {  	s15 =	sadd.s32 $0x260000, s7;
	[smem:$0x7BF] =	sst s13  }
0x2d: {  	s17 =	sadd.s32 $0x270000, s7;
	[smem:$0x7C1] =	sst s15  }
0x2e: {  	s19 =	sadd.s32 $0x280000, s7;
	[smem:$0x7C3] =	sst s17  }
0x2f: {  	[smem:$0x7C5] =	sst s19;
	s21 =	sadd.s32 $0x290000, s7  }
0x30: {  	s3 =	srdreg.scid;
	s23 =	sadd.s32 $0x2A0000, s7;
	[smem:$0x7C7] =	sst s21  }
0x31: {  	s3 =	sand.u32 $0x1, s3;
	s25 =	sadd.s32 $0x2B0000, s7;
	[smem:$0x7C9] =	sst s23  }
0x32: {  	s30 =	sadd.s32 $0x2C0000, s7;
	s5 =	ssub.s32 $0x2, s3;
	[smem:$0x7CB] =	sst s25  }
0x33: {  	s8 =	sadd.s32 $0x2D0000, s7;
	[smem:$0x7CD] =	sst s30;
	s6 =	sshrl.u32 s5, $0x1  }
0x34: {  	[smem:$0x7CF] =	sst s8;
	s5 =	ssub.s32 s5, s6;
	s6 =	sadd.s32 s0, s31  }
0x35: {  	s10 =	sadd.s32 $0x10, s6;
	[smem:$0x7FC] =	sst s6  }
0x36: {  	s12 =	sadd.s32 $0x20, s6;
	[smem:$0x7BA] =	sst s10  }
0x37: {  	s14 =	sadd.s32 $0x30, s6;
	[smem:$0x7BC] =	sst s12  }
0x38: {  	s16 =	sadd.s32 $0x40, s6;
	[smem:$0x7BE] =	sst s14  }
0x39: {  	s18 =	sadd.s32 $0x50, s6;
	[smem:$0x7C0] =	sst s16  }
0x3a: {  	s20 =	sadd.s32 $0x60, s6;
	[smem:$0x7C2] =	sst s18  }
0x3b: {  	s22 =	sadd.s32 $0x70, s6;
	[smem:$0x7C4] =	sst s20  }
0x3c: {  	s24 =	sadd.s32 $0x4000, s6;
	[smem:$0x7C6] =	sst s22  }
0x3d: {  	s26 =	sadd.s32 $0x4010, s6;
	[smem:$0x7C8] =	sst s24  }
0x3e: {  	s31 =	sadd.s32 $0x4020, s6;
	[smem:$0x7CA] =	sst s26  }
0x3f: {  	s9 =	sadd.s32 $0x4030, s6;
	[smem:$0x7CC] =	sst s31  }
0x40: {  	s11 =	sadd.s32 $0x4040, s6;
	[smem:$0x7CE] =	sst s9  }
0x41: {  	s13 =	sadd.s32 $0x4050, s6;
	[smem:$0x7D0] =	sst s11  }
0x42: {  	s15 =	sadd.s32 $0x4060, s6;
	[smem:$0x7D2] =	sst s13  }
0x43: {  	s17 =	sadd.s32 $0x4070, s6;
	[smem:$0x7D4] =	sst s15  }
0x44: {  	s19 =	sadd.s32 $0x8010, s6;
	[smem:$0x7D6] =	sst s17  }
0x45: {  	s21 =	smax.u32 s5, $0x1;
	[smem:$0x7D9] =	sst s19  }
0x46: {  	s23 =	sadd.s32 $0x8020, s6;
	[smem:$0x7DB] =	sst s21  }
0x47: {  	s25 =	sadd.s32 $0x8040, s6;
	[smem:$0x7DD] =	sst s23  }
0x48: {  	s30 =	sadd.s32 $0x8060, s6;
	[smem:$0x7DF] =	sst s25  }
0x49: {  	p0 =	sne.s32 s1, $0x0;
	s1 =	sadd.s32 $0xC000, s6;
	[smem:$0x7E1] =	sst s30  }
0x4a: {  	s4 =	sadd.s32 $0xC020, s6;
	[smem:$0x7E3] =	sst s1  }
0x4b: {  	s5 =	sadd.s32 $0xC030, s6;
	[smem:$0x7E5] =	sst s4  }
0x4c: {  	s8 =	sadd.s32 $0xC050, s6;
	[smem:$0x7E6] =	sst s5  }
0x4d: {  	s10 =	sadd.s32 $0x2E0000, s7;
	[smem:$0x7E8] =	sst s8  }
0x4e: {  	s12 =	sadd.s32 $0x2F0000, s7;
	[smem:$0x7D1] =	sst s10  }
0x4f: {  	s14 =	sadd.s32 $0x300000, s7;
	[smem:$0x7D3] =	sst s12  }
0x50: {  	s18 =	sadd.s32 $0x8000, s6;
	[smem:$0x7D5] =	sst s14  }
0x51: {  	s16 =	sadd.s32 $0x310000, s7;
	[smem:$0x7D7] =	sst s18  }
0x52: {  	s20 =	sshll.u32 s3, $0x4;
	[smem:$0x7D8] =	sst s16  }
0x53: {  	s22 =	sshll.u32 s3, $0xF;
	[smem:$0x7DA] =	sst s20  }
0x54: {  	s24 =	sadd.s32 $0x8030, s6;
	[smem:$0x7DC] =	sst s22  }
0x55: {  	s26 =	sadd.s32 $0x8050, s6;
	[smem:$0x7DE] =	sst s24  }
0x56: {  	s31 =	sadd.s32 $0x8070, s6;
	[smem:$0x7E0] =	sst s26  }
0x57: {  	s3 =	sadd.s32 $0xC010, s6;
	[smem:$0x7E2] =	sst s31  }
0x58: {  	s7 =	sadd.s32 $0xC040, s6;
	[smem:$0x7E4] =	sst s3  }
0x59: {  	s9 =	sadd.s32 $0xC060, s6;
	[smem:$0x7E7] =	sst s7  }
0x5a: {  	s11 =	sadd.s32 $0x10000, s6;
	[smem:$0x7E9] =	sst s9  }
0x5b: {  	s13 =	sadd.s32 $0x10020, s6;
	[smem:$0x7EB] =	sst s11  }
0x5c: {  	s15 =	sadd.s32 $0x10040, s6;
	[smem:$0x7ED] =	sst s13  }
0x5d: {  	s17 =	sadd.s32 $0x10060, s6;
	[smem:$0x7EF] =	sst s15  }
0x5e: {  	s19 =	sadd.s32 $0x14000, s6;
	[smem:$0x7F1] =	sst s17  }
0x5f: {  	s21 =	sadd.s32 $0x14020, s6;
	[smem:$0x7F3] =	sst s19  }
0x60: {  	s23 =	sadd.s32 $0x14040, s6;
	[smem:$0x7F5] =	sst s21  }
0x61: {  	s25 =	sadd.s32 $0x14060, s6;
	[smem:$0x7F7] =	sst s23  }
0x62: {  	s30 =	sadd.s32 $0x18000, s6;
	[smem:$0x7F9] =	sst s25  }
0x63: {  	s10 =	sadd.s32 $0xC070, s6;
	[smem:$0x7FB] =	sst s30  }
0x64: {  	s12 =	sadd.s32 $0x10010, s6;
	[smem:$0x7EA] =	sst s10  }
0x65: {  	s14 =	sadd.s32 $0x10030, s6;
	[smem:$0x7EC] =	sst s12  }
0x66: {  	s16 =	sadd.s32 $0x10050, s6;
	[smem:$0x7EE] =	sst s14  }
0x67: {  	s18 =	sadd.s32 $0x10070, s6;
	[smem:$0x7F0] =	sst s16  }
0x68: {  	s28 =	simm.s32 $0x9;
	s20 =	sadd.s32 $0x14010, s6;
	[smem:$0x7F2] =	sst s18  }
0x69: {  	s29 =	simm.s32 $0xA;
	s22 =	sadd.s32 $0x14030, s6;
	[smem:$0x7F4] =	sst s20  }
0x6a: {  	s8 =	simm.s32 $0x80;
	s24 =	sadd.s32 $0x14050, s6;
	[smem:$0x7F6] =	sst s22  }
0x6b: {  	s1 =	simm.s32 $0x0;
	s26 =	sadd.s32 $0x14070, s6;
	[smem:$0x7F8] =	sst s24  }
0x6c: {  	s31 =	sadd.s32 $0x18010, s6;
	s9 =	simm.s32 $0x400;
	[smem:$0x7FA] =	sst s26  }
0x6d: {  	s21 =	simm.s32 $0x7;
	[smem:$0x7FD] =	sst s31;
	s24 =	simm.s32 $0x8  }
.LBB2_1:
0x6e: {  	s0 =	sld [smem:$0x7FC]  }
0x6f: {  	[smem:$0x7AF] =	sst s1  }
0x70: {  	s14 =	simm.s32 $0x0;
	s3 =	sld [smem:$0x7BA]  }
0x71: {  	[tilespmem:s14], [sflag:$0x1] =	stream.strided.gather [hbm4b:s0+s8], $0x400, s9, s8, $0x38;
	[tilespmem:$0x1E428] =	vst v63  }
0x72: {  	s4 =	sld [smem:$0x7BC]  }
0x73: {  	[tilespmem:s9], [sflag:$0x2] =	stream.strided.gather [hbm4b:s3+s8], $0x400, s9, s8, $0x38;
	[tilespmem:$0x1E428] =	vst v63  }
0x74: {  	s10 =	simm.s32 $0x800;
	s5 =	sld [smem:$0x7BE]  }
0x75: {  	[tilespmem:s10], [sflag:$0x3] =	stream.strided.gather [hbm4b:s4+s8], $0x400, s9, s8, $0x38;
	[tilespmem:$0x1E428] =	vst v63  }
0x76: {  	s6 =	sld [smem:$0x7C0];
	s3 =	simm.s32 $0xC00  }
0x77: {  	[tilespmem:s3], [sflag:$0x4] =	stream.strided.gather [hbm4b:s5+s8], $0x400, s9, s8, $0x38;
	[tilespmem:$0x1E428] =	vst v63  }
0x78: {  	s7 =	simm.s32 $0x1000;
	s11 =	sld [smem:$0x7C2]  }
0x79: {  	[tilespmem:s7], [sflag:$0x5] =	stream.strided.gather [hbm4b:s6+s8], $0x400, s9, s8, $0x38;
	[tilespmem:$0x1E428] =	vst v63  }
0x7a: {  	s12 =	simm.s32 $0x1400;
	s13 =	sld [smem:$0x7C4]  }
0x7b: {  	[tilespmem:s12], [sflag:$0x1] =	stream.strided.gather [hbm4b:s11+s8], $0x400, s9, s8, $0x38;
	[tilespmem:$0x1E428] =	vst v63  }
0x7c: {  	s20 =	simm.s32 $0x1800;
	s15 =	sld [smem:$0x7C6]  }
0x7d: {  	[tilespmem:s20], [sflag:$0x2] =	stream.strided.gather [hbm4b:s13+s8], $0x400, s9, s8, $0x38;
	[tilespmem:$0x1E428] =	vst v63  }
0x7e: {  	s16 =	simm.s32 $0x1C00;
	s17 =	sld [smem:$0x7C8]  }
0x7f: {  	[tilespmem:s16], [sflag:$0x3] =	stream.strided.gather [hbm4b:s15+s8], $0x400, s9, s8, $0x38;
	[tilespmem:$0x1E428] =	vst v63  }
0x80: {  	s22 =	simm.s32 $0x2000;
	s18 =	sld [smem:$0x7CA]  }
0x81: {  	[tilespmem:s22], [sflag:$0x4] =	stream.strided.gather [hbm4b:s17+s8], $0x400, s9, s8, $0x38;
	[tilespmem:$0x1E428] =	vst v63  }
0x82: {  	s19 =	simm.s32 $0x2400;
	s23 =	sld [smem:$0x7CC]  }
0x83: {  	[tilespmem:s19], [sflag:$0x5] =	stream.strided.gather [hbm4b:s18+s8], $0x400, s9, s8, $0x38;
	[tilespmem:$0x1E428] =	vst v63  }
0x84: {  	s26 =	simm.s32 $0x2800;
	s25 =	sld [smem:$0x7CE]  }
0x85: {  	[tilespmem:s26], [sflag:$0x1] =	stream.strided.gather [hbm4b:s23+s8], $0x400, s9, s8, $0x38;
	[tilespmem:$0x1E428] =	vst v63  }
0x86: {  	s1 =	simm.s32 $0x2C00;
	s3 =	sld [smem:$0x7D0]  }
0x87: {  	[tilespmem:s1], [sflag:$0x2] =	stream.strided.gather [hbm4b:s25+s8], $0x400, s9, s8, $0x38;
	[tilespmem:$0x1E428] =	vst v63  }
0x88: {  	s30 =	simm.s32 $0x3000;
	s4 =	sld [smem:$0x7D2]  }
0x89: {  	[tilespmem:s30], [sflag:$0x3] =	stream.strided.gather [hbm4b:s3+s8], $0x400, s9, s8, $0x38;
	[tilespmem:$0x1E428] =	vst v63  }
0x8a: {  	s5 =	simm.s32 $0x3400;
	s6 =	sld [smem:$0x7D4]  }
0x8b: {  	[tilespmem:s5], [sflag:$0x4] =	stream.strided.gather [hbm4b:s4+s8], $0x400, s9, s8, $0x38;
	[tilespmem:$0x1E428] =	vst v63  }
0x8c: {  	s7 =	simm.s32 $0x3800;
	s11 =	sld [smem:$0x7D6]  }
0x8d: {  	[tilespmem:s7], [sflag:$0x5] =	stream.strided.gather [hbm4b:s6+s8], $0x400, s9, s8, $0x38;
	[tilespmem:$0x1E428] =	vst v63  }
0x8e: {  	s12 =	simm.s32 $0x3C00;
	s13 =	sld [smem:$0x7D7]  }
0x8f: {  	[tilespmem:s12], [sflag:$0x1] =	stream.strided.gather [hbm4b:s11+s8], $0x400, s9, s8, $0x38;
	[tilespmem:$0x1E428] =	vst v63  }
0x90: {  	s15 =	simm.s32 $0x4000;
	s16 =	sld [smem:$0x7D9]  }
0x91: {  	[tilespmem:s15], [sflag:$0x2] =	stream.strided.gather [hbm4b:s13+s8], $0x400, s9, s8, $0x38;
	[tilespmem:$0x1E428] =	vst v63  }
0x92: {  	s17 =	simm.s32 $0x4400;
	s18 =	sld [smem:$0x7DD]  }
0x93: {  	[tilespmem:s17], [sflag:$0x3] =	stream.strided.gather [hbm4b:s16+s8], $0x400, s9, s8, $0x38;
	[tilespmem:$0x1E428] =	vst v63  }
0x94: {  	s19 =	simm.s32 $0x4800;
	s23 =	sld [smem:$0x7DE]  }
0x95: {  	[tilespmem:s19], [sflag:$0x4] =	stream.strided.gather [hbm4b:s18+s8], $0x400, s9, s8, $0x38;
	[tilespmem:$0x1E428] =	vst v63  }
0x96: {  	s25 =	simm.s32 $0x4C00;
	s1 =	sld [smem:$0x7DF]  }
0x97: {  	[tilespmem:s25], [sflag:$0x5] =	stream.strided.gather [hbm4b:s23+s8], $0x400, s9, s8, $0x38;
	[tilespmem:$0x1E428] =	vst v63  }
0x98: {  	s3 =	simm.s32 $0x5000;
	s4 =	sld [smem:$0x7E0]  }
0x99: {  	[tilespmem:s3], [sflag:$0x1] =	stream.strided.gather [hbm4b:s1+s8], $0x400, s9, s8, $0x38;
	[tilespmem:$0x1E428] =	vst v63  }
0x9a: {  	s5 =	simm.s32 $0x5400;
	s6 =	sld [smem:$0x7E1]  }
0x9b: {  	[tilespmem:s5], [sflag:$0x2] =	stream.strided.gather [hbm4b:s4+s8], $0x400, s9, s8, $0x38;
	[tilespmem:$0x1E428] =	vst v63  }
0x9c: {  	s7 =	simm.s32 $0x5800;
	s11 =	sld [smem:$0x7E2]  }
0x9d: {  	[tilespmem:s7], [sflag:$0x3] =	stream.strided.gather [hbm4b:s6+s8], $0x400, s9, s8, $0x38;
	[tilespmem:$0x1E428] =	vst v63  }
0x9e: {  	s12 =	simm.s32 $0x5C00;
	s13 =	sld [smem:$0x7E3]  }
0x9f: {  	[tilespmem:s12], [sflag:$0x4] =	stream.strided.gather [hbm4b:s11+s8], $0x400, s9, s8, $0x38;
	[tilespmem:$0x1E428] =	vst v63  }
0xa0: {  	s15 =	simm.s32 $0x6000;
	s16 =	sld [smem:$0x7E4]  }
0xa1: {  	[tilespmem:s15], [sflag:$0x5] =	stream.strided.gather [hbm4b:s13+s8], $0x400, s9, s8, $0x38;
	[tilespmem:$0x1E428] =	vst v63  }
0xa2: {  	s17 =	simm.s32 $0x6400;
	s18 =	sld [smem:$0x7E5]  }
0xa3: {  	[tilespmem:s17], [sflag:$0x1] =	stream.strided.gather [hbm4b:s16+s8], $0x400, s9, s8, $0x38;
	[tilespmem:$0x1E428] =	vst v63  }
0xa4: {  	s19 =	simm.s32 $0x6800;
	s23 =	sld [smem:$0x7E6]  }
0xa5: {  	[tilespmem:s19], [sflag:$0x2] =	stream.strided.gather [hbm4b:s18+s8], $0x400, s9, s8, $0x38;
	[tilespmem:$0x1E428] =	vst v63  }
0xa6: {  	s25 =	simm.s32 $0x6C00;
	s1 =	sld [smem:$0x7E7]  }
0xa7: {  	[tilespmem:s25], [sflag:$0x3] =	stream.strided.gather [hbm4b:s23+s8], $0x400, s9, s8, $0x38;
	[tilespmem:$0x1E428] =	vst v63  }
0xa8: {  	s3 =	simm.s32 $0x7000;
	s4 =	sld [smem:$0x7E8]  }
0xa9: {  	[tilespmem:s3], [sflag:$0x4] =	stream.strided.gather [hbm4b:s1+s8], $0x400, s9, s8, $0x38;
	[tilespmem:$0x1E428] =	vst v63  }
0xaa: {  	s5 =	simm.s32 $0x7400;
	s6 =	sld [smem:$0x7E9]  }
0xab: {  	[tilespmem:s5], [sflag:$0x5] =	stream.strided.gather [hbm4b:s4+s8], $0x400, s9, s8, $0x38;
	[tilespmem:$0x1E428] =	vst v63  }
0xac: {  	s7 =	simm.s32 $0x7800;
	s11 =	sld [smem:$0x7EA]  }
0xad: {  	[tilespmem:s7], [sflag:$0x1] =	stream.strided.gather [hbm4b:s6+s8], $0x400, s9, s8, $0x38;
	[tilespmem:$0x1E428] =	vst v63  }
0xae: {  	s12 =	simm.s32 $0x7C00;
	s13 =	sld [smem:$0x7EB]  }
0xaf: {  	[tilespmem:s12], [sflag:$0x2] =	stream.strided.gather [hbm4b:s11+s8], $0x400, s9, s8, $0x38;
	[tilespmem:$0x1E428] =	vst v63  }
0xb0: {  	s15 =	simm.s32 $0x8000;
	s16 =	sld [smem:$0x7EC]  }
0xb1: {  	[tilespmem:s15], [sflag:$0x3] =	stream.strided.gather [hbm4b:s13+s8], $0x400, s9, s8, $0x38;
	[tilespmem:$0x1E428] =	vst v63  }
0xb2: {  	s17 =	simm.s32 $0x8400;
	s18 =	sld [smem:$0x7ED]  }
0xb3: {  	[tilespmem:s17], [sflag:$0x4] =	stream.strided.gather [hbm4b:s16+s8], $0x400, s9, s8, $0x38;
	[tilespmem:$0x1E428] =	vst v63  }
0xb4: {  	s19 =	simm.s32 $0x8800;
	s23 =	sld [smem:$0x7EE]  }
0xb5: {  	[tilespmem:s19], [sflag:$0x5] =	stream.strided.gather [hbm4b:s18+s8], $0x400, s9, s8, $0x38;
	[tilespmem:$0x1E428] =	vst v63  }
0xb6: {  	s25 =	simm.s32 $0x8C00;
	s1 =	sld [smem:$0x7EF]  }
0xb7: {  	[tilespmem:s25], [sflag:$0x1] =	stream.strided.gather [hbm4b:s23+s8], $0x400, s9, s8, $0x38;
	[tilespmem:$0x1E428] =	vst v63  }
0xb8: {  	s3 =	simm.s32 $0x9000;
	s4 =	sld [smem:$0x7F0]  }
0xb9: {  	[tilespmem:s3], [sflag:$0x2] =	stream.strided.gather [hbm4b:s1+s8], $0x400, s9, s8, $0x38;
	[tilespmem:$0x1E428] =	vst v63  }
0xba: {  	s5 =	simm.s32 $0x9400;
	s6 =	sld [smem:$0x7F1]  }
0xbb: {  	[tilespmem:s5], [sflag:$0x3] =	stream.strided.gather [hbm4b:s4+s8], $0x400, s9, s8, $0x38;
	[tilespmem:$0x1E428] =	vst v63  }
0xbc: {  	s7 =	simm.s32 $0x9800;
	s11 =	sld [smem:$0x7F2]  }
0xbd: {  	[tilespmem:s7], [sflag:$0x4] =	stream.strided.gather [hbm4b:s6+s8], $0x400, s9, s8, $0x38;
	[tilespmem:$0x1E428] =	vst v63  }
0xbe: {  	s12 =	simm.s32 $0x9C00;
	s13 =	sld [smem:$0x7F3]  }
0xbf: {  	[tilespmem:s12], [sflag:$0x5] =	stream.strided.gather [hbm4b:s11+s8], $0x400, s9, s8, $0x38;
	[tilespmem:$0x1E428] =	vst v63  }
0xc0: {  	s15 =	simm.s32 $0xA000;
	s16 =	sld [smem:$0x7F4]  }
0xc1: {  	[tilespmem:s15], [sflag:$0x1] =	stream.strided.gather [hbm4b:s13+s8], $0x400, s9, s8, $0x38;
	[tilespmem:$0x1E428] =	vst v63  }
0xc2: {  	s17 =	simm.s32 $0xA400;
	s18 =	sld [smem:$0x7F5]  }
0xc3: {  	[tilespmem:s17], [sflag:$0x2] =	stream.strided.gather [hbm4b:s16+s8], $0x400, s9, s8, $0x38;
	[tilespmem:$0x1E428] =	vst v63  }
0xc4: {  	s19 =	simm.s32 $0xA800;
	s23 =	sld [smem:$0x7F6]  }
0xc5: {  	[tilespmem:s19], [sflag:$0x3] =	stream.strided.gather [hbm4b:s18+s8], $0x400, s9, s8, $0x38;
	[tilespmem:$0x1E428] =	vst v63  }
0xc6: {  	s25 =	simm.s32 $0xAC00;
	s1 =	sld [smem:$0x7F7]  }
0xc7: {  	[tilespmem:s25], [sflag:$0x4] =	stream.strided.gather [hbm4b:s23+s8], $0x400, s9, s8, $0x38;
	[tilespmem:$0x1E428] =	vst v63  }
0xc8: {  	s3 =	simm.s32 $0xB000;
	s4 =	sld [smem:$0x7F8]  }
0xc9: {  	[tilespmem:s3], [sflag:$0x5] =	stream.strided.gather [hbm4b:s1+s8], $0x400, s9, s8, $0x38;
	[tilespmem:$0x1E428] =	vst v63  }
0xca: {  	s5 =	simm.s32 $0xB400;
	s6 =	sld [smem:$0x7F9]  }
0xcb: {  	[tilespmem:s5], [sflag:$0x1] =	stream.strided.gather [hbm4b:s4+s8], $0x400, s9, s8, $0x38;
	[tilespmem:$0x1E428] =	vst v63  }
0xcc: {  	s7 =	simm.s32 $0xB800;
	s11 =	sld [smem:$0x7FA]  }
0xcd: {  	[tilespmem:s7], [sflag:$0x2] =	stream.strided.gather [hbm4b:s6+s8], $0x400, s9, s8, $0x38;
	[tilespmem:$0x1E428] =	vst v63  }
0xce: {  	s12 =	simm.s32 $0xBC00;
	s13 =	sld [smem:$0x7FB]  }
0xcf: {  	[tilespmem:s12], [sflag:$0x3] =	stream.strided.gather [hbm4b:s11+s8], $0x400, s9, s8, $0x38;
	[tilespmem:$0x1E428] =	vst v63  }
0xd0: {  	s15 =	simm.s32 $0xC000;
	s16 =	sld [smem:$0x7FD]  }
0xd1: {  	[tilespmem:s15], [sflag:$0x4] =	stream.strided.gather [hbm4b:s13+s8], $0x400, s9, s8, $0x38;
	[tilespmem:$0x1E428] =	vst v63  }
0xd2: {  	s17 =	simm.s32 $0xC400;
	s23 =	simm.s32 $0x1  }
0xd3: {  	[tilespmem:s17], [sflag:$0x5] =	stream.strided.gather [hbm4b:s16+s8], $0x400, s9, s8, $0x38;
	[tilespmem:$0x1E428] =	vst v63  }
0xd4: {  	_ =	swait.ge [sflag:s23], $0x400  }
0xd5: {  	[sflag:s23] =	ssyncset.done $0x0  }
0xd6: {  	s5 =	simm.s32 $0x2;
	[sflag:s23] =	ssyncadd.s32 $0xFFFFFC00  }
0xd7: {  	_ =	swait.ge [sflag:s5], $0x400  }
0xd8: {  	[sflag:s5] =	ssyncset.done $0x0  }
0xd9: {  	s1 =	simm.s32 $0x3;
	[sflag:s5] =	ssyncadd.s32 $0xFFFFFC00  }
0xda: {  	_ =	swait.ge [sflag:s1], $0x400  }
0xdb: {  	[sflag:s1] =	ssyncset.done $0x0  }
0xdc: {  	s11 =	simm.s32 $0x4;
	[sflag:s1] =	ssyncadd.s32 $0xFFFFFC00  }
0xdd: {  	_ =	swait.ge [sflag:s11], $0x400  }
0xde: {  	[sflag:s11] =	ssyncset.done $0x0  }
0xdf: {  	s25 =	simm.s32 $0x5;
	[sflag:s11] =	ssyncadd.s32 $0xFFFFFC00  }
0xe0: {  	_ =	swait.ge [sflag:s25], $0x400  }
0xe1: {  	[sflag:s25] =	ssyncset.done $0x0  }
0xe2: {  	[sflag:s25] =	ssyncadd.s32 $0xFFFFFC00  }
0xe3: {  	_ =	swait.ge [sflag:s23], $0x400  }
0xe4: {  	[sflag:s23] =	ssyncset.done $0x0  }
0xe5: {  	[sflag:s23] =	ssyncadd.s32 $0xFFFFFC00  }
0xe6: {  	_ =	swait.ge [sflag:s5], $0x400  }
0xe7: {  	[sflag:s5] =	ssyncset.done $0x0  }
0xe8: {  	[sflag:s5] =	ssyncadd.s32 $0xFFFFFC00  }
0xe9: {  	_ =	swait.ge [sflag:s1], $0x400  }
0xea: {  	[sflag:s1] =	ssyncset.done $0x0  }
0xeb: {  	[sflag:s1] =	ssyncadd.s32 $0xFFFFFC00  }
0xec: {  	_ =	swait.ge [sflag:s11], $0x400  }
0xed: {  	[sflag:s11] =	ssyncset.done $0x0  }
0xee: {  	[sflag:s11] =	ssyncadd.s32 $0xFFFFFC00  }
0xef: {  	_ =	swait.ge [sflag:s25], $0x400  }
0xf0: {  	[sflag:s25] =	ssyncset.done $0x0  }
0xf1: {  	[sflag:s25] =	ssyncadd.s32 $0xFFFFFC00  }
0xf2: {  	_ =	swait.ge [sflag:s23], $0x400  }
0xf3: {  	[sflag:s23] =	ssyncset.done $0x0  }
0xf4: {  	[sflag:s23] =	ssyncadd.s32 $0xFFFFFC00  }
0xf5: {  	_ =	swait.ge [sflag:s5], $0x400  }
0xf6: {  	[sflag:s5] =	ssyncset.done $0x0  }
0xf7: {  	[sflag:s5] =	ssyncadd.s32 $0xFFFFFC00  }
0xf8: {  	_ =	swait.ge [sflag:s1], $0x400  }
0xf9: {  	[sflag:s1] =	ssyncset.done $0x0  }
0xfa: {  	[sflag:s1] =	ssyncadd.s32 $0xFFFFFC00  }
0xfb: {  	_ =	swait.ge [sflag:s11], $0x400  }
0xfc: {  	[sflag:s11] =	ssyncset.done $0x0  }
0xfd: {  	[sflag:s11] =	ssyncadd.s32 $0xFFFFFC00  }
0xfe: {  	_ =	swait.ge [sflag:s25], $0x400  }
0xff: {  	[sflag:s25] =	ssyncset.done $0x0  }
0x100: {  	[sflag:s25] =	ssyncadd.s32 $0xFFFFFC00  }
0x101: {  	_ =	swait.ge [sflag:s23], $0x400  }
0x102: {  	[sflag:s23] =	ssyncset.done $0x0  }
0x103: {  	[sflag:s23] =	ssyncadd.s32 $0xFFFFFC00  }
0x104: {  	_ =	swait.ge [sflag:s5], $0x400  }
0x105: {  	[sflag:s5] =	ssyncset.done $0x0  }
0x106: {  	[sflag:s5] =	ssyncadd.s32 $0xFFFFFC00  }
0x107: {  	_ =	swait.ge [sflag:s1], $0x400  }
0x108: {  	[sflag:s1] =	ssyncset.done $0x0  }
0x109: {  	[sflag:s1] =	ssyncadd.s32 $0xFFFFFC00  }
0x10a: {  	_ =	swait.ge [sflag:s11], $0x400  }
0x10b: {  	[sflag:s11] =	ssyncset.done $0x0  }
0x10c: {  	[sflag:s11] =	ssyncadd.s32 $0xFFFFFC00  }
0x10d: {  	_ =	swait.ge [sflag:s25], $0x400  }
0x10e: {  	[sflag:s25] =	ssyncset.done $0x0  }
0x10f: {  	[sflag:s25] =	ssyncadd.s32 $0xFFFFFC00  }
0x110: {  	_ =	swait.ge [sflag:s23], $0x400  }
0x111: {  	[sflag:s23] =	ssyncset.done $0x0  }
0x112: {  	[sflag:s23] =	ssyncadd.s32 $0xFFFFFC00  }
0x113: {  	_ =	swait.ge [sflag:s5], $0x400  }
0x114: {  	[sflag:s5] =	ssyncset.done $0x0  }
0x115: {  	[sflag:s5] =	ssyncadd.s32 $0xFFFFFC00  }
0x116: {  	_ =	swait.ge [sflag:s1], $0x400  }
0x117: {  	[sflag:s1] =	ssyncset.done $0x0  }
0x118: {  	[sflag:s1] =	ssyncadd.s32 $0xFFFFFC00  }
0x119: {  	_ =	swait.ge [sflag:s11], $0x400  }
0x11a: {  	[sflag:s11] =	ssyncset.done $0x0  }
0x11b: {  	[sflag:s11] =	ssyncadd.s32 $0xFFFFFC00  }
0x11c: {  	_ =	swait.ge [sflag:s25], $0x400  }
0x11d: {  	[sflag:s25] =	ssyncset.done $0x0  }
0x11e: {  	[sflag:s25] =	ssyncadd.s32 $0xFFFFFC00  }
0x11f: {  	_ =	swait.ge [sflag:s23], $0x400  }
0x120: {  	[sflag:s23] =	ssyncset.done $0x0  }
0x121: {  	[sflag:s23] =	ssyncadd.s32 $0xFFFFFC00  }
0x122: {  	_ =	swait.ge [sflag:s5], $0x400  }
0x123: {  	[sflag:s5] =	ssyncset.done $0x0  }
0x124: {  	[sflag:s5] =	ssyncadd.s32 $0xFFFFFC00  }
0x125: {  	_ =	swait.ge [sflag:s1], $0x400  }
0x126: {  	[sflag:s1] =	ssyncset.done $0x0  }
0x127: {  	[sflag:s1] =	ssyncadd.s32 $0xFFFFFC00  }
0x128: {  	_ =	swait.ge [sflag:s11], $0x400  }
0x129: {  	[sflag:s11] =	ssyncset.done $0x0  }
0x12a: {  	[sflag:s11] =	ssyncadd.s32 $0xFFFFFC00  }
0x12b: {  	_ =	swait.ge [sflag:s25], $0x400  }
0x12c: {  	[sflag:s25] =	ssyncset.done $0x0  }
0x12d: {  	[sflag:s25] =	ssyncadd.s32 $0xFFFFFC00  }
0x12e: {  	_ =	swait.ge [sflag:s23], $0x400  }
0x12f: {  	[sflag:s23] =	ssyncset.done $0x0  }
0x130: {  	[sflag:s23] =	ssyncadd.s32 $0xFFFFFC00  }
0x131: {  	_ =	swait.ge [sflag:s5], $0x400  }
0x132: {  	[sflag:s5] =	ssyncset.done $0x0  }
0x133: {  	[sflag:s5] =	ssyncadd.s32 $0xFFFFFC00  }
0x134: {  	_ =	swait.ge [sflag:s1], $0x400  }
0x135: {  	[sflag:s1] =	ssyncset.done $0x0  }
0x136: {  	[sflag:s1] =	ssyncadd.s32 $0xFFFFFC00  }
0x137: {  	_ =	swait.ge [sflag:s11], $0x400  }
0x138: {  	[sflag:s11] =	ssyncset.done $0x0  }
0x139: {  	[sflag:s11] =	ssyncadd.s32 $0xFFFFFC00  }
0x13a: {  	_ =	swait.ge [sflag:s25], $0x400  }
0x13b: {  	[sflag:s25] =	ssyncset.done $0x0  }
0x13c: {  	[sflag:s25] =	ssyncadd.s32 $0xFFFFFC00  }
0x13d: {  	_ =	swait.ge [sflag:s23], $0x400  }
0x13e: {  	[sflag:s23] =	ssyncset.done $0x0  }
0x13f: {  	[sflag:s23] =	ssyncadd.s32 $0xFFFFFC00  }
0x140: {  	_ =	swait.ge [sflag:s5], $0x400  }
0x141: {  	[sflag:s5] =	ssyncset.done $0x0  }
0x142: {  	[sflag:s5] =	ssyncadd.s32 $0xFFFFFC00  }
0x143: {  	_ =	swait.ge [sflag:s1], $0x400  }
0x144: {  	[sflag:s1] =	ssyncset.done $0x0  }
0x145: {  	[sflag:s1] =	ssyncadd.s32 $0xFFFFFC00  }
0x146: {  	_ =	swait.ge [sflag:s11], $0x400  }
0x147: {  	[sflag:s11] =	ssyncset.done $0x0  }
0x148: {  	[sflag:s11] =	ssyncadd.s32 $0xFFFFFC00  }
0x149: {  	_ =	swait.ge [sflag:s25], $0x400  }
0x14a: {  	[sflag:s25] =	ssyncset.done $0x0  }
0x14b: {  	[sflag:s25] =	ssyncadd.s32 $0xFFFFFC00  }
0x14c: {  	_ =	swait.ge [sflag:s23], $0x400  }
0x14d: {  	[sflag:s23] =	ssyncset.done $0x0  }
0x14e: {  	[sflag:s23] =	ssyncadd.s32 $0xFFFFFC00  }
0x14f: {  	_ =	swait.ge [sflag:s5], $0x400  }
0x150: {  	[sflag:s5] =	ssyncset.done $0x0  }
0x151: {  	[sflag:s5] =	ssyncadd.s32 $0xFFFFFC00  }
0x152: {  	_ =	swait.ge [sflag:s1], $0x400  }
0x153: {  	[sflag:s1] =	ssyncset.done $0x0  }
0x154: {  	[sflag:s1] =	ssyncadd.s32 $0xFFFFFC00  }
0x155: {  	_ =	swait.ge [sflag:s11], $0x400  }
0x156: {  	[sflag:s11] =	ssyncset.done $0x0  }
0x157: {  	[sflag:s11] =	ssyncadd.s32 $0xFFFFFC00  }
0x158: {  	_ =	swait.ge [sflag:s25], $0x400  }
0x159: {  	[sflag:s25] =	ssyncset.done $0x0  }
0x15a: {  	[sflag:s25] =	ssyncadd.s32 $0xFFFFFC00  }
0x15b: {  	_ =	swait.ge [sflag:s23], $0x400  }
0x15c: {  	[sflag:s23] =	ssyncset.done $0x0  }
0x15d: {  	[sflag:s23] =	ssyncadd.s32 $0xFFFFFC00  }
0x15e: {  	_ =	swait.ge [sflag:s5], $0x400  }
0x15f: {  	[sflag:s5] =	ssyncset.done $0x0  }
0x160: {  	[sflag:s5] =	ssyncadd.s32 $0xFFFFFC00  }
0x161: {  	_ =	swait.ge [sflag:s1], $0x400  }
0x162: {  	[sflag:s1] =	ssyncset.done $0x0  }
0x163: {  	[sflag:s1] =	ssyncadd.s32 $0xFFFFFC00  }
0x164: {  	_ =	swait.ge [sflag:s11], $0x400  }
0x165: {  	[sflag:s11] =	ssyncset.done $0x0  }
0x166: {  	[sflag:s11] =	ssyncadd.s32 $0xFFFFFC00  }
0x167: {  	_ =	swait.ge [sflag:s25], $0x400  }
0x168: {  	s17 =	sld [smem:$0x7DA];
	_ =	sdelay $0x2  }
0x169: {  	s3 =	sand.u32 @!p0 $0x380, s14;
	s0 =	sshrl.u32 @!p0 s17, $0x3  }
0x16a: {  	s4 =	sshrl.u32 @!p0 s2, $0x3;
	[sflag:s25] =	ssyncset.done $0x0;
	s0 =	smul.u32 @!p0 $0x7A1400, s0  }
0x16b: {  	s6 =	simm.s32 @!p0 $0x1C0B;
	s7 =	simm.s32 @!p0 $0x10;
	[sflag:s25] =	ssyncadd.s32 $0xFFFFFC00  }
0x16c: {  	s12 =	simm.s32 @!p0 $0x1;
	[bflag:$0x0] =	sbarrier.arrive $0xFFFF;
	s0 =	sor.u32 @!p0 s3, s0  }
0x16d: {  	s15 =	simm.s32 @!p0 $0xB;
	s3 =	rddreg [dreg:$0x5];
	s0 =	sshrl.u32 @!p0 s0, $0x3  }
0x16e: {  	[smem:$0x7B0] =	sst s4;
	s0 =	sadd.s32 @!p0 s3, s0;
	s3 =	simm.s32 @!p0 $0x80  }
0x16f: {  	[spmem:s4@s7], [sflag:s6] =	dma.strided @!p0 [hbm:s0@s3], $0x1E850, s12, $0x10   }
0x170: {  	_ =	swait.ge @!p0 [sflag:s15], $0x1E850  }
0x171: {  	p1 =	por $0x1, $0x1;
	[sflag:s15] =	ssyncset.done @!p0 $0x0  }
0x172: {  	s0 =	simm.s32 @p1 $0x800;
	[sflag:s15] =	ssyncadd.s32 @!p0 $0xFFFE17B0  }
0x173: {  	s3 =	simm.s32 @p1 $0x0;
	s4 =	simm.s32 @p1 $0xC800;
	[bflag:$0x0] =	sbarrier.arrive $0xFFFF  }
0x174: {  	[tilespmem:s4], [sflag:$0x1] =	stream.indirect.gather @p1 [spmem:s2], $0x1, s3, s0, $0xb8;
	[tilespmem:$0x1E428] =	vst v63  }
0x175: {  	s3 =	simm.s32 @p1 $0xD000  }
0x176: {  	[tilespmem:s3], [sflag:$0x2] =	stream.indirect.gather @p1 [spmem:s2], $0x1, s0, s0, $0xb8;
	[tilespmem:$0x1E428] =	vst v63  }
0x177: {  	s6 =	simm.s32 @!p1 $0x6;
	s4 =	simm.s32 @p1 $0xD800;
	s3 =	simm.s32 @p1 $0x1000  }
0x178: {  	[tilespmem:s4], [sflag:$0x3] =	stream.indirect.gather @p1 [spmem:s2], $0x1, s3, s0, $0xb8;
	[tilespmem:$0x1E428] =	vst v63  }
0x179: {  	_ =	swait.ge @!p1 [sflag:s6], $0x400  }
0x17a: {  	[sflag:s6] =	ssyncset.done @!p1 $0x0  }
0x17b: {  	[sflag:s6] =	ssyncadd.s32 @!p1 $0xFFFFFC00  }
0x17c: {  	_ =	swait.ge @!p1 [sflag:s6], $0x400  }
0x17d: {  	s7 =	simm.s32 @!p1 $0x7;
	s0 =	simm.s32 @!p1 $0xC800;
	[sflag:s6] =	ssyncset.done @!p1 $0x0  }
0x17e: {  	s3 =	simm.s32 @!p1 $0x800;
	s4 =	simm.s32 @!p1 $0x0;
	[sflag:s6] =	ssyncadd.s32 @!p1 $0xFFFFFC00  }
0x17f: {  	[tilespmem:s0], [sflag:$0x1] =	stream.indirect.gather @!p1 [spmem:s2], $0x1, s4, s3, $0xb8;
	[tilespmem:$0x1E428] =	vst v63  }
0x180: {  	_ =	swait.ge @!p1 [sflag:s7], $0x400  }
0x181: {  	[sflag:s7] =	ssyncset.done @!p1 $0x0  }
0x182: {  	[sflag:s7] =	ssyncadd.s32 @!p1 $0xFFFFFC00  }
0x183: {  	_ =	swait.ge @!p1 [sflag:s7], $0x400  }
0x184: {  	[sflag:s7] =	ssyncset.done @!p1 $0x0  }
0x185: {  	s0 =	simm.s32 @!p1 $0xD000;
	s4 =	simm.s32 @!p1 $0x8;
	[sflag:s7] =	ssyncadd.s32 @!p1 $0xFFFFFC00  }
0x186: {  	[tilespmem:s0], [sflag:$0x2] =	stream.indirect.gather @!p1 [spmem:s2], $0x1, s3, s3, $0xb8;
	[tilespmem:$0x1E428] =	vst v63  }
0x187: {  	_ =	swait.ge @!p1 [sflag:s4], $0x400  }
0x188: {  	[sflag:s4] =	ssyncset.done @!p1 $0x0  }
0x189: {  	[sflag:s4] =	ssyncadd.s32 @!p1 $0xFFFFFC00  }
0x18a: {  	_ =	swait.ge @!p1 [sflag:s4], $0x400  }
0x18b: {  	s6 =	simm.s32 @!p1 $0xD800;
	[sflag:s4] =	ssyncset.done @!p1 $0x0  }
0x18c: {  	s7 =	simm.s32 @!p1 $0x9;
	s0 =	simm.s32 @!p1 $0x1000;
	[sflag:s4] =	ssyncadd.s32 @!p1 $0xFFFFFC00  }
0x18d: {  	[tilespmem:s6], [sflag:$0x3] =	stream.indirect.gather @!p1 [spmem:s2], $0x1, s0, s3, $0xb8;
	[tilespmem:$0x1E428] =	vst v63  }
0x18e: {  	_ =	swait.ge @!p1 [sflag:s7], $0x400  }
0x18f: {  	[sflag:s7] =	ssyncset.done @!p1 $0x0  }
0x190: {  	[sflag:s7] =	ssyncadd.s32 @!p1 $0xFFFFFC00  }
0x191: {  	_ =	swait.ge @!p1 [sflag:s7], $0x400  }
0x192: {  	[sflag:s7] =	ssyncset.done @!p1 $0x0  }
0x193: {  	s15 =	simm.s32 $0xE000;
	s6 =	sld [smem:$0x7DC];
	[sflag:s7] =	ssyncadd.s32 @!p1 $0xFFFFFC00  }
0x194: {  	[tilespmem:s15], [sflag:$0x4] =	stream.indirect.gather [spmem:s2], $0x1, s20, s10, $0xb8;
	[tilespmem:$0x1E428] =	vst v63  }
0x195: {  	_ =	swait.ge [sflag:s23], $0x800  }
0x196: {  	s4 =	sld [smem:$0x7B8]  }
0x197: {  	s19 =	sand.u32 $0x70, s14;
	s18 =	sand.u32 $0xC000, s6;
	[sflag:s23] =	ssyncset.done $0x0  }
0x198: {  	s0 =	sor.u32 s19, s18;
	[sflag:s23] =	ssyncadd.s32 $0xFFFFF800  }
0x199: {  	s12 =	rddreg [dreg:$0x2];
	s31 =	sor.u32 s4, s0  }
0x19a: {  	s16 =	simm.s32 $0xC800;
	s7 =	rddreg [dreg:$0x6];
	s3 =	sadd.s32 s12, s31  }
0x19b: {  	[hbm4b:s3+s8] =	stream.strided.scatter [tilespmem:s16], [sflag:$0x6], $0x400, s9, s8, $0x38;
	[tilespmem:$0x1E428] =	vst v63  }
0x19c: {  	s4 =	simm.s32 $0xCC00;
	s0 =	sadd.s32 s31, s7;
	s3 =	simm.s32 @!p1 $0xA  }
0x19d: {  	[hbm4b:s0+s8] =	stream.strided.scatter [tilespmem:s4], [sflag:$0x6], $0x400, s9, s8, $0x38;
	[tilespmem:$0x1E428] =	vst v63  }
0x19e: {  	_ =	swait.ge @!p1 [sflag:s3], $0x400  }
0x19f: {  	[sflag:s3] =	ssyncset.done @!p1 $0x0  }
0x1a0: {  	[sflag:s3] =	ssyncadd.s32 @!p1 $0xFFFFFC00  }
0x1a1: {  	_ =	swait.ge @!p1 [sflag:s3], $0x400  }
0x1a2: {  	[sflag:s3] =	ssyncset.done @!p1 $0x0  }
0x1a3: {  	s20 =	simm.s32 $0xE800;
	[sflag:s3] =	ssyncadd.s32 @!p1 $0xFFFFFC00  }
0x1a4: {  	[tilespmem:s20], [sflag:$0x5] =	stream.indirect.gather [spmem:s2], $0x1, s22, s10, $0xb8;
	[tilespmem:$0x1E428] =	vst v63  }
0x1a5: {  	_ =	swait.ge [sflag:s5], $0x800  }
0x1a6: {  	s19 =	simm.s32 $0xD000;
	s13 =	rddreg [dreg:$0x7];
	[sflag:s5] =	ssyncset.done $0x0  }
0x1a7: {  	s14 =	rddreg [dreg:$0x8];
	[sflag:s5] =	ssyncadd.s32 $0xFFFFF800;
	s0 =	sadd.s32 s31, s13  }
0x1a8: {  	[hbm4b:s0+s8] =	stream.strided.scatter [tilespmem:s19], [sflag:$0x7], $0x400, s9, s8, $0x38;
	[tilespmem:$0x1E428] =	vst v63  }
0x1a9: {  	s7 =	simm.s32 $0xD400;
	s18 =	sadd.s32 s31, s14;
	s13 =	simm.s32 $0x6  }
0x1aa: {  	[hbm4b:s18+s8] =	stream.strided.scatter [tilespmem:s7], [sflag:$0x7], $0x400, s9, s8, $0x38;
	[tilespmem:$0x1E428] =	vst v63  }
0x1ab: {  	_ =	swait.ge [sflag:s13], $0x400  }
0x1ac: {  	[sflag:s13] =	ssyncset.done $0x0  }
0x1ad: {  	[sflag:s13] =	ssyncadd.s32 $0xFFFFFC00  }
0x1ae: {  	_ =	swait.ge [sflag:s13], $0x400  }
0x1af: {  	[sflag:s13] =	ssyncset.done $0x0  }
0x1b0: {  	[sflag:s13] =	ssyncadd.s32 $0xFFFFFC00  }
0x1b1: {  	[tilespmem:s16], [sflag:$0x1] =	stream.indirect.gather [spmem:s2], $0x1, s26, s10, $0xb8;
	[tilespmem:$0x1E428] =	vst v63  }
0x1b2: {  	_ =	swait.ge [sflag:s1], $0x800  }
0x1b3: {  	s12 =	simm.s32 $0xD800;
	s22 =	rddreg [dreg:$0x9];
	[sflag:s1] =	ssyncset.done $0x0  }
0x1b4: {  	s26 =	rddreg [dreg:$0xa];
	[sflag:s1] =	ssyncadd.s32 $0xFFFFF800;
	s0 =	sadd.s32 s31, s22  }
0x1b5: {  	[hbm4b:s0+s8] =	stream.strided.scatter [tilespmem:s12], [sflag:$0x8], $0x400, s9, s8, $0x38;
	[tilespmem:$0x1E428] =	vst v63  }
0x1b6: {  	s14 =	simm.s32 $0xDC00;
	s3 =	sadd.s32 s31, s26  }
0x1b7: {  	[hbm4b:s3+s8] =	stream.strided.scatter [tilespmem:s14], [sflag:$0x8], $0x400, s9, s8, $0x38;
	[tilespmem:$0x1E428] =	vst v63  }
0x1b8: {  	_ =	swait.ge [sflag:s21], $0x400  }
0x1b9: {  	[sflag:s21] =	ssyncset.done $0x0  }
0x1ba: {  	[sflag:s21] =	ssyncadd.s32 $0xFFFFFC00  }
0x1bb: {  	_ =	swait.ge [sflag:s21], $0x400  }
0x1bc: {  	[sflag:s21] =	ssyncset.done $0x0  }
0x1bd: {  	[sflag:s21] =	ssyncadd.s32 $0xFFFFFC00  }
0x1be: {  	[tilespmem:s19], [sflag:$0x2] =	stream.indirect.gather [spmem:s2], $0x1, s30, s10, $0xb8;
	[tilespmem:$0x1E428] =	vst v63  }
0x1bf: {  	_ =	swait.ge [sflag:s11], $0x800  }
0x1c0: {  	s18 =	rddreg [dreg:$0xb];
	[sflag:s11] =	ssyncset.done $0x0  }
0x1c1: {  	s22 =	rddreg [dreg:$0xc];
	[sflag:s11] =	ssyncadd.s32 $0xFFFFF800;
	s0 =	sadd.s32 s31, s18  }
0x1c2: {  	[hbm4b:s0+s8] =	stream.strided.scatter [tilespmem:s15], [sflag:$0x9], $0x400, s9, s8, $0x38;
	[tilespmem:$0x1E428] =	vst v63  }
0x1c3: {  	s26 =	sadd.s32 s31, s22;
	s18 =	simm.s32 $0xE400  }
0x1c4: {  	[hbm4b:s26+s8] =	stream.strided.scatter [tilespmem:s18], [sflag:$0x9], $0x400, s9, s8, $0x38;
	[tilespmem:$0x1E428] =	vst v63  }
0x1c5: {  	_ =	swait.ge [sflag:s24], $0x400  }
0x1c6: {  	[sflag:s24] =	ssyncset.done $0x0  }
0x1c7: {  	[sflag:s24] =	ssyncadd.s32 $0xFFFFFC00  }
0x1c8: {  	_ =	swait.ge [sflag:s24], $0x400  }
0x1c9: {  	[sflag:s24] =	ssyncset.done $0x0  }
0x1ca: {  	s3 =	simm.s32 $0x3800;
	[sflag:s24] =	ssyncadd.s32 $0xFFFFFC00  }
0x1cb: {  	[tilespmem:s12], [sflag:$0x3] =	stream.indirect.gather [spmem:s2], $0x1, s3, s10, $0xb8;
	[tilespmem:$0x1E428] =	vst v63  }
0x1cc: {  	_ =	swait.ge [sflag:s25], $0x800  }
0x1cd: {  	s22 =	rddreg [dreg:$0xd];
	[sflag:s25] =	ssyncset.done $0x0  }
0x1ce: {  	s26 =	rddreg [dreg:$0xe];
	[sflag:s25] =	ssyncadd.s32 $0xFFFFF800;
	s0 =	sadd.s32 s31, s22  }
0x1cf: {  	[hbm4b:s0+s8] =	stream.strided.scatter [tilespmem:s20], [sflag:$0xA], $0x400, s9, s8, $0x38;
	[tilespmem:$0x1E428] =	vst v63  }
0x1d0: {  	s3 =	sadd.s32 s31, s26;
	s22 =	simm.s32 $0xEC00  }
0x1d1: {  	[hbm4b:s3+s8] =	stream.strided.scatter [tilespmem:s22], [sflag:$0xA], $0x400, s9, s8, $0x38;
	[tilespmem:$0x1E428] =	vst v63  }
0x1d2: {  	_ =	swait.ge [sflag:s28], $0x400  }
0x1d3: {  	[sflag:s28] =	ssyncset.done $0x0  }
0x1d4: {  	[sflag:s28] =	ssyncadd.s32 $0xFFFFFC00  }
0x1d5: {  	_ =	swait.ge [sflag:s28], $0x400  }
0x1d6: {  	[sflag:s28] =	ssyncset.done $0x0  }
0x1d7: {  	s26 =	simm.s32 $0x4000;
	[sflag:s28] =	ssyncadd.s32 $0xFFFFFC00  }
0x1d8: {  	[tilespmem:s15], [sflag:$0x4] =	stream.indirect.gather [spmem:s2], $0x1, s26, s10, $0xb8;
	[tilespmem:$0x1E428] =	vst v63  }
0x1d9: {  	_ =	swait.ge [sflag:s23], $0x800  }
0x1da: {  	s3 =	rddreg [dreg:$0xf];
	[sflag:s23] =	ssyncset.done $0x0  }
0x1db: {  	s26 =	rddreg [dreg:$0x10];
	[sflag:s23] =	ssyncadd.s32 $0xFFFFF800;
	s0 =	sadd.s32 s31, s3  }
0x1dc: {  	[hbm4b:s0+s8] =	stream.strided.scatter [tilespmem:s16], [sflag:$0x6], $0x400, s9, s8, $0x38;
	[tilespmem:$0x1E428] =	vst v63  }
0x1dd: {  	s3 =	sadd.s32 s31, s26  }
0x1de: {  	[hbm4b:s3+s8] =	stream.strided.scatter [tilespmem:s4], [sflag:$0x6], $0x400, s9, s8, $0x38;
	[tilespmem:$0x1E428] =	vst v63  }
0x1df: {  	_ =	swait.ge [sflag:s29], $0x400  }
0x1e0: {  	[sflag:s29] =	ssyncset.done $0x0  }
0x1e1: {  	[sflag:s29] =	ssyncadd.s32 $0xFFFFFC00  }
0x1e2: {  	_ =	swait.ge [sflag:s29], $0x400  }
0x1e3: {  	[sflag:s29] =	ssyncset.done $0x0  }
0x1e4: {  	s26 =	simm.s32 $0x4800;
	[sflag:s29] =	ssyncadd.s32 $0xFFFFFC00  }
0x1e5: {  	[tilespmem:s20], [sflag:$0x5] =	stream.indirect.gather [spmem:s2], $0x1, s26, s10, $0xb8;
	[tilespmem:$0x1E428] =	vst v63  }
0x1e6: {  	_ =	swait.ge [sflag:s5], $0x800  }
0x1e7: {  	s3 =	rddreg [dreg:$0x11];
	[sflag:s5] =	ssyncset.done $0x0  }
0x1e8: {  	s26 =	rddreg [dreg:$0x12];
	[sflag:s5] =	ssyncadd.s32 $0xFFFFF800;
	s0 =	sadd.s32 s31, s3  }
0x1e9: {  	[hbm4b:s0+s8] =	stream.strided.scatter [tilespmem:s19], [sflag:$0x7], $0x400, s9, s8, $0x38;
	[tilespmem:$0x1E428] =	vst v63  }
0x1ea: {  	s3 =	sadd.s32 s31, s26  }
0x1eb: {  	[hbm4b:s3+s8] =	stream.strided.scatter [tilespmem:s7], [sflag:$0x7], $0x400, s9, s8, $0x38;
	[tilespmem:$0x1E428] =	vst v63  }
0x1ec: {  	_ =	swait.ge [sflag:s13], $0x400  }
0x1ed: {  	[sflag:s13] =	ssyncset.done $0x0  }
0x1ee: {  	[sflag:s13] =	ssyncadd.s32 $0xFFFFFC00  }
0x1ef: {  	_ =	swait.ge [sflag:s13], $0x400  }
0x1f0: {  	[sflag:s13] =	ssyncset.done $0x0  }
0x1f1: {  	s26 =	simm.s32 $0x5000;
	[sflag:s13] =	ssyncadd.s32 $0xFFFFFC00  }
0x1f2: {  	[tilespmem:s16], [sflag:$0x1] =	stream.indirect.gather [spmem:s2], $0x1, s26, s10, $0xb8;
	[tilespmem:$0x1E428] =	vst v63  }
0x1f3: {  	_ =	swait.ge [sflag:s1], $0x800  }
0x1f4: {  	s3 =	rddreg [dreg:$0x13];
	[sflag:s1] =	ssyncset.done $0x0  }
0x1f5: {  	s26 =	rddreg [dreg:$0x14];
	[sflag:s1] =	ssyncadd.s32 $0xFFFFF800;
	s0 =	sadd.s32 s31, s3  }
0x1f6: {  	[hbm4b:s0+s8] =	stream.strided.scatter [tilespmem:s12], [sflag:$0x8], $0x400, s9, s8, $0x38;
	[tilespmem:$0x1E428] =	vst v63  }
0x1f7: {  	s3 =	sadd.s32 s31, s26  }
0x1f8: {  	[hbm4b:s3+s8] =	stream.strided.scatter [tilespmem:s14], [sflag:$0x8], $0x400, s9, s8, $0x38;
	[tilespmem:$0x1E428] =	vst v63  }
0x1f9: {  	_ =	swait.ge [sflag:s21], $0x400  }
0x1fa: {  	[sflag:s21] =	ssyncset.done $0x0  }
0x1fb: {  	[sflag:s21] =	ssyncadd.s32 $0xFFFFFC00  }
0x1fc: {  	_ =	swait.ge [sflag:s21], $0x400  }
0x1fd: {  	[sflag:s21] =	ssyncset.done $0x0  }
0x1fe: {  	s26 =	simm.s32 $0x5800;
	[sflag:s21] =	ssyncadd.s32 $0xFFFFFC00  }
0x1ff: {  	[tilespmem:s19], [sflag:$0x2] =	stream.indirect.gather [spmem:s2], $0x1, s26, s10, $0xb8;
	[tilespmem:$0x1E428] =	vst v63  }
0x200: {  	_ =	swait.ge [sflag:s11], $0x800  }
0x201: {  	s3 =	rddreg [dreg:$0x15];
	[sflag:s11] =	ssyncset.done $0x0  }
0x202: {  	s26 =	rddreg [dreg:$0x16];
	[sflag:s11] =	ssyncadd.s32 $0xFFFFF800;
	s0 =	sadd.s32 s31, s3  }
0x203: {  	[hbm4b:s0+s8] =	stream.strided.scatter [tilespmem:s15], [sflag:$0x9], $0x400, s9, s8, $0x38;
	[tilespmem:$0x1E428] =	vst v63  }
0x204: {  	s3 =	sadd.s32 s31, s26  }
0x205: {  	[hbm4b:s3+s8] =	stream.strided.scatter [tilespmem:s18], [sflag:$0x9], $0x400, s9, s8, $0x38;
	[tilespmem:$0x1E428] =	vst v63  }
0x206: {  	_ =	swait.ge [sflag:s24], $0x400  }
0x207: {  	[sflag:s24] =	ssyncset.done $0x0  }
0x208: {  	[sflag:s24] =	ssyncadd.s32 $0xFFFFFC00  }
0x209: {  	_ =	swait.ge [sflag:s24], $0x400  }
0x20a: {  	[sflag:s24] =	ssyncset.done $0x0  }
0x20b: {  	s26 =	simm.s32 $0x6000;
	[sflag:s24] =	ssyncadd.s32 $0xFFFFFC00  }
0x20c: {  	[tilespmem:s12], [sflag:$0x3] =	stream.indirect.gather [spmem:s2], $0x1, s26, s10, $0xb8;
	[tilespmem:$0x1E428] =	vst v63  }
0x20d: {  	_ =	swait.ge [sflag:s25], $0x800  }
0x20e: {  	s3 =	rddreg [dreg:$0x17];
	[sflag:s25] =	ssyncset.done $0x0  }
0x20f: {  	s26 =	rddreg [dreg:$0x18];
	[sflag:s25] =	ssyncadd.s32 $0xFFFFF800;
	s0 =	sadd.s32 s31, s3  }
0x210: {  	[hbm4b:s0+s8] =	stream.strided.scatter [tilespmem:s20], [sflag:$0xA], $0x400, s9, s8, $0x38;
	[tilespmem:$0x1E428] =	vst v63  }
0x211: {  	s3 =	sadd.s32 s31, s26  }
0x212: {  	[hbm4b:s3+s8] =	stream.strided.scatter [tilespmem:s22], [sflag:$0xA], $0x400, s9, s8, $0x38;
	[tilespmem:$0x1E428] =	vst v63  }
0x213: {  	_ =	swait.ge [sflag:s28], $0x400  }
0x214: {  	[sflag:s28] =	ssyncset.done $0x0  }
0x215: {  	[sflag:s28] =	ssyncadd.s32 $0xFFFFFC00  }
0x216: {  	_ =	swait.ge [sflag:s28], $0x400  }
0x217: {  	[sflag:s28] =	ssyncset.done $0x0  }
0x218: {  	s26 =	simm.s32 $0x6800;
	[sflag:s28] =	ssyncadd.s32 $0xFFFFFC00  }
0x219: {  	[tilespmem:s15], [sflag:$0x4] =	stream.indirect.gather [spmem:s2], $0x1, s26, s10, $0xb8;
	[tilespmem:$0x1E428] =	vst v63  }
0x21a: {  	_ =	swait.ge [sflag:s23], $0x800  }
0x21b: {  	s3 =	rddreg [dreg:$0x19];
	[sflag:s23] =	ssyncset.done $0x0  }
0x21c: {  	s26 =	rddreg [dreg:$0x1a];
	[sflag:s23] =	ssyncadd.s32 $0xFFFFF800;
	s0 =	sadd.s32 s31, s3  }
0x21d: {  	[hbm4b:s0+s8] =	stream.strided.scatter [tilespmem:s16], [sflag:$0x6], $0x400, s9, s8, $0x38;
	[tilespmem:$0x1E428] =	vst v63  }
0x21e: {  	s3 =	sadd.s32 s31, s26  }
0x21f: {  	[hbm4b:s3+s8] =	stream.strided.scatter [tilespmem:s4], [sflag:$0x6], $0x400, s9, s8, $0x38;
	[tilespmem:$0x1E428] =	vst v63  }
0x220: {  	_ =	swait.ge [sflag:s29], $0x400  }
0x221: {  	[sflag:s29] =	ssyncset.done $0x0  }
0x222: {  	[sflag:s29] =	ssyncadd.s32 $0xFFFFFC00  }
0x223: {  	_ =	swait.ge [sflag:s29], $0x400  }
0x224: {  	[sflag:s29] =	ssyncset.done $0x0  }
0x225: {  	s26 =	simm.s32 $0x7000;
	[sflag:s29] =	ssyncadd.s32 $0xFFFFFC00  }
0x226: {  	[tilespmem:s20], [sflag:$0x5] =	stream.indirect.gather [spmem:s2], $0x1, s26, s10, $0xb8;
	[tilespmem:$0x1E428] =	vst v63  }
0x227: {  	_ =	swait.ge [sflag:s5], $0x800  }
0x228: {  	s3 =	rddreg [dreg:$0x1b];
	[sflag:s5] =	ssyncset.done $0x0  }
0x229: {  	s26 =	rddreg [dreg:$0x1c];
	[sflag:s5] =	ssyncadd.s32 $0xFFFFF800;
	s0 =	sadd.s32 s31, s3  }
0x22a: {  	[hbm4b:s0+s8] =	stream.strided.scatter [tilespmem:s19], [sflag:$0x7], $0x400, s9, s8, $0x38;
	[tilespmem:$0x1E428] =	vst v63  }
0x22b: {  	s3 =	sadd.s32 s31, s26  }
0x22c: {  	[hbm4b:s3+s8] =	stream.strided.scatter [tilespmem:s7], [sflag:$0x7], $0x400, s9, s8, $0x38;
	[tilespmem:$0x1E428] =	vst v63  }
0x22d: {  	_ =	swait.ge [sflag:s13], $0x400  }
0x22e: {  	[sflag:s13] =	ssyncset.done $0x0  }
0x22f: {  	[sflag:s13] =	ssyncadd.s32 $0xFFFFFC00  }
0x230: {  	_ =	swait.ge [sflag:s13], $0x400  }
0x231: {  	[sflag:s13] =	ssyncset.done $0x0  }
0x232: {  	s26 =	simm.s32 $0x7800;
	[sflag:s13] =	ssyncadd.s32 $0xFFFFFC00  }
0x233: {  	[tilespmem:s16], [sflag:$0x1] =	stream.indirect.gather [spmem:s2], $0x1, s26, s10, $0xb8;
	[tilespmem:$0x1E428] =	vst v63  }
0x234: {  	_ =	swait.ge [sflag:s1], $0x800  }
0x235: {  	s3 =	rddreg [dreg:$0x1d];
	[sflag:s1] =	ssyncset.done $0x0  }
0x236: {  	s26 =	rddreg [dreg:$0x1e];
	[sflag:s1] =	ssyncadd.s32 $0xFFFFF800;
	s0 =	sadd.s32 s31, s3  }
0x237: {  	[hbm4b:s0+s8] =	stream.strided.scatter [tilespmem:s12], [sflag:$0x8], $0x400, s9, s8, $0x38;
	[tilespmem:$0x1E428] =	vst v63  }
0x238: {  	s3 =	sadd.s32 s31, s26  }
0x239: {  	[hbm4b:s3+s8] =	stream.strided.scatter [tilespmem:s14], [sflag:$0x8], $0x400, s9, s8, $0x38;
	[tilespmem:$0x1E428] =	vst v63  }
0x23a: {  	_ =	swait.ge [sflag:s21], $0x400  }
0x23b: {  	[sflag:s21] =	ssyncset.done $0x0  }
0x23c: {  	[sflag:s21] =	ssyncadd.s32 $0xFFFFFC00  }
0x23d: {  	_ =	swait.ge [sflag:s21], $0x400  }
0x23e: {  	[sflag:s21] =	ssyncset.done $0x0  }
0x23f: {  	s26 =	simm.s32 $0x8000;
	[sflag:s21] =	ssyncadd.s32 $0xFFFFFC00  }
0x240: {  	[tilespmem:s19], [sflag:$0x2] =	stream.indirect.gather [spmem:s2], $0x1, s26, s10, $0xb8;
	[tilespmem:$0x1E428] =	vst v63  }
0x241: {  	_ =	swait.ge [sflag:s11], $0x800  }
0x242: {  	s3 =	rddreg [dreg:$0x1f]  }
0x243: {  	[sflag:s11] =	ssyncset.done $0x0;
	s26 =	sld [smem:$0x7B1]  }
0x244: {  	[sflag:s11] =	ssyncadd.s32 $0xFFFFF800;
	s0 =	sadd.s32 s31, s3  }
0x245: {  	[hbm4b:s0+s8] =	stream.strided.scatter [tilespmem:s15], [sflag:$0x9], $0x400, s9, s8, $0x38;
	[tilespmem:$0x1E428] =	vst v63  }
0x246: {  	s3 =	sadd.s32 s31, s26  }
0x247: {  	[hbm4b:s3+s8] =	stream.strided.scatter [tilespmem:s18], [sflag:$0x9], $0x400, s9, s8, $0x38;
	[tilespmem:$0x1E428] =	vst v63  }
0x248: {  	_ =	swait.ge [sflag:s24], $0x400  }
0x249: {  	[sflag:s24] =	ssyncset.done $0x0  }
0x24a: {  	[sflag:s24] =	ssyncadd.s32 $0xFFFFFC00  }
0x24b: {  	_ =	swait.ge [sflag:s24], $0x400  }
0x24c: {  	[sflag:s24] =	ssyncset.done $0x0  }
0x24d: {  	s26 =	simm.s32 $0x8800;
	[sflag:s24] =	ssyncadd.s32 $0xFFFFFC00  }
0x24e: {  	[tilespmem:s12], [sflag:$0x3] =	stream.indirect.gather [spmem:s2], $0x1, s26, s10, $0xb8;
	[tilespmem:$0x1E428] =	vst v63  }
0x24f: {  	_ =	swait.ge [sflag:s25], $0x800  }
0x250: {  	s3 =	sld [smem:$0x7B2];
	_ =	sdelay $0x1  }
0x251: {  	[sflag:s25] =	ssyncset.done $0x0;
	s26 =	sld [smem:$0x7B3]  }
0x252: {  	[sflag:s25] =	ssyncadd.s32 $0xFFFFF800;
	s0 =	sadd.s32 s31, s3  }
0x253: {  	[hbm4b:s0+s8] =	stream.strided.scatter [tilespmem:s20], [sflag:$0xA], $0x400, s9, s8, $0x38;
	[tilespmem:$0x1E428] =	vst v63  }
0x254: {  	s3 =	sadd.s32 s31, s26  }
0x255: {  	[hbm4b:s3+s8] =	stream.strided.scatter [tilespmem:s22], [sflag:$0xA], $0x400, s9, s8, $0x38;
	[tilespmem:$0x1E428] =	vst v63  }
0x256: {  	_ =	swait.ge [sflag:s28], $0x400  }
0x257: {  	[sflag:s28] =	ssyncset.done $0x0  }
0x258: {  	[sflag:s28] =	ssyncadd.s32 $0xFFFFFC00  }
0x259: {  	_ =	swait.ge [sflag:s28], $0x400  }
0x25a: {  	[sflag:s28] =	ssyncset.done $0x0  }
0x25b: {  	s26 =	simm.s32 $0x9000;
	[sflag:s28] =	ssyncadd.s32 $0xFFFFFC00  }
0x25c: {  	[tilespmem:s15], [sflag:$0x4] =	stream.indirect.gather [spmem:s2], $0x1, s26, s10, $0xb8;
	[tilespmem:$0x1E428] =	vst v63  }
0x25d: {  	_ =	swait.ge [sflag:s23], $0x800  }
0x25e: {  	s3 =	sld [smem:$0x7B4];
	_ =	sdelay $0x1  }
0x25f: {  	[sflag:s23] =	ssyncset.done $0x0;
	s26 =	sld [smem:$0x7B5]  }
0x260: {  	[sflag:s23] =	ssyncadd.s32 $0xFFFFF800;
	s0 =	sadd.s32 s31, s3  }
0x261: {  	[hbm4b:s0+s8] =	stream.strided.scatter [tilespmem:s16], [sflag:$0x6], $0x400, s9, s8, $0x38;
	[tilespmem:$0x1E428] =	vst v63  }
0x262: {  	s3 =	sadd.s32 s31, s26  }
0x263: {  	[hbm4b:s3+s8] =	stream.strided.scatter [tilespmem:s4], [sflag:$0x6], $0x400, s9, s8, $0x38;
	[tilespmem:$0x1E428] =	vst v63  }
0x264: {  	_ =	swait.ge [sflag:s29], $0x400  }
0x265: {  	[sflag:s29] =	ssyncset.done $0x0  }
0x266: {  	[sflag:s29] =	ssyncadd.s32 $0xFFFFFC00  }
0x267: {  	_ =	swait.ge [sflag:s29], $0x400  }
0x268: {  	[sflag:s29] =	ssyncset.done $0x0  }
0x269: {  	s26 =	simm.s32 $0x9800;
	[sflag:s29] =	ssyncadd.s32 $0xFFFFFC00  }
0x26a: {  	[tilespmem:s20], [sflag:$0x5] =	stream.indirect.gather [spmem:s2], $0x1, s26, s10, $0xb8;
	[tilespmem:$0x1E428] =	vst v63  }
0x26b: {  	_ =	swait.ge [sflag:s5], $0x800  }
0x26c: {  	s3 =	sld [smem:$0x7B6];
	_ =	sdelay $0x1  }
0x26d: {  	[sflag:s5] =	ssyncset.done $0x0;
	s26 =	sld [smem:$0x7B7]  }
0x26e: {  	[sflag:s5] =	ssyncadd.s32 $0xFFFFF800;
	s0 =	sadd.s32 s31, s3  }
0x26f: {  	[hbm4b:s0+s8] =	stream.strided.scatter [tilespmem:s19], [sflag:$0x7], $0x400, s9, s8, $0x38;
	[tilespmem:$0x1E428] =	vst v63  }
0x270: {  	s3 =	sadd.s32 s31, s26  }
0x271: {  	[hbm4b:s3+s8] =	stream.strided.scatter [tilespmem:s7], [sflag:$0x7], $0x400, s9, s8, $0x38;
	[tilespmem:$0x1E428] =	vst v63  }
0x272: {  	_ =	swait.ge [sflag:s13], $0x400  }
0x273: {  	[sflag:s13] =	ssyncset.done $0x0  }
0x274: {  	[sflag:s13] =	ssyncadd.s32 $0xFFFFFC00  }
0x275: {  	_ =	swait.ge [sflag:s13], $0x400  }
0x276: {  	[sflag:s13] =	ssyncset.done $0x0  }
0x277: {  	s26 =	simm.s32 $0xA000;
	[sflag:s13] =	ssyncadd.s32 $0xFFFFFC00  }
0x278: {  	[tilespmem:s16], [sflag:$0x1] =	stream.indirect.gather [spmem:s2], $0x1, s26, s10, $0xb8;
	[tilespmem:$0x1E428] =	vst v63  }
0x279: {  	_ =	swait.ge [sflag:s1], $0x800  }
0x27a: {  	s3 =	sld [smem:$0x7B9];
	_ =	sdelay $0x1  }
0x27b: {  	[sflag:s1] =	ssyncset.done $0x0;
	s13 =	sld [smem:$0x7BB]  }
0x27c: {  	[sflag:s1] =	ssyncadd.s32 $0xFFFFF800;
	s0 =	sadd.s32 s31, s3  }
0x27d: {  	[hbm4b:s0+s8] =	stream.strided.scatter [tilespmem:s12], [sflag:$0x8], $0x400, s9, s8, $0x38;
	[tilespmem:$0x1E428] =	vst v63  }
0x27e: {  	s26 =	sadd.s32 s31, s13  }
0x27f: {  	[hbm4b:s26+s8] =	stream.strided.scatter [tilespmem:s14], [sflag:$0x8], $0x400, s9, s8, $0x38;
	[tilespmem:$0x1E428] =	vst v63  }
0x280: {  	_ =	swait.ge [sflag:s21], $0x400  }
0x281: {  	[sflag:s21] =	ssyncset.done $0x0  }
0x282: {  	[sflag:s21] =	ssyncadd.s32 $0xFFFFFC00  }
0x283: {  	_ =	swait.ge [sflag:s21], $0x400  }
0x284: {  	[sflag:s21] =	ssyncset.done $0x0  }
0x285: {  	s3 =	simm.s32 $0xA800;
	[sflag:s21] =	ssyncadd.s32 $0xFFFFFC00  }
0x286: {  	[tilespmem:s19], [sflag:$0x2] =	stream.indirect.gather [spmem:s2], $0x1, s3, s10, $0xb8;
	[tilespmem:$0x1E428] =	vst v63  }
0x287: {  	_ =	swait.ge [sflag:s11], $0x800  }
0x288: {  	s13 =	sld [smem:$0x7BD];
	_ =	sdelay $0x1  }
0x289: {  	[sflag:s11] =	ssyncset.done $0x0;
	s26 =	sld [smem:$0x7BF]  }
0x28a: {  	[sflag:s11] =	ssyncadd.s32 $0xFFFFF800;
	s0 =	sadd.s32 s31, s13  }
0x28b: {  	[hbm4b:s0+s8] =	stream.strided.scatter [tilespmem:s15], [sflag:$0x9], $0x400, s9, s8, $0x38;
	[tilespmem:$0x1E428] =	vst v63  }
0x28c: {  	s13 =	sadd.s32 s31, s26  }
0x28d: {  	[hbm4b:s13+s8] =	stream.strided.scatter [tilespmem:s18], [sflag:$0x9], $0x400, s9, s8, $0x38;
	[tilespmem:$0x1E428] =	vst v63  }
0x28e: {  	_ =	swait.ge [sflag:s24], $0x400  }
0x28f: {  	[sflag:s24] =	ssyncset.done $0x0  }
0x290: {  	[sflag:s24] =	ssyncadd.s32 $0xFFFFFC00  }
0x291: {  	_ =	swait.ge [sflag:s24], $0x400  }
0x292: {  	[sflag:s24] =	ssyncset.done $0x0  }
0x293: {  	s26 =	simm.s32 $0xB000;
	[sflag:s24] =	ssyncadd.s32 $0xFFFFFC00  }
0x294: {  	[tilespmem:s12], [sflag:$0x3] =	stream.indirect.gather [spmem:s2], $0x1, s26, s10, $0xb8;
	[tilespmem:$0x1E428] =	vst v63  }
0x295: {  	_ =	swait.ge [sflag:s25], $0x800  }
0x296: {  	s3 =	sld [smem:$0x7C1];
	_ =	sdelay $0x1  }
0x297: {  	[sflag:s25] =	ssyncset.done $0x0;
	s13 =	sld [smem:$0x7C3]  }
0x298: {  	[sflag:s25] =	ssyncadd.s32 $0xFFFFF800;
	s0 =	sadd.s32 s31, s3  }
0x299: {  	[hbm4b:s0+s8] =	stream.strided.scatter [tilespmem:s20], [sflag:$0xA], $0x400, s9, s8, $0x38;
	[tilespmem:$0x1E428] =	vst v63  }
0x29a: {  	s26 =	sadd.s32 s31, s13  }
0x29b: {  	[hbm4b:s26+s8] =	stream.strided.scatter [tilespmem:s22], [sflag:$0xA], $0x400, s9, s8, $0x38;
	[tilespmem:$0x1E428] =	vst v63  }
0x29c: {  	_ =	swait.ge [sflag:s28], $0x400  }
0x29d: {  	[sflag:s28] =	ssyncset.done $0x0  }
0x29e: {  	[sflag:s28] =	ssyncadd.s32 $0xFFFFFC00  }
0x29f: {  	_ =	swait.ge [sflag:s28], $0x400  }
0x2a0: {  	[sflag:s28] =	ssyncset.done $0x0  }
0x2a1: {  	s3 =	simm.s32 $0xB800;
	[sflag:s28] =	ssyncadd.s32 $0xFFFFFC00  }
0x2a2: {  	[tilespmem:s15], [sflag:$0x4] =	stream.indirect.gather [spmem:s2], $0x1, s3, s10, $0xb8;
	[tilespmem:$0x1E428] =	vst v63  }
0x2a3: {  	_ =	swait.ge [sflag:s23], $0x800  }
0x2a4: {  	s13 =	sld [smem:$0x7C5];
	_ =	sdelay $0x1  }
0x2a5: {  	[sflag:s23] =	ssyncset.done $0x0;
	s22 =	sld [smem:$0x7C7]  }
0x2a6: {  	[sflag:s23] =	ssyncadd.s32 $0xFFFFF800;
	s0 =	sadd.s32 s31, s13  }
0x2a7: {  	[hbm4b:s0+s8] =	stream.strided.scatter [tilespmem:s16], [sflag:$0x6], $0x400, s9, s8, $0x38;
	[tilespmem:$0x1E428] =	vst v63  }
0x2a8: {  	s23 =	sadd.s32 s31, s22  }
0x2a9: {  	[hbm4b:s23+s8] =	stream.strided.scatter [tilespmem:s4], [sflag:$0x6], $0x400, s9, s8, $0x38;
	[tilespmem:$0x1E428] =	vst v63  }
0x2aa: {  	_ =	swait.ge [sflag:s29], $0x400  }
0x2ab: {  	[sflag:s29] =	ssyncset.done $0x0  }
0x2ac: {  	[sflag:s29] =	ssyncadd.s32 $0xFFFFFC00  }
0x2ad: {  	_ =	swait.ge [sflag:s29], $0x400  }
0x2ae: {  	[sflag:s29] =	ssyncset.done $0x0  }
0x2af: {  	s26 =	simm.s32 $0xC000;
	[sflag:s29] =	ssyncadd.s32 $0xFFFFFC00  }
0x2b0: {  	[tilespmem:s20], [sflag:$0x5] =	stream.indirect.gather [spmem:s2], $0x1, s26, s10, $0xb8;
	[tilespmem:$0x1E428] =	vst v63  }
0x2b1: {  	_ =	swait.ge [sflag:s5], $0x800  }
0x2b2: {  	s3 =	sld [smem:$0x7C9];
	_ =	sdelay $0x1  }
0x2b3: {  	[sflag:s5] =	ssyncset.done $0x0;
	s4 =	sld [smem:$0x7CB]  }
0x2b4: {  	[sflag:s5] =	ssyncadd.s32 $0xFFFFF800;
	s0 =	sadd.s32 s31, s3  }
0x2b5: {  	[hbm4b:s0+s8] =	stream.strided.scatter [tilespmem:s19], [sflag:$0x7], $0x400, s9, s8, $0x38;
	[tilespmem:$0x1E428] =	vst v63  }
0x2b6: {  	s10 =	sadd.s32 s31, s4  }
0x2b7: {  	[hbm4b:s10+s8] =	stream.strided.scatter [tilespmem:s7], [sflag:$0x7], $0x400, s9, s8, $0x38;
	[tilespmem:$0x1E428] =	vst v63  }
0x2b8: {  	_ =	swait.ge [sflag:s1], $0x800  }
0x2b9: {  	s13 =	sld [smem:$0x7CD];
	_ =	sdelay $0x1  }
0x2ba: {  	[sflag:s1] =	ssyncset.done $0x0;
	s16 =	sld [smem:$0x7CF]  }
0x2bb: {  	[sflag:s1] =	ssyncadd.s32 $0xFFFFF800;
	s0 =	sadd.s32 s31, s13  }
0x2bc: {  	[hbm4b:s0+s8] =	stream.strided.scatter [tilespmem:s12], [sflag:$0x8], $0x400, s9, s8, $0x38;
	[tilespmem:$0x1E428] =	vst v63  }
0x2bd: {  	s19 =	sadd.s32 s31, s16  }
0x2be: {  	[hbm4b:s19+s8] =	stream.strided.scatter [tilespmem:s14], [sflag:$0x8], $0x400, s9, s8, $0x38;
	[tilespmem:$0x1E428] =	vst v63  }
0x2bf: {  	_ =	swait.ge [sflag:s11], $0x800  }
0x2c0: {  	s20 =	sld [smem:$0x7D1];
	_ =	sdelay $0x1  }
0x2c1: {  	[sflag:s11] =	ssyncset.done $0x0;
	s22 =	sld [smem:$0x7D3]  }
0x2c2: {  	[sflag:s11] =	ssyncadd.s32 $0xFFFFF800;
	s0 =	sadd.s32 s31, s20  }
0x2c3: {  	[hbm4b:s0+s8] =	stream.strided.scatter [tilespmem:s15], [sflag:$0x9], $0x400, s9, s8, $0x38;
	[tilespmem:$0x1E428] =	vst v63  }
0x2c4: {  	s23 =	sadd.s32 s31, s22  }
0x2c5: {  	[hbm4b:s23+s8] =	stream.strided.scatter [tilespmem:s18], [sflag:$0x9], $0x400, s9, s8, $0x38;
	[tilespmem:$0x1E428] =	vst v63  }
0x2c6: {  	s6 =	sadd.s32 $0x800, s6;
	_ =	swait.ge [sflag:s25], $0x800  }
0x2c7: {  	s30 =	simm.s32 $0x80;
	s3 =	sadd.s32 $0x1, s17;
	s26 =	sld [smem:$0x7D5]  }
0x2c8: {  	s4 =	simm.s32 $0x20;
	s17 =	sand.u32 @!p0 $0x380, s30;
	s1 =	sshrl.u32 @!p0 s3, $0x3  }
0x2c9: {  	s3 =	sadd.s32 $0x1, s3;
	s0 =	simm.s32 $0x10;
	[sflag:s25] =	ssyncset.done $0x0  }
0x2ca: {  	s20 =	sld [smem:$0x7D8];
	[sflag:s25] =	ssyncadd.s32 $0xFFFFF800;
	s14 =	sadd.s32 s31, s26  }
.LBB2_2:
0x2cb: {  	s23 =	simm.s32 $0xE800;
	s22 =	smul.u32 @!p0 $0x7A1400, s1;
	s1 =	sshrl.u32 @!p0 s3, $0x3  }
0x2cc: {  	[hbm4b:s14+s8] =	stream.strided.scatter [tilespmem:s23], [sflag:$0xA], $0x400, s9, s8, $0x38;
	[tilespmem:$0x1E428] =	vst v63  }
0x2cd: {  	s10 =	simm.s32 $0xEC00;
	[smem:$0x7AE] =	sst s1;
	s20 =	sadd.s32 s31, s20  }
0x2ce: {  	[hbm4b:s20+s8] =	stream.strided.scatter [tilespmem:s10], [sflag:$0xA], $0x400, s9, s8, $0x38;
	[tilespmem:$0x1E428] =	vst v63  }
0x2cf: {  	[bflag:$0x0] =	sbarrier.arrive $0xFFFF  }
0x2d0: {  	s5 =	simm.s32 @!p0 $0x1C0B;
	s17 =	sor.u32 @!p0 s17, s22;
	s1 =	sld [smem:$0x7B0]  }
0x2d1: {  	s7 =	simm.s32 @!p0 $0x10;
	s17 =	sshrl.u32 @!p0 s17, $0x3;
	s20 =	rddreg [dreg:$0x5]  }
0x2d2: {  	s11 =	simm.s32 @!p0 $0x1;
	s12 =	simm.s32 @!p0 $0x80;
	s17 =	sadd.s32 @!p0 s20, s17  }
0x2d3: {  	[spmem:s1@s7], [sflag:s5] =	dma.strided @!p0 [hbm:s17@s12], $0x1E850, s11, $0x10   }
0x2d4: {  	s1 =	simm.s32 @!p0 $0xB  }
0x2d5: {  	_ =	swait.ge @!p0 [sflag:s1], $0x1E850  }
0x2d6: {  	p2 =	seq.s32 s0, $0x0;
	[sflag:s1] =	ssyncset.done @!p0 $0x0  }
0x2d7: {  	s22 =	simm.s32 @p2 $0xC800;
	[sflag:s1] =	ssyncadd.s32 @!p0 $0xFFFE17B0  }
0x2d8: {  	s20 =	simm.s32 @p2 $0x0;
	s17 =	simm.s32 @p2 $0x800;
	[bflag:$0x0] =	sbarrier.arrive $0xFFFF  }
0x2d9: {  	[tilespmem:s22], [sflag:$0x1] =	stream.indirect.gather @p2 [spmem:s2], $0x1, s20, s17, $0xb8;
	[tilespmem:$0x1E428] =	vst v63  }
0x2da: {  	s31 =	simm.s32 @p2 $0xD000  }
0x2db: {  	[tilespmem:s31], [sflag:$0x2] =	stream.indirect.gather @p2 [spmem:s2], $0x1, s17, s17, $0xb8;
	[tilespmem:$0x1E428] =	vst v63  }
0x2dc: {  	s20 =	simm.s32 @p2 $0x1000;
	s22 =	simm.s32 @p2 $0xD800;
	s31 =	simm.s32 @!p2 $0x6  }
0x2dd: {  	[tilespmem:s22], [sflag:$0x3] =	stream.indirect.gather @p2 [spmem:s2], $0x1, s20, s17, $0xb8;
	[tilespmem:$0x1E428] =	vst v63  }
0x2de: {  	_ =	swait.ge @!p2 [sflag:s31], $0x400  }
0x2df: {  	[sflag:s31] =	ssyncset.done @!p2 $0x0  }
0x2e0: {  	[sflag:s31] =	ssyncadd.s32 @!p2 $0xFFFFFC00  }
0x2e1: {  	_ =	swait.ge @!p2 [sflag:s31], $0x400  }
0x2e2: {  	s26 =	simm.s32 @!p2 $0x7;
	s17 =	simm.s32 @!p2 $0xC800;
	[sflag:s31] =	ssyncset.done @!p2 $0x0  }
0x2e3: {  	s20 =	simm.s32 @!p2 $0x800;
	s22 =	simm.s32 @!p2 $0x0;
	[sflag:s31] =	ssyncadd.s32 @!p2 $0xFFFFFC00  }
0x2e4: {  	[tilespmem:s17], [sflag:$0x1] =	stream.indirect.gather @!p2 [spmem:s2], $0x1, s22, s20, $0xb8;
	[tilespmem:$0x1E428] =	vst v63  }
0x2e5: {  	_ =	swait.ge @!p2 [sflag:s26], $0x400  }
0x2e6: {  	[sflag:s26] =	ssyncset.done @!p2 $0x0  }
0x2e7: {  	[sflag:s26] =	ssyncadd.s32 @!p2 $0xFFFFFC00  }
0x2e8: {  	_ =	swait.ge @!p2 [sflag:s26], $0x400  }
0x2e9: {  	[sflag:s26] =	ssyncset.done @!p2 $0x0  }
0x2ea: {  	s17 =	simm.s32 @!p2 $0xD000;
	s22 =	simm.s32 @!p2 $0x8;
	[sflag:s26] =	ssyncadd.s32 @!p2 $0xFFFFFC00  }
0x2eb: {  	[tilespmem:s17], [sflag:$0x2] =	stream.indirect.gather @!p2 [spmem:s2], $0x1, s20, s20, $0xb8;
	[tilespmem:$0x1E428] =	vst v63  }
0x2ec: {  	_ =	swait.ge @!p2 [sflag:s22], $0x400  }
0x2ed: {  	[sflag:s22] =	ssyncset.done @!p2 $0x0  }
0x2ee: {  	[sflag:s22] =	ssyncadd.s32 @!p2 $0xFFFFFC00  }
0x2ef: {  	_ =	swait.ge @!p2 [sflag:s22], $0x400  }
0x2f0: {  	s31 =	simm.s32 @!p2 $0x9;
	[sflag:s22] =	ssyncset.done @!p2 $0x0  }
0x2f1: {  	s26 =	simm.s32 @!p2 $0xD800;
	s17 =	simm.s32 @!p2 $0x1000;
	[sflag:s22] =	ssyncadd.s32 @!p2 $0xFFFFFC00  }
0x2f2: {  	[tilespmem:s26], [sflag:$0x3] =	stream.indirect.gather @!p2 [spmem:s2], $0x1, s17, s20, $0xb8;
	[tilespmem:$0x1E428] =	vst v63  }
0x2f3: {  	_ =	swait.ge @!p2 [sflag:s31], $0x400  }
0x2f4: {  	[sflag:s31] =	ssyncset.done @!p2 $0x0  }
0x2f5: {  	[sflag:s31] =	ssyncadd.s32 @!p2 $0xFFFFFC00  }
0x2f6: {  	_ =	swait.ge @!p2 [sflag:s31], $0x400  }
0x2f7: {  	s13 =	simm.s32 $0x1800;
	s15 =	simm.s32 $0xE000;
	[sflag:s31] =	ssyncset.done @!p2 $0x0  }
0x2f8: {  	s18 =	simm.s32 $0x800;
	s25 =	simm.s32 $0x1;
	[sflag:s31] =	ssyncadd.s32 @!p2 $0xFFFFFC00  }
0x2f9: {  	[tilespmem:s15], [sflag:$0x4] =	stream.indirect.gather [spmem:s2], $0x1, s13, s18, $0xb8;
	[tilespmem:$0x1E428] =	vst v63  }
0x2fa: {  	_ =	swait.ge [sflag:s25], $0x800  }
0x2fb: {  	s16 =	sld [smem:$0x7B8]  }
0x2fc: {  	s11 =	sand.u32 $0xC000, s6;
	s12 =	sand.u32 $0x70, s0;
	[sflag:s25] =	ssyncset.done $0x0  }
0x2fd: {  	s19 =	smov.u32 s4;
	s17 =	sor.u32 s12, s11;
	[sflag:s25] =	ssyncadd.s32 $0xFFFFF800  }
0x2fe: {  	s10 =	smov.u32 s19;
	s20 =	rddreg [dreg:$0x2];
	s31 =	sor.u32 s16, s17  }
0x2ff: {  	s19 =	rddreg [dreg:$0x6];
	s16 =	simm.s32 $0xC800;
	s17 =	sadd.s32 s20, s31  }
0x300: {  	[hbm4b:s17+s8] =	stream.strided.scatter [tilespmem:s16], [sflag:$0x6], $0x400, s9, s8, $0x38;
	[tilespmem:$0x1E428] =	vst v63  }
0x301: {  	s22 =	simm.s32 $0xCC00;
	s14 =	sadd.s32 s31, s19;
	s17 =	simm.s32 @!p2 $0xA  }
0x302: {  	[hbm4b:s14+s8] =	stream.strided.scatter [tilespmem:s22], [sflag:$0x6], $0x400, s9, s8, $0x38;
	[tilespmem:$0x1E428] =	vst v63  }
0x303: {  	_ =	swait.ge @!p2 [sflag:s17], $0x400  }
0x304: {  	[sflag:s17] =	ssyncset.done @!p2 $0x0  }
0x305: {  	[sflag:s17] =	ssyncadd.s32 @!p2 $0xFFFFFC00  }
0x306: {  	_ =	swait.ge @!p2 [sflag:s17], $0x400  }
0x307: {  	[sflag:s17] =	ssyncset.done @!p2 $0x0  }
0x308: {  	s5 =	simm.s32 $0x2;
	s26 =	simm.s32 $0x2000;
	[sflag:s17] =	ssyncadd.s32 @!p2 $0xFFFFFC00  }
0x309: {  	[tilespmem:s23], [sflag:$0x5] =	stream.indirect.gather [spmem:s2], $0x1, s26, s18, $0xb8;
	[tilespmem:$0x1E428] =	vst v63  }
0x30a: {  	_ =	swait.ge [sflag:s5], $0x800  }
0x30b: {  	s19 =	simm.s32 $0xD000;
	[sflag:s5] =	ssyncset.done $0x0;
	s0 =	rddreg [dreg:$0x7]  }
0x30c: {  	s1 =	rddreg [dreg:$0x8];
	[sflag:s5] =	ssyncadd.s32 $0xFFFFF800;
	s14 =	sadd.s32 s31, s0  }
0x30d: {  	[hbm4b:s14+s8] =	stream.strided.scatter [tilespmem:s19], [sflag:$0x7], $0x400, s9, s8, $0x38;
	[tilespmem:$0x1E428] =	vst v63  }
0x30e: {  	s11 =	simm.s32 $0xD400;
	s13 =	simm.s32 $0x6;
	s7 =	sadd.s32 s31, s1  }
0x30f: {  	[hbm4b:s7+s8] =	stream.strided.scatter [tilespmem:s11], [sflag:$0x7], $0x400, s9, s8, $0x38;
	[tilespmem:$0x1E428] =	vst v63  }
0x310: {  	_ =	swait.ge [sflag:s13], $0x400  }
0x311: {  	[sflag:s13] =	ssyncset.done $0x0  }
0x312: {  	[sflag:s13] =	ssyncadd.s32 $0xFFFFFC00  }
0x313: {  	_ =	swait.ge [sflag:s13], $0x400  }
0x314: {  	[sflag:s13] =	ssyncset.done $0x0  }
0x315: {  	s12 =	simm.s32 $0x2800;
	s1 =	simm.s32 $0x3;
	[sflag:s13] =	ssyncadd.s32 $0xFFFFFC00  }
0x316: {  	[tilespmem:s16], [sflag:$0x1] =	stream.indirect.gather [spmem:s2], $0x1, s12, s18, $0xb8;
	[tilespmem:$0x1E428] =	vst v63  }
0x317: {  	_ =	swait.ge [sflag:s1], $0x800  }
0x318: {  	s12 =	simm.s32 $0xD800;
	[sflag:s1] =	ssyncset.done $0x0;
	s17 =	rddreg [dreg:$0x9]  }
0x319: {  	s26 =	rddreg [dreg:$0xa];
	[sflag:s1] =	ssyncadd.s32 $0xFFFFF800;
	s14 =	sadd.s32 s31, s17  }
0x31a: {  	[hbm4b:s14+s8] =	stream.strided.scatter [tilespmem:s12], [sflag:$0x8], $0x400, s9, s8, $0x38;
	[tilespmem:$0x1E428] =	vst v63  }
0x31b: {  	s7 =	simm.s32 $0xDC00;
	s0 =	sadd.s32 s31, s26  }
0x31c: {  	[hbm4b:s0+s8] =	stream.strided.scatter [tilespmem:s7], [sflag:$0x8], $0x400, s9, s8, $0x38;
	[tilespmem:$0x1E428] =	vst v63  }
0x31d: {  	_ =	swait.ge [sflag:s21], $0x400  }
0x31e: {  	[sflag:s21] =	ssyncset.done $0x0  }
0x31f: {  	[sflag:s21] =	ssyncadd.s32 $0xFFFFFC00  }
0x320: {  	_ =	swait.ge [sflag:s21], $0x400  }
0x321: {  	[sflag:s21] =	ssyncset.done $0x0  }
0x322: {  	s11 =	simm.s32 $0x3000;
	[sflag:s21] =	ssyncadd.s32 $0xFFFFFC00  }
0x323: {  	[tilespmem:s19], [sflag:$0x2] =	stream.indirect.gather [spmem:s2], $0x1, s11, s18, $0xb8;
	[tilespmem:$0x1E428] =	vst v63  }
0x324: {  	s11 =	simm.s32 $0x4  }
0x325: {  	_ =	swait.ge [sflag:s11], $0x800  }
0x326: {  	[sflag:s11] =	ssyncset.done $0x0;
	s17 =	rddreg [dreg:$0xb]  }
0x327: {  	s0 =	rddreg [dreg:$0xc];
	[sflag:s11] =	ssyncadd.s32 $0xFFFFF800;
	s14 =	sadd.s32 s31, s17  }
0x328: {  	[hbm4b:s14+s8] =	stream.strided.scatter [tilespmem:s15], [sflag:$0x9], $0x400, s9, s8, $0x38;
	[tilespmem:$0x1E428] =	vst v63  }
0x329: {  	s7 =	sadd.s32 s31, s0;
	s17 =	simm.s32 $0xE400  }
0x32a: {  	[hbm4b:s7+s8] =	stream.strided.scatter [tilespmem:s17], [sflag:$0x9], $0x400, s9, s8, $0x38;
	[tilespmem:$0x1E428] =	vst v63  }
0x32b: {  	_ =	swait.ge [sflag:s24], $0x400  }
0x32c: {  	[sflag:s24] =	ssyncset.done $0x0  }
0x32d: {  	[sflag:s24] =	ssyncadd.s32 $0xFFFFFC00  }
0x32e: {  	_ =	swait.ge [sflag:s24], $0x400  }
0x32f: {  	[sflag:s24] =	ssyncset.done $0x0  }
0x330: {  	s7 =	simm.s32 $0x3800;
	[sflag:s24] =	ssyncadd.s32 $0xFFFFFC00  }
0x331: {  	[tilespmem:s12], [sflag:$0x3] =	stream.indirect.gather [spmem:s2], $0x1, s7, s18, $0xb8;
	[tilespmem:$0x1E428] =	vst v63  }
0x332: {  	s7 =	simm.s32 $0x5  }
0x333: {  	_ =	swait.ge [sflag:s7], $0x800  }
0x334: {  	[sflag:s7] =	ssyncset.done $0x0;
	s17 =	rddreg [dreg:$0xd]  }
0x335: {  	s0 =	rddreg [dreg:$0xe];
	[sflag:s7] =	ssyncadd.s32 $0xFFFFF800;
	s14 =	sadd.s32 s31, s17  }
0x336: {  	[hbm4b:s14+s8] =	stream.strided.scatter [tilespmem:s23], [sflag:$0xA], $0x400, s9, s8, $0x38;
	[tilespmem:$0x1E428] =	vst v63  }
0x337: {  	s17 =	sadd.s32 s31, s0;
	s0 =	simm.s32 $0xEC00  }
0x338: {  	[hbm4b:s17+s8] =	stream.strided.scatter [tilespmem:s0], [sflag:$0xA], $0x400, s9, s8, $0x38;
	[tilespmem:$0x1E428] =	vst v63  }
0x339: {  	_ =	swait.ge [sflag:s28], $0x400  }
0x33a: {  	[sflag:s28] =	ssyncset.done $0x0  }
0x33b: {  	[sflag:s28] =	ssyncadd.s32 $0xFFFFFC00  }
0x33c: {  	_ =	swait.ge [sflag:s28], $0x400  }
0x33d: {  	[sflag:s28] =	ssyncset.done $0x0  }
0x33e: {  	s17 =	simm.s32 $0x4000;
	[sflag:s28] =	ssyncadd.s32 $0xFFFFFC00  }
0x33f: {  	[tilespmem:s15], [sflag:$0x4] =	stream.indirect.gather [spmem:s2], $0x1, s17, s18, $0xb8;
	[tilespmem:$0x1E428] =	vst v63  }
0x340: {  	_ =	swait.ge [sflag:s25], $0x800  }
0x341: {  	[sflag:s25] =	ssyncset.done $0x0;
	s14 =	rddreg [dreg:$0xf]  }
0x342: {  	s17 =	rddreg [dreg:$0x10];
	[sflag:s25] =	ssyncadd.s32 $0xFFFFF800;
	s14 =	sadd.s32 s31, s14  }
0x343: {  	[hbm4b:s14+s8] =	stream.strided.scatter [tilespmem:s16], [sflag:$0x6], $0x400, s9, s8, $0x38;
	[tilespmem:$0x1E428] =	vst v63  }
0x344: {  	s20 =	simm.s32 $0xCC00;
	s17 =	sadd.s32 s31, s17  }
0x345: {  	[hbm4b:s17+s8] =	stream.strided.scatter [tilespmem:s20], [sflag:$0x6], $0x400, s9, s8, $0x38;
	[tilespmem:$0x1E428] =	vst v63  }
0x346: {  	_ =	swait.ge [sflag:s29], $0x400  }
0x347: {  	[sflag:s29] =	ssyncset.done $0x0  }
0x348: {  	[sflag:s29] =	ssyncadd.s32 $0xFFFFFC00  }
0x349: {  	_ =	swait.ge [sflag:s29], $0x400  }
0x34a: {  	[sflag:s29] =	ssyncset.done $0x0  }
0x34b: {  	s17 =	simm.s32 $0x4800;
	[sflag:s29] =	ssyncadd.s32 $0xFFFFFC00  }
0x34c: {  	[tilespmem:s23], [sflag:$0x5] =	stream.indirect.gather [spmem:s2], $0x1, s17, s18, $0xb8;
	[tilespmem:$0x1E428] =	vst v63  }
0x34d: {  	_ =	swait.ge [sflag:s5], $0x800  }
0x34e: {  	[sflag:s5] =	ssyncset.done $0x0;
	s14 =	rddreg [dreg:$0x11]  }
0x34f: {  	s17 =	rddreg [dreg:$0x12];
	[sflag:s5] =	ssyncadd.s32 $0xFFFFF800;
	s14 =	sadd.s32 s31, s14  }
0x350: {  	[hbm4b:s14+s8] =	stream.strided.scatter [tilespmem:s19], [sflag:$0x7], $0x400, s9, s8, $0x38;
	[tilespmem:$0x1E428] =	vst v63  }
0x351: {  	s22 =	simm.s32 $0xD400;
	s17 =	sadd.s32 s31, s17  }
0x352: {  	[hbm4b:s17+s8] =	stream.strided.scatter [tilespmem:s22], [sflag:$0x7], $0x400, s9, s8, $0x38;
	[tilespmem:$0x1E428] =	vst v63  }
0x353: {  	_ =	swait.ge [sflag:s13], $0x400  }
0x354: {  	[sflag:s13] =	ssyncset.done $0x0  }
0x355: {  	[sflag:s13] =	ssyncadd.s32 $0xFFFFFC00  }
0x356: {  	_ =	swait.ge [sflag:s13], $0x400  }
0x357: {  	[sflag:s13] =	ssyncset.done $0x0  }
0x358: {  	s17 =	simm.s32 $0x5000;
	[sflag:s13] =	ssyncadd.s32 $0xFFFFFC00  }
0x359: {  	[tilespmem:s16], [sflag:$0x1] =	stream.indirect.gather [spmem:s2], $0x1, s17, s18, $0xb8;
	[tilespmem:$0x1E428] =	vst v63  }
0x35a: {  	_ =	swait.ge [sflag:s1], $0x800  }
0x35b: {  	[sflag:s1] =	ssyncset.done $0x0;
	s14 =	rddreg [dreg:$0x13]  }
0x35c: {  	s17 =	rddreg [dreg:$0x14];
	[sflag:s1] =	ssyncadd.s32 $0xFFFFF800;
	s14 =	sadd.s32 s31, s14  }
0x35d: {  	[hbm4b:s14+s8] =	stream.strided.scatter [tilespmem:s12], [sflag:$0x8], $0x400, s9, s8, $0x38;
	[tilespmem:$0x1E428] =	vst v63  }
0x35e: {  	s26 =	simm.s32 $0xDC00;
	s17 =	sadd.s32 s31, s17  }
0x35f: {  	[hbm4b:s17+s8] =	stream.strided.scatter [tilespmem:s26], [sflag:$0x8], $0x400, s9, s8, $0x38;
	[tilespmem:$0x1E428] =	vst v63  }
0x360: {  	_ =	swait.ge [sflag:s21], $0x400  }
0x361: {  	[sflag:s21] =	ssyncset.done $0x0  }
0x362: {  	[sflag:s21] =	ssyncadd.s32 $0xFFFFFC00  }
0x363: {  	_ =	swait.ge [sflag:s21], $0x400  }
0x364: {  	[sflag:s21] =	ssyncset.done $0x0  }
0x365: {  	s17 =	simm.s32 $0x5800;
	[sflag:s21] =	ssyncadd.s32 $0xFFFFFC00  }
0x366: {  	[tilespmem:s19], [sflag:$0x2] =	stream.indirect.gather [spmem:s2], $0x1, s17, s18, $0xb8;
	[tilespmem:$0x1E428] =	vst v63  }
0x367: {  	_ =	swait.ge [sflag:s11], $0x800  }
0x368: {  	[sflag:s11] =	ssyncset.done $0x0;
	s14 =	rddreg [dreg:$0x15]  }
0x369: {  	s17 =	rddreg [dreg:$0x16];
	[sflag:s11] =	ssyncadd.s32 $0xFFFFF800;
	s14 =	sadd.s32 s31, s14  }
0x36a: {  	[hbm4b:s14+s8] =	stream.strided.scatter [tilespmem:s15], [sflag:$0x9], $0x400, s9, s8, $0x38;
	[tilespmem:$0x1E428] =	vst v63  }
0x36b: {  	s14 =	sadd.s32 s31, s17;
	s17 =	simm.s32 $0xE400  }
0x36c: {  	[hbm4b:s14+s8] =	stream.strided.scatter [tilespmem:s17], [sflag:$0x9], $0x400, s9, s8, $0x38;
	[tilespmem:$0x1E428] =	vst v63  }
0x36d: {  	_ =	swait.ge [sflag:s24], $0x400  }
0x36e: {  	[sflag:s24] =	ssyncset.done $0x0  }
0x36f: {  	[sflag:s24] =	ssyncadd.s32 $0xFFFFFC00  }
0x370: {  	_ =	swait.ge [sflag:s24], $0x400  }
0x371: {  	[sflag:s24] =	ssyncset.done $0x0  }
0x372: {  	s17 =	simm.s32 $0x6000;
	[sflag:s24] =	ssyncadd.s32 $0xFFFFFC00  }
0x373: {  	[tilespmem:s12], [sflag:$0x3] =	stream.indirect.gather [spmem:s2], $0x1, s17, s18, $0xb8;
	[tilespmem:$0x1E428] =	vst v63  }
0x374: {  	_ =	swait.ge [sflag:s7], $0x800  }
0x375: {  	[sflag:s7] =	ssyncset.done $0x0;
	s14 =	rddreg [dreg:$0x17]  }
0x376: {  	s17 =	rddreg [dreg:$0x18];
	[sflag:s7] =	ssyncadd.s32 $0xFFFFF800;
	s14 =	sadd.s32 s31, s14  }
0x377: {  	[hbm4b:s14+s8] =	stream.strided.scatter [tilespmem:s23], [sflag:$0xA], $0x400, s9, s8, $0x38;
	[tilespmem:$0x1E428] =	vst v63  }
0x378: {  	s17 =	sadd.s32 s31, s17  }
0x379: {  	[hbm4b:s17+s8] =	stream.strided.scatter [tilespmem:s0], [sflag:$0xA], $0x400, s9, s8, $0x38;
	[tilespmem:$0x1E428] =	vst v63  }
0x37a: {  	_ =	swait.ge [sflag:s28], $0x400  }
0x37b: {  	[sflag:s28] =	ssyncset.done $0x0  }
0x37c: {  	[sflag:s28] =	ssyncadd.s32 $0xFFFFFC00  }
0x37d: {  	_ =	swait.ge [sflag:s28], $0x400  }
0x37e: {  	[sflag:s28] =	ssyncset.done $0x0  }
0x37f: {  	s17 =	simm.s32 $0x6800;
	[sflag:s28] =	ssyncadd.s32 $0xFFFFFC00  }
0x380: {  	[tilespmem:s15], [sflag:$0x4] =	stream.indirect.gather [spmem:s2], $0x1, s17, s18, $0xb8;
	[tilespmem:$0x1E428] =	vst v63  }
0x381: {  	_ =	swait.ge [sflag:s25], $0x800  }
0x382: {  	[sflag:s25] =	ssyncset.done $0x0;
	s14 =	rddreg [dreg:$0x19]  }
0x383: {  	s17 =	rddreg [dreg:$0x1a];
	[sflag:s25] =	ssyncadd.s32 $0xFFFFF800;
	s14 =	sadd.s32 s31, s14  }
0x384: {  	[hbm4b:s14+s8] =	stream.strided.scatter [tilespmem:s16], [sflag:$0x6], $0x400, s9, s8, $0x38;
	[tilespmem:$0x1E428] =	vst v63  }
0x385: {  	s20 =	simm.s32 $0xCC00;
	s17 =	sadd.s32 s31, s17  }
0x386: {  	[hbm4b:s17+s8] =	stream.strided.scatter [tilespmem:s20], [sflag:$0x6], $0x400, s9, s8, $0x38;
	[tilespmem:$0x1E428] =	vst v63  }
0x387: {  	_ =	swait.ge [sflag:s29], $0x400  }
0x388: {  	[sflag:s29] =	ssyncset.done $0x0  }
0x389: {  	[sflag:s29] =	ssyncadd.s32 $0xFFFFFC00  }
0x38a: {  	_ =	swait.ge [sflag:s29], $0x400  }
0x38b: {  	[sflag:s29] =	ssyncset.done $0x0  }
0x38c: {  	s17 =	simm.s32 $0x7000;
	[sflag:s29] =	ssyncadd.s32 $0xFFFFFC00  }
0x38d: {  	[tilespmem:s23], [sflag:$0x5] =	stream.indirect.gather [spmem:s2], $0x1, s17, s18, $0xb8;
	[tilespmem:$0x1E428] =	vst v63  }
0x38e: {  	_ =	swait.ge [sflag:s5], $0x800  }
0x38f: {  	[sflag:s5] =	ssyncset.done $0x0;
	s14 =	rddreg [dreg:$0x1b]  }
0x390: {  	s17 =	rddreg [dreg:$0x1c];
	[sflag:s5] =	ssyncadd.s32 $0xFFFFF800;
	s14 =	sadd.s32 s31, s14  }
0x391: {  	[hbm4b:s14+s8] =	stream.strided.scatter [tilespmem:s19], [sflag:$0x7], $0x400, s9, s8, $0x38;
	[tilespmem:$0x1E428] =	vst v63  }
0x392: {  	s22 =	simm.s32 $0xD400;
	s17 =	sadd.s32 s31, s17  }
0x393: {  	[hbm4b:s17+s8] =	stream.strided.scatter [tilespmem:s22], [sflag:$0x7], $0x400, s9, s8, $0x38;
	[tilespmem:$0x1E428] =	vst v63  }
0x394: {  	_ =	swait.ge [sflag:s13], $0x400  }
0x395: {  	[sflag:s13] =	ssyncset.done $0x0  }
0x396: {  	[sflag:s13] =	ssyncadd.s32 $0xFFFFFC00  }
0x397: {  	_ =	swait.ge [sflag:s13], $0x400  }
0x398: {  	[sflag:s13] =	ssyncset.done $0x0  }
0x399: {  	s17 =	simm.s32 $0x7800;
	[sflag:s13] =	ssyncadd.s32 $0xFFFFFC00  }
0x39a: {  	[tilespmem:s16], [sflag:$0x1] =	stream.indirect.gather [spmem:s2], $0x1, s17, s18, $0xb8;
	[tilespmem:$0x1E428] =	vst v63  }
0x39b: {  	_ =	swait.ge [sflag:s1], $0x800  }
0x39c: {  	[sflag:s1] =	ssyncset.done $0x0;
	s14 =	rddreg [dreg:$0x1d]  }
0x39d: {  	s17 =	rddreg [dreg:$0x1e];
	[sflag:s1] =	ssyncadd.s32 $0xFFFFF800;
	s14 =	sadd.s32 s31, s14  }
0x39e: {  	[hbm4b:s14+s8] =	stream.strided.scatter [tilespmem:s12], [sflag:$0x8], $0x400, s9, s8, $0x38;
	[tilespmem:$0x1E428] =	vst v63  }
0x39f: {  	s26 =	simm.s32 $0xDC00;
	s17 =	sadd.s32 s31, s17  }
0x3a0: {  	[hbm4b:s17+s8] =	stream.strided.scatter [tilespmem:s26], [sflag:$0x8], $0x400, s9, s8, $0x38;
	[tilespmem:$0x1E428] =	vst v63  }
0x3a1: {  	_ =	swait.ge [sflag:s21], $0x400  }
0x3a2: {  	[sflag:s21] =	ssyncset.done $0x0  }
0x3a3: {  	[sflag:s21] =	ssyncadd.s32 $0xFFFFFC00  }
0x3a4: {  	_ =	swait.ge [sflag:s21], $0x400  }
0x3a5: {  	[sflag:s21] =	ssyncset.done $0x0  }
0x3a6: {  	s17 =	simm.s32 $0x8000;
	[sflag:s21] =	ssyncadd.s32 $0xFFFFFC00  }
0x3a7: {  	[tilespmem:s19], [sflag:$0x2] =	stream.indirect.gather [spmem:s2], $0x1, s17, s18, $0xb8;
	[tilespmem:$0x1E428] =	vst v63  }
0x3a8: {  	_ =	swait.ge [sflag:s11], $0x800  }
0x3a9: {  	s14 =	rddreg [dreg:$0x1f]  }
0x3aa: {  	[sflag:s11] =	ssyncset.done $0x0;
	s17 =	sld [smem:$0x7B1]  }
0x3ab: {  	[sflag:s11] =	ssyncadd.s32 $0xFFFFF800;
	s14 =	sadd.s32 s31, s14  }
0x3ac: {  	[hbm4b:s14+s8] =	stream.strided.scatter [tilespmem:s15], [sflag:$0x9], $0x400, s9, s8, $0x38;
	[tilespmem:$0x1E428] =	vst v63  }
0x3ad: {  	s14 =	sadd.s32 s31, s17;
	s17 =	simm.s32 $0xE400  }
0x3ae: {  	[hbm4b:s14+s8] =	stream.strided.scatter [tilespmem:s17], [sflag:$0x9], $0x400, s9, s8, $0x38;
	[tilespmem:$0x1E428] =	vst v63  }
0x3af: {  	_ =	swait.ge [sflag:s24], $0x400  }
0x3b0: {  	[sflag:s24] =	ssyncset.done $0x0  }
0x3b1: {  	[sflag:s24] =	ssyncadd.s32 $0xFFFFFC00  }
0x3b2: {  	_ =	swait.ge [sflag:s24], $0x400  }
0x3b3: {  	[sflag:s24] =	ssyncset.done $0x0  }
0x3b4: {  	s17 =	simm.s32 $0x8800;
	[sflag:s24] =	ssyncadd.s32 $0xFFFFFC00  }
0x3b5: {  	[tilespmem:s12], [sflag:$0x3] =	stream.indirect.gather [spmem:s2], $0x1, s17, s18, $0xb8;
	[tilespmem:$0x1E428] =	vst v63  }
0x3b6: {  	_ =	swait.ge [sflag:s7], $0x800  }
0x3b7: {  	s14 =	sld [smem:$0x7B2];
	_ =	sdelay $0x1  }
0x3b8: {  	[sflag:s7] =	ssyncset.done $0x0;
	s17 =	sld [smem:$0x7B3]  }
0x3b9: {  	[sflag:s7] =	ssyncadd.s32 $0xFFFFF800;
	s14 =	sadd.s32 s31, s14  }
0x3ba: {  	[hbm4b:s14+s8] =	stream.strided.scatter [tilespmem:s23], [sflag:$0xA], $0x400, s9, s8, $0x38;
	[tilespmem:$0x1E428] =	vst v63  }
0x3bb: {  	s0 =	smov.u32 s10;
	s10 =	simm.s32 $0xEC00;
	s17 =	sadd.s32 s31, s17  }
0x3bc: {  	[hbm4b:s17+s8] =	stream.strided.scatter [tilespmem:s10], [sflag:$0xA], $0x400, s9, s8, $0x38;
	[tilespmem:$0x1E428] =	vst v63  }
0x3bd: {  	_ =	swait.ge [sflag:s28], $0x400  }
0x3be: {  	[sflag:s28] =	ssyncset.done $0x0  }
0x3bf: {  	[sflag:s28] =	ssyncadd.s32 $0xFFFFFC00  }
0x3c0: {  	_ =	swait.ge [sflag:s28], $0x400  }
0x3c1: {  	[sflag:s28] =	ssyncset.done $0x0  }
0x3c2: {  	s17 =	simm.s32 $0x9000;
	[sflag:s28] =	ssyncadd.s32 $0xFFFFFC00  }
0x3c3: {  	[tilespmem:s15], [sflag:$0x4] =	stream.indirect.gather [spmem:s2], $0x1, s17, s18, $0xb8;
	[tilespmem:$0x1E428] =	vst v63  }
0x3c4: {  	_ =	swait.ge [sflag:s25], $0x800  }
0x3c5: {  	s14 =	sld [smem:$0x7B4];
	_ =	sdelay $0x1  }
0x3c6: {  	[sflag:s25] =	ssyncset.done $0x0;
	s17 =	sld [smem:$0x7B5]  }
0x3c7: {  	[sflag:s25] =	ssyncadd.s32 $0xFFFFF800;
	s14 =	sadd.s32 s31, s14  }
0x3c8: {  	[hbm4b:s14+s8] =	stream.strided.scatter [tilespmem:s16], [sflag:$0x6], $0x400, s9, s8, $0x38;
	[tilespmem:$0x1E428] =	vst v63  }
0x3c9: {  	s20 =	simm.s32 $0xCC00;
	s17 =	sadd.s32 s31, s17  }
0x3ca: {  	[hbm4b:s17+s8] =	stream.strided.scatter [tilespmem:s20], [sflag:$0x6], $0x400, s9, s8, $0x38;
	[tilespmem:$0x1E428] =	vst v63  }
0x3cb: {  	_ =	swait.ge [sflag:s29], $0x400  }
0x3cc: {  	[sflag:s29] =	ssyncset.done $0x0  }
0x3cd: {  	[sflag:s29] =	ssyncadd.s32 $0xFFFFFC00  }
0x3ce: {  	_ =	swait.ge [sflag:s29], $0x400  }
0x3cf: {  	[sflag:s29] =	ssyncset.done $0x0  }
0x3d0: {  	s17 =	simm.s32 $0x9800;
	[sflag:s29] =	ssyncadd.s32 $0xFFFFFC00  }
0x3d1: {  	[tilespmem:s23], [sflag:$0x5] =	stream.indirect.gather [spmem:s2], $0x1, s17, s18, $0xb8;
	[tilespmem:$0x1E428] =	vst v63  }
0x3d2: {  	_ =	swait.ge [sflag:s5], $0x800  }
0x3d3: {  	s14 =	sld [smem:$0x7B6];
	_ =	sdelay $0x1  }
0x3d4: {  	[sflag:s5] =	ssyncset.done $0x0;
	s17 =	sld [smem:$0x7B7]  }
0x3d5: {  	[sflag:s5] =	ssyncadd.s32 $0xFFFFF800;
	s14 =	sadd.s32 s31, s14  }
0x3d6: {  	[hbm4b:s14+s8] =	stream.strided.scatter [tilespmem:s19], [sflag:$0x7], $0x400, s9, s8, $0x38;
	[tilespmem:$0x1E428] =	vst v63  }
0x3d7: {  	s22 =	simm.s32 $0xD400;
	s17 =	sadd.s32 s31, s17  }
0x3d8: {  	[hbm4b:s17+s8] =	stream.strided.scatter [tilespmem:s22], [sflag:$0x7], $0x400, s9, s8, $0x38;
	[tilespmem:$0x1E428] =	vst v63  }
0x3d9: {  	_ =	swait.ge [sflag:s13], $0x400  }
0x3da: {  	[sflag:s13] =	ssyncset.done $0x0  }
0x3db: {  	[sflag:s13] =	ssyncadd.s32 $0xFFFFFC00  }
0x3dc: {  	_ =	swait.ge [sflag:s13], $0x400  }
0x3dd: {  	[sflag:s13] =	ssyncset.done $0x0  }
0x3de: {  	[sflag:s13] =	ssyncadd.s32 $0xFFFFFC00;
	s13 =	simm.s32 $0xA000  }
0x3df: {  	[tilespmem:s16], [sflag:$0x1] =	stream.indirect.gather [spmem:s2], $0x1, s13, s18, $0xb8;
	[tilespmem:$0x1E428] =	vst v63  }
0x3e0: {  	_ =	swait.ge [sflag:s1], $0x800  }
0x3e1: {  	s17 =	sld [smem:$0x7B9];
	_ =	sdelay $0x1  }
0x3e2: {  	[sflag:s1] =	ssyncset.done $0x0;
	s13 =	sld [smem:$0x7BB]  }
0x3e3: {  	[sflag:s1] =	ssyncadd.s32 $0xFFFFF800;
	s14 =	sadd.s32 s31, s17  }
0x3e4: {  	[hbm4b:s14+s8] =	stream.strided.scatter [tilespmem:s12], [sflag:$0x8], $0x400, s9, s8, $0x38;
	[tilespmem:$0x1E428] =	vst v63  }
0x3e5: {  	s26 =	simm.s32 $0xDC00;
	s17 =	sadd.s32 s31, s13  }
0x3e6: {  	[hbm4b:s17+s8] =	stream.strided.scatter [tilespmem:s26], [sflag:$0x8], $0x400, s9, s8, $0x38;
	[tilespmem:$0x1E428] =	vst v63  }
0x3e7: {  	_ =	swait.ge [sflag:s21], $0x400  }
0x3e8: {  	[sflag:s21] =	ssyncset.done $0x0  }
0x3e9: {  	[sflag:s21] =	ssyncadd.s32 $0xFFFFFC00  }
0x3ea: {  	_ =	swait.ge [sflag:s21], $0x400  }
0x3eb: {  	[sflag:s21] =	ssyncset.done $0x0  }
0x3ec: {  	s13 =	simm.s32 $0xA800;
	[sflag:s21] =	ssyncadd.s32 $0xFFFFFC00  }
0x3ed: {  	[tilespmem:s19], [sflag:$0x2] =	stream.indirect.gather [spmem:s2], $0x1, s13, s18, $0xb8;
	[tilespmem:$0x1E428] =	vst v63  }
0x3ee: {  	_ =	swait.ge [sflag:s11], $0x800  }
0x3ef: {  	s17 =	sld [smem:$0x7BD];
	_ =	sdelay $0x1  }
0x3f0: {  	[sflag:s11] =	ssyncset.done $0x0;
	s13 =	sld [smem:$0x7BF]  }
0x3f1: {  	[sflag:s11] =	ssyncadd.s32 $0xFFFFF800;
	s14 =	sadd.s32 s31, s17  }
0x3f2: {  	[hbm4b:s14+s8] =	stream.strided.scatter [tilespmem:s15], [sflag:$0x9], $0x400, s9, s8, $0x38;
	[tilespmem:$0x1E428] =	vst v63  }
0x3f3: {  	s13 =	sadd.s32 s31, s13;
	s17 =	simm.s32 $0xE400  }
0x3f4: {  	[hbm4b:s13+s8] =	stream.strided.scatter [tilespmem:s17], [sflag:$0x9], $0x400, s9, s8, $0x38;
	[tilespmem:$0x1E428] =	vst v63  }
0x3f5: {  	_ =	swait.ge [sflag:s24], $0x400  }
0x3f6: {  	[sflag:s24] =	ssyncset.done $0x0  }
0x3f7: {  	[sflag:s24] =	ssyncadd.s32 $0xFFFFFC00  }
0x3f8: {  	_ =	swait.ge [sflag:s24], $0x400  }
0x3f9: {  	[sflag:s24] =	ssyncset.done $0x0  }
0x3fa: {  	s17 =	simm.s32 $0xB000;
	[sflag:s24] =	ssyncadd.s32 $0xFFFFFC00  }
0x3fb: {  	[tilespmem:s12], [sflag:$0x3] =	stream.indirect.gather [spmem:s2], $0x1, s17, s18, $0xb8;
	[tilespmem:$0x1E428] =	vst v63  }
0x3fc: {  	_ =	swait.ge [sflag:s7], $0x800  }
0x3fd: {  	s14 =	sld [smem:$0x7C1];
	_ =	sdelay $0x1  }
0x3fe: {  	[sflag:s7] =	ssyncset.done $0x0;
	s17 =	sld [smem:$0x7C3]  }
0x3ff: {  	[sflag:s7] =	ssyncadd.s32 $0xFFFFF800;
	s14 =	sadd.s32 s31, s14  }
0x400: {  	[hbm4b:s14+s8] =	stream.strided.scatter [tilespmem:s23], [sflag:$0xA], $0x400, s9, s8, $0x38;
	[tilespmem:$0x1E428] =	vst v63  }
0x401: {  	s10 =	simm.s32 $0xEC00;
	s17 =	sadd.s32 s31, s17  }
0x402: {  	[hbm4b:s17+s8] =	stream.strided.scatter [tilespmem:s10], [sflag:$0xA], $0x400, s9, s8, $0x38;
	[tilespmem:$0x1E428] =	vst v63  }
0x403: {  	_ =	swait.ge [sflag:s28], $0x400  }
0x404: {  	[sflag:s28] =	ssyncset.done $0x0  }
0x405: {  	[sflag:s28] =	ssyncadd.s32 $0xFFFFFC00  }
0x406: {  	_ =	swait.ge [sflag:s28], $0x400  }
0x407: {  	[sflag:s28] =	ssyncset.done $0x0  }
0x408: {  	s10 =	simm.s32 $0xB800;
	[sflag:s28] =	ssyncadd.s32 $0xFFFFFC00  }
0x409: {  	[tilespmem:s15], [sflag:$0x4] =	stream.indirect.gather [spmem:s2], $0x1, s10, s18, $0xb8;
	[tilespmem:$0x1E428] =	vst v63  }
0x40a: {  	_ =	swait.ge [sflag:s25], $0x800  }
0x40b: {  	s17 =	sld [smem:$0x7C5];
	_ =	sdelay $0x1  }
0x40c: {  	[sflag:s25] =	ssyncset.done $0x0;
	s10 =	sld [smem:$0x7C7]  }
0x40d: {  	[sflag:s25] =	ssyncadd.s32 $0xFFFFF800;
	s14 =	sadd.s32 s31, s17  }
0x40e: {  	[hbm4b:s14+s8] =	stream.strided.scatter [tilespmem:s16], [sflag:$0x6], $0x400, s9, s8, $0x38;
	[tilespmem:$0x1E428] =	vst v63  }
0x40f: {  	s20 =	simm.s32 $0xCC00;
	s17 =	sadd.s32 s31, s10  }
0x410: {  	[hbm4b:s17+s8] =	stream.strided.scatter [tilespmem:s20], [sflag:$0x6], $0x400, s9, s8, $0x38;
	[tilespmem:$0x1E428] =	vst v63  }
0x411: {  	_ =	swait.ge [sflag:s29], $0x400  }
0x412: {  	[sflag:s29] =	ssyncset.done $0x0  }
0x413: {  	[sflag:s29] =	ssyncadd.s32 $0xFFFFFC00  }
0x414: {  	_ =	swait.ge [sflag:s29], $0x400  }
0x415: {  	[sflag:s29] =	ssyncset.done $0x0  }
0x416: {  	s25 =	simm.s32 $0xC000;
	[sflag:s29] =	ssyncadd.s32 $0xFFFFFC00  }
0x417: {  	[tilespmem:s23], [sflag:$0x5] =	stream.indirect.gather [spmem:s2], $0x1, s25, s18, $0xb8;
	[tilespmem:$0x1E428] =	vst v63  }
0x418: {  	_ =	swait.ge [sflag:s5], $0x800  }
0x419: {  	s10 =	sld [smem:$0x7C9];
	_ =	sdelay $0x1  }
0x41a: {  	[sflag:s5] =	ssyncset.done $0x0;
	s16 =	sld [smem:$0x7CB]  }
0x41b: {  	[sflag:s5] =	ssyncadd.s32 $0xFFFFF800;
	s14 =	sadd.s32 s31, s10  }
0x41c: {  	[hbm4b:s14+s8] =	stream.strided.scatter [tilespmem:s19], [sflag:$0x7], $0x400, s9, s8, $0x38;
	[tilespmem:$0x1E428] =	vst v63  }
0x41d: {  	s22 =	simm.s32 $0xD400;
	s17 =	sadd.s32 s31, s16  }
0x41e: {  	[hbm4b:s17+s8] =	stream.strided.scatter [tilespmem:s22], [sflag:$0x7], $0x400, s9, s8, $0x38;
	[tilespmem:$0x1E428] =	vst v63  }
0x41f: {  	_ =	swait.ge [sflag:s1], $0x800  }
0x420: {  	s18 =	sld [smem:$0x7CD];
	_ =	sdelay $0x1  }
0x421: {  	[sflag:s1] =	ssyncset.done $0x0;
	s19 =	sld [smem:$0x7CF]  }
0x422: {  	[sflag:s1] =	ssyncadd.s32 $0xFFFFF800;
	s14 =	sadd.s32 s31, s18  }
0x423: {  	[hbm4b:s14+s8] =	stream.strided.scatter [tilespmem:s12], [sflag:$0x8], $0x400, s9, s8, $0x38;
	[tilespmem:$0x1E428] =	vst v63  }
0x424: {  	s26 =	simm.s32 $0xDC00;
	s20 =	sadd.s32 s31, s19  }
0x425: {  	[hbm4b:s20+s8] =	stream.strided.scatter [tilespmem:s26], [sflag:$0x8], $0x400, s9, s8, $0x38;
	[tilespmem:$0x1E428] =	vst v63  }
0x426: {  	s1 =	sld [smem:$0x7AE];
	_ =	swait.ge [sflag:s11], $0x800  }
0x427: {  	s22 =	sld [smem:$0x7D1];
	_ =	sdelay $0x1  }
0x428: {  	[sflag:s11] =	ssyncset.done $0x0;
	s23 =	sld [smem:$0x7D3]  }
0x429: {  	s4 =	sadd.s32 $0x10, s4;
	[sflag:s11] =	ssyncadd.s32 $0xFFFFF800;
	s14 =	sadd.s32 s31, s22  }
0x42a: {  	[hbm4b:s14+s8] =	stream.strided.scatter [tilespmem:s15], [sflag:$0x9], $0x400, s9, s8, $0x38;
	[tilespmem:$0x1E428] =	vst v63  }
0x42b: {  	p1 =	sne.s32 s4, $0x100;
	s13 =	simm.s32 $0xE400;
	s25 =	sadd.s32 s31, s23  }
0x42c: {  	[hbm4b:s25+s8] =	stream.strided.scatter [tilespmem:s13], [sflag:$0x9], $0x400, s9, s8, $0x38;
	[tilespmem:$0x1E428] =	vst v63  }
.Ltmp0:
0x42d: {  	_ =	swait.ge [sflag:s7], $0x800;
	(pc) =	sbr.rel @p1 .LBB2_2-.Ltmp0, $4  }
0x42e: {  	s26 =	sld [smem:$0x7D5]  }
0x42f: {  	s30 =	sadd.s32 $0x80, s30;
	s3 =	sadd.s32 $0x1, s3  }
0x430: {  	s6 =	sadd.s32 $0x800, s6;
	s17 =	sand.u32 @!p0 $0x380, s30;
	[sflag:s7] =	ssyncset.done $0x0  }
0x431: {  	s20 =	sld [smem:$0x7D8];
	[sflag:s7] =	ssyncadd.s32 $0xFFFFF800;
	s14 =	sadd.s32 s31, s26  }
0x432: {  	s19 =	simm.s32 $0xE800  }
0x433: {  	[hbm4b:s14+s8] =	stream.strided.scatter [tilespmem:s19], [sflag:$0xA], $0x400, s9, s8, $0x38;
	[tilespmem:$0x1E428] =	vst v63  }
0x434: {  	s23 =	simm.s32 $0xEC00;
	s3 =	sadd.s32 s31, s20  }
0x435: {  	[hbm4b:s3+s8] =	stream.strided.scatter [tilespmem:s23], [sflag:$0xA], $0x400, s9, s8, $0x38;
	[tilespmem:$0x1E428] =	vst v63  }
0x436: {  	s3 =	smul.u32 @!p0 $0x7A1400, s1  }
0x437: {  	[bflag:$0x0] =	sbarrier.arrive $0xFFFF  }
0x438: {  	s7 =	simm.s32 @!p0 $0x1C0B;
	s3 =	sor.u32 @!p0 s17, s3;
	s1 =	sld [smem:$0x7B0]  }
0x439: {  	s14 =	simm.s32 @!p0 $0x10;
	s4 =	rddreg [dreg:$0x5];
	s3 =	sshrl.u32 @!p0 s3, $0x3  }
0x43a: {  	s17 =	simm.s32 @!p0 $0x1;
	s3 =	sadd.s32 @!p0 s4, s3;
	s4 =	simm.s32 @!p0 $0x80  }
0x43b: {  	[spmem:s1@s14], [sflag:s7] =	dma.strided @!p0 [hbm:s3@s4], $0x1E850, s17, $0x10   }
0x43c: {  	s3 =	simm.s32 @!p0 $0xB  }
0x43d: {  	_ =	swait.ge @!p0 [sflag:s3], $0x1E850  }
0x43e: {  	p1 =	seq.s32 s0, $0x0;
	[sflag:s3] =	ssyncset.done @!p0 $0x0  }
0x43f: {  	s4 =	simm.s32 @p1 $0x800;
	[sflag:s3] =	ssyncadd.s32 @!p0 $0xFFFE17B0  }
0x440: {  	s7 =	simm.s32 @p1 $0xC800;
	s3 =	simm.s32 @p1 $0x0;
	[bflag:$0x0] =	sbarrier.arrive $0xFFFF  }
0x441: {  	[tilespmem:s7], [sflag:$0x1] =	stream.indirect.gather @p1 [spmem:s2], $0x1, s3, s4, $0xb8;
	[tilespmem:$0x1E428] =	vst v63  }
0x442: {  	s3 =	simm.s32 @p1 $0xD000  }
0x443: {  	[tilespmem:s3], [sflag:$0x2] =	stream.indirect.gather @p1 [spmem:s2], $0x1, s4, s4, $0xb8;
	[tilespmem:$0x1E428] =	vst v63  }
0x444: {  	s7 =	simm.s32 @p1 $0xD800;
	s3 =	simm.s32 @p1 $0x1000  }
0x445: {  	[tilespmem:s7], [sflag:$0x3] =	stream.indirect.gather @p1 [spmem:s2], $0x1, s3, s4, $0xb8;
	[tilespmem:$0x1E428] =	vst v63  }
0x446: {  	s3 =	simm.s32 @!p1 $0x6  }
0x447: {  	_ =	swait.ge @!p1 [sflag:s3], $0x400  }
0x448: {  	[sflag:s3] =	ssyncset.done @!p1 $0x0  }
0x449: {  	[sflag:s3] =	ssyncadd.s32 @!p1 $0xFFFFFC00  }
0x44a: {  	_ =	swait.ge @!p1 [sflag:s3], $0x400  }
0x44b: {  	s4 =	simm.s32 @!p1 $0xC800;
	[sflag:s3] =	ssyncset.done @!p1 $0x0  }
0x44c: {  	s7 =	simm.s32 @!p1 $0x800;
	[sflag:s3] =	ssyncadd.s32 @!p1 $0xFFFFFC00;
	s3 =	simm.s32 @!p1 $0x0  }
0x44d: {  	[tilespmem:s4], [sflag:$0x1] =	stream.indirect.gather @!p1 [spmem:s2], $0x1, s3, s7, $0xb8;
	[tilespmem:$0x1E428] =	vst v63  }
0x44e: {  	s3 =	simm.s32 @!p1 $0x7  }
0x44f: {  	_ =	swait.ge @!p1 [sflag:s3], $0x400  }
0x450: {  	[sflag:s3] =	ssyncset.done @!p1 $0x0  }
0x451: {  	[sflag:s3] =	ssyncadd.s32 @!p1 $0xFFFFFC00  }
0x452: {  	_ =	swait.ge @!p1 [sflag:s3], $0x400  }
0x453: {  	[sflag:s3] =	ssyncset.done @!p1 $0x0  }
0x454: {  	s4 =	simm.s32 @!p1 $0xD000;
	[sflag:s3] =	ssyncadd.s32 @!p1 $0xFFFFFC00;
	s3 =	simm.s32 @!p1 $0x8  }
0x455: {  	[tilespmem:s4], [sflag:$0x2] =	stream.indirect.gather @!p1 [spmem:s2], $0x1, s7, s7, $0xb8;
	[tilespmem:$0x1E428] =	vst v63  }
0x456: {  	_ =	swait.ge @!p1 [sflag:s3], $0x400  }
0x457: {  	[sflag:s3] =	ssyncset.done @!p1 $0x0  }
0x458: {  	[sflag:s3] =	ssyncadd.s32 @!p1 $0xFFFFFC00  }
0x459: {  	_ =	swait.ge @!p1 [sflag:s3], $0x400  }
0x45a: {  	[sflag:s3] =	ssyncset.done @!p1 $0x0  }
0x45b: {  	s4 =	simm.s32 @!p1 $0x1000;
	[sflag:s3] =	ssyncadd.s32 @!p1 $0xFFFFFC00;
	s3 =	simm.s32 @!p1 $0xD800  }
0x45c: {  	[tilespmem:s3], [sflag:$0x3] =	stream.indirect.gather @!p1 [spmem:s2], $0x1, s4, s7, $0xb8;
	[tilespmem:$0x1E428] =	vst v63  }
0x45d: {  	s3 =	simm.s32 @!p1 $0x9  }
0x45e: {  	_ =	swait.ge @!p1 [sflag:s3], $0x400  }
0x45f: {  	[sflag:s3] =	ssyncset.done @!p1 $0x0  }
0x460: {  	[sflag:s3] =	ssyncadd.s32 @!p1 $0xFFFFFC00  }
0x461: {  	_ =	swait.ge @!p1 [sflag:s3], $0x400  }
0x462: {  	s12 =	simm.s32 $0x1800;
	s15 =	simm.s32 $0xE000;
	[sflag:s3] =	ssyncset.done @!p1 $0x0  }
0x463: {  	s10 =	simm.s32 $0x800;
	s20 =	simm.s32 $0x1;
	[sflag:s3] =	ssyncadd.s32 @!p1 $0xFFFFFC00  }
0x464: {  	[tilespmem:s15], [sflag:$0x4] =	stream.indirect.gather [spmem:s2], $0x1, s12, s10, $0xb8;
	[tilespmem:$0x1E428] =	vst v63  }
0x465: {  	_ =	swait.ge [sflag:s20], $0x800  }
0x466: {  	s13 =	sld [smem:$0x7B8]  }
0x467: {  	s11 =	sand.u32 $0x70, s0;
	s7 =	sand.u32 $0xC000, s6;
	[sflag:s20] =	ssyncset.done $0x0  }
0x468: {  	s0 =	sor.u32 s11, s7;
	[sflag:s20] =	ssyncadd.s32 $0xFFFFF800  }
0x469: {  	s16 =	rddreg [dreg:$0x2];
	s0 =	sor.u32 s13, s0  }
0x46a: {  	s14 =	rddreg [dreg:$0x6];
	s4 =	sadd.s32 s16, s0;
	s16 =	simm.s32 $0xC800  }
0x46b: {  	[hbm4b:s4+s8] =	stream.strided.scatter [tilespmem:s16], [sflag:$0x6], $0x400, s9, s8, $0x38;
	[tilespmem:$0x1E428] =	vst v63  }
0x46c: {  	s6 =	simm.s32 $0xCC00;
	s3 =	sadd.s32 s0, s14;
	s4 =	simm.s32 @!p1 $0xA  }
0x46d: {  	[hbm4b:s3+s8] =	stream.strided.scatter [tilespmem:s6], [sflag:$0x6], $0x400, s9, s8, $0x38;
	[tilespmem:$0x1E428] =	vst v63  }
0x46e: {  	_ =	swait.ge @!p1 [sflag:s4], $0x400  }
0x46f: {  	[sflag:s4] =	ssyncset.done @!p1 $0x0  }
0x470: {  	[sflag:s4] =	ssyncadd.s32 @!p1 $0xFFFFFC00  }
0x471: {  	_ =	swait.ge @!p1 [sflag:s4], $0x400  }
0x472: {  	[sflag:s4] =	ssyncset.done @!p1 $0x0  }
0x473: {  	s5 =	simm.s32 $0x2;
	s17 =	simm.s32 $0x2000;
	[sflag:s4] =	ssyncadd.s32 @!p1 $0xFFFFFC00  }
0x474: {  	[tilespmem:s19], [sflag:$0x5] =	stream.indirect.gather [spmem:s2], $0x1, s17, s10, $0xb8;
	[tilespmem:$0x1E428] =	vst v63  }
0x475: {  	_ =	swait.ge [sflag:s5], $0x800  }
0x476: {  	s17 =	simm.s32 $0xD000;
	s18 =	rddreg [dreg:$0x7];
	[sflag:s5] =	ssyncset.done $0x0  }
0x477: {  	s22 =	rddreg [dreg:$0x8];
	[sflag:s5] =	ssyncadd.s32 $0xFFFFF800;
	s3 =	sadd.s32 s0, s18  }
0x478: {  	[hbm4b:s3+s8] =	stream.strided.scatter [tilespmem:s17], [sflag:$0x7], $0x400, s9, s8, $0x38;
	[tilespmem:$0x1E428] =	vst v63  }
0x479: {  	s7 =	simm.s32 $0xD400;
	s13 =	simm.s32 $0x6;
	s25 =	sadd.s32 s0, s22  }
0x47a: {  	[hbm4b:s25+s8] =	stream.strided.scatter [tilespmem:s7], [sflag:$0x7], $0x400, s9, s8, $0x38;
	[tilespmem:$0x1E428] =	vst v63  }
0x47b: {  	_ =	swait.ge [sflag:s13], $0x400  }
0x47c: {  	[sflag:s13] =	ssyncset.done $0x0  }
0x47d: {  	[sflag:s13] =	ssyncadd.s32 $0xFFFFFC00  }
0x47e: {  	_ =	swait.ge [sflag:s13], $0x400  }
0x47f: {  	[sflag:s13] =	ssyncset.done $0x0  }
0x480: {  	s26 =	simm.s32 $0x2800;
	s1 =	simm.s32 $0x3;
	[sflag:s13] =	ssyncadd.s32 $0xFFFFFC00  }
0x481: {  	[tilespmem:s16], [sflag:$0x1] =	stream.indirect.gather [spmem:s2], $0x1, s26, s10, $0xb8;
	[tilespmem:$0x1E428] =	vst v63  }
0x482: {  	_ =	swait.ge [sflag:s1], $0x800  }
0x483: {  	s12 =	simm.s32 $0xD800;
	s30 =	rddreg [dreg:$0x9];
	[sflag:s1] =	ssyncset.done $0x0  }
0x484: {  	s31 =	rddreg [dreg:$0xa];
	[sflag:s1] =	ssyncadd.s32 $0xFFFFF800;
	s3 =	sadd.s32 s0, s30  }
0x485: {  	[hbm4b:s3+s8] =	stream.strided.scatter [tilespmem:s12], [sflag:$0x8], $0x400, s9, s8, $0x38;
	[tilespmem:$0x1E428] =	vst v63  }
0x486: {  	s14 =	simm.s32 $0xDC00;
	s4 =	sadd.s32 s0, s31  }
0x487: {  	[hbm4b:s4+s8] =	stream.strided.scatter [tilespmem:s14], [sflag:$0x8], $0x400, s9, s8, $0x38;
	[tilespmem:$0x1E428] =	vst v63  }
0x488: {  	_ =	swait.ge [sflag:s21], $0x400  }
0x489: {  	[sflag:s21] =	ssyncset.done $0x0  }
0x48a: {  	[sflag:s21] =	ssyncadd.s32 $0xFFFFFC00  }
0x48b: {  	_ =	swait.ge [sflag:s21], $0x400  }
0x48c: {  	[sflag:s21] =	ssyncset.done $0x0  }
0x48d: {  	s11 =	simm.s32 $0x3000;
	[sflag:s21] =	ssyncadd.s32 $0xFFFFFC00  }
0x48e: {  	[tilespmem:s17], [sflag:$0x2] =	stream.indirect.gather [spmem:s2], $0x1, s11, s10, $0xb8;
	[tilespmem:$0x1E428] =	vst v63  }
0x48f: {  	s11 =	simm.s32 $0x4  }
0x490: {  	_ =	swait.ge [sflag:s11], $0x800  }
0x491: {  	s18 =	rddreg [dreg:$0xb];
	[sflag:s11] =	ssyncset.done $0x0  }
0x492: {  	s22 =	rddreg [dreg:$0xc];
	[sflag:s11] =	ssyncadd.s32 $0xFFFFF800;
	s3 =	sadd.s32 s0, s18  }
0x493: {  	[hbm4b:s3+s8] =	stream.strided.scatter [tilespmem:s15], [sflag:$0x9], $0x400, s9, s8, $0x38;
	[tilespmem:$0x1E428] =	vst v63  }
0x494: {  	s25 =	sadd.s32 s0, s22;
	s18 =	simm.s32 $0xE400  }
0x495: {  	[hbm4b:s25+s8] =	stream.strided.scatter [tilespmem:s18], [sflag:$0x9], $0x400, s9, s8, $0x38;
	[tilespmem:$0x1E428] =	vst v63  }
0x496: {  	_ =	swait.ge [sflag:s24], $0x400  }
0x497: {  	[sflag:s24] =	ssyncset.done $0x0  }
0x498: {  	[sflag:s24] =	ssyncadd.s32 $0xFFFFFC00  }
0x499: {  	_ =	swait.ge [sflag:s24], $0x400  }
0x49a: {  	[sflag:s24] =	ssyncset.done $0x0  }
0x49b: {  	s26 =	simm.s32 $0x3800;
	s22 =	simm.s32 $0x5;
	[sflag:s24] =	ssyncadd.s32 $0xFFFFFC00  }
0x49c: {  	[tilespmem:s12], [sflag:$0x3] =	stream.indirect.gather [spmem:s2], $0x1, s26, s10, $0xb8;
	[tilespmem:$0x1E428] =	vst v63  }
0x49d: {  	_ =	swait.ge [sflag:s22], $0x800  }
0x49e: {  	s30 =	rddreg [dreg:$0xd];
	[sflag:s22] =	ssyncset.done $0x0  }
0x49f: {  	s31 =	rddreg [dreg:$0xe];
	[sflag:s22] =	ssyncadd.s32 $0xFFFFF800;
	s3 =	sadd.s32 s0, s30  }
0x4a0: {  	[hbm4b:s3+s8] =	stream.strided.scatter [tilespmem:s19], [sflag:$0xA], $0x400, s9, s8, $0x38;
	[tilespmem:$0x1E428] =	vst v63  }
0x4a1: {  	s25 =	sadd.s32 s0, s31  }
0x4a2: {  	[hbm4b:s25+s8] =	stream.strided.scatter [tilespmem:s23], [sflag:$0xA], $0x400, s9, s8, $0x38;
	[tilespmem:$0x1E428] =	vst v63  }
0x4a3: {  	_ =	swait.ge [sflag:s28], $0x400  }
0x4a4: {  	[sflag:s28] =	ssyncset.done $0x0  }
0x4a5: {  	[sflag:s28] =	ssyncadd.s32 $0xFFFFFC00  }
0x4a6: {  	_ =	swait.ge [sflag:s28], $0x400  }
0x4a7: {  	[sflag:s28] =	ssyncset.done $0x0  }
0x4a8: {  	s26 =	simm.s32 $0x4000;
	[sflag:s28] =	ssyncadd.s32 $0xFFFFFC00  }
0x4a9: {  	[tilespmem:s15], [sflag:$0x4] =	stream.indirect.gather [spmem:s2], $0x1, s26, s10, $0xb8;
	[tilespmem:$0x1E428] =	vst v63  }
0x4aa: {  	_ =	swait.ge [sflag:s20], $0x800  }
0x4ab: {  	s30 =	rddreg [dreg:$0xf];
	[sflag:s20] =	ssyncset.done $0x0  }
0x4ac: {  	s31 =	rddreg [dreg:$0x10];
	[sflag:s20] =	ssyncadd.s32 $0xFFFFF800;
	s3 =	sadd.s32 s0, s30  }
0x4ad: {  	[hbm4b:s3+s8] =	stream.strided.scatter [tilespmem:s16], [sflag:$0x6], $0x400, s9, s8, $0x38;
	[tilespmem:$0x1E428] =	vst v63  }
0x4ae: {  	s25 =	sadd.s32 s0, s31  }
0x4af: {  	[hbm4b:s25+s8] =	stream.strided.scatter [tilespmem:s6], [sflag:$0x6], $0x400, s9, s8, $0x38;
	[tilespmem:$0x1E428] =	vst v63  }
0x4b0: {  	_ =	swait.ge [sflag:s29], $0x400  }
0x4b1: {  	[sflag:s29] =	ssyncset.done $0x0  }
0x4b2: {  	[sflag:s29] =	ssyncadd.s32 $0xFFFFFC00  }
0x4b3: {  	_ =	swait.ge [sflag:s29], $0x400  }
0x4b4: {  	[sflag:s29] =	ssyncset.done $0x0  }
0x4b5: {  	s26 =	simm.s32 $0x4800;
	[sflag:s29] =	ssyncadd.s32 $0xFFFFFC00  }
0x4b6: {  	[tilespmem:s19], [sflag:$0x5] =	stream.indirect.gather [spmem:s2], $0x1, s26, s10, $0xb8;
	[tilespmem:$0x1E428] =	vst v63  }
0x4b7: {  	_ =	swait.ge [sflag:s5], $0x800  }
0x4b8: {  	s30 =	rddreg [dreg:$0x11];
	[sflag:s5] =	ssyncset.done $0x0  }
0x4b9: {  	s31 =	rddreg [dreg:$0x12];
	[sflag:s5] =	ssyncadd.s32 $0xFFFFF800;
	s3 =	sadd.s32 s0, s30  }
0x4ba: {  	[hbm4b:s3+s8] =	stream.strided.scatter [tilespmem:s17], [sflag:$0x7], $0x400, s9, s8, $0x38;
	[tilespmem:$0x1E428] =	vst v63  }
0x4bb: {  	s25 =	sadd.s32 s0, s31  }
0x4bc: {  	[hbm4b:s25+s8] =	stream.strided.scatter [tilespmem:s7], [sflag:$0x7], $0x400, s9, s8, $0x38;
	[tilespmem:$0x1E428] =	vst v63  }
0x4bd: {  	_ =	swait.ge [sflag:s13], $0x400  }
0x4be: {  	[sflag:s13] =	ssyncset.done $0x0  }
0x4bf: {  	[sflag:s13] =	ssyncadd.s32 $0xFFFFFC00  }
0x4c0: {  	_ =	swait.ge [sflag:s13], $0x400  }
0x4c1: {  	[sflag:s13] =	ssyncset.done $0x0  }
0x4c2: {  	s26 =	simm.s32 $0x5000;
	[sflag:s13] =	ssyncadd.s32 $0xFFFFFC00  }
0x4c3: {  	[tilespmem:s16], [sflag:$0x1] =	stream.indirect.gather [spmem:s2], $0x1, s26, s10, $0xb8;
	[tilespmem:$0x1E428] =	vst v63  }
0x4c4: {  	_ =	swait.ge [sflag:s1], $0x800  }
0x4c5: {  	s30 =	rddreg [dreg:$0x13];
	[sflag:s1] =	ssyncset.done $0x0  }
0x4c6: {  	s31 =	rddreg [dreg:$0x14];
	[sflag:s1] =	ssyncadd.s32 $0xFFFFF800;
	s3 =	sadd.s32 s0, s30  }
0x4c7: {  	[hbm4b:s3+s8] =	stream.strided.scatter [tilespmem:s12], [sflag:$0x8], $0x400, s9, s8, $0x38;
	[tilespmem:$0x1E428] =	vst v63  }
0x4c8: {  	s25 =	sadd.s32 s0, s31  }
0x4c9: {  	[hbm4b:s25+s8] =	stream.strided.scatter [tilespmem:s14], [sflag:$0x8], $0x400, s9, s8, $0x38;
	[tilespmem:$0x1E428] =	vst v63  }
0x4ca: {  	_ =	swait.ge [sflag:s21], $0x400  }
0x4cb: {  	[sflag:s21] =	ssyncset.done $0x0  }
0x4cc: {  	[sflag:s21] =	ssyncadd.s32 $0xFFFFFC00  }
0x4cd: {  	_ =	swait.ge [sflag:s21], $0x400  }
0x4ce: {  	[sflag:s21] =	ssyncset.done $0x0  }
0x4cf: {  	s26 =	simm.s32 $0x5800;
	[sflag:s21] =	ssyncadd.s32 $0xFFFFFC00  }
0x4d0: {  	[tilespmem:s17], [sflag:$0x2] =	stream.indirect.gather [spmem:s2], $0x1, s26, s10, $0xb8;
	[tilespmem:$0x1E428] =	vst v63  }
0x4d1: {  	_ =	swait.ge [sflag:s11], $0x800  }
0x4d2: {  	s30 =	rddreg [dreg:$0x15];
	[sflag:s11] =	ssyncset.done $0x0  }
0x4d3: {  	s31 =	rddreg [dreg:$0x16];
	[sflag:s11] =	ssyncadd.s32 $0xFFFFF800;
	s3 =	sadd.s32 s0, s30  }
0x4d4: {  	[hbm4b:s3+s8] =	stream.strided.scatter [tilespmem:s15], [sflag:$0x9], $0x400, s9, s8, $0x38;
	[tilespmem:$0x1E428] =	vst v63  }
0x4d5: {  	s25 =	sadd.s32 s0, s31  }
0x4d6: {  	[hbm4b:s25+s8] =	stream.strided.scatter [tilespmem:s18], [sflag:$0x9], $0x400, s9, s8, $0x38;
	[tilespmem:$0x1E428] =	vst v63  }
0x4d7: {  	_ =	swait.ge [sflag:s24], $0x400  }
0x4d8: {  	[sflag:s24] =	ssyncset.done $0x0  }
0x4d9: {  	[sflag:s24] =	ssyncadd.s32 $0xFFFFFC00  }
0x4da: {  	_ =	swait.ge [sflag:s24], $0x400  }
0x4db: {  	[sflag:s24] =	ssyncset.done $0x0  }
0x4dc: {  	s26 =	simm.s32 $0x6000;
	[sflag:s24] =	ssyncadd.s32 $0xFFFFFC00  }
0x4dd: {  	[tilespmem:s12], [sflag:$0x3] =	stream.indirect.gather [spmem:s2], $0x1, s26, s10, $0xb8;
	[tilespmem:$0x1E428] =	vst v63  }
0x4de: {  	_ =	swait.ge [sflag:s22], $0x800  }
0x4df: {  	s30 =	rddreg [dreg:$0x17];
	[sflag:s22] =	ssyncset.done $0x0  }
0x4e0: {  	s31 =	rddreg [dreg:$0x18];
	[sflag:s22] =	ssyncadd.s32 $0xFFFFF800;
	s3 =	sadd.s32 s0, s30  }
0x4e1: {  	[hbm4b:s3+s8] =	stream.strided.scatter [tilespmem:s19], [sflag:$0xA], $0x400, s9, s8, $0x38;
	[tilespmem:$0x1E428] =	vst v63  }
0x4e2: {  	s25 =	sadd.s32 s0, s31  }
0x4e3: {  	[hbm4b:s25+s8] =	stream.strided.scatter [tilespmem:s23], [sflag:$0xA], $0x400, s9, s8, $0x38;
	[tilespmem:$0x1E428] =	vst v63  }
0x4e4: {  	_ =	swait.ge [sflag:s28], $0x400  }
0x4e5: {  	[sflag:s28] =	ssyncset.done $0x0  }
0x4e6: {  	[sflag:s28] =	ssyncadd.s32 $0xFFFFFC00  }
0x4e7: {  	_ =	swait.ge [sflag:s28], $0x400  }
0x4e8: {  	[sflag:s28] =	ssyncset.done $0x0  }
0x4e9: {  	s26 =	simm.s32 $0x6800;
	[sflag:s28] =	ssyncadd.s32 $0xFFFFFC00  }
0x4ea: {  	[tilespmem:s15], [sflag:$0x4] =	stream.indirect.gather [spmem:s2], $0x1, s26, s10, $0xb8;
	[tilespmem:$0x1E428] =	vst v63  }
0x4eb: {  	_ =	swait.ge [sflag:s20], $0x800  }
0x4ec: {  	s30 =	rddreg [dreg:$0x19];
	[sflag:s20] =	ssyncset.done $0x0  }
0x4ed: {  	s31 =	rddreg [dreg:$0x1a];
	[sflag:s20] =	ssyncadd.s32 $0xFFFFF800;
	s3 =	sadd.s32 s0, s30  }
0x4ee: {  	[hbm4b:s3+s8] =	stream.strided.scatter [tilespmem:s16], [sflag:$0x6], $0x400, s9, s8, $0x38;
	[tilespmem:$0x1E428] =	vst v63  }
0x4ef: {  	s25 =	sadd.s32 s0, s31  }
0x4f0: {  	[hbm4b:s25+s8] =	stream.strided.scatter [tilespmem:s6], [sflag:$0x6], $0x400, s9, s8, $0x38;
	[tilespmem:$0x1E428] =	vst v63  }
0x4f1: {  	_ =	swait.ge [sflag:s29], $0x400  }
0x4f2: {  	[sflag:s29] =	ssyncset.done $0x0  }
0x4f3: {  	[sflag:s29] =	ssyncadd.s32 $0xFFFFFC00  }
0x4f4: {  	_ =	swait.ge [sflag:s29], $0x400  }
0x4f5: {  	[sflag:s29] =	ssyncset.done $0x0  }
0x4f6: {  	s26 =	simm.s32 $0x7000;
	[sflag:s29] =	ssyncadd.s32 $0xFFFFFC00  }
0x4f7: {  	[tilespmem:s19], [sflag:$0x5] =	stream.indirect.gather [spmem:s2], $0x1, s26, s10, $0xb8;
	[tilespmem:$0x1E428] =	vst v63  }
0x4f8: {  	_ =	swait.ge [sflag:s5], $0x800  }
0x4f9: {  	s30 =	rddreg [dreg:$0x1b];
	[sflag:s5] =	ssyncset.done $0x0  }
0x4fa: {  	s31 =	rddreg [dreg:$0x1c];
	[sflag:s5] =	ssyncadd.s32 $0xFFFFF800;
	s3 =	sadd.s32 s0, s30  }
0x4fb: {  	[hbm4b:s3+s8] =	stream.strided.scatter [tilespmem:s17], [sflag:$0x7], $0x400, s9, s8, $0x38;
	[tilespmem:$0x1E428] =	vst v63  }
0x4fc: {  	s25 =	sadd.s32 s0, s31  }
0x4fd: {  	[hbm4b:s25+s8] =	stream.strided.scatter [tilespmem:s7], [sflag:$0x7], $0x400, s9, s8, $0x38;
	[tilespmem:$0x1E428] =	vst v63  }
0x4fe: {  	_ =	swait.ge [sflag:s13], $0x400  }
0x4ff: {  	[sflag:s13] =	ssyncset.done $0x0  }
0x500: {  	[sflag:s13] =	ssyncadd.s32 $0xFFFFFC00  }
0x501: {  	_ =	swait.ge [sflag:s13], $0x400  }
0x502: {  	[sflag:s13] =	ssyncset.done $0x0  }
0x503: {  	s26 =	simm.s32 $0x7800;
	[sflag:s13] =	ssyncadd.s32 $0xFFFFFC00  }
0x504: {  	[tilespmem:s16], [sflag:$0x1] =	stream.indirect.gather [spmem:s2], $0x1, s26, s10, $0xb8;
	[tilespmem:$0x1E428] =	vst v63  }
0x505: {  	_ =	swait.ge [sflag:s1], $0x800  }
0x506: {  	s30 =	rddreg [dreg:$0x1d];
	[sflag:s1] =	ssyncset.done $0x0  }
0x507: {  	s31 =	rddreg [dreg:$0x1e];
	[sflag:s1] =	ssyncadd.s32 $0xFFFFF800;
	s3 =	sadd.s32 s0, s30  }
0x508: {  	[hbm4b:s3+s8] =	stream.strided.scatter [tilespmem:s12], [sflag:$0x8], $0x400, s9, s8, $0x38;
	[tilespmem:$0x1E428] =	vst v63  }
0x509: {  	s25 =	sadd.s32 s0, s31  }
0x50a: {  	[hbm4b:s25+s8] =	stream.strided.scatter [tilespmem:s14], [sflag:$0x8], $0x400, s9, s8, $0x38;
	[tilespmem:$0x1E428] =	vst v63  }
0x50b: {  	_ =	swait.ge [sflag:s21], $0x400  }
0x50c: {  	[sflag:s21] =	ssyncset.done $0x0  }
0x50d: {  	[sflag:s21] =	ssyncadd.s32 $0xFFFFFC00  }
0x50e: {  	_ =	swait.ge [sflag:s21], $0x400  }
0x50f: {  	[sflag:s21] =	ssyncset.done $0x0  }
0x510: {  	s26 =	simm.s32 $0x8000;
	[sflag:s21] =	ssyncadd.s32 $0xFFFFFC00  }
0x511: {  	[tilespmem:s17], [sflag:$0x2] =	stream.indirect.gather [spmem:s2], $0x1, s26, s10, $0xb8;
	[tilespmem:$0x1E428] =	vst v63  }
0x512: {  	_ =	swait.ge [sflag:s11], $0x800  }
0x513: {  	s30 =	rddreg [dreg:$0x1f]  }
0x514: {  	[sflag:s11] =	ssyncset.done $0x0;
	s31 =	sld [smem:$0x7B1]  }
0x515: {  	[sflag:s11] =	ssyncadd.s32 $0xFFFFF800;
	s3 =	sadd.s32 s0, s30  }
0x516: {  	[hbm4b:s3+s8] =	stream.strided.scatter [tilespmem:s15], [sflag:$0x9], $0x400, s9, s8, $0x38;
	[tilespmem:$0x1E428] =	vst v63  }
0x517: {  	s25 =	sadd.s32 s0, s31  }
0x518: {  	[hbm4b:s25+s8] =	stream.strided.scatter [tilespmem:s18], [sflag:$0x9], $0x400, s9, s8, $0x38;
	[tilespmem:$0x1E428] =	vst v63  }
0x519: {  	_ =	swait.ge [sflag:s24], $0x400  }
0x51a: {  	[sflag:s24] =	ssyncset.done $0x0  }
0x51b: {  	[sflag:s24] =	ssyncadd.s32 $0xFFFFFC00  }
0x51c: {  	_ =	swait.ge [sflag:s24], $0x400  }
0x51d: {  	[sflag:s24] =	ssyncset.done $0x0  }
0x51e: {  	s26 =	simm.s32 $0x8800;
	[sflag:s24] =	ssyncadd.s32 $0xFFFFFC00  }
0x51f: {  	[tilespmem:s12], [sflag:$0x3] =	stream.indirect.gather [spmem:s2], $0x1, s26, s10, $0xb8;
	[tilespmem:$0x1E428] =	vst v63  }
0x520: {  	_ =	swait.ge [sflag:s22], $0x800  }
0x521: {  	s30 =	sld [smem:$0x7B2];
	_ =	sdelay $0x1  }
0x522: {  	[sflag:s22] =	ssyncset.done $0x0;
	s31 =	sld [smem:$0x7B3]  }
0x523: {  	[sflag:s22] =	ssyncadd.s32 $0xFFFFF800;
	s3 =	sadd.s32 s0, s30  }
0x524: {  	[hbm4b:s3+s8] =	stream.strided.scatter [tilespmem:s19], [sflag:$0xA], $0x400, s9, s8, $0x38;
	[tilespmem:$0x1E428] =	vst v63  }
0x525: {  	s25 =	sadd.s32 s0, s31  }
0x526: {  	[hbm4b:s25+s8] =	stream.strided.scatter [tilespmem:s23], [sflag:$0xA], $0x400, s9, s8, $0x38;
	[tilespmem:$0x1E428] =	vst v63  }
0x527: {  	_ =	swait.ge [sflag:s28], $0x400  }
0x528: {  	[sflag:s28] =	ssyncset.done $0x0  }
0x529: {  	[sflag:s28] =	ssyncadd.s32 $0xFFFFFC00  }
0x52a: {  	_ =	swait.ge [sflag:s28], $0x400  }
0x52b: {  	[sflag:s28] =	ssyncset.done $0x0  }
0x52c: {  	s26 =	simm.s32 $0x9000;
	[sflag:s28] =	ssyncadd.s32 $0xFFFFFC00  }
0x52d: {  	[tilespmem:s15], [sflag:$0x4] =	stream.indirect.gather [spmem:s2], $0x1, s26, s10, $0xb8;
	[tilespmem:$0x1E428] =	vst v63  }
0x52e: {  	_ =	swait.ge [sflag:s20], $0x800  }
0x52f: {  	s30 =	sld [smem:$0x7B4];
	_ =	sdelay $0x1  }
0x530: {  	[sflag:s20] =	ssyncset.done $0x0;
	s31 =	sld [smem:$0x7B5]  }
0x531: {  	[sflag:s20] =	ssyncadd.s32 $0xFFFFF800;
	s3 =	sadd.s32 s0, s30  }
0x532: {  	[hbm4b:s3+s8] =	stream.strided.scatter [tilespmem:s16], [sflag:$0x6], $0x400, s9, s8, $0x38;
	[tilespmem:$0x1E428] =	vst v63  }
0x533: {  	s25 =	sadd.s32 s0, s31  }
0x534: {  	[hbm4b:s25+s8] =	stream.strided.scatter [tilespmem:s6], [sflag:$0x6], $0x400, s9, s8, $0x38;
	[tilespmem:$0x1E428] =	vst v63  }
0x535: {  	_ =	swait.ge [sflag:s29], $0x400  }
0x536: {  	[sflag:s29] =	ssyncset.done $0x0  }
0x537: {  	[sflag:s29] =	ssyncadd.s32 $0xFFFFFC00  }
0x538: {  	_ =	swait.ge [sflag:s29], $0x400  }
0x539: {  	[sflag:s29] =	ssyncset.done $0x0  }
0x53a: {  	s26 =	simm.s32 $0x9800;
	[sflag:s29] =	ssyncadd.s32 $0xFFFFFC00  }
0x53b: {  	[tilespmem:s19], [sflag:$0x5] =	stream.indirect.gather [spmem:s2], $0x1, s26, s10, $0xb8;
	[tilespmem:$0x1E428] =	vst v63  }
0x53c: {  	_ =	swait.ge [sflag:s5], $0x800  }
0x53d: {  	s30 =	sld [smem:$0x7B6];
	_ =	sdelay $0x1  }
0x53e: {  	[sflag:s5] =	ssyncset.done $0x0;
	s31 =	sld [smem:$0x7B7]  }
0x53f: {  	[sflag:s5] =	ssyncadd.s32 $0xFFFFF800;
	s3 =	sadd.s32 s0, s30  }
0x540: {  	[hbm4b:s3+s8] =	stream.strided.scatter [tilespmem:s17], [sflag:$0x7], $0x400, s9, s8, $0x38;
	[tilespmem:$0x1E428] =	vst v63  }
0x541: {  	s25 =	sadd.s32 s0, s31  }
0x542: {  	[hbm4b:s25+s8] =	stream.strided.scatter [tilespmem:s7], [sflag:$0x7], $0x400, s9, s8, $0x38;
	[tilespmem:$0x1E428] =	vst v63  }
0x543: {  	_ =	swait.ge [sflag:s13], $0x400  }
0x544: {  	[sflag:s13] =	ssyncset.done $0x0  }
0x545: {  	[sflag:s13] =	ssyncadd.s32 $0xFFFFFC00  }
0x546: {  	_ =	swait.ge [sflag:s13], $0x400  }
0x547: {  	[sflag:s13] =	ssyncset.done $0x0  }
0x548: {  	s26 =	simm.s32 $0xA000;
	[sflag:s13] =	ssyncadd.s32 $0xFFFFFC00  }
0x549: {  	[tilespmem:s16], [sflag:$0x1] =	stream.indirect.gather [spmem:s2], $0x1, s26, s10, $0xb8;
	[tilespmem:$0x1E428] =	vst v63  }
0x54a: {  	_ =	swait.ge [sflag:s1], $0x800  }
0x54b: {  	s30 =	sld [smem:$0x7B9];
	_ =	sdelay $0x1  }
0x54c: {  	[sflag:s1] =	ssyncset.done $0x0;
	s31 =	sld [smem:$0x7BB]  }
0x54d: {  	[sflag:s1] =	ssyncadd.s32 $0xFFFFF800;
	s3 =	sadd.s32 s0, s30  }
0x54e: {  	[hbm4b:s3+s8] =	stream.strided.scatter [tilespmem:s12], [sflag:$0x8], $0x400, s9, s8, $0x38;
	[tilespmem:$0x1E428] =	vst v63  }
0x54f: {  	s25 =	sadd.s32 s0, s31  }
0x550: {  	[hbm4b:s25+s8] =	stream.strided.scatter [tilespmem:s14], [sflag:$0x8], $0x400, s9, s8, $0x38;
	[tilespmem:$0x1E428] =	vst v63  }
0x551: {  	_ =	swait.ge [sflag:s21], $0x400  }
0x552: {  	[sflag:s21] =	ssyncset.done $0x0  }
0x553: {  	[sflag:s21] =	ssyncadd.s32 $0xFFFFFC00  }
0x554: {  	_ =	swait.ge [sflag:s21], $0x400  }
0x555: {  	[sflag:s21] =	ssyncset.done $0x0  }
0x556: {  	s26 =	simm.s32 $0xA800;
	[sflag:s21] =	ssyncadd.s32 $0xFFFFFC00  }
0x557: {  	[tilespmem:s17], [sflag:$0x2] =	stream.indirect.gather [spmem:s2], $0x1, s26, s10, $0xb8;
	[tilespmem:$0x1E428] =	vst v63  }
0x558: {  	_ =	swait.ge [sflag:s11], $0x800  }
0x559: {  	s30 =	sld [smem:$0x7BD];
	_ =	sdelay $0x1  }
0x55a: {  	[sflag:s11] =	ssyncset.done $0x0;
	s31 =	sld [smem:$0x7BF]  }
0x55b: {  	[sflag:s11] =	ssyncadd.s32 $0xFFFFF800;
	s3 =	sadd.s32 s0, s30  }
0x55c: {  	[hbm4b:s3+s8] =	stream.strided.scatter [tilespmem:s15], [sflag:$0x9], $0x400, s9, s8, $0x38;
	[tilespmem:$0x1E428] =	vst v63  }
0x55d: {  	s25 =	sadd.s32 s0, s31  }
0x55e: {  	[hbm4b:s25+s8] =	stream.strided.scatter [tilespmem:s18], [sflag:$0x9], $0x400, s9, s8, $0x38;
	[tilespmem:$0x1E428] =	vst v63  }
0x55f: {  	_ =	swait.ge [sflag:s24], $0x400  }
0x560: {  	[sflag:s24] =	ssyncset.done $0x0  }
0x561: {  	[sflag:s24] =	ssyncadd.s32 $0xFFFFFC00  }
0x562: {  	_ =	swait.ge [sflag:s24], $0x400  }
0x563: {  	[sflag:s24] =	ssyncset.done $0x0  }
0x564: {  	s26 =	simm.s32 $0xB000;
	[sflag:s24] =	ssyncadd.s32 $0xFFFFFC00  }
0x565: {  	[tilespmem:s12], [sflag:$0x3] =	stream.indirect.gather [spmem:s2], $0x1, s26, s10, $0xb8;
	[tilespmem:$0x1E428] =	vst v63  }
0x566: {  	_ =	swait.ge [sflag:s22], $0x800  }
0x567: {  	s30 =	sld [smem:$0x7C1];
	_ =	sdelay $0x1  }
0x568: {  	[sflag:s22] =	ssyncset.done $0x0;
	s31 =	sld [smem:$0x7C3]  }
0x569: {  	[sflag:s22] =	ssyncadd.s32 $0xFFFFF800;
	s3 =	sadd.s32 s0, s30  }
0x56a: {  	[hbm4b:s3+s8] =	stream.strided.scatter [tilespmem:s19], [sflag:$0xA], $0x400, s9, s8, $0x38;
	[tilespmem:$0x1E428] =	vst v63  }
0x56b: {  	s25 =	sadd.s32 s0, s31  }
0x56c: {  	[hbm4b:s25+s8] =	stream.strided.scatter [tilespmem:s23], [sflag:$0xA], $0x400, s9, s8, $0x38;
	[tilespmem:$0x1E428] =	vst v63  }
0x56d: {  	_ =	swait.ge [sflag:s28], $0x400  }
0x56e: {  	[sflag:s28] =	ssyncset.done $0x0  }
0x56f: {  	[sflag:s28] =	ssyncadd.s32 $0xFFFFFC00  }
0x570: {  	_ =	swait.ge [sflag:s28], $0x400  }
0x571: {  	[sflag:s28] =	ssyncset.done $0x0  }
0x572: {  	s26 =	simm.s32 $0xB800;
	[sflag:s28] =	ssyncadd.s32 $0xFFFFFC00  }
0x573: {  	[tilespmem:s15], [sflag:$0x4] =	stream.indirect.gather [spmem:s2], $0x1, s26, s10, $0xb8;
	[tilespmem:$0x1E428] =	vst v63  }
0x574: {  	_ =	swait.ge [sflag:s20], $0x800  }
0x575: {  	s30 =	sld [smem:$0x7C5];
	_ =	sdelay $0x1  }
0x576: {  	[sflag:s20] =	ssyncset.done $0x0;
	s31 =	sld [smem:$0x7C7]  }
0x577: {  	[sflag:s20] =	ssyncadd.s32 $0xFFFFF800;
	s3 =	sadd.s32 s0, s30  }
0x578: {  	[hbm4b:s3+s8] =	stream.strided.scatter [tilespmem:s16], [sflag:$0x6], $0x400, s9, s8, $0x38;
	[tilespmem:$0x1E428] =	vst v63  }
0x579: {  	s25 =	sadd.s32 s0, s31  }
0x57a: {  	[hbm4b:s25+s8] =	stream.strided.scatter [tilespmem:s6], [sflag:$0x6], $0x400, s9, s8, $0x38;
	[tilespmem:$0x1E428] =	vst v63  }
0x57b: {  	_ =	swait.ge [sflag:s29], $0x400  }
0x57c: {  	[sflag:s29] =	ssyncset.done $0x0  }
0x57d: {  	[sflag:s29] =	ssyncadd.s32 $0xFFFFFC00  }
0x57e: {  	_ =	swait.ge [sflag:s29], $0x400  }
0x57f: {  	[sflag:s29] =	ssyncset.done $0x0  }
0x580: {  	s26 =	simm.s32 $0xC000;
	[sflag:s29] =	ssyncadd.s32 $0xFFFFFC00  }
0x581: {  	[tilespmem:s19], [sflag:$0x5] =	stream.indirect.gather [spmem:s2], $0x1, s26, s10, $0xb8;
	[tilespmem:$0x1E428] =	vst v63  }
0x582: {  	_ =	swait.ge [sflag:s5], $0x800  }
0x583: {  	s30 =	sld [smem:$0x7C9];
	_ =	sdelay $0x1  }
0x584: {  	[sflag:s5] =	ssyncset.done $0x0;
	s31 =	sld [smem:$0x7CB]  }
0x585: {  	[sflag:s5] =	ssyncadd.s32 $0xFFFFF800;
	s3 =	sadd.s32 s0, s30  }
0x586: {  	[hbm4b:s3+s8] =	stream.strided.scatter [tilespmem:s17], [sflag:$0x7], $0x400, s9, s8, $0x38;
	[tilespmem:$0x1E428] =	vst v63  }
0x587: {  	s6 =	sadd.s32 s0, s31  }
0x588: {  	[hbm4b:s6+s8] =	stream.strided.scatter [tilespmem:s7], [sflag:$0x7], $0x400, s9, s8, $0x38;
	[tilespmem:$0x1E428] =	vst v63  }
0x589: {  	_ =	swait.ge [sflag:s1], $0x800  }
0x58a: {  	s7 =	sld [smem:$0x7CD];
	_ =	sdelay $0x1  }
0x58b: {  	[sflag:s1] =	ssyncset.done $0x0;
	s10 =	sld [smem:$0x7CF]  }
0x58c: {  	[sflag:s1] =	ssyncadd.s32 $0xFFFFF800;
	s3 =	sadd.s32 s0, s7  }
0x58d: {  	[hbm4b:s3+s8] =	stream.strided.scatter [tilespmem:s12], [sflag:$0x8], $0x400, s9, s8, $0x38;
	[tilespmem:$0x1E428] =	vst v63  }
0x58e: {  	s12 =	sadd.s32 s0, s10  }
0x58f: {  	[hbm4b:s12+s8] =	stream.strided.scatter [tilespmem:s14], [sflag:$0x8], $0x400, s9, s8, $0x38;
	[tilespmem:$0x1E428] =	vst v63  }
0x590: {  	_ =	swait.ge [sflag:s11], $0x800  }
0x591: {  	s16 =	sld [smem:$0x7D1];
	_ =	sdelay $0x1  }
0x592: {  	[sflag:s11] =	ssyncset.done $0x0;
	s17 =	sld [smem:$0x7D3]  }
0x593: {  	[sflag:s11] =	ssyncadd.s32 $0xFFFFF800;
	s3 =	sadd.s32 s0, s16  }
0x594: {  	[hbm4b:s3+s8] =	stream.strided.scatter [tilespmem:s15], [sflag:$0x9], $0x400, s9, s8, $0x38;
	[tilespmem:$0x1E428] =	vst v63  }
0x595: {  	s20 =	sadd.s32 s0, s17  }
0x596: {  	[hbm4b:s20+s8] =	stream.strided.scatter [tilespmem:s18], [sflag:$0x9], $0x400, s9, s8, $0x38;
	[tilespmem:$0x1E428] =	vst v63  }
0x597: {  	_ =	swait.ge [sflag:s22], $0x800  }
0x598: {  	s25 =	sld [smem:$0x7D5];
	_ =	sdelay $0x1  }
0x599: {  	[sflag:s22] =	ssyncset.done $0x0;
	s26 =	sld [smem:$0x7D8]  }
0x59a: {  	[sflag:s22] =	ssyncadd.s32 $0xFFFFF800;
	s3 =	sadd.s32 s0, s25  }
0x59b: {  	[hbm4b:s3+s8] =	stream.strided.scatter [tilespmem:s19], [sflag:$0xA], $0x400, s9, s8, $0x38;
	[tilespmem:$0x1E428] =	vst v63  }
0x59c: {  	s0 =	sadd.s32 s0, s26  }
0x59d: {  	[hbm4b:s0+s8] =	stream.strided.scatter [tilespmem:s23], [sflag:$0xA], $0x400, s9, s8, $0x38;
	[tilespmem:$0x1E428] =	vst v63  }
0x59e: {  	_ =	swait.ge [sflag:s13], $0x400  }
0x59f: {  	[sflag:s13] =	ssyncset.done $0x0  }
0x5a0: {  	[sflag:s13] =	ssyncadd.s32 $0xFFFFFC00  }
0x5a1: {  	_ =	swait.ge [sflag:s13], $0x400  }
0x5a2: {  	[sflag:s13] =	ssyncset.done $0x0  }
0x5a3: {  	[sflag:s13] =	ssyncadd.s32 $0xFFFFFC00  }
0x5a4: {  	_ =	swait.ge [sflag:s21], $0x400  }
0x5a5: {  	[sflag:s21] =	ssyncset.done $0x0  }
0x5a6: {  	[sflag:s21] =	ssyncadd.s32 $0xFFFFFC00  }
0x5a7: {  	_ =	swait.ge [sflag:s21], $0x400  }
0x5a8: {  	[sflag:s21] =	ssyncset.done $0x0  }
0x5a9: {  	[sflag:s21] =	ssyncadd.s32 $0xFFFFFC00  }
0x5aa: {  	_ =	swait.ge [sflag:s24], $0x400  }
0x5ab: {  	[sflag:s24] =	ssyncset.done $0x0  }
0x5ac: {  	[sflag:s24] =	ssyncadd.s32 $0xFFFFFC00  }
0x5ad: {  	_ =	swait.ge [sflag:s24], $0x400  }
0x5ae: {  	[sflag:s24] =	ssyncset.done $0x0  }
0x5af: {  	[sflag:s24] =	ssyncadd.s32 $0xFFFFFC00  }
0x5b0: {  	_ =	swait.ge [sflag:s28], $0x400  }
0x5b1: {  	[sflag:s28] =	ssyncset.done $0x0  }
0x5b2: {  	[sflag:s28] =	ssyncadd.s32 $0xFFFFFC00  }
0x5b3: {  	_ =	swait.ge [sflag:s28], $0x400  }
0x5b4: {  	[sflag:s28] =	ssyncset.done $0x0  }
0x5b5: {  	[sflag:s28] =	ssyncadd.s32 $0xFFFFFC00  }
0x5b6: {  	_ =	swait.ge [sflag:s29], $0x400  }
0x5b7: {  	[sflag:s29] =	ssyncset.done $0x0  }
0x5b8: {  	[sflag:s29] =	ssyncadd.s32 $0xFFFFFC00  }
0x5b9: {  	_ =	swait.ge [sflag:s29], $0x400  }
0x5ba: {  	s30 =	sld [smem:$0x7AF]  }
0x5bb: {  	s31 =	sld [smem:$0x7DB];
	_ =	sdelay $0x1  }
0x5bc: {  	s1 =	sadd.s32 $0x1, s30  }
0x5bd: {  	p1 =	sne.s32 s1, s31  }
.Ltmp1:
0x5be: {  	_ = 	snop;
	(pc) =	sbr.rel @p1 .LBB2_1-.Ltmp1, $3  }
0x5bf: {  	_ =	sdelay $0x1  }
0x5c0: {  	[sflag:s29] =	ssyncset.done $0x0  }
0x5c1: {  	[sflag:s29] =	ssyncadd.s32 $0xFFFFFC00  }
0x5c2: {  	_ =	sfence.sel $0x180000  }
0x5c3: {  	[bflag:$0x0] =	sbarrier.arrive $0xFFFF  }
0x5c4: {  	_ =	strace $0x90000047  }
0x5c5: {  	[bflag:$0x2] =	sbarrier.arrive $0xFFFF  }
0x5c6: {  	s0 =	rddreg [dreg:$0x4]  }
0x5c7: {  	s0 =	sadd.s32 @!p0 $0x100000, s0  }
0x5c8: {  	[sflag:s0] =	ssyncadd.tile.s32 @!p0 $0x1;
	_ =	shalt  }
.Lfunc_end2:
_tile_overlayer_lowered:
.L_overlay_start_2:
0x5c9: {  	(tag) =	ssettag $0x2  }
0x5ca: {  	s0 =	rddreg [dreg:$0x0];
	s2 =	stileid.u32  }
0x5cb: {  	s1 =	rddreg [dreg:$0x1];
	p0 =	sne.s32 s2, $0x0  }
0x5cc: {  	s3 =	rddreg [dreg:$0x2];
	[bflag:$0x3] =	sbarrier.arrive $0xFFFF;
	s2 =	simm.s32 @!p0 $0x1C0B  }
0x5cd: {  	[timem:s3], [sflag:s2] =	dma.local @!p0 [hbm:s0], s1  }
0x5ce: {  	s0 =	simm.s32 @!p0 $0xB  }
0x5cf: {  	_ =	swait.ge @!p0 [sflag:s0], s1  }
0x5d0: {  	s1 =	ssub.s32 @!p0 $0x0, s1;
	[sflag:s0] =	ssyncset.done @!p0 $0x0  }
0x5d1: {  	[sflag:s0] =	ssyncadd.s32 @!p0 s1  }
0x5d2: {  	[bflag:$0x3] =	sbarrier.arrive $0xFFFF  }
0x5d3: {  	_ =	shalt  }

</sc_bundles>
